<compile_context>
chip_gen: v7x
topology: tpu7x:2x2x1
jax: 0.10.2.dev20260603
libtpu: 0.0.44.dev20260713+nightly
codegen_flags: <defaults>
</compile_context>

<pallas_src>
import functools

import jax
import jax.numpy as jnp
from jax import lax
from jax.experimental import pallas as pl
from jax.experimental.pallas import tpu as pltpu
from jax.experimental.pallas import tpu_sc as plsc

N, E, G = 10000, 320000, 64
NEG = 0.01

NC, NS = 2, 16
NW = NC * NS
CH = 128
EPW = 10240
NCH = EPW // CH
EPAD = NW * EPW
TCH = EPAD // CH
NCH2 = TCH // NS
NPAD = 10240
RPT = NPAD // NS
HPT = N // NS

NB1 = 8
NB2 = 8

_MESH = plsc.VectorSubcoreMesh(core_axis_name="c", subcore_axis_name="s")
_SC_PARAMS = pltpu.CompilerParams(use_tc_tiling_on_sc=False)


def _leaky(v):
    return jnp.maximum(v, 0.0) + NEG * jnp.minimum(v, 0.0)


def _zero_acc(zrow_hbm, zrowv, acc, r0):
    pltpu.sync_copy(zrow_hbm, zrowv)
    for t in range(RPT // CH):
        pltpu.sync_copy(zrowv, acc.at[pl.ds(r0 + t * CH, CH)])


@functools.partial(
    pl.kernel,
    out_type=jax.ShapeDtypeStruct((NC, NPAD, 16), jnp.float32),
    mesh=_MESH,
    compiler_params=_SC_PARAMS,
    scratch_types=[
        pltpu.VMEM((NCH, CH), jnp.int32),
        pltpu.VMEM((CH, 16), jnp.float32),
        pltpu.VMEM((CH, 16), jnp.float32),
        pltpu.VMEM_SHARED((NPAD, 16), jnp.float32),
        pltpu.SemaphoreType.DMA,
    ],
)
def _sc_deg(dst_hbm, ones_hbm, zrow_hbm, out_hbm, dstv, onesv, zrowv, acc, ssem):
    cid = lax.axis_index("c")
    sid = lax.axis_index("s")
    wid = cid * NS + sid
    pltpu.sync_copy(dst_hbm.at[pl.ds(wid * NCH, NCH)], dstv)
    pltpu.sync_copy(ones_hbm, onesv)
    r0 = sid * RPT
    _zero_acc(zrow_hbm, zrowv, acc, r0)
    plsc.subcore_barrier()

    @pl.loop(0, NCH)
    def _(j):
        pltpu.async_copy(onesv, acc.at[dstv.at[j]], ssem, add=True)

    @pl.loop(0, NCH)
    def _(j):
        pltpu.make_async_copy(onesv, acc.at[dstv.at[j]], ssem).wait()

    plsc.subcore_barrier()
    pltpu.sync_copy(acc.at[pl.ds(r0, RPT)], out_hbm.at[cid, pl.ds(r0, RPT)])


def _agg_loop(h_sh, srcv, dstv, buf, acc, gsem, ssem, nch, nb):
    ng = nch // nb

    @pl.loop(0, ng)
    def _(i):
        for b in range(nb):
            j = i * nb + b

            @pl.when(i > 0)
            def _():
                pltpu.make_async_copy(
                    buf.at[b], acc.at[dstv.at[j - nb]], ssem.at[b]).wait()

            pltpu.async_copy(h_sh.at[srcv.at[j]], buf.at[b], gsem.at[b])
        for b in range(nb):
            j = i * nb + b
            pltpu.make_async_copy(
                h_sh.at[srcv.at[j]], buf.at[b], gsem.at[b]).wait()
            pltpu.async_copy(
                buf.at[b], acc.at[dstv.at[j]], ssem.at[b], add=True)

    for b in range(nb):
        j = (ng - 1) * nb + b
        pltpu.make_async_copy(
            buf.at[b], acc.at[dstv.at[j]], ssem.at[b]).wait()


D1 = 32


@functools.partial(
    pl.kernel,
    out_type=jax.ShapeDtypeStruct((NC, NPAD, D1), jnp.float32),
    mesh=_MESH,
    compiler_params=_SC_PARAMS,
    scratch_types=[
        pltpu.VMEM((NCH2, CH), jnp.int32),
        pltpu.VMEM((NCH2, CH), jnp.int32),
        pltpu.VMEM((NB1, CH, D1), jnp.float32),
        pltpu.VMEM((CH, D1), jnp.float32),
        pltpu.VMEM_SHARED((NPAD, D1), jnp.float32),
        pltpu.VMEM_SHARED((N, D1), jnp.float32),
        pltpu.SemaphoreType.DMA((NB1,)),
        pltpu.SemaphoreType.DMA((NB1,)),
    ],
)
def _sc_agg1(src_hbm, dst_hbm, h_hbm, zrow_hbm, out_hbm,
             srcv, dstv, buf, zrowv, acc, h_sh, gsem, ssem):
    cid = lax.axis_index("c")
    sid = lax.axis_index("s")
    pltpu.sync_copy(src_hbm.at[pl.ds(sid * NCH2, NCH2)], srcv)
    pltpu.sync_copy(dst_hbm.at[pl.ds(sid * NCH2, NCH2)], dstv)
    r0 = sid * RPT
    _zero_acc(zrow_hbm, zrowv, acc, r0)
    pltpu.sync_copy(h_hbm.at[cid, pl.ds(sid * HPT, HPT)],
                    h_sh.at[pl.ds(sid * HPT, HPT)])
    plsc.subcore_barrier()
    _agg_loop(h_sh, srcv, dstv, buf, acc, gsem, ssem, NCH2, NB1)
    plsc.subcore_barrier()
    pltpu.sync_copy(acc.at[pl.ds(r0, RPT)], out_hbm.at[cid, pl.ds(r0, RPT)])


D2 = 16


@functools.partial(
    pl.kernel,
    out_type=jax.ShapeDtypeStruct((NC, NPAD, D2), jnp.float32),
    mesh=_MESH,
    compiler_params=_SC_PARAMS,
    scratch_types=[
        pltpu.VMEM((NCH, CH), jnp.int32),
        pltpu.VMEM((NCH, CH), jnp.int32),
        pltpu.VMEM((NB2, CH, D2), jnp.float32),
        pltpu.VMEM((CH, D2), jnp.float32),
        pltpu.VMEM_SHARED((NPAD, D2), jnp.float32),
        pltpu.VMEM_SHARED((N, D2), jnp.float32),
        pltpu.SemaphoreType.DMA((NB2,)),
        pltpu.SemaphoreType.DMA((NB2,)),
    ],
)
def _sc_agg2(src_hbm, dst_hbm, h_hbm, zrow_hbm, out_hbm,
             srcv, dstv, buf, zrowv, acc, h_sh, gsem, ssem):
    cid = lax.axis_index("c")
    sid = lax.axis_index("s")
    wid = cid * NS + sid
    pltpu.sync_copy(src_hbm.at[pl.ds(wid * NCH, NCH)], srcv)
    pltpu.sync_copy(dst_hbm.at[pl.ds(wid * NCH, NCH)], dstv)
    r0 = sid * RPT
    _zero_acc(zrow_hbm, zrowv, acc, r0)
    pltpu.sync_copy(h_hbm.at[pl.ds(sid * HPT, HPT)], h_sh.at[pl.ds(sid * HPT, HPT)])
    plsc.subcore_barrier()
    _agg_loop(h_sh, srcv, dstv, buf, acc, gsem, ssem, NCH, NB2)
    plsc.subcore_barrier()
    pltpu.sync_copy(acc.at[pl.ds(r0, RPT)], out_hbm.at[cid, pl.ds(r0, RPT)])


def _tc1a_body(x_ref, w1_ref, h_ref):
    h_ref[...] = jnp.dot(x_ref[...], w1_ref[...],
                         preferred_element_type=jnp.float32)


def _tc1a(x, W1):
    return pl.pallas_call(
        _tc1a_body,
        out_shape=jax.ShapeDtypeStruct((N, 64), jnp.float32),
    )(x, W1)


def _tc1b_body(deg_ref, h_ref, ht1_ref, dis_ref):
    deg = deg_ref[0, :, 0:1] + deg_ref[1, :, 0:1] + 1.0
    dis = lax.rsqrt(deg)
    dis_ref[...] = dis
    h = h_ref[...] * dis[:N]
    ht1_ref[0] = h[:, :D1]
    ht1_ref[1] = h[:, D1:]


def _tc1b(deg, h1):
    return pl.pallas_call(
        _tc1b_body,
        out_shape=(
            jax.ShapeDtypeStruct((NC, N, D1), jnp.float32),
            jax.ShapeDtypeStruct((NPAD, 1), jnp.float32),
        ),
    )(deg, h1)


def _tc2_body(s1_ref, ht1_ref, dis_ref, b1_ref, w2_ref, ht2_ref):
    dn = dis_ref[:N]
    s = jnp.concatenate([s1_ref[0, :N, :] + ht1_ref[0],
                         s1_ref[1, :N, :] + ht1_ref[1]], axis=1)
    agg1 = dn * s + b1_ref[...]
    h2 = _leaky(agg1)
    ht2_ref[...] = jnp.dot(h2, w2_ref[...], preferred_element_type=jnp.float32) * dn


def _tc2(s1, ht1, dis, b1r, W2p):
    return pl.pallas_call(
        _tc2_body,
        out_shape=jax.ShapeDtypeStruct((N, D2), jnp.float32),
    )(s1, ht1, dis, b1r, W2p)


def _tc3_body(s2_ref, ht2_ref, dis_ref, b2_ref, batch_ref, gf_ref,
              fw1_ref, fb1_ref, fw2_ref, fb2_ref, out_ref):
    dn = dis_ref[:N]
    s = s2_ref[0, :N, :] + s2_ref[1, :N, :] + ht2_ref[...]
    hf = _leaky(dn * s + b2_ref[...])
    gids = lax.broadcasted_iota(jnp.int32, (1, G), 1)
    onehot = (batch_ref[...] == gids).astype(jnp.float32)
    sums = lax.dot_general(onehot, hf, (((0,), (0,)), ((), ())),
                           preferred_element_type=jnp.float32)
    cnts = jnp.sum(onehot, axis=0)[:, None]
    pool = sums[:, :8] / jnp.maximum(cnts, 1.0)
    cat = jnp.concatenate([pool, gf_ref[...]], axis=1)
    z = _leaky(jnp.dot(cat, fw1_ref[...], preferred_element_type=jnp.float32)
               + fb1_ref[...])
    out_ref[...] = _leaky(jnp.dot(z, fw2_ref[...], preferred_element_type=jnp.float32)
                          + fb2_ref[...])


def _tc3(s2, ht2, dis, b2r, batch_col, gf, fW1, fb1r, fW2, fb2r):
    return pl.pallas_call(
        _tc3_body,
        out_shape=jax.ShapeDtypeStruct((G, 8), jnp.float32),
    )(s2, ht2, dis, b2r, batch_col, gf, fW1, fb1r, fW2, fb2r)


def kernel(x, edge_index, global_features, batch, W1, b1, W2, b2, fW1, fb1, fW2, fb2):
    src = edge_index[0].astype(jnp.int32)
    dst = edge_index[1].astype(jnp.int32)
    pad = EPAD - E
    src2d = jnp.concatenate([src, jnp.zeros((pad,), jnp.int32)]).reshape(TCH, CH)
    dst2d = jnp.concatenate([dst, jnp.full((pad,), N, jnp.int32)]).reshape(TCH, CH)
    batch_col = batch.astype(jnp.int32).reshape(N, 1)

    ones16 = jnp.ones((CH, 16), jnp.float32)
    zrow16 = jnp.zeros((CH, 16), jnp.float32)
    zrow32 = jnp.zeros((CH, D1), jnp.float32)

    h1 = _tc1a(x, W1)
    deg = _sc_deg(dst2d, ones16, zrow16)
    ht1, dis = _tc1b(deg, h1)
    s1 = _sc_agg1(src2d, dst2d, ht1, zrow32)
    W2p = jnp.concatenate([W2, jnp.zeros((64, 8), jnp.float32)], axis=1)
    ht2 = _tc2(s1, ht1, dis, b1.reshape(1, 64), W2p)
    s2 = _sc_agg2(src2d, dst2d, ht2, zrow16)
    b2p = jnp.concatenate([b2, jnp.zeros((8,), jnp.float32)]).reshape(1, 16)
    return _tc3(s2, ht2, dis, b2p, batch_col, global_features,
                fW1, fb1.reshape(1, 16), fW2, fb2.reshape(1, 8))

# --- scband reference (transcript-rebuilt; emitter-appended) ---
"""Pipeline reference for scband-modified-gcn-81939386073613 (READ-ONLY COPY).

The authoritative reference and input builder live on the scoring server;
editing this copy changes nothing except your own understanding.
"""

import jax, jax.numpy as jnp
import numpy as np

NEG_SLOPE = 0.01

def gcn_conv(x, edge_index, W, b):
    n = x.shape[0]
    src = edge_index[0]
    dst = edge_index[1]
    loop = jnp.arange(n, dtype=src.dtype)
    src = jnp.concatenate([src, loop])
    dst = jnp.concatenate([dst, loop])
    deg = jnp.zeros((n,), dtype=x.dtype).at[dst].add(1.0)
    deg_inv_sqrt = jnp.where(deg > 0, jax.lax.rsqrt(jnp.maximum(deg, 1e-12)), 0.0)
    norm = deg_inv_sqrt[src] * deg_inv_sqrt[dst]
    h = x @ W
    msg = h[src] * norm[:, None]
    out = jnp.zeros((n, W.shape[1]), dtype=x.dtype).at[dst].add(msg)
    return out + b

def global_mean_pool(x, batch, num_graphs):
    sums = jax.ops.segment_sum(x, batch, num_segments=num_graphs)
    cnts = jax.ops.segment_sum(jnp.ones((x.shape[0],), dtype=x.dtype), batch, num_segments=num_graphs)
    return sums / jnp.maximum(cnts, 1.0)[:, None]

def setup_inputs(seed: int = 0):
    key = jax.random.key(seed)
    ks = jax.random.split(key, 12)
    N, E, G = 10000, 320000, 64
    d_in, d_glob, d_hid, d_out = 128, 32, 64, 8
    x = jax.random.normal(ks[0], (N, d_in), dtype=jnp.float32)
    edge_index = jax.random.randint(ks[1], (2, E), 0, N, dtype=jnp.int64)
    global_features = jax.random.normal(ks[2], (G, d_glob), dtype=jnp.float32)
    batch = jnp.sort(jax.random.randint(ks[3], (N,), 0, G, dtype=jnp.int64))
    W1 = jax.random.normal(ks[4], (d_in, d_hid), dtype=jnp.float32) * (1.0 / np.sqrt(d_in))
    b1 = jnp.zeros((d_hid,), dtype=jnp.float32)
    W2 = jax.random.normal(ks[5], (d_hid, 8), dtype=jnp.float32) * (1.0 / np.sqrt(d_hid))
    b2 = jnp.zeros((8,), dtype=jnp.float32)
    fW1 = jax.random.normal(ks[6], (d_glob + 8, 16), dtype=jnp.float32) * (1.0 / np.sqrt(d_glob + 8))
    fb1 = jnp.zeros((16,), dtype=jnp.float32)
    fW2 = jax.random.normal(ks[7], (16, d_out), dtype=jnp.float32) * (1.0 / np.sqrt(16))
    fb2 = jnp.zeros((d_out,), dtype=jnp.float32)
    return {"x": x, "edge_index": edge_index, "global_features": global_features, "batch": batch, "W1": W1, "b1": b1, "W2": W2, "b2": b2, "fW1": fW1, "fb1": fb1, "fW2": fW2, "fb2": fb2}

def reference(x, edge_index, global_features, batch, W1, b1, W2, b2, fW1, fb1, fW2, fb2):
    h = gcn_conv(x, edge_index, W1, b1)
    h = jax.nn.leaky_relu(h, NEG_SLOPE)
    h = gcn_conv(h, edge_index, W2, b2)
    h = jax.nn.leaky_relu(h, NEG_SLOPE)
    pool = global_mean_pool(h, batch, global_features.shape[0])
    concat = jnp.concatenate([pool, global_features], axis=1)
    z = jax.nn.leaky_relu(concat @ fW1 + fb1, NEG_SLOPE)
    z = jax.nn.leaky_relu(z @ fW2 + fb2, NEG_SLOPE)
    return z

if __name__ == "__main__":
    import jax
    _d = setup_inputs()
    print(jax.jit(kernel)(*tuple(_d.values())))

</pallas_src>

<mosaic_0001>
#map = affine_map<(d0, d1) -> (0, 0)>
#map1 = affine_map<(d0, d1) -> (0, 0, 0)>
module attributes {stable_mosaic.version = 14 : i64} {
  func.func @_sc_deg(%arg0: i32, %arg1: i32, %arg2: memref<2560x128xi32, #tpu.memory_space<hbm>>, %arg3: memref<128x16xf32, #tpu.memory_space<hbm>>, %arg4: memref<128x16xf32, #tpu.memory_space<hbm>>, %arg5: memref<2x10240x16xf32, #tpu.memory_space<hbm>>, %arg6: memref<80x128xi32, #tpu.memory_space<vmem>>, %arg7: memref<128x16xf32, #tpu.memory_space<vmem>>, %arg8: memref<128x16xf32, #tpu.memory_space<vmem>>, %arg9: memref<10240x16xf32, #tpu.memory_space<vmem_shared>>, %arg10: memref<!tpu.dma_semaphore, #tpu.memory_space<semaphore_mem>>) attributes {dimension_semantics = [#tpu.dimension_semantics<core_parallel>, #tpu.dimension_semantics<subcore_parallel>], iteration_bounds = array<i64: 2, 16>, scalar_prefetch = 0 : i64, scratch_operands = 5 : i64, tpu.core_type = #tpu.core_type<sc_vector_subcore>, window_params = [{transform_indices = #map}, {transform_indices = #map}, {transform_indices = #map}, {transform_indices = #map1}]} {
    %mul3A = arith.constant 16 : i32
    %mul3A_0 = arith.muli %arg0, %mul3A : i32
    %add3A = arith.addi %mul3A_0, %arg1 : i32
    %mul3A_1 = arith.constant 80 : i32
    %mul3A_2 = arith.muli %add3A, %mul3A_1 : i32
    "tpu.region"() ({
      %run_scoped3A = tpu.sem_alloc : memref<!tpu.dma_semaphore, #tpu.memory_space<semaphore_mem>>
      %dma_start3A = arith.constant 0 : i32
      %dma_start3A_25 = tpu.memref_slice %arg2[%mul3A_2, %dma_start3A] : memref<2560x128xi32, #tpu.memory_space<hbm>> -> memref<80x128xi32, #tpu.memory_space<hbm>>
      %dma_start3A_26 = arith.constant 0 : i32
      %dma_start3A_27 = tpu.memref_slice %arg2[%mul3A_2, %dma_start3A_26] : memref<2560x128xi32, #tpu.memory_space<hbm>> -> memref<80x128xi32, #tpu.memory_space<hbm>>
      tpu.enqueue_dma source(%dma_start3A_27 : memref<80x128xi32, #tpu.memory_space<hbm>>) target(%arg6 : memref<80x128xi32, #tpu.memory_space<vmem>>) target_semaphore(%run_scoped3A : memref<!tpu.dma_semaphore, #tpu.memory_space<semaphore_mem>>)
      %dma_wait3A = arith.constant 0 : i32
      %dma_wait3A_28 = tpu.memref_slice %arg2[%mul3A_2, %dma_wait3A] : memref<2560x128xi32, #tpu.memory_space<hbm>> -> memref<80x128xi32, #tpu.memory_space<hbm>>
      %dma_wait3A_29 = arith.constant 0 : i32
      %dma_wait3A_30 = tpu.memref_slice %arg2[%mul3A_2, %dma_wait3A_29] : memref<2560x128xi32, #tpu.memory_space<hbm>> -> memref<80x128xi32, #tpu.memory_space<hbm>>
      tpu.wait_dma2 semaphore(%run_scoped3A : memref<!tpu.dma_semaphore, #tpu.memory_space<semaphore_mem>>) src(%dma_wait3A_30 : memref<80x128xi32, #tpu.memory_space<hbm>>) dst(%arg6 : memref<80x128xi32, #tpu.memory_space<vmem>>)
      tpu.yield
    }) : () -> ()
    "tpu.region"() ({
      %run_scoped3A = tpu.sem_alloc : memref<!tpu.dma_semaphore, #tpu.memory_space<semaphore_mem>>
      tpu.enqueue_dma source(%arg3 : memref<128x16xf32, #tpu.memory_space<hbm>>) target(%arg7 : memref<128x16xf32, #tpu.memory_space<vmem>>) target_semaphore(%run_scoped3A : memref<!tpu.dma_semaphore, #tpu.memory_space<semaphore_mem>>)
      tpu.wait_dma2 semaphore(%run_scoped3A : memref<!tpu.dma_semaphore, #tpu.memory_space<semaphore_mem>>) src(%arg3 : memref<128x16xf32, #tpu.memory_space<hbm>>) dst(%arg7 : memref<128x16xf32, #tpu.memory_space<vmem>>)
      tpu.yield
    }) : () -> ()
    %mul3A_3 = arith.constant 640 : i32
    %mul3A_4 = arith.muli %arg1, %mul3A_3 : i32
    "tpu.region"() ({
      %run_scoped3A = tpu.sem_alloc : memref<!tpu.dma_semaphore, #tpu.memory_space<semaphore_mem>>
      tpu.enqueue_dma source(%arg4 : memref<128x16xf32, #tpu.memory_space<hbm>>) target(%arg8 : memref<128x16xf32, #tpu.memory_space<vmem>>) target_semaphore(%run_scoped3A : memref<!tpu.dma_semaphore, #tpu.memory_space<semaphore_mem>>)
      tpu.wait_dma2 semaphore(%run_scoped3A : memref<!tpu.dma_semaphore, #tpu.memory_space<semaphore_mem>>) src(%arg4 : memref<128x16xf32, #tpu.memory_space<hbm>>) dst(%arg8 : memref<128x16xf32, #tpu.memory_space<vmem>>)
      tpu.yield
    }) : () -> ()
    %add3A_5 = arith.constant 0 : i32
    %add3A_6 = arith.addi %mul3A_4, %add3A_5 : i32
    "tpu.region"() ({
      %run_scoped3A = tpu.sem_alloc : memref<!tpu.dma_semaphore, #tpu.memory_space<semaphore_mem>>
      %dma_start3A = arith.constant 0 : i32
      %dma_start3A_25 = tpu.memref_slice %arg9[%add3A_6, %dma_start3A] : memref<10240x16xf32, #tpu.memory_space<vmem_shared>> -> memref<128x16xf32, #tpu.memory_space<vmem_shared>>
      %dma_start3A_26 = arith.constant 0 : i32
      %dma_start3A_27 = tpu.memref_slice %arg9[%add3A_6, %dma_start3A_26] : memref<10240x16xf32, #tpu.memory_space<vmem_shared>> -> memref<128x16xf32, #tpu.memory_space<vmem_shared>>
      tpu.enqueue_dma source(%arg8 : memref<128x16xf32, #tpu.memory_space<vmem>>) target(%dma_start3A_27 : memref<128x16xf32, #tpu.memory_space<vmem_shared>>) target_semaphore(%run_scoped3A : memref<!tpu.dma_semaphore, #tpu.memory_space<semaphore_mem>>)
      %dma_wait3A = arith.constant 0 : i32
      %dma_wait3A_28 = tpu.memref_slice %arg9[%add3A_6, %dma_wait3A] : memref<10240x16xf32, #tpu.memory_space<vmem_shared>> -> memref<128x16xf32, #tpu.memory_space<vmem_shared>>
      %dma_wait3A_29 = arith.constant 0 : i32
      %dma_wait3A_30 = tpu.memref_slice %arg9[%add3A_6, %dma_wait3A_29] : memref<10240x16xf32, #tpu.memory_space<vmem_shared>> -> memref<128x16xf32, #tpu.memory_space<vmem_shared>>
      tpu.wait_dma2 semaphore(%run_scoped3A : memref<!tpu.dma_semaphore, #tpu.memory_space<semaphore_mem>>) src(%arg8 : memref<128x16xf32, #tpu.memory_space<vmem>>) dst(%dma_wait3A_30 : memref<128x16xf32, #tpu.memory_space<vmem_shared>>)
      tpu.yield
    }) : () -> ()
    %add3A_7 = arith.constant 128 : i32
    %add3A_8 = arith.addi %mul3A_4, %add3A_7 : i32
    "tpu.region"() ({
      %run_scoped3A = tpu.sem_alloc : memref<!tpu.dma_semaphore, #tpu.memory_space<semaphore_mem>>
      %dma_start3A = arith.constant 0 : i32
      %dma_start3A_25 = tpu.memref_slice %arg9[%add3A_8, %dma_start3A] : memref<10240x16xf32, #tpu.memory_space<vmem_shared>> -> memref<128x16xf32, #tpu.memory_space<vmem_shared>>
      %dma_start3A_26 = arith.constant 0 : i32
      %dma_start3A_27 = tpu.memref_slice %arg9[%add3A_8, %dma_start3A_26] : memref<10240x16xf32, #tpu.memory_space<vmem_shared>> -> memref<128x16xf32, #tpu.memory_space<vmem_shared>>
      tpu.enqueue_dma source(%arg8 : memref<128x16xf32, #tpu.memory_space<vmem>>) target(%dma_start3A_27 : memref<128x16xf32, #tpu.memory_space<vmem_shared>>) target_semaphore(%run_scoped3A : memref<!tpu.dma_semaphore, #tpu.memory_space<semaphore_mem>>)
      %dma_wait3A = arith.constant 0 : i32
      %dma_wait3A_28 = tpu.memref_slice %arg9[%add3A_8, %dma_wait3A] : memref<10240x16xf32, #tpu.memory_space<vmem_shared>> -> memref<128x16xf32, #tpu.memory_space<vmem_shared>>
      %dma_wait3A_29 = arith.constant 0 : i32
      %dma_wait3A_30 = tpu.memref_slice %arg9[%add3A_8, %dma_wait3A_29] : memref<10240x16xf32, #tpu.memory_space<vmem_shared>> -> memref<128x16xf32, #tpu.memory_space<vmem_shared>>
      tpu.wait_dma2 semaphore(%run_scoped3A : memref<!tpu.dma_semaphore, #tpu.memory_space<semaphore_mem>>) src(%arg8 : memref<128x16xf32, #tpu.memory_space<vmem>>) dst(%dma_wait3A_30 : memref<128x16xf32, #tpu.memory_space<vmem_shared>>)
      tpu.yield
    }) : () -> ()
    %add3A_9 = arith.constant 256 : i32
    %add3A_10 = arith.addi %mul3A_4, %add3A_9 : i32
    "tpu.region"() ({
      %run_scoped3A = tpu.sem_alloc : memref<!tpu.dma_semaphore, #tpu.memory_space<semaphore_mem>>
      %dma_start3A = arith.constant 0 : i32
      %dma_start3A_25 = tpu.memref_slice %arg9[%add3A_10, %dma_start3A] : memref<10240x16xf32, #tpu.memory_space<vmem_shared>> -> memref<128x16xf32, #tpu.memory_space<vmem_shared>>
      %dma_start3A_26 = arith.constant 0 : i32
      %dma_start3A_27 = tpu.memref_slice %arg9[%add3A_10, %dma_start3A_26] : memref<10240x16xf32, #tpu.memory_space<vmem_shared>> -> memref<128x16xf32, #tpu.memory_space<vmem_shared>>
      tpu.enqueue_dma source(%arg8 : memref<128x16xf32, #tpu.memory_space<vmem>>) target(%dma_start3A_27 : memref<128x16xf32, #tpu.memory_space<vmem_shared>>) target_semaphore(%run_scoped3A : memref<!tpu.dma_semaphore, #tpu.memory_space<semaphore_mem>>)
      %dma_wait3A = arith.constant 0 : i32
      %dma_wait3A_28 = tpu.memref_slice %arg9[%add3A_10, %dma_wait3A] : memref<10240x16xf32, #tpu.memory_space<vmem_shared>> -> memref<128x16xf32, #tpu.memory_space<vmem_shared>>
      %dma_wait3A_29 = arith.constant 0 : i32
      %dma_wait3A_30 = tpu.memref_slice %arg9[%add3A_10, %dma_wait3A_29] : memref<10240x16xf32, #tpu.memory_space<vmem_shared>> -> memref<128x16xf32, #tpu.memory_space<vmem_shared>>
      tpu.wait_dma2 semaphore(%run_scoped3A : memref<!tpu.dma_semaphore, #tpu.memory_space<semaphore_mem>>) src(%arg8 : memref<128x16xf32, #tpu.memory_space<vmem>>) dst(%dma_wait3A_30 : memref<128x16xf32, #tpu.memory_space<vmem_shared>>)
      tpu.yield
    }) : () -> ()
    %add3A_11 = arith.constant 384 : i32
    %add3A_12 = arith.addi %mul3A_4, %add3A_11 : i32
    "tpu.region"() ({
      %run_scoped3A = tpu.sem_alloc : memref<!tpu.dma_semaphore, #tpu.memory_space<semaphore_mem>>
      %dma_start3A = arith.constant 0 : i32
      %dma_start3A_25 = tpu.memref_slice %arg9[%add3A_12, %dma_start3A] : memref<10240x16xf32, #tpu.memory_space<vmem_shared>> -> memref<128x16xf32, #tpu.memory_space<vmem_shared>>
      %dma_start3A_26 = arith.constant 0 : i32
      %dma_start3A_27 = tpu.memref_slice %arg9[%add3A_12, %dma_start3A_26] : memref<10240x16xf32, #tpu.memory_space<vmem_shared>> -> memref<128x16xf32, #tpu.memory_space<vmem_shared>>
      tpu.enqueue_dma source(%arg8 : memref<128x16xf32, #tpu.memory_space<vmem>>) target(%dma_start3A_27 : memref<128x16xf32, #tpu.memory_space<vmem_shared>>) target_semaphore(%run_scoped3A : memref<!tpu.dma_semaphore, #tpu.memory_space<semaphore_mem>>)
      %dma_wait3A = arith.constant 0 : i32
      %dma_wait3A_28 = tpu.memref_slice %arg9[%add3A_12, %dma_wait3A] : memref<10240x16xf32, #tpu.memory_space<vmem_shared>> -> memref<128x16xf32, #tpu.memory_space<vmem_shared>>
      %dma_wait3A_29 = arith.constant 0 : i32
      %dma_wait3A_30 = tpu.memref_slice %arg9[%add3A_12, %dma_wait3A_29] : memref<10240x16xf32, #tpu.memory_space<vmem_shared>> -> memref<128x16xf32, #tpu.memory_space<vmem_shared>>
      tpu.wait_dma2 semaphore(%run_scoped3A : memref<!tpu.dma_semaphore, #tpu.memory_space<semaphore_mem>>) src(%arg8 : memref<128x16xf32, #tpu.memory_space<vmem>>) dst(%dma_wait3A_30 : memref<128x16xf32, #tpu.memory_space<vmem_shared>>)
      tpu.yield
    }) : () -> ()
    %add3A_13 = arith.constant 512 : i32
    %add3A_14 = arith.addi %mul3A_4, %add3A_13 : i32
    "tpu.region"() ({
      %run_scoped3A = tpu.sem_alloc : memref<!tpu.dma_semaphore, #tpu.memory_space<semaphore_mem>>
      %dma_start3A = arith.constant 0 : i32
      %dma_start3A_25 = tpu.memref_slice %arg9[%add3A_14, %dma_start3A] : memref<10240x16xf32, #tpu.memory_space<vmem_shared>> -> memref<128x16xf32, #tpu.memory_space<vmem_shared>>
      %dma_start3A_26 = arith.constant 0 : i32
      %dma_start3A_27 = tpu.memref_slice %arg9[%add3A_14, %dma_start3A_26] : memref<10240x16xf32, #tpu.memory_space<vmem_shared>> -> memref<128x16xf32, #tpu.memory_space<vmem_shared>>
      tpu.enqueue_dma source(%arg8 : memref<128x16xf32, #tpu.memory_space<vmem>>) target(%dma_start3A_27 : memref<128x16xf32, #tpu.memory_space<vmem_shared>>) target_semaphore(%run_scoped3A : memref<!tpu.dma_semaphore, #tpu.memory_space<semaphore_mem>>)
      %dma_wait3A = arith.constant 0 : i32
      %dma_wait3A_28 = tpu.memref_slice %arg9[%add3A_14, %dma_wait3A] : memref<10240x16xf32, #tpu.memory_space<vmem_shared>> -> memref<128x16xf32, #tpu.memory_space<vmem_shared>>
      %dma_wait3A_29 = arith.constant 0 : i32
      %dma_wait3A_30 = tpu.memref_slice %arg9[%add3A_14, %dma_wait3A_29] : memref<10240x16xf32, #tpu.memory_space<vmem_shared>> -> memref<128x16xf32, #tpu.memory_space<vmem_shared>>
      tpu.wait_dma2 semaphore(%run_scoped3A : memref<!tpu.dma_semaphore, #tpu.memory_space<semaphore_mem>>) src(%arg8 : memref<128x16xf32, #tpu.memory_space<vmem>>) dst(%dma_wait3A_30 : memref<128x16xf32, #tpu.memory_space<vmem_shared>>)
      tpu.yield
    }) : () -> ()
    %barrier3A = arith.constant 0 : index
    tpu.barrier barrier_id(%barrier3A)
    %scan3A = arith.constant 0 : i32
    %scan3A_15 = arith.constant 80 : i32
    %scan3A_16 = arith.addi %scan3A, %scan3A_15 : i32
    %scan3A_17 = arith.constant 1 : i32
    scf.for %scan3A_25 = %scan3A to %scan3A_16 step %scan3A_17  : i32 {
      %mul3A_26 = arith.constant 1 : i32
      %mul3A_27 = arith.muli %scan3A_25, %mul3A_26 : i32
      %add3A_28 = arith.constant 0 : i32
      %add3A_29 = arith.addi %add3A_28, %mul3A_27 : i32
      %dma_start3A = arith.constant 0 : i32
      %dma_start3A_30 = tpu.memref_slice %arg6[%add3A_29, %dma_start3A] : memref<80x128xi32, #tpu.memory_space<vmem>> -> memref<1x128xi32, #tpu.memory_space<vmem>>
      %dma_start3A_31 = tpu.memref_squeeze %dma_start3A_30 : memref<1x128xi32, #tpu.memory_space<vmem>> -> memref<128xi32, #tpu.memory_space<vmem>>
      %dma_start3A_32 = arith.constant 0 : i32
      %dma_start3A_33 = arith.constant 0 : i32
      %dma_start3A_34 = tpu.memref_slice %arg9[%dma_start3A_32, %dma_start3A_33] : memref<10240x16xf32, #tpu.memory_space<vmem_shared>> -> memref<10240x16xf32, #tpu.memory_space<vmem_shared>>
      tpu.enqueue_indirect_dma source(%arg7 : memref<128x16xf32, #tpu.memory_space<vmem>>) target(%dma_start3A_34 : memref<10240x16xf32, #tpu.memory_space<vmem_shared>>) offsets(%dma_start3A_31 : memref<128xi32, #tpu.memory_space<vmem>>) semaphore(%arg10 : memref<!tpu.dma_semaphore, #tpu.memory_space<semaphore_mem>>) {add = true}
    }
    %scan3A_18 = arith.constant 80 : i32
    %scan3A_19 = arith.constant 0 : i32
    %scan3A_20 = arith.constant 80 : i32
    %scan3A_21 = arith.addi %scan3A_19, %scan3A_20 : i32
    %scan3A_22 = arith.constant 1 : i32
    scf.for %scan3A_25 = %scan3A_19 to %scan3A_21 step %scan3A_22  : i32 {
      %mul3A_26 = arith.constant 1 : i32
      %mul3A_27 = arith.muli %scan3A_25, %mul3A_26 : i32
      %add3A_28 = arith.constant 0 : i32
      %add3A_29 = arith.addi %add3A_28, %mul3A_27 : i32
      %dma_wait3A = arith.constant 0 : i32
      %dma_wait3A_30 = tpu.memref_slice %arg6[%add3A_29, %dma_wait3A] : memref<80x128xi32, #tpu.memory_space<vmem>> -> memref<1x128xi32, #tpu.memory_space<vmem>>
      %dma_wait3A_31 = tpu.memref_squeeze %dma_wait3A_30 : memref<1x128xi32, #tpu.memory_space<vmem>> -> memref<128xi32, #tpu.memory_space<vmem>>
      %dma_wait3A_32 = arith.constant 0 : i32
      %dma_wait3A_33 = arith.constant 0 : i32
      %dma_wait3A_34 = tpu.memref_slice %arg9[%dma_wait3A_32, %dma_wait3A_33] : memref<10240x16xf32, #tpu.memory_space<vmem_shared>> -> memref<10240x16xf32, #tpu.memory_space<vmem_shared>>
      tpu.wait_indirect_dma semaphore(%arg10 : memref<!tpu.dma_semaphore, #tpu.memory_space<semaphore_mem>>) src(%arg7 : memref<128x16xf32, #tpu.memory_space<vmem>>) dst(%dma_wait3A_34 : memref<10240x16xf32, #tpu.memory_space<vmem_shared>>)
    }
    %scan3A_23 = arith.constant 80 : i32
    %barrier3A_24 = arith.constant 0 : index
    tpu.barrier barrier_id(%barrier3A_24)
    "tpu.region"() ({
      %run_scoped3A = tpu.sem_alloc : memref<!tpu.dma_semaphore, #tpu.memory_space<semaphore_mem>>
      %dma_start3A = arith.constant 0 : i32
      %dma_start3A_25 = tpu.memref_slice %arg5[%arg0, %mul3A_4, %dma_start3A] : memref<2x10240x16xf32, #tpu.memory_space<hbm>> -> memref<1x640x16xf32, #tpu.memory_space<hbm>>
      %dma_start3A_26 = tpu.memref_squeeze %dma_start3A_25 : memref<1x640x16xf32, #tpu.memory_space<hbm>> -> memref<640x16xf32, #tpu.memory_space<hbm>>
      %dma_start3A_27 = arith.constant 0 : i32
      %dma_start3A_28 = tpu.memref_slice %arg9[%mul3A_4, %dma_start3A_27] : memref<10240x16xf32, #tpu.memory_space<vmem_shared>> -> memref<640x16xf32, #tpu.memory_space<vmem_shared>>
      tpu.enqueue_dma source(%dma_start3A_28 : memref<640x16xf32, #tpu.memory_space<vmem_shared>>) target(%dma_start3A_26 : memref<640x16xf32, #tpu.memory_space<hbm>>) target_semaphore(%run_scoped3A : memref<!tpu.dma_semaphore, #tpu.memory_space<semaphore_mem>>)
      %dma_wait3A = arith.constant 0 : i32
      %dma_wait3A_29 = tpu.memref_slice %arg5[%arg0, %mul3A_4, %dma_wait3A] : memref<2x10240x16xf32, #tpu.memory_space<hbm>> -> memref<1x640x16xf32, #tpu.memory_space<hbm>>
      %dma_wait3A_30 = tpu.memref_squeeze %dma_wait3A_29 : memref<1x640x16xf32, #tpu.memory_space<hbm>> -> memref<640x16xf32, #tpu.memory_space<hbm>>
      %dma_wait3A_31 = arith.constant 0 : i32
      %dma_wait3A_32 = tpu.memref_slice %arg9[%mul3A_4, %dma_wait3A_31] : memref<10240x16xf32, #tpu.memory_space<vmem_shared>> -> memref<640x16xf32, #tpu.memory_space<vmem_shared>>
      tpu.wait_dma2 semaphore(%run_scoped3A : memref<!tpu.dma_semaphore, #tpu.memory_space<semaphore_mem>>) src(%dma_wait3A_32 : memref<640x16xf32, #tpu.memory_space<vmem_shared>>) dst(%dma_wait3A_30 : memref<640x16xf32, #tpu.memory_space<hbm>>)
      tpu.yield
    }) : () -> ()
    return
  }
}

#map = affine_map<(d0, d1) -> (0, 0)>
#map1 = affine_map<(d0, d1) -> (0, 0, 0)>
module attributes {stable_mosaic.version = 14 : i64} {
  func.func @_sc_agg2(%arg0: i32, %arg1: i32, %arg2: memref<2560x128xi32, #tpu.memory_space<hbm>>, %arg3: memref<2560x128xi32, #tpu.memory_space<hbm>>, %arg4: memref<10000x16xf32, #tpu.memory_space<hbm>>, %arg5: memref<128x16xf32, #tpu.memory_space<hbm>>, %arg6: memref<2x10240x16xf32, #tpu.memory_space<hbm>>, %arg7: memref<80x128xi32, #tpu.memory_space<vmem>>, %arg8: memref<80x128xi32, #tpu.memory_space<vmem>>, %arg9: memref<8x128x16xf32, #tpu.memory_space<vmem>>, %arg10: memref<128x16xf32, #tpu.memory_space<vmem>>, %arg11: memref<10240x16xf32, #tpu.memory_space<vmem_shared>>, %arg12: memref<10000x16xf32, #tpu.memory_space<vmem_shared>>, %arg13: memref<8x!tpu.dma_semaphore, #tpu.memory_space<semaphore_mem>>, %arg14: memref<8x!tpu.dma_semaphore, #tpu.memory_space<semaphore_mem>>) attributes {dimension_semantics = [#tpu.dimension_semantics<core_parallel>, #tpu.dimension_semantics<subcore_parallel>], iteration_bounds = array<i64: 2, 16>, scalar_prefetch = 0 : i64, scratch_operands = 8 : i64, tpu.core_type = #tpu.core_type<sc_vector_subcore>, window_params = [{transform_indices = #map}, {transform_indices = #map}, {transform_indices = #map}, {transform_indices = #map}, {transform_indices = #map1}]} {
    %mul3A = arith.constant 16 : i32
    %mul3A_0 = arith.muli %arg0, %mul3A : i32
    %add3A = arith.addi %mul3A_0, %arg1 : i32
    %mul3A_1 = arith.constant 80 : i32
    %mul3A_2 = arith.muli %add3A, %mul3A_1 : i32
    "tpu.region"() ({
      %run_scoped3A = tpu.sem_alloc : memref<!tpu.dma_semaphore, #tpu.memory_space<semaphore_mem>>
      %dma_start3A = arith.constant 0 : i32
      %dma_start3A_145 = tpu.memref_slice %arg2[%mul3A_2, %dma_start3A] : memref<2560x128xi32, #tpu.memory_space<hbm>> -> memref<80x128xi32, #tpu.memory_space<hbm>>
      %dma_start3A_146 = arith.constant 0 : i32
      %dma_start3A_147 = tpu.memref_slice %arg2[%mul3A_2, %dma_start3A_146] : memref<2560x128xi32, #tpu.memory_space<hbm>> -> memref<80x128xi32, #tpu.memory_space<hbm>>
      tpu.enqueue_dma source(%dma_start3A_147 : memref<80x128xi32, #tpu.memory_space<hbm>>) target(%arg7 : memref<80x128xi32, #tpu.memory_space<vmem>>) target_semaphore(%run_scoped3A : memref<!tpu.dma_semaphore, #tpu.memory_space<semaphore_mem>>)
      %dma_wait3A_148 = arith.constant 0 : i32
      %dma_wait3A_149 = tpu.memref_slice %arg2[%mul3A_2, %dma_wait3A_148] : memref<2560x128xi32, #tpu.memory_space<hbm>> -> memref<80x128xi32, #tpu.memory_space<hbm>>
      %dma_wait3A_150 = arith.constant 0 : i32
      %dma_wait3A_151 = tpu.memref_slice %arg2[%mul3A_2, %dma_wait3A_150] : memref<2560x128xi32, #tpu.memory_space<hbm>> -> memref<80x128xi32, #tpu.memory_space<hbm>>
      tpu.wait_dma2 semaphore(%run_scoped3A : memref<!tpu.dma_semaphore, #tpu.memory_space<semaphore_mem>>) src(%dma_wait3A_151 : memref<80x128xi32, #tpu.memory_space<hbm>>) dst(%arg7 : memref<80x128xi32, #tpu.memory_space<vmem>>)
      tpu.yield
    }) : () -> ()
    %mul3A_3 = arith.constant 80 : i32
    %mul3A_4 = arith.muli %add3A, %mul3A_3 : i32
    "tpu.region"() ({
      %run_scoped3A = tpu.sem_alloc : memref<!tpu.dma_semaphore, #tpu.memory_space<semaphore_mem>>
      %dma_start3A = arith.constant 0 : i32
      %dma_start3A_145 = tpu.memref_slice %arg3[%mul3A_4, %dma_start3A] : memref<2560x128xi32, #tpu.memory_space<hbm>> -> memref<80x128xi32, #tpu.memory_space<hbm>>
      %dma_start3A_146 = arith.constant 0 : i32
      %dma_start3A_147 = tpu.memref_slice %arg3[%mul3A_4, %dma_start3A_146] : memref<2560x128xi32, #tpu.memory_space<hbm>> -> memref<80x128xi32, #tpu.memory_space<hbm>>
      tpu.enqueue_dma source(%dma_start3A_147 : memref<80x128xi32, #tpu.memory_space<hbm>>) target(%arg8 : memref<80x128xi32, #tpu.memory_space<vmem>>) target_semaphore(%run_scoped3A : memref<!tpu.dma_semaphore, #tpu.memory_space<semaphore_mem>>)
      %dma_wait3A_148 = arith.constant 0 : i32
      %dma_wait3A_149 = tpu.memref_slice %arg3[%mul3A_4, %dma_wait3A_148] : memref<2560x128xi32, #tpu.memory_space<hbm>> -> memref<80x128xi32, #tpu.memory_space<hbm>>
      %dma_wait3A_150 = arith.constant 0 : i32
      %dma_wait3A_151 = tpu.memref_slice %arg3[%mul3A_4, %dma_wait3A_150] : memref<2560x128xi32, #tpu.memory_space<hbm>> -> memref<80x128xi32, #tpu.memory_space<hbm>>
      tpu.wait_dma2 semaphore(%run_scoped3A : memref<!tpu.dma_semaphore, #tpu.memory_space<semaphore_mem>>) src(%dma_wait3A_151 : memref<80x128xi32, #tpu.memory_space<hbm>>) dst(%arg8 : memref<80x128xi32, #tpu.memory_space<vmem>>)
      tpu.yield
    }) : () -> ()
    %mul3A_5 = arith.constant 640 : i32
    %mul3A_6 = arith.muli %arg1, %mul3A_5 : i32
    "tpu.region"() ({
      %run_scoped3A = tpu.sem_alloc : memref<!tpu.dma_semaphore, #tpu.memory_space<semaphore_mem>>
      tpu.enqueue_dma source(%arg5 : memref<128x16xf32, #tpu.memory_space<hbm>>) target(%arg10 : memref<128x16xf32, #tpu.memory_space<vmem>>) target_semaphore(%run_scoped3A : memref<!tpu.dma_semaphore, #tpu.memory_space<semaphore_mem>>)
      tpu.wait_dma2 semaphore(%run_scoped3A : memref<!tpu.dma_semaphore, #tpu.memory_space<semaphore_mem>>) src(%arg5 : memref<128x16xf32, #tpu.memory_space<hbm>>) dst(%arg10 : memref<128x16xf32, #tpu.memory_space<vmem>>)
      tpu.yield
    }) : () -> ()
    %add3A_7 = arith.constant 0 : i32
    %add3A_8 = arith.addi %mul3A_6, %add3A_7 : i32
    "tpu.region"() ({
      %run_scoped3A = tpu.sem_alloc : memref<!tpu.dma_semaphore, #tpu.memory_space<semaphore_mem>>
      %dma_start3A = arith.constant 0 : i32
      %dma_start3A_145 = tpu.memref_slice %arg11[%add3A_8, %dma_start3A] : memref<10240x16xf32, #tpu.memory_space<vmem_shared>> -> memref<128x16xf32, #tpu.memory_space<vmem_shared>>
      %dma_start3A_146 = arith.constant 0 : i32
      %dma_start3A_147 = tpu.memref_slice %arg11[%add3A_8, %dma_start3A_146] : memref<10240x16xf32, #tpu.memory_space<vmem_shared>> -> memref<128x16xf32, #tpu.memory_space<vmem_shared>>
      tpu.enqueue_dma source(%arg10 : memref<128x16xf32, #tpu.memory_space<vmem>>) target(%dma_start3A_147 : memref<128x16xf32, #tpu.memory_space<vmem_shared>>) target_semaphore(%run_scoped3A : memref<!tpu.dma_semaphore, #tpu.memory_space<semaphore_mem>>)
      %dma_wait3A_148 = arith.constant 0 : i32
      %dma_wait3A_149 = tpu.memref_slice %arg11[%add3A_8, %dma_wait3A_148] : memref<10240x16xf32, #tpu.memory_space<vmem_shared>> -> memref<128x16xf32, #tpu.memory_space<vmem_shared>>
      %dma_wait3A_150 = arith.constant 0 : i32
      %dma_wait3A_151 = tpu.memref_slice %arg11[%add3A_8, %dma_wait3A_150] : memref<10240x16xf32, #tpu.memory_space<vmem_shared>> -> memref<128x16xf32, #tpu.memory_space<vmem_shared>>
      tpu.wait_dma2 semaphore(%run_scoped3A : memref<!tpu.dma_semaphore, #tpu.memory_space<semaphore_mem>>) src(%arg10 : memref<128x16xf32, #tpu.memory_space<vmem>>) dst(%dma_wait3A_151 : memref<128x16xf32, #tpu.memory_space<vmem_shared>>)
      tpu.yield
    }) : () -> ()
    %add3A_9 = arith.constant 128 : i32
    %add3A_10 = arith.addi %mul3A_6, %add3A_9 : i32
    "tpu.region"() ({
      %run_scoped3A = tpu.sem_alloc : memref<!tpu.dma_semaphore, #tpu.memory_space<semaphore_mem>>
      %dma_start3A = arith.constant 0 : i32
      %dma_start3A_145 = tpu.memref_slice %arg11[%add3A_10, %dma_start3A] : memref<10240x16xf32, #tpu.memory_space<vmem_shared>> -> memref<128x16xf32, #tpu.memory_space<vmem_shared>>
      %dma_start3A_146 = arith.constant 0 : i32
      %dma_start3A_147 = tpu.memref_slice %arg11[%add3A_10, %dma_start3A_146] : memref<10240x16xf32, #tpu.memory_space<vmem_shared>> -> memref<128x16xf32, #tpu.memory_space<vmem_shared>>
      tpu.enqueue_dma source(%arg10 : memref<128x16xf32, #tpu.memory_space<vmem>>) target(%dma_start3A_147 : memref<128x16xf32, #tpu.memory_space<vmem_shared>>) target_semaphore(%run_scoped3A : memref<!tpu.dma_semaphore, #tpu.memory_space<semaphore_mem>>)
      %dma_wait3A_148 = arith.constant 0 : i32
      %dma_wait3A_149 = tpu.memref_slice %arg11[%add3A_10, %dma_wait3A_148] : memref<10240x16xf32, #tpu.memory_space<vmem_shared>> -> memref<128x16xf32, #tpu.memory_space<vmem_shared>>
      %dma_wait3A_150 = arith.constant 0 : i32
      %dma_wait3A_151 = tpu.memref_slice %arg11[%add3A_10, %dma_wait3A_150] : memref<10240x16xf32, #tpu.memory_space<vmem_shared>> -> memref<128x16xf32, #tpu.memory_space<vmem_shared>>
      tpu.wait_dma2 semaphore(%run_scoped3A : memref<!tpu.dma_semaphore, #tpu.memory_space<semaphore_mem>>) src(%arg10 : memref<128x16xf32, #tpu.memory_space<vmem>>) dst(%dma_wait3A_151 : memref<128x16xf32, #tpu.memory_space<vmem_shared>>)
      tpu.yield
    }) : () -> ()
    %add3A_11 = arith.constant 256 : i32
    %add3A_12 = arith.addi %mul3A_6, %add3A_11 : i32
    "tpu.region"() ({
      %run_scoped3A = tpu.sem_alloc : memref<!tpu.dma_semaphore, #tpu.memory_space<semaphore_mem>>
      %dma_start3A = arith.constant 0 : i32
      %dma_start3A_145 = tpu.memref_slice %arg11[%add3A_12, %dma_start3A] : memref<10240x16xf32, #tpu.memory_space<vmem_shared>> -> memref<128x16xf32, #tpu.memory_space<vmem_shared>>
      %dma_start3A_146 = arith.constant 0 : i32
      %dma_start3A_147 = tpu.memref_slice %arg11[%add3A_12, %dma_start3A_146] : memref<10240x16xf32, #tpu.memory_space<vmem_shared>> -> memref<128x16xf32, #tpu.memory_space<vmem_shared>>
      tpu.enqueue_dma source(%arg10 : memref<128x16xf32, #tpu.memory_space<vmem>>) target(%dma_start3A_147 : memref<128x16xf32, #tpu.memory_space<vmem_shared>>) target_semaphore(%run_scoped3A : memref<!tpu.dma_semaphore, #tpu.memory_space<semaphore_mem>>)
      %dma_wait3A_148 = arith.constant 0 : i32
      %dma_wait3A_149 = tpu.memref_slice %arg11[%add3A_12, %dma_wait3A_148] : memref<10240x16xf32, #tpu.memory_space<vmem_shared>> -> memref<128x16xf32, #tpu.memory_space<vmem_shared>>
      %dma_wait3A_150 = arith.constant 0 : i32
      %dma_wait3A_151 = tpu.memref_slice %arg11[%add3A_12, %dma_wait3A_150] : memref<10240x16xf32, #tpu.memory_space<vmem_shared>> -> memref<128x16xf32, #tpu.memory_space<vmem_shared>>
      tpu.wait_dma2 semaphore(%run_scoped3A : memref<!tpu.dma_semaphore, #tpu.memory_space<semaphore_mem>>) src(%arg10 : memref<128x16xf32, #tpu.memory_space<vmem>>) dst(%dma_wait3A_151 : memref<128x16xf32, #tpu.memory_space<vmem_shared>>)
      tpu.yield
    }) : () -> ()
    %add3A_13 = arith.constant 384 : i32
    %add3A_14 = arith.addi %mul3A_6, %add3A_13 : i32
    "tpu.region"() ({
      %run_scoped3A = tpu.sem_alloc : memref<!tpu.dma_semaphore, #tpu.memory_space<semaphore_mem>>
      %dma_start3A = arith.constant 0 : i32
      %dma_start3A_145 = tpu.memref_slice %arg11[%add3A_14, %dma_start3A] : memref<10240x16xf32, #tpu.memory_space<vmem_shared>> -> memref<128x16xf32, #tpu.memory_space<vmem_shared>>
      %dma_start3A_146 = arith.constant 0 : i32
      %dma_start3A_147 = tpu.memref_slice %arg11[%add3A_14, %dma_start3A_146] : memref<10240x16xf32, #tpu.memory_space<vmem_shared>> -> memref<128x16xf32, #tpu.memory_space<vmem_shared>>
      tpu.enqueue_dma source(%arg10 : memref<128x16xf32, #tpu.memory_space<vmem>>) target(%dma_start3A_147 : memref<128x16xf32, #tpu.memory_space<vmem_shared>>) target_semaphore(%run_scoped3A : memref<!tpu.dma_semaphore, #tpu.memory_space<semaphore_mem>>)
      %dma_wait3A_148 = arith.constant 0 : i32
      %dma_wait3A_149 = tpu.memref_slice %arg11[%add3A_14, %dma_wait3A_148] : memref<10240x16xf32, #tpu.memory_space<vmem_shared>> -> memref<128x16xf32, #tpu.memory_space<vmem_shared>>
      %dma_wait3A_150 = arith.constant 0 : i32
      %dma_wait3A_151 = tpu.memref_slice %arg11[%add3A_14, %dma_wait3A_150] : memref<10240x16xf32, #tpu.memory_space<vmem_shared>> -> memref<128x16xf32, #tpu.memory_space<vmem_shared>>
      tpu.wait_dma2 semaphore(%run_scoped3A : memref<!tpu.dma_semaphore, #tpu.memory_space<semaphore_mem>>) src(%arg10 : memref<128x16xf32, #tpu.memory_space<vmem>>) dst(%dma_wait3A_151 : memref<128x16xf32, #tpu.memory_space<vmem_shared>>)
      tpu.yield
    }) : () -> ()
    %add3A_15 = arith.constant 512 : i32
    %add3A_16 = arith.addi %mul3A_6, %add3A_15 : i32
    "tpu.region"() ({
      %run_scoped3A = tpu.sem_alloc : memref<!tpu.dma_semaphore, #tpu.memory_space<semaphore_mem>>
      %dma_start3A = arith.constant 0 : i32
      %dma_start3A_145 = tpu.memref_slice %arg11[%add3A_16, %dma_start3A] : memref<10240x16xf32, #tpu.memory_space<vmem_shared>> -> memref<128x16xf32, #tpu.memory_space<vmem_shared>>
      %dma_start3A_146 = arith.constant 0 : i32
      %dma_start3A_147 = tpu.memref_slice %arg11[%add3A_16, %dma_start3A_146] : memref<10240x16xf32, #tpu.memory_space<vmem_shared>> -> memref<128x16xf32, #tpu.memory_space<vmem_shared>>
      tpu.enqueue_dma source(%arg10 : memref<128x16xf32, #tpu.memory_space<vmem>>) target(%dma_start3A_147 : memref<128x16xf32, #tpu.memory_space<vmem_shared>>) target_semaphore(%run_scoped3A : memref<!tpu.dma_semaphore, #tpu.memory_space<semaphore_mem>>)
      %dma_wait3A_148 = arith.constant 0 : i32
      %dma_wait3A_149 = tpu.memref_slice %arg11[%add3A_16, %dma_wait3A_148] : memref<10240x16xf32, #tpu.memory_space<vmem_shared>> -> memref<128x16xf32, #tpu.memory_space<vmem_shared>>
      %dma_wait3A_150 = arith.constant 0 : i32
      %dma_wait3A_151 = tpu.memref_slice %arg11[%add3A_16, %dma_wait3A_150] : memref<10240x16xf32, #tpu.memory_space<vmem_shared>> -> memref<128x16xf32, #tpu.memory_space<vmem_shared>>
      tpu.wait_dma2 semaphore(%run_scoped3A : memref<!tpu.dma_semaphore, #tpu.memory_space<semaphore_mem>>) src(%arg10 : memref<128x16xf32, #tpu.memory_space<vmem>>) dst(%dma_wait3A_151 : memref<128x16xf32, #tpu.memory_space<vmem_shared>>)
      tpu.yield
    }) : () -> ()
    %mul3A_17 = arith.constant 625 : i32
    %mul3A_18 = arith.muli %arg1, %mul3A_17 : i32
    %mul3A_19 = arith.constant 625 : i32
    %mul3A_20 = arith.muli %arg1, %mul3A_19 : i32
    "tpu.region"() ({
      %run_scoped3A = tpu.sem_alloc : memref<!tpu.dma_semaphore, #tpu.memory_space<semaphore_mem>>
      %dma_start3A = arith.constant 0 : i32
      %dma_start3A_145 = tpu.memref_slice %arg12[%mul3A_20, %dma_start3A] : memref<10000x16xf32, #tpu.memory_space<vmem_shared>> -> memref<625x16xf32, #tpu.memory_space<vmem_shared>>
      %dma_start3A_146 = arith.constant 0 : i32
      %dma_start3A_147 = tpu.memref_slice %arg4[%mul3A_18, %dma_start3A_146] : memref<10000x16xf32, #tpu.memory_space<hbm>> -> memref<625x16xf32, #tpu.memory_space<hbm>>
      tpu.enqueue_dma source(%dma_start3A_147 : memref<625x16xf32, #tpu.memory_space<hbm>>) target(%dma_start3A_145 : memref<625x16xf32, #tpu.memory_space<vmem_shared>>) target_semaphore(%run_scoped3A : memref<!tpu.dma_semaphore, #tpu.memory_space<semaphore_mem>>)
      %dma_wait3A_148 = arith.constant 0 : i32
      %dma_wait3A_149 = tpu.memref_slice %arg12[%mul3A_20, %dma_wait3A_148] : memref<10000x16xf32, #tpu.memory_space<vmem_shared>> -> memref<625x16xf32, #tpu.memory_space<vmem_shared>>
      %dma_wait3A_150 = arith.constant 0 : i32
      %dma_wait3A_151 = tpu.memref_slice %arg4[%mul3A_18, %dma_wait3A_150] : memref<10000x16xf32, #tpu.memory_space<hbm>> -> memref<625x16xf32, #tpu.memory_space<hbm>>
      tpu.wait_dma2 semaphore(%run_scoped3A : memref<!tpu.dma_semaphore, #tpu.memory_space<semaphore_mem>>) src(%dma_wait3A_151 : memref<625x16xf32, #tpu.memory_space<hbm>>) dst(%dma_wait3A_149 : memref<625x16xf32, #tpu.memory_space<vmem_shared>>)
      tpu.yield
    }) : () -> ()
    %barrier3A = arith.constant 0 : index
    tpu.barrier barrier_id(%barrier3A)
    %scan3A = arith.constant 0 : i32
    %scan3A_21 = arith.constant 10 : i32
    %scan3A_22 = arith.addi %scan3A, %scan3A_21 : i32
    %scan3A_23 = arith.constant 1 : i32
    scf.for %scan3A_145 = %scan3A to %scan3A_22 step %scan3A_23  : i32 {
      %mul3A_146 = arith.constant 1 : i32
      %mul3A_147 = arith.muli %scan3A_145, %mul3A_146 : i32
      %add3A_148 = arith.constant 0 : i32
      %add3A_149 = arith.addi %add3A_148, %mul3A_147 : i32
      %mul3A_150 = arith.constant 8 : i32
      %mul3A_151 = arith.muli %add3A_149, %mul3A_150 : i32
      %add3A_152 = arith.constant 0 : i32
      %add3A_153 = arith.addi %mul3A_151, %add3A_152 : i32
      %gt3A = arith.constant 0 : i32
      %gt3A_154 = arith.cmpi sgt, %add3A_149, %gt3A : i32
      %convert_element_type3A = arith.extui %gt3A_154 : i1 to i32
      %cond3A = arith.constant 0 : i32
      %cond3A_155 = arith.cmpi ne, %convert_element_type3A, %cond3A : i32
      scf.if %cond3A_155 {
        %sub3A = arith.constant 8 : i32
        %sub3A_586 = arith.subi %add3A_153, %sub3A : i32
        %dma_wait3A_587 = arith.constant 0 : i32
        %dma_wait3A_588 = arith.constant 0 : i32
        %dma_wait3A_589 = arith.constant 0 : i32
        %dma_wait3A_590 = arith.constant 0 : i32
        %dma_wait3A_591 = tpu.memref_slice %arg9[%dma_wait3A_587, %dma_wait3A_589, %dma_wait3A_590] : memref<8x128x16xf32, #tpu.memory_space<vmem>> -> memref<1x128x16xf32, #tpu.memory_space<vmem>>
        %dma_wait3A_592 = tpu.memref_squeeze %dma_wait3A_591 : memref<1x128x16xf32, #tpu.memory_space<vmem>> -> memref<128x16xf32, #tpu.memory_space<vmem>>
        %dma_wait3A_593 = arith.constant 0 : i32
        %dma_wait3A_594 = tpu.memref_slice %arg8[%sub3A_586, %dma_wait3A_593] : memref<80x128xi32, #tpu.memory_space<vmem>> -> memref<1x128xi32, #tpu.memory_space<vmem>>
        %dma_wait3A_595 = tpu.memref_squeeze %dma_wait3A_594 : memref<1x128xi32, #tpu.memory_space<vmem>> -> memref<128xi32, #tpu.memory_space<vmem>>
        %dma_wait3A_596 = arith.constant 0 : i32
        %dma_wait3A_597 = arith.constant 0 : i32
        %dma_wait3A_598 = tpu.memref_slice %arg11[%dma_wait3A_596, %dma_wait3A_597] : memref<10240x16xf32, #tpu.memory_space<vmem_shared>> -> memref<10240x16xf32, #tpu.memory_space<vmem_shared>>
        %dma_wait3A_599 = tpu.memref_slice %arg14[%dma_wait3A_588] : memref<8x!tpu.dma_semaphore, #tpu.memory_space<semaphore_mem>> -> memref<1x!tpu.dma_semaphore, #tpu.memory_space<semaphore_mem>>
        %dma_wait3A_600 = tpu.memref_squeeze %dma_wait3A_599 : memref<1x!tpu.dma_semaphore, #tpu.memory_space<semaphore_mem>> -> memref<!tpu.dma_semaphore, #tpu.memory_space<semaphore_mem>>
        tpu.wait_indirect_dma semaphore(%dma_wait3A_600 : memref<!tpu.dma_semaphore, #tpu.memory_space<semaphore_mem>>) src(%dma_wait3A_592 : memref<128x16xf32, #tpu.memory_space<vmem>>) dst(%dma_wait3A_598 : memref<10240x16xf32, #tpu.memory_space<vmem_shared>>)
      } else {
      }
      %dma_start3A = arith.constant 0 : i32
      %dma_start3A_156 = arith.constant 0 : i32
      %dma_start3A_157 = arith.constant 0 : i32
      %dma_start3A_158 = arith.constant 0 : i32
      %dma_start3A_159 = tpu.memref_slice %arg9[%dma_start3A, %dma_start3A_157, %dma_start3A_158] : memref<8x128x16xf32, #tpu.memory_space<vmem>> -> memref<1x128x16xf32, #tpu.memory_space<vmem>>
      %dma_start3A_160 = tpu.memref_squeeze %dma_start3A_159 : memref<1x128x16xf32, #tpu.memory_space<vmem>> -> memref<128x16xf32, #tpu.memory_space<vmem>>
      %dma_start3A_161 = arith.constant 0 : i32
      %dma_start3A_162 = tpu.memref_slice %arg7[%add3A_153, %dma_start3A_161] : memref<80x128xi32, #tpu.memory_space<vmem>> -> memref<1x128xi32, #tpu.memory_space<vmem>>
      %dma_start3A_163 = tpu.memref_squeeze %dma_start3A_162 : memref<1x128xi32, #tpu.memory_space<vmem>> -> memref<128xi32, #tpu.memory_space<vmem>>
      %dma_start3A_164 = arith.constant 0 : i32
      %dma_start3A_165 = arith.constant 0 : i32
      %dma_start3A_166 = tpu.memref_slice %arg12[%dma_start3A_164, %dma_start3A_165] : memref<10000x16xf32, #tpu.memory_space<vmem_shared>> -> memref<10000x16xf32, #tpu.memory_space<vmem_shared>>
      %dma_start3A_167 = tpu.memref_slice %arg13[%dma_start3A_156] : memref<8x!tpu.dma_semaphore, #tpu.memory_space<semaphore_mem>> -> memref<1x!tpu.dma_semaphore, #tpu.memory_space<semaphore_mem>>
      %dma_start3A_168 = tpu.memref_squeeze %dma_start3A_167 : memref<1x!tpu.dma_semaphore, #tpu.memory_space<semaphore_mem>> -> memref<!tpu.dma_semaphore, #tpu.memory_space<semaphore_mem>>
      tpu.enqueue_indirect_dma source(%dma_start3A_166 : memref<10000x16xf32, #tpu.memory_space<vmem_shared>>) target(%dma_start3A_160 : memref<128x16xf32, #tpu.memory_space<vmem>>) offsets(%dma_start3A_163 : memref<128xi32, #tpu.memory_space<vmem>>) semaphore(%dma_start3A_168 : memref<!tpu.dma_semaphore, #tpu.memory_space<semaphore_mem>>)
      %mul3A_169 = arith.constant 8 : i32
      %mul3A_170 = arith.muli %add3A_149, %mul3A_169 : i32
      %add3A_171 = arith.constant 1 : i32
      %add3A_172 = arith.addi %mul3A_170, %add3A_171 : i32
      %gt3A_173 = arith.constant 0 : i32
      %gt3A_174 = arith.cmpi sgt, %add3A_149, %gt3A_173 : i32
      %convert_element_type3A_175 = arith.extui %gt3A_174 : i1 to i32
      %cond3A_176 = arith.constant 0 : i32
      %cond3A_177 = arith.cmpi ne, %convert_element_type3A_175, %cond3A_176 : i32
      scf.if %cond3A_177 {
        %sub3A = arith.constant 8 : i32
        %sub3A_586 = arith.subi %add3A_172, %sub3A : i32
        %dma_wait3A_587 = arith.constant 1 : i32
        %dma_wait3A_588 = arith.constant 1 : i32
        %dma_wait3A_589 = arith.constant 0 : i32
        %dma_wait3A_590 = arith.constant 0 : i32
        %dma_wait3A_591 = tpu.memref_slice %arg9[%dma_wait3A_587, %dma_wait3A_589, %dma_wait3A_590] : memref<8x128x16xf32, #tpu.memory_space<vmem>> -> memref<1x128x16xf32, #tpu.memory_space<vmem>>
        %dma_wait3A_592 = tpu.memref_squeeze %dma_wait3A_591 : memref<1x128x16xf32, #tpu.memory_space<vmem>> -> memref<128x16xf32, #tpu.memory_space<vmem>>
        %dma_wait3A_593 = arith.constant 0 : i32
        %dma_wait3A_594 = tpu.memref_slice %arg8[%sub3A_586, %dma_wait3A_593] : memref<80x128xi32, #tpu.memory_space<vmem>> -> memref<1x128xi32, #tpu.memory_space<vmem>>
        %dma_wait3A_595 = tpu.memref_squeeze %dma_wait3A_594 : memref<1x128xi32, #tpu.memory_space<vmem>> -> memref<128xi32, #tpu.memory_space<vmem>>
        %dma_wait3A_596 = arith.constant 0 : i32
        %dma_wait3A_597 = arith.constant 0 : i32
        %dma_wait3A_598 = tpu.memref_slice %arg11[%dma_wait3A_596, %dma_wait3A_597] : memref<10240x16xf32, #tpu.memory_space<vmem_shared>> -> memref<10240x16xf32, #tpu.memory_space<vmem_shared>>
        %dma_wait3A_599 = tpu.memref_slice %arg14[%dma_wait3A_588] : memref<8x!tpu.dma_semaphore, #tpu.memory_space<semaphore_mem>> -> memref<1x!tpu.dma_semaphore, #tpu.memory_space<semaphore_mem>>
        %dma_wait3A_600 = tpu.memref_squeeze %dma_wait3A_599 : memref<1x!tpu.dma_semaphore, #tpu.memory_space<semaphore_mem>> -> memref<!tpu.dma_semaphore, #tpu.memory_space<semaphore_mem>>
        tpu.wait_indirect_dma semaphore(%dma_wait3A_600 : memref<!tpu.dma_semaphore, #tpu.memory_space<semaphore_mem>>) src(%dma_wait3A_592 : memref<128x16xf32, #tpu.memory_space<vmem>>) dst(%dma_wait3A_598 : memref<10240x16xf32, #tpu.memory_space<vmem_shared>>)
      } else {
      }
      %dma_start3A_178 = arith.constant 1 : i32
      %dma_start3A_179 = arith.constant 1 : i32
      %dma_start3A_180 = arith.constant 0 : i32
      %dma_start3A_181 = arith.constant 0 : i32
      %dma_start3A_182 = tpu.memref_slice %arg9[%dma_start3A_178, %dma_start3A_180, %dma_start3A_181] : memref<8x128x16xf32, #tpu.memory_space<vmem>> -> memref<1x128x16xf32, #tpu.memory_space<vmem>>
      %dma_start3A_183 = tpu.memref_squeeze %dma_start3A_182 : memref<1x128x16xf32, #tpu.memory_space<vmem>> -> memref<128x16xf32, #tpu.memory_space<vmem>>
      %dma_start3A_184 = arith.constant 0 : i32
      %dma_start3A_185 = tpu.memref_slice %arg7[%add3A_172, %dma_start3A_184] : memref<80x128xi32, #tpu.memory_space<vmem>> -> memref<1x128xi32, #tpu.memory_space<vmem>>
      %dma_start3A_186 = tpu.memref_squeeze %dma_start3A_185 : memref<1x128xi32, #tpu.memory_space<vmem>> -> memref<128xi32, #tpu.memory_space<vmem>>
      %dma_start3A_187 = arith.constant 0 : i32
      %dma_start3A_188 = arith.constant 0 : i32
      %dma_start3A_189 = tpu.memref_slice %arg12[%dma_start3A_187, %dma_start3A_188] : memref<10000x16xf32, #tpu.memory_space<vmem_shared>> -> memref<10000x16xf32, #tpu.memory_space<vmem_shared>>
      %dma_start3A_190 = tpu.memref_slice %arg13[%dma_start3A_179] : memref<8x!tpu.dma_semaphore, #tpu.memory_space<semaphore_mem>> -> memref<1x!tpu.dma_semaphore, #tpu.memory_space<semaphore_mem>>
      %dma_start3A_191 = tpu.memref_squeeze %dma_start3A_190 : memref<1x!tpu.dma_semaphore, #tpu.memory_space<semaphore_mem>> -> memref<!tpu.dma_semaphore, #tpu.memory_space<semaphore_mem>>
      tpu.enqueue_indirect_dma source(%dma_start3A_189 : memref<10000x16xf32, #tpu.memory_space<vmem_shared>>) target(%dma_start3A_183 : memref<128x16xf32, #tpu.memory_space<vmem>>) offsets(%dma_start3A_186 : memref<128xi32, #tpu.memory_space<vmem>>) semaphore(%dma_start3A_191 : memref<!tpu.dma_semaphore, #tpu.memory_space<semaphore_mem>>)
      %mul3A_192 = arith.constant 8 : i32
      %mul3A_193 = arith.muli %add3A_149, %mul3A_192 : i32
      %add3A_194 = arith.constant 2 : i32
      %add3A_195 = arith.addi %mul3A_193, %add3A_194 : i32
      %gt3A_196 = arith.constant 0 : i32
      %gt3A_197 = arith.cmpi sgt, %add3A_149, %gt3A_196 : i32
      %convert_element_type3A_198 = arith.extui %gt3A_197 : i1 to i32
      %cond3A_199 = arith.constant 0 : i32
      %cond3A_200 = arith.cmpi ne, %convert_element_type3A_198, %cond3A_199 : i32
      scf.if %cond3A_200 {
        %sub3A = arith.constant 8 : i32
        %sub3A_586 = arith.subi %add3A_195, %sub3A : i32
        %dma_wait3A_587 = arith.constant 2 : i32
        %dma_wait3A_588 = arith.constant 2 : i32
        %dma_wait3A_589 = arith.constant 0 : i32
        %dma_wait3A_590 = arith.constant 0 : i32
        %dma_wait3A_591 = tpu.memref_slice %arg9[%dma_wait3A_587, %dma_wait3A_589, %dma_wait3A_590] : memref<8x128x16xf32, #tpu.memory_space<vmem>> -> memref<1x128x16xf32, #tpu.memory_space<vmem>>
        %dma_wait3A_592 = tpu.memref_squeeze %dma_wait3A_591 : memref<1x128x16xf32, #tpu.memory_space<vmem>> -> memref<128x16xf32, #tpu.memory_space<vmem>>
        %dma_wait3A_593 = arith.constant 0 : i32
        %dma_wait3A_594 = tpu.memref_slice %arg8[%sub3A_586, %dma_wait3A_593] : memref<80x128xi32, #tpu.memory_space<vmem>> -> memref<1x128xi32, #tpu.memory_space<vmem>>
        %dma_wait3A_595 = tpu.memref_squeeze %dma_wait3A_594 : memref<1x128xi32, #tpu.memory_space<vmem>> -> memref<128xi32, #tpu.memory_space<vmem>>
        %dma_wait3A_596 = arith.constant 0 : i32
        %dma_wait3A_597 = arith.constant 0 : i32
        %dma_wait3A_598 = tpu.memref_slice %arg11[%dma_wait3A_596, %dma_wait3A_597] : memref<10240x16xf32, #tpu.memory_space<vmem_shared>> -> memref<10240x16xf32, #tpu.memory_space<vmem_shared>>
        %dma_wait3A_599 = tpu.memref_slice %arg14[%dma_wait3A_588] : memref<8x!tpu.dma_semaphore, #tpu.memory_space<semaphore_mem>> -> memref<1x!tpu.dma_semaphore, #tpu.memory_space<semaphore_mem>>
        %dma_wait3A_600 = tpu.memref_squeeze %dma_wait3A_599 : memref<1x!tpu.dma_semaphore, #tpu.memory_space<semaphore_mem>> -> memref<!tpu.dma_semaphore, #tpu.memory_space<semaphore_mem>>
        tpu.wait_indirect_dma semaphore(%dma_wait3A_600 : memref<!tpu.dma_semaphore, #tpu.memory_space<semaphore_mem>>) src(%dma_wait3A_592 : memref<128x16xf32, #tpu.memory_space<vmem>>) dst(%dma_wait3A_598 : memref<10240x16xf32, #tpu.memory_space<vmem_shared>>)
      } else {
      }
      %dma_start3A_201 = arith.constant 2 : i32
      %dma_start3A_202 = arith.constant 2 : i32
      %dma_start3A_203 = arith.constant 0 : i32
      %dma_start3A_204 = arith.constant 0 : i32
      %dma_start3A_205 = tpu.memref_slice %arg9[%dma_start3A_201, %dma_start3A_203, %dma_start3A_204] : memref<8x128x16xf32, #tpu.memory_space<vmem>> -> memref<1x128x16xf32, #tpu.memory_space<vmem>>
      %dma_start3A_206 = tpu.memref_squeeze %dma_start3A_205 : memref<1x128x16xf32, #tpu.memory_space<vmem>> -> memref<128x16xf32, #tpu.memory_space<vmem>>
      %dma_start3A_207 = arith.constant 0 : i32
      %dma_start3A_208 = tpu.memref_slice %arg7[%add3A_195, %dma_start3A_207] : memref<80x128xi32, #tpu.memory_space<vmem>> -> memref<1x128xi32, #tpu.memory_space<vmem>>
      %dma_start3A_209 = tpu.memref_squeeze %dma_start3A_208 : memref<1x128xi32, #tpu.memory_space<vmem>> -> memref<128xi32, #tpu.memory_space<vmem>>
      %dma_start3A_210 = arith.constant 0 : i32
      %dma_start3A_211 = arith.constant 0 : i32
      %dma_start3A_212 = tpu.memref_slice %arg12[%dma_start3A_210, %dma_start3A_211] : memref<10000x16xf32, #tpu.memory_space<vmem_shared>> -> memref<10000x16xf32, #tpu.memory_space<vmem_shared>>
      %dma_start3A_213 = tpu.memref_slice %arg13[%dma_start3A_202] : memref<8x!tpu.dma_semaphore, #tpu.memory_space<semaphore_mem>> -> memref<1x!tpu.dma_semaphore, #tpu.memory_space<semaphore_mem>>
      %dma_start3A_214 = tpu.memref_squeeze %dma_start3A_213 : memref<1x!tpu.dma_semaphore, #tpu.memory_space<semaphore_mem>> -> memref<!tpu.dma_semaphore, #tpu.memory_space<semaphore_mem>>
      tpu.enqueue_indirect_dma source(%dma_start3A_212 : memref<10000x16xf32, #tpu.memory_space<vmem_shared>>) target(%dma_start3A_206 : memref<128x16xf32, #tpu.memory_space<vmem>>) offsets(%dma_start3A_209 : memref<128xi32, #tpu.memory_space<vmem>>) semaphore(%dma_start3A_214 : memref<!tpu.dma_semaphore, #tpu.memory_space<semaphore_mem>>)
      %mul3A_215 = arith.constant 8 : i32
      %mul3A_216 = arith.muli %add3A_149, %mul3A_215 : i32
      %add3A_217 = arith.constant 3 : i32
      %add3A_218 = arith.addi %mul3A_216, %add3A_217 : i32
      %gt3A_219 = arith.constant 0 : i32
      %gt3A_220 = arith.cmpi sgt, %add3A_149, %gt3A_219 : i32
      %convert_element_type3A_221 = arith.extui %gt3A_220 : i1 to i32
      %cond3A_222 = arith.constant 0 : i32
      %cond3A_223 = arith.cmpi ne, %convert_element_type3A_221, %cond3A_222 : i32
      scf.if %cond3A_223 {
        %sub3A = arith.constant 8 : i32
        %sub3A_586 = arith.subi %add3A_218, %sub3A : i32
        %dma_wait3A_587 = arith.constant 3 : i32
        %dma_wait3A_588 = arith.constant 3 : i32
        %dma_wait3A_589 = arith.constant 0 : i32
        %dma_wait3A_590 = arith.constant 0 : i32
        %dma_wait3A_591 = tpu.memref_slice %arg9[%dma_wait3A_587, %dma_wait3A_589, %dma_wait3A_590] : memref<8x128x16xf32, #tpu.memory_space<vmem>> -> memref<1x128x16xf32, #tpu.memory_space<vmem>>
        %dma_wait3A_592 = tpu.memref_squeeze %dma_wait3A_591 : memref<1x128x16xf32, #tpu.memory_space<vmem>> -> memref<128x16xf32, #tpu.memory_space<vmem>>
        %dma_wait3A_593 = arith.constant 0 : i32
        %dma_wait3A_594 = tpu.memref_slice %arg8[%sub3A_586, %dma_wait3A_593] : memref<80x128xi32, #tpu.memory_space<vmem>> -> memref<1x128xi32, #tpu.memory_space<vmem>>
        %dma_wait3A_595 = tpu.memref_squeeze %dma_wait3A_594 : memref<1x128xi32, #tpu.memory_space<vmem>> -> memref<128xi32, #tpu.memory_space<vmem>>
        %dma_wait3A_596 = arith.constant 0 : i32
        %dma_wait3A_597 = arith.constant 0 : i32
        %dma_wait3A_598 = tpu.memref_slice %arg11[%dma_wait3A_596, %dma_wait3A_597] : memref<10240x16xf32, #tpu.memory_space<vmem_shared>> -> memref<10240x16xf32, #tpu.memory_space<vmem_shared>>
        %dma_wait3A_599 = tpu.memref_slice %arg14[%dma_wait3A_588] : memref<8x!tpu.dma_semaphore, #tpu.memory_space<semaphore_mem>> -> memref<1x!tpu.dma_semaphore, #tpu.memory_space<semaphore_mem>>
        %dma_wait3A_600 = tpu.memref_squeeze %dma_wait3A_599 : memref<1x!tpu.dma_semaphore, #tpu.memory_space<semaphore_mem>> -> memref<!tpu.dma_semaphore, #tpu.memory_space<semaphore_mem>>
        tpu.wait_indirect_dma semaphore(%dma_wait3A_600 : memref<!tpu.dma_semaphore, #tpu.memory_space<semaphore_mem>>) src(%dma_wait3A_592 : memref<128x16xf32, #tpu.memory_space<vmem>>) dst(%dma_wait3A_598 : memref<10240x16xf32, #tpu.memory_space<vmem_shared>>)
      } else {
      }
      %dma_start3A_224 = arith.constant 3 : i32
      %dma_start3A_225 = arith.constant 3 : i32
      %dma_start3A_226 = arith.constant 0 : i32
      %dma_start3A_227 = arith.constant 0 : i32
      %dma_start3A_228 = tpu.memref_slice %arg9[%dma_start3A_224, %dma_start3A_226, %dma_start3A_227] : memref<8x128x16xf32, #tpu.memory_space<vmem>> -> memref<1x128x16xf32, #tpu.memory_space<vmem>>
      %dma_start3A_229 = tpu.memref_squeeze %dma_start3A_228 : memref<1x128x16xf32, #tpu.memory_space<vmem>> -> memref<128x16xf32, #tpu.memory_space<vmem>>
      %dma_start3A_230 = arith.constant 0 : i32
      %dma_start3A_231 = tpu.memref_slice %arg7[%add3A_218, %dma_start3A_230] : memref<80x128xi32, #tpu.memory_space<vmem>> -> memref<1x128xi32, #tpu.memory_space<vmem>>
      %dma_start3A_232 = tpu.memref_squeeze %dma_start3A_231 : memref<1x128xi32, #tpu.memory_space<vmem>> -> memref<128xi32, #tpu.memory_space<vmem>>
      %dma_start3A_233 = arith.constant 0 : i32
      %dma_start3A_234 = arith.constant 0 : i32
      %dma_start3A_235 = tpu.memref_slice %arg12[%dma_start3A_233, %dma_start3A_234] : memref<10000x16xf32, #tpu.memory_space<vmem_shared>> -> memref<10000x16xf32, #tpu.memory_space<vmem_shared>>
      %dma_start3A_236 = tpu.memref_slice %arg13[%dma_start3A_225] : memref<8x!tpu.dma_semaphore, #tpu.memory_space<semaphore_mem>> -> memref<1x!tpu.dma_semaphore, #tpu.memory_space<semaphore_mem>>
      %dma_start3A_237 = tpu.memref_squeeze %dma_start3A_236 : memref<1x!tpu.dma_semaphore, #tpu.memory_space<semaphore_mem>> -> memref<!tpu.dma_semaphore, #tpu.memory_space<semaphore_mem>>
      tpu.enqueue_indirect_dma source(%dma_start3A_235 : memref<10000x16xf32, #tpu.memory_space<vmem_shared>>) target(%dma_start3A_229 : memref<128x16xf32, #tpu.memory_space<vmem>>) offsets(%dma_start3A_232 : memref<128xi32, #tpu.memory_space<vmem>>) semaphore(%dma_start3A_237 : memref<!tpu.dma_semaphore, #tpu.memory_space<semaphore_mem>>)
      %mul3A_238 = arith.constant 8 : i32
      %mul3A_239 = arith.muli %add3A_149, %mul3A_238 : i32
      %add3A_240 = arith.constant 4 : i32
      %add3A_241 = arith.addi %mul3A_239, %add3A_240 : i32
      %gt3A_242 = arith.constant 0 : i32
      %gt3A_243 = arith.cmpi sgt, %add3A_149, %gt3A_242 : i32
      %convert_element_type3A_244 = arith.extui %gt3A_243 : i1 to i32
      %cond3A_245 = arith.constant 0 : i32
      %cond3A_246 = arith.cmpi ne, %convert_element_type3A_244, %cond3A_245 : i32
      scf.if %cond3A_246 {
        %sub3A = arith.constant 8 : i32
        %sub3A_586 = arith.subi %add3A_241, %sub3A : i32
        %dma_wait3A_587 = arith.constant 4 : i32
        %dma_wait3A_588 = arith.constant 4 : i32
        %dma_wait3A_589 = arith.constant 0 : i32
        %dma_wait3A_590 = arith.constant 0 : i32
        %dma_wait3A_591 = tpu.memref_slice %arg9[%dma_wait3A_587, %dma_wait3A_589, %dma_wait3A_590] : memref<8x128x16xf32, #tpu.memory_space<vmem>> -> memref<1x128x16xf32, #tpu.memory_space<vmem>>
        %dma_wait3A_592 = tpu.memref_squeeze %dma_wait3A_591 : memref<1x128x16xf32, #tpu.memory_space<vmem>> -> memref<128x16xf32, #tpu.memory_space<vmem>>
        %dma_wait3A_593 = arith.constant 0 : i32
        %dma_wait3A_594 = tpu.memref_slice %arg8[%sub3A_586, %dma_wait3A_593] : memref<80x128xi32, #tpu.memory_space<vmem>> -> memref<1x128xi32, #tpu.memory_space<vmem>>
        %dma_wait3A_595 = tpu.memref_squeeze %dma_wait3A_594 : memref<1x128xi32, #tpu.memory_space<vmem>> -> memref<128xi32, #tpu.memory_space<vmem>>
        %dma_wait3A_596 = arith.constant 0 : i32
        %dma_wait3A_597 = arith.constant 0 : i32
        %dma_wait3A_598 = tpu.memref_slice %arg11[%dma_wait3A_596, %dma_wait3A_597] : memref<10240x16xf32, #tpu.memory_space<vmem_shared>> -> memref<10240x16xf32, #tpu.memory_space<vmem_shared>>
        %dma_wait3A_599 = tpu.memref_slice %arg14[%dma_wait3A_588] : memref<8x!tpu.dma_semaphore, #tpu.memory_space<semaphore_mem>> -> memref<1x!tpu.dma_semaphore, #tpu.memory_space<semaphore_mem>>
        %dma_wait3A_600 = tpu.memref_squeeze %dma_wait3A_599 : memref<1x!tpu.dma_semaphore, #tpu.memory_space<semaphore_mem>> -> memref<!tpu.dma_semaphore, #tpu.memory_space<semaphore_mem>>
        tpu.wait_indirect_dma semaphore(%dma_wait3A_600 : memref<!tpu.dma_semaphore, #tpu.memory_space<semaphore_mem>>) src(%dma_wait3A_592 : memref<128x16xf32, #tpu.memory_space<vmem>>) dst(%dma_wait3A_598 : memref<10240x16xf32, #tpu.memory_space<vmem_shared>>)
      } else {
      }
      %dma_start3A_247 = arith.constant 4 : i32
      %dma_start3A_248 = arith.constant 4 : i32
      %dma_start3A_249 = arith.constant 0 : i32
      %dma_start3A_250 = arith.constant 0 : i32
      %dma_start3A_251 = tpu.memref_slice %arg9[%dma_start3A_247, %dma_start3A_249, %dma_start3A_250] : memref<8x128x16xf32, #tpu.memory_space<vmem>> -> memref<1x128x16xf32, #tpu.memory_space<vmem>>
      %dma_start3A_252 = tpu.memref_squeeze %dma_start3A_251 : memref<1x128x16xf32, #tpu.memory_space<vmem>> -> memref<128x16xf32, #tpu.memory_space<vmem>>
      %dma_start3A_253 = arith.constant 0 : i32
      %dma_start3A_254 = tpu.memref_slice %arg7[%add3A_241, %dma_start3A_253] : memref<80x128xi32, #tpu.memory_space<vmem>> -> memref<1x128xi32, #tpu.memory_space<vmem>>
      %dma_start3A_255 = tpu.memref_squeeze %dma_start3A_254 : memref<1x128xi32, #tpu.memory_space<vmem>> -> memref<128xi32, #tpu.memory_space<vmem>>
      %dma_start3A_256 = arith.constant 0 : i32
      %dma_start3A_257 = arith.constant 0 : i32
      %dma_start3A_258 = tpu.memref_slice %arg12[%dma_start3A_256, %dma_start3A_257] : memref<10000x16xf32, #tpu.memory_space<vmem_shared>> -> memref<10000x16xf32, #tpu.memory_space<vmem_shared>>
      %dma_start3A_259 = tpu.memref_slice %arg13[%dma_start3A_248] : memref<8x!tpu.dma_semaphore, #tpu.memory_space<semaphore_mem>> -> memref<1x!tpu.dma_semaphore, #tpu.memory_space<semaphore_mem>>
      %dma_start3A_260 = tpu.memref_squeeze %dma_start3A_259 : memref<1x!tpu.dma_semaphore, #tpu.memory_space<semaphore_mem>> -> memref<!tpu.dma_semaphore, #tpu.memory_space<semaphore_mem>>
      tpu.enqueue_indirect_dma source(%dma_start3A_258 : memref<10000x16xf32, #tpu.memory_space<vmem_shared>>) target(%dma_start3A_252 : memref<128x16xf32, #tpu.memory_space<vmem>>) offsets(%dma_start3A_255 : memref<128xi32, #tpu.memory_space<vmem>>) semaphore(%dma_start3A_260 : memref<!tpu.dma_semaphore, #tpu.memory_space<semaphore_mem>>)
      %mul3A_261 = arith.constant 8 : i32
      %mul3A_262 = arith.muli %add3A_149, %mul3A_261 : i32
      %add3A_263 = arith.constant 5 : i32
      %add3A_264 = arith.addi %mul3A_262, %add3A_263 : i32
      %gt3A_265 = arith.constant 0 : i32
      %gt3A_266 = arith.cmpi sgt, %add3A_149, %gt3A_265 : i32
      %convert_element_type3A_267 = arith.extui %gt3A_266 : i1 to i32
      %cond3A_268 = arith.constant 0 : i32
      %cond3A_269 = arith.cmpi ne, %convert_element_type3A_267, %cond3A_268 : i32
      scf.if %cond3A_269 {
        %sub3A = arith.constant 8 : i32
        %sub3A_586 = arith.subi %add3A_264, %sub3A : i32
        %dma_wait3A_587 = arith.constant 5 : i32
        %dma_wait3A_588 = arith.constant 5 : i32
        %dma_wait3A_589 = arith.constant 0 : i32
        %dma_wait3A_590 = arith.constant 0 : i32
        %dma_wait3A_591 = tpu.memref_slice %arg9[%dma_wait3A_587, %dma_wait3A_589, %dma_wait3A_590] : memref<8x128x16xf32, #tpu.memory_space<vmem>> -> memref<1x128x16xf32, #tpu.memory_space<vmem>>
        %dma_wait3A_592 = tpu.memref_squeeze %dma_wait3A_591 : memref<1x128x16xf32, #tpu.memory_space<vmem>> -> memref<128x16xf32, #tpu.memory_space<vmem>>
        %dma_wait3A_593 = arith.constant 0 : i32
        %dma_wait3A_594 = tpu.memref_slice %arg8[%sub3A_586, %dma_wait3A_593] : memref<80x128xi32, #tpu.memory_space<vmem>> -> memref<1x128xi32, #tpu.memory_space<vmem>>
        %dma_wait3A_595 = tpu.memref_squeeze %dma_wait3A_594 : memref<1x128xi32, #tpu.memory_space<vmem>> -> memref<128xi32, #tpu.memory_space<vmem>>
        %dma_wait3A_596 = arith.constant 0 : i32
        %dma_wait3A_597 = arith.constant 0 : i32
        %dma_wait3A_598 = tpu.memref_slice %arg11[%dma_wait3A_596, %dma_wait3A_597] : memref<10240x16xf32, #tpu.memory_space<vmem_shared>> -> memref<10240x16xf32, #tpu.memory_space<vmem_shared>>
        %dma_wait3A_599 = tpu.memref_slice %arg14[%dma_wait3A_588] : memref<8x!tpu.dma_semaphore, #tpu.memory_space<semaphore_mem>> -> memref<1x!tpu.dma_semaphore, #tpu.memory_space<semaphore_mem>>
        %dma_wait3A_600 = tpu.memref_squeeze %dma_wait3A_599 : memref<1x!tpu.dma_semaphore, #tpu.memory_space<semaphore_mem>> -> memref<!tpu.dma_semaphore, #tpu.memory_space<semaphore_mem>>
        tpu.wait_indirect_dma semaphore(%dma_wait3A_600 : memref<!tpu.dma_semaphore, #tpu.memory_space<semaphore_mem>>) src(%dma_wait3A_592 : memref<128x16xf32, #tpu.memory_space<vmem>>) dst(%dma_wait3A_598 : memref<10240x16xf32, #tpu.memory_space<vmem_shared>>)
      } else {
      }
      %dma_start3A_270 = arith.constant 5 : i32
      %dma_start3A_271 = arith.constant 5 : i32
      %dma_start3A_272 = arith.constant 0 : i32
      %dma_start3A_273 = arith.constant 0 : i32
      %dma_start3A_274 = tpu.memref_slice %arg9[%dma_start3A_270, %dma_start3A_272, %dma_start3A_273] : memref<8x128x16xf32, #tpu.memory_space<vmem>> -> memref<1x128x16xf32, #tpu.memory_space<vmem>>
      %dma_start3A_275 = tpu.memref_squeeze %dma_start3A_274 : memref<1x128x16xf32, #tpu.memory_space<vmem>> -> memref<128x16xf32, #tpu.memory_space<vmem>>
      %dma_start3A_276 = arith.constant 0 : i32
      %dma_start3A_277 = tpu.memref_slice %arg7[%add3A_264, %dma_start3A_276] : memref<80x128xi32, #tpu.memory_space<vmem>> -> memref<1x128xi32, #tpu.memory_space<vmem>>
      %dma_start3A_278 = tpu.memref_squeeze %dma_start3A_277 : memref<1x128xi32, #tpu.memory_space<vmem>> -> memref<128xi32, #tpu.memory_space<vmem>>
      %dma_start3A_279 = arith.constant 0 : i32
      %dma_start3A_280 = arith.constant 0 : i32
      %dma_start3A_281 = tpu.memref_slice %arg12[%dma_start3A_279, %dma_start3A_280] : memref<10000x16xf32, #tpu.memory_space<vmem_shared>> -> memref<10000x16xf32, #tpu.memory_space<vmem_shared>>
      %dma_start3A_282 = tpu.memref_slice %arg13[%dma_start3A_271] : memref<8x!tpu.dma_semaphore, #tpu.memory_space<semaphore_mem>> -> memref<1x!tpu.dma_semaphore, #tpu.memory_space<semaphore_mem>>
      %dma_start3A_283 = tpu.memref_squeeze %dma_start3A_282 : memref<1x!tpu.dma_semaphore, #tpu.memory_space<semaphore_mem>> -> memref<!tpu.dma_semaphore, #tpu.memory_space<semaphore_mem>>
      tpu.enqueue_indirect_dma source(%dma_start3A_281 : memref<10000x16xf32, #tpu.memory_space<vmem_shared>>) target(%dma_start3A_275 : memref<128x16xf32, #tpu.memory_space<vmem>>) offsets(%dma_start3A_278 : memref<128xi32, #tpu.memory_space<vmem>>) semaphore(%dma_start3A_283 : memref<!tpu.dma_semaphore, #tpu.memory_space<semaphore_mem>>)
      %mul3A_284 = arith.constant 8 : i32
      %mul3A_285 = arith.muli %add3A_149, %mul3A_284 : i32
      %add3A_286 = arith.constant 6 : i32
      %add3A_287 = arith.addi %mul3A_285, %add3A_286 : i32
      %gt3A_288 = arith.constant 0 : i32
      %gt3A_289 = arith.cmpi sgt, %add3A_149, %gt3A_288 : i32
      %convert_element_type3A_290 = arith.extui %gt3A_289 : i1 to i32
      %cond3A_291 = arith.constant 0 : i32
      %cond3A_292 = arith.cmpi ne, %convert_element_type3A_290, %cond3A_291 : i32
      scf.if %cond3A_292 {
        %sub3A = arith.constant 8 : i32
        %sub3A_586 = arith.subi %add3A_287, %sub3A : i32
        %dma_wait3A_587 = arith.constant 6 : i32
        %dma_wait3A_588 = arith.constant 6 : i32
        %dma_wait3A_589 = arith.constant 0 : i32
        %dma_wait3A_590 = arith.constant 0 : i32
        %dma_wait3A_591 = tpu.memref_slice %arg9[%dma_wait3A_587, %dma_wait3A_589, %dma_wait3A_590] : memref<8x128x16xf32, #tpu.memory_space<vmem>> -> memref<1x128x16xf32, #tpu.memory_space<vmem>>
        %dma_wait3A_592 = tpu.memref_squeeze %dma_wait3A_591 : memref<1x128x16xf32, #tpu.memory_space<vmem>> -> memref<128x16xf32, #tpu.memory_space<vmem>>
        %dma_wait3A_593 = arith.constant 0 : i32
        %dma_wait3A_594 = tpu.memref_slice %arg8[%sub3A_586, %dma_wait3A_593] : memref<80x128xi32, #tpu.memory_space<vmem>> -> memref<1x128xi32, #tpu.memory_space<vmem>>
        %dma_wait3A_595 = tpu.memref_squeeze %dma_wait3A_594 : memref<1x128xi32, #tpu.memory_space<vmem>> -> memref<128xi32, #tpu.memory_space<vmem>>
        %dma_wait3A_596 = arith.constant 0 : i32
        %dma_wait3A_597 = arith.constant 0 : i32
        %dma_wait3A_598 = tpu.memref_slice %arg11[%dma_wait3A_596, %dma_wait3A_597] : memref<10240x16xf32, #tpu.memory_space<vmem_shared>> -> memref<10240x16xf32, #tpu.memory_space<vmem_shared>>
        %dma_wait3A_599 = tpu.memref_slice %arg14[%dma_wait3A_588] : memref<8x!tpu.dma_semaphore, #tpu.memory_space<semaphore_mem>> -> memref<1x!tpu.dma_semaphore, #tpu.memory_space<semaphore_mem>>
        %dma_wait3A_600 = tpu.memref_squeeze %dma_wait3A_599 : memref<1x!tpu.dma_semaphore, #tpu.memory_space<semaphore_mem>> -> memref<!tpu.dma_semaphore, #tpu.memory_space<semaphore_mem>>
        tpu.wait_indirect_dma semaphore(%dma_wait3A_600 : memref<!tpu.dma_semaphore, #tpu.memory_space<semaphore_mem>>) src(%dma_wait3A_592 : memref<128x16xf32, #tpu.memory_space<vmem>>) dst(%dma_wait3A_598 : memref<10240x16xf32, #tpu.memory_space<vmem_shared>>)
      } else {
      }
      %dma_start3A_293 = arith.constant 6 : i32
      %dma_start3A_294 = arith.constant 6 : i32
      %dma_start3A_295 = arith.constant 0 : i32
      %dma_start3A_296 = arith.constant 0 : i32
      %dma_start3A_297 = tpu.memref_slice %arg9[%dma_start3A_293, %dma_start3A_295, %dma_start3A_296] : memref<8x128x16xf32, #tpu.memory_space<vmem>> -> memref<1x128x16xf32, #tpu.memory_space<vmem>>
      %dma_start3A_298 = tpu.memref_squeeze %dma_start3A_297 : memref<1x128x16xf32, #tpu.memory_space<vmem>> -> memref<128x16xf32, #tpu.memory_space<vmem>>
      %dma_start3A_299 = arith.constant 0 : i32
      %dma_start3A_300 = tpu.memref_slice %arg7[%add3A_287, %dma_start3A_299] : memref<80x128xi32, #tpu.memory_space<vmem>> -> memref<1x128xi32, #tpu.memory_space<vmem>>
      %dma_start3A_301 = tpu.memref_squeeze %dma_start3A_300 : memref<1x128xi32, #tpu.memory_space<vmem>> -> memref<128xi32, #tpu.memory_space<vmem>>
      %dma_start3A_302 = arith.constant 0 : i32
      %dma_start3A_303 = arith.constant 0 : i32
      %dma_start3A_304 = tpu.memref_slice %arg12[%dma_start3A_302, %dma_start3A_303] : memref<10000x16xf32, #tpu.memory_space<vmem_shared>> -> memref<10000x16xf32, #tpu.memory_space<vmem_shared>>
      %dma_start3A_305 = tpu.memref_slice %arg13[%dma_start3A_294] : memref<8x!tpu.dma_semaphore, #tpu.memory_space<semaphore_mem>> -> memref<1x!tpu.dma_semaphore, #tpu.memory_space<semaphore_mem>>
      %dma_start3A_306 = tpu.memref_squeeze %dma_start3A_305 : memref<1x!tpu.dma_semaphore, #tpu.memory_space<semaphore_mem>> -> memref<!tpu.dma_semaphore, #tpu.memory_space<semaphore_mem>>
      tpu.enqueue_indirect_dma source(%dma_start3A_304 : memref<10000x16xf32, #tpu.memory_space<vmem_shared>>) target(%dma_start3A_298 : memref<128x16xf32, #tpu.memory_space<vmem>>) offsets(%dma_start3A_301 : memref<128xi32, #tpu.memory_space<vmem>>) semaphore(%dma_start3A_306 : memref<!tpu.dma_semaphore, #tpu.memory_space<semaphore_mem>>)
      %mul3A_307 = arith.constant 8 : i32
      %mul3A_308 = arith.muli %add3A_149, %mul3A_307 : i32
      %add3A_309 = arith.constant 7 : i32
      %add3A_310 = arith.addi %mul3A_308, %add3A_309 : i32
      %gt3A_311 = arith.constant 0 : i32
      %gt3A_312 = arith.cmpi sgt, %add3A_149, %gt3A_311 : i32
      %convert_element_type3A_313 = arith.extui %gt3A_312 : i1 to i32
      %cond3A_314 = arith.constant 0 : i32
      %cond3A_315 = arith.cmpi ne, %convert_element_type3A_313, %cond3A_314 : i32
      scf.if %cond3A_315 {
        %sub3A = arith.constant 8 : i32
        %sub3A_586 = arith.subi %add3A_310, %sub3A : i32
        %dma_wait3A_587 = arith.constant 7 : i32
        %dma_wait3A_588 = arith.constant 7 : i32
        %dma_wait3A_589 = arith.constant 0 : i32
        %dma_wait3A_590 = arith.constant 0 : i32
        %dma_wait3A_591 = tpu.memref_slice %arg9[%dma_wait3A_587, %dma_wait3A_589, %dma_wait3A_590] : memref<8x128x16xf32, #tpu.memory_space<vmem>> -> memref<1x128x16xf32, #tpu.memory_space<vmem>>
        %dma_wait3A_592 = tpu.memref_squeeze %dma_wait3A_591 : memref<1x128x16xf32, #tpu.memory_space<vmem>> -> memref<128x16xf32, #tpu.memory_space<vmem>>
        %dma_wait3A_593 = arith.constant 0 : i32
        %dma_wait3A_594 = tpu.memref_slice %arg8[%sub3A_586, %dma_wait3A_593] : memref<80x128xi32, #tpu.memory_space<vmem>> -> memref<1x128xi32, #tpu.memory_space<vmem>>
        %dma_wait3A_595 = tpu.memref_squeeze %dma_wait3A_594 : memref<1x128xi32, #tpu.memory_space<vmem>> -> memref<128xi32, #tpu.memory_space<vmem>>
        %dma_wait3A_596 = arith.constant 0 : i32
        %dma_wait3A_597 = arith.constant 0 : i32
        %dma_wait3A_598 = tpu.memref_slice %arg11[%dma_wait3A_596, %dma_wait3A_597] : memref<10240x16xf32, #tpu.memory_space<vmem_shared>> -> memref<10240x16xf32, #tpu.memory_space<vmem_shared>>
        %dma_wait3A_599 = tpu.memref_slice %arg14[%dma_wait3A_588] : memref<8x!tpu.dma_semaphore, #tpu.memory_space<semaphore_mem>> -> memref<1x!tpu.dma_semaphore, #tpu.memory_space<semaphore_mem>>
        %dma_wait3A_600 = tpu.memref_squeeze %dma_wait3A_599 : memref<1x!tpu.dma_semaphore, #tpu.memory_space<semaphore_mem>> -> memref<!tpu.dma_semaphore, #tpu.memory_space<semaphore_mem>>
        tpu.wait_indirect_dma semaphore(%dma_wait3A_600 : memref<!tpu.dma_semaphore, #tpu.memory_space<semaphore_mem>>) src(%dma_wait3A_592 : memref<128x16xf32, #tpu.memory_space<vmem>>) dst(%dma_wait3A_598 : memref<10240x16xf32, #tpu.memory_space<vmem_shared>>)
      } else {
      }
      %dma_start3A_316 = arith.constant 7 : i32
      %dma_start3A_317 = arith.constant 7 : i32
      %dma_start3A_318 = arith.constant 0 : i32
      %dma_start3A_319 = arith.constant 0 : i32
      %dma_start3A_320 = tpu.memref_slice %arg9[%dma_start3A_316, %dma_start3A_318, %dma_start3A_319] : memref<8x128x16xf32, #tpu.memory_space<vmem>> -> memref<1x128x16xf32, #tpu.memory_space<vmem>>
      %dma_start3A_321 = tpu.memref_squeeze %dma_start3A_320 : memref<1x128x16xf32, #tpu.memory_space<vmem>> -> memref<128x16xf32, #tpu.memory_space<vmem>>
      %dma_start3A_322 = arith.constant 0 : i32
      %dma_start3A_323 = tpu.memref_slice %arg7[%add3A_310, %dma_start3A_322] : memref<80x128xi32, #tpu.memory_space<vmem>> -> memref<1x128xi32, #tpu.memory_space<vmem>>
      %dma_start3A_324 = tpu.memref_squeeze %dma_start3A_323 : memref<1x128xi32, #tpu.memory_space<vmem>> -> memref<128xi32, #tpu.memory_space<vmem>>
      %dma_start3A_325 = arith.constant 0 : i32
      %dma_start3A_326 = arith.constant 0 : i32
      %dma_start3A_327 = tpu.memref_slice %arg12[%dma_start3A_325, %dma_start3A_326] : memref<10000x16xf32, #tpu.memory_space<vmem_shared>> -> memref<10000x16xf32, #tpu.memory_space<vmem_shared>>
      %dma_start3A_328 = tpu.memref_slice %arg13[%dma_start3A_317] : memref<8x!tpu.dma_semaphore, #tpu.memory_space<semaphore_mem>> -> memref<1x!tpu.dma_semaphore, #tpu.memory_space<semaphore_mem>>
      %dma_start3A_329 = tpu.memref_squeeze %dma_start3A_328 : memref<1x!tpu.dma_semaphore, #tpu.memory_space<semaphore_mem>> -> memref<!tpu.dma_semaphore, #tpu.memory_space<semaphore_mem>>
      tpu.enqueue_indirect_dma source(%dma_start3A_327 : memref<10000x16xf32, #tpu.memory_space<vmem_shared>>) target(%dma_start3A_321 : memref<128x16xf32, #tpu.memory_space<vmem>>) offsets(%dma_start3A_324 : memref<128xi32, #tpu.memory_space<vmem>>) semaphore(%dma_start3A_329 : memref<!tpu.dma_semaphore, #tpu.memory_space<semaphore_mem>>)
      %mul3A_330 = arith.constant 8 : i32
      %mul3A_331 = arith.muli %add3A_149, %mul3A_330 : i32
      %add3A_332 = arith.constant 0 : i32
      %add3A_333 = arith.addi %mul3A_331, %add3A_332 : i32
      %dma_wait3A_334 = arith.constant 0 : i32
      %dma_wait3A_335 = arith.constant 0 : i32
      %dma_wait3A_336 = arith.constant 0 : i32
      %dma_wait3A_337 = arith.constant 0 : i32
      %dma_wait3A_338 = tpu.memref_slice %arg9[%dma_wait3A_334, %dma_wait3A_336, %dma_wait3A_337] : memref<8x128x16xf32, #tpu.memory_space<vmem>> -> memref<1x128x16xf32, #tpu.memory_space<vmem>>
      %dma_wait3A_339 = tpu.memref_squeeze %dma_wait3A_338 : memref<1x128x16xf32, #tpu.memory_space<vmem>> -> memref<128x16xf32, #tpu.memory_space<vmem>>
      %dma_wait3A_340 = arith.constant 0 : i32
      %dma_wait3A_341 = tpu.memref_slice %arg7[%add3A_333, %dma_wait3A_340] : memref<80x128xi32, #tpu.memory_space<vmem>> -> memref<1x128xi32, #tpu.memory_space<vmem>>
      %dma_wait3A_342 = tpu.memref_squeeze %dma_wait3A_341 : memref<1x128xi32, #tpu.memory_space<vmem>> -> memref<128xi32, #tpu.memory_space<vmem>>
      %dma_wait3A_343 = arith.constant 0 : i32
      %dma_wait3A_344 = arith.constant 0 : i32
      %dma_wait3A_345 = tpu.memref_slice %arg12[%dma_wait3A_343, %dma_wait3A_344] : memref<10000x16xf32, #tpu.memory_space<vmem_shared>> -> memref<10000x16xf32, #tpu.memory_space<vmem_shared>>
      %dma_wait3A_346 = tpu.memref_slice %arg13[%dma_wait3A_335] : memref<8x!tpu.dma_semaphore, #tpu.memory_space<semaphore_mem>> -> memref<1x!tpu.dma_semaphore, #tpu.memory_space<semaphore_mem>>
      %dma_wait3A_347 = tpu.memref_squeeze %dma_wait3A_346 : memref<1x!tpu.dma_semaphore, #tpu.memory_space<semaphore_mem>> -> memref<!tpu.dma_semaphore, #tpu.memory_space<semaphore_mem>>
      tpu.wait_indirect_dma semaphore(%dma_wait3A_347 : memref<!tpu.dma_semaphore, #tpu.memory_space<semaphore_mem>>) src(%dma_wait3A_345 : memref<10000x16xf32, #tpu.memory_space<vmem_shared>>) dst(%dma_wait3A_339 : memref<128x16xf32, #tpu.memory_space<vmem>>)
      %dma_start3A_348 = arith.constant 0 : i32
      %dma_start3A_349 = arith.constant 0 : i32
      %dma_start3A_350 = arith.constant 0 : i32
      %dma_start3A_351 = arith.constant 0 : i32
      %dma_start3A_352 = tpu.memref_slice %arg9[%dma_start3A_348, %dma_start3A_350, %dma_start3A_351] : memref<8x128x16xf32, #tpu.memory_space<vmem>> -> memref<1x128x16xf32, #tpu.memory_space<vmem>>
      %dma_start3A_353 = tpu.memref_squeeze %dma_start3A_352 : memref<1x128x16xf32, #tpu.memory_space<vmem>> -> memref<128x16xf32, #tpu.memory_space<vmem>>
      %dma_start3A_354 = arith.constant 0 : i32
      %dma_start3A_355 = tpu.memref_slice %arg8[%add3A_333, %dma_start3A_354] : memref<80x128xi32, #tpu.memory_space<vmem>> -> memref<1x128xi32, #tpu.memory_space<vmem>>
      %dma_start3A_356 = tpu.memref_squeeze %dma_start3A_355 : memref<1x128xi32, #tpu.memory_space<vmem>> -> memref<128xi32, #tpu.memory_space<vmem>>
      %dma_start3A_357 = arith.constant 0 : i32
      %dma_start3A_358 = arith.constant 0 : i32
      %dma_start3A_359 = tpu.memref_slice %arg11[%dma_start3A_357, %dma_start3A_358] : memref<10240x16xf32, #tpu.memory_space<vmem_shared>> -> memref<10240x16xf32, #tpu.memory_space<vmem_shared>>
      %dma_start3A_360 = tpu.memref_slice %arg14[%dma_start3A_349] : memref<8x!tpu.dma_semaphore, #tpu.memory_space<semaphore_mem>> -> memref<1x!tpu.dma_semaphore, #tpu.memory_space<semaphore_mem>>
      %dma_start3A_361 = tpu.memref_squeeze %dma_start3A_360 : memref<1x!tpu.dma_semaphore, #tpu.memory_space<semaphore_mem>> -> memref<!tpu.dma_semaphore, #tpu.memory_space<semaphore_mem>>
      tpu.enqueue_indirect_dma source(%dma_start3A_353 : memref<128x16xf32, #tpu.memory_space<vmem>>) target(%dma_start3A_359 : memref<10240x16xf32, #tpu.memory_space<vmem_shared>>) offsets(%dma_start3A_356 : memref<128xi32, #tpu.memory_space<vmem>>) semaphore(%dma_start3A_361 : memref<!tpu.dma_semaphore, #tpu.memory_space<semaphore_mem>>) {add = true}
      %mul3A_362 = arith.constant 8 : i32
      %mul3A_363 = arith.muli %add3A_149, %mul3A_362 : i32
      %add3A_364 = arith.constant 1 : i32
      %add3A_365 = arith.addi %mul3A_363, %add3A_364 : i32
      %dma_wait3A_366 = arith.constant 1 : i32
      %dma_wait3A_367 = arith.constant 1 : i32
      %dma_wait3A_368 = arith.constant 0 : i32
      %dma_wait3A_369 = arith.constant 0 : i32
      %dma_wait3A_370 = tpu.memref_slice %arg9[%dma_wait3A_366, %dma_wait3A_368, %dma_wait3A_369] : memref<8x128x16xf32, #tpu.memory_space<vmem>> -> memref<1x128x16xf32, #tpu.memory_space<vmem>>
      %dma_wait3A_371 = tpu.memref_squeeze %dma_wait3A_370 : memref<1x128x16xf32, #tpu.memory_space<vmem>> -> memref<128x16xf32, #tpu.memory_space<vmem>>
      %dma_wait3A_372 = arith.constant 0 : i32
      %dma_wait3A_373 = tpu.memref_slice %arg7[%add3A_365, %dma_wait3A_372] : memref<80x128xi32, #tpu.memory_space<vmem>> -> memref<1x128xi32, #tpu.memory_space<vmem>>
      %dma_wait3A_374 = tpu.memref_squeeze %dma_wait3A_373 : memref<1x128xi32, #tpu.memory_space<vmem>> -> memref<128xi32, #tpu.memory_space<vmem>>
      %dma_wait3A_375 = arith.constant 0 : i32
      %dma_wait3A_376 = arith.constant 0 : i32
      %dma_wait3A_377 = tpu.memref_slice %arg12[%dma_wait3A_375, %dma_wait3A_376] : memref<10000x16xf32, #tpu.memory_space<vmem_shared>> -> memref<10000x16xf32, #tpu.memory_space<vmem_shared>>
      %dma_wait3A_378 = tpu.memref_slice %arg13[%dma_wait3A_367] : memref<8x!tpu.dma_semaphore, #tpu.memory_space<semaphore_mem>> -> memref<1x!tpu.dma_semaphore, #tpu.memory_space<semaphore_mem>>
      %dma_wait3A_379 = tpu.memref_squeeze %dma_wait3A_378 : memref<1x!tpu.dma_semaphore, #tpu.memory_space<semaphore_mem>> -> memref<!tpu.dma_semaphore, #tpu.memory_space<semaphore_mem>>
      tpu.wait_indirect_dma semaphore(%dma_wait3A_379 : memref<!tpu.dma_semaphore, #tpu.memory_space<semaphore_mem>>) src(%dma_wait3A_377 : memref<10000x16xf32, #tpu.memory_space<vmem_shared>>) dst(%dma_wait3A_371 : memref<128x16xf32, #tpu.memory_space<vmem>>)
      %dma_start3A_380 = arith.constant 1 : i32
      %dma_start3A_381 = arith.constant 1 : i32
      %dma_start3A_382 = arith.constant 0 : i32
      %dma_start3A_383 = arith.constant 0 : i32
      %dma_start3A_384 = tpu.memref_slice %arg9[%dma_start3A_380, %dma_start3A_382, %dma_start3A_383] : memref<8x128x16xf32, #tpu.memory_space<vmem>> -> memref<1x128x16xf32, #tpu.memory_space<vmem>>
      %dma_start3A_385 = tpu.memref_squeeze %dma_start3A_384 : memref<1x128x16xf32, #tpu.memory_space<vmem>> -> memref<128x16xf32, #tpu.memory_space<vmem>>
      %dma_start3A_386 = arith.constant 0 : i32
      %dma_start3A_387 = tpu.memref_slice %arg8[%add3A_365, %dma_start3A_386] : memref<80x128xi32, #tpu.memory_space<vmem>> -> memref<1x128xi32, #tpu.memory_space<vmem>>
      %dma_start3A_388 = tpu.memref_squeeze %dma_start3A_387 : memref<1x128xi32, #tpu.memory_space<vmem>> -> memref<128xi32, #tpu.memory_space<vmem>>
      %dma_start3A_389 = arith.constant 0 : i32
      %dma_start3A_390 = arith.constant 0 : i32
      %dma_start3A_391 = tpu.memref_slice %arg11[%dma_start3A_389, %dma_start3A_390] : memref<10240x16xf32, #tpu.memory_space<vmem_shared>> -> memref<10240x16xf32, #tpu.memory_space<vmem_shared>>
      %dma_start3A_392 = tpu.memref_slice %arg14[%dma_start3A_381] : memref<8x!tpu.dma_semaphore, #tpu.memory_space<semaphore_mem>> -> memref<1x!tpu.dma_semaphore, #tpu.memory_space<semaphore_mem>>
      %dma_start3A_393 = tpu.memref_squeeze %dma_start3A_392 : memref<1x!tpu.dma_semaphore, #tpu.memory_space<semaphore_mem>> -> memref<!tpu.dma_semaphore, #tpu.memory_space<semaphore_mem>>
      tpu.enqueue_indirect_dma source(%dma_start3A_385 : memref<128x16xf32, #tpu.memory_space<vmem>>) target(%dma_start3A_391 : memref<10240x16xf32, #tpu.memory_space<vmem_shared>>) offsets(%dma_start3A_388 : memref<128xi32, #tpu.memory_space<vmem>>) semaphore(%dma_start3A_393 : memref<!tpu.dma_semaphore, #tpu.memory_space<semaphore_mem>>) {add = true}
      %mul3A_394 = arith.constant 8 : i32
      %mul3A_395 = arith.muli %add3A_149, %mul3A_394 : i32
      %add3A_396 = arith.constant 2 : i32
      %add3A_397 = arith.addi %mul3A_395, %add3A_396 : i32
      %dma_wait3A_398 = arith.constant 2 : i32
      %dma_wait3A_399 = arith.constant 2 : i32
      %dma_wait3A_400 = arith.constant 0 : i32
      %dma_wait3A_401 = arith.constant 0 : i32
      %dma_wait3A_402 = tpu.memref_slice %arg9[%dma_wait3A_398, %dma_wait3A_400, %dma_wait3A_401] : memref<8x128x16xf32, #tpu.memory_space<vmem>> -> memref<1x128x16xf32, #tpu.memory_space<vmem>>
      %dma_wait3A_403 = tpu.memref_squeeze %dma_wait3A_402 : memref<1x128x16xf32, #tpu.memory_space<vmem>> -> memref<128x16xf32, #tpu.memory_space<vmem>>
      %dma_wait3A_404 = arith.constant 0 : i32
      %dma_wait3A_405 = tpu.memref_slice %arg7[%add3A_397, %dma_wait3A_404] : memref<80x128xi32, #tpu.memory_space<vmem>> -> memref<1x128xi32, #tpu.memory_space<vmem>>
      %dma_wait3A_406 = tpu.memref_squeeze %dma_wait3A_405 : memref<1x128xi32, #tpu.memory_space<vmem>> -> memref<128xi32, #tpu.memory_space<vmem>>
      %dma_wait3A_407 = arith.constant 0 : i32
      %dma_wait3A_408 = arith.constant 0 : i32
      %dma_wait3A_409 = tpu.memref_slice %arg12[%dma_wait3A_407, %dma_wait3A_408] : memref<10000x16xf32, #tpu.memory_space<vmem_shared>> -> memref<10000x16xf32, #tpu.memory_space<vmem_shared>>
      %dma_wait3A_410 = tpu.memref_slice %arg13[%dma_wait3A_399] : memref<8x!tpu.dma_semaphore, #tpu.memory_space<semaphore_mem>> -> memref<1x!tpu.dma_semaphore, #tpu.memory_space<semaphore_mem>>
      %dma_wait3A_411 = tpu.memref_squeeze %dma_wait3A_410 : memref<1x!tpu.dma_semaphore, #tpu.memory_space<semaphore_mem>> -> memref<!tpu.dma_semaphore, #tpu.memory_space<semaphore_mem>>
      tpu.wait_indirect_dma semaphore(%dma_wait3A_411 : memref<!tpu.dma_semaphore, #tpu.memory_space<semaphore_mem>>) src(%dma_wait3A_409 : memref<10000x16xf32, #tpu.memory_space<vmem_shared>>) dst(%dma_wait3A_403 : memref<128x16xf32, #tpu.memory_space<vmem>>)
      %dma_start3A_412 = arith.constant 2 : i32
      %dma_start3A_413 = arith.constant 2 : i32
      %dma_start3A_414 = arith.constant 0 : i32
      %dma_start3A_415 = arith.constant 0 : i32
      %dma_start3A_416 = tpu.memref_slice %arg9[%dma_start3A_412, %dma_start3A_414, %dma_start3A_415] : memref<8x128x16xf32, #tpu.memory_space<vmem>> -> memref<1x128x16xf32, #tpu.memory_space<vmem>>
      %dma_start3A_417 = tpu.memref_squeeze %dma_start3A_416 : memref<1x128x16xf32, #tpu.memory_space<vmem>> -> memref<128x16xf32, #tpu.memory_space<vmem>>
      %dma_start3A_418 = arith.constant 0 : i32
      %dma_start3A_419 = tpu.memref_slice %arg8[%add3A_397, %dma_start3A_418] : memref<80x128xi32, #tpu.memory_space<vmem>> -> memref<1x128xi32, #tpu.memory_space<vmem>>
      %dma_start3A_420 = tpu.memref_squeeze %dma_start3A_419 : memref<1x128xi32, #tpu.memory_space<vmem>> -> memref<128xi32, #tpu.memory_space<vmem>>
      %dma_start3A_421 = arith.constant 0 : i32
      %dma_start3A_422 = arith.constant 0 : i32
      %dma_start3A_423 = tpu.memref_slice %arg11[%dma_start3A_421, %dma_start3A_422] : memref<10240x16xf32, #tpu.memory_space<vmem_shared>> -> memref<10240x16xf32, #tpu.memory_space<vmem_shared>>
      %dma_start3A_424 = tpu.memref_slice %arg14[%dma_start3A_413] : memref<8x!tpu.dma_semaphore, #tpu.memory_space<semaphore_mem>> -> memref<1x!tpu.dma_semaphore, #tpu.memory_space<semaphore_mem>>
      %dma_start3A_425 = tpu.memref_squeeze %dma_start3A_424 : memref<1x!tpu.dma_semaphore, #tpu.memory_space<semaphore_mem>> -> memref<!tpu.dma_semaphore, #tpu.memory_space<semaphore_mem>>
      tpu.enqueue_indirect_dma source(%dma_start3A_417 : memref<128x16xf32, #tpu.memory_space<vmem>>) target(%dma_start3A_423 : memref<10240x16xf32, #tpu.memory_space<vmem_shared>>) offsets(%dma_start3A_420 : memref<128xi32, #tpu.memory_space<vmem>>) semaphore(%dma_start3A_425 : memref<!tpu.dma_semaphore, #tpu.memory_space<semaphore_mem>>) {add = true}
      %mul3A_426 = arith.constant 8 : i32
      %mul3A_427 = arith.muli %add3A_149, %mul3A_426 : i32
      %add3A_428 = arith.constant 3 : i32
      %add3A_429 = arith.addi %mul3A_427, %add3A_428 : i32
      %dma_wait3A_430 = arith.constant 3 : i32
      %dma_wait3A_431 = arith.constant 3 : i32
      %dma_wait3A_432 = arith.constant 0 : i32
      %dma_wait3A_433 = arith.constant 0 : i32
      %dma_wait3A_434 = tpu.memref_slice %arg9[%dma_wait3A_430, %dma_wait3A_432, %dma_wait3A_433] : memref<8x128x16xf32, #tpu.memory_space<vmem>> -> memref<1x128x16xf32, #tpu.memory_space<vmem>>
      %dma_wait3A_435 = tpu.memref_squeeze %dma_wait3A_434 : memref<1x128x16xf32, #tpu.memory_space<vmem>> -> memref<128x16xf32, #tpu.memory_space<vmem>>
      %dma_wait3A_436 = arith.constant 0 : i32
      %dma_wait3A_437 = tpu.memref_slice %arg7[%add3A_429, %dma_wait3A_436] : memref<80x128xi32, #tpu.memory_space<vmem>> -> memref<1x128xi32, #tpu.memory_space<vmem>>
      %dma_wait3A_438 = tpu.memref_squeeze %dma_wait3A_437 : memref<1x128xi32, #tpu.memory_space<vmem>> -> memref<128xi32, #tpu.memory_space<vmem>>
      %dma_wait3A_439 = arith.constant 0 : i32
      %dma_wait3A_440 = arith.constant 0 : i32
      %dma_wait3A_441 = tpu.memref_slice %arg12[%dma_wait3A_439, %dma_wait3A_440] : memref<10000x16xf32, #tpu.memory_space<vmem_shared>> -> memref<10000x16xf32, #tpu.memory_space<vmem_shared>>
      %dma_wait3A_442 = tpu.memref_slice %arg13[%dma_wait3A_431] : memref<8x!tpu.dma_semaphore, #tpu.memory_space<semaphore_mem>> -> memref<1x!tpu.dma_semaphore, #tpu.memory_space<semaphore_mem>>
      %dma_wait3A_443 = tpu.memref_squeeze %dma_wait3A_442 : memref<1x!tpu.dma_semaphore, #tpu.memory_space<semaphore_mem>> -> memref<!tpu.dma_semaphore, #tpu.memory_space<semaphore_mem>>
      tpu.wait_indirect_dma semaphore(%dma_wait3A_443 : memref<!tpu.dma_semaphore, #tpu.memory_space<semaphore_mem>>) src(%dma_wait3A_441 : memref<10000x16xf32, #tpu.memory_space<vmem_shared>>) dst(%dma_wait3A_435 : memref<128x16xf32, #tpu.memory_space<vmem>>)
      %dma_start3A_444 = arith.constant 3 : i32
      %dma_start3A_445 = arith.constant 3 : i32
      %dma_start3A_446 = arith.constant 0 : i32
      %dma_start3A_447 = arith.constant 0 : i32
      %dma_start3A_448 = tpu.memref_slice %arg9[%dma_start3A_444, %dma_start3A_446, %dma_start3A_447] : memref<8x128x16xf32, #tpu.memory_space<vmem>> -> memref<1x128x16xf32, #tpu.memory_space<vmem>>
      %dma_start3A_449 = tpu.memref_squeeze %dma_start3A_448 : memref<1x128x16xf32, #tpu.memory_space<vmem>> -> memref<128x16xf32, #tpu.memory_space<vmem>>
      %dma_start3A_450 = arith.constant 0 : i32
      %dma_start3A_451 = tpu.memref_slice %arg8[%add3A_429, %dma_start3A_450] : memref<80x128xi32, #tpu.memory_space<vmem>> -> memref<1x128xi32, #tpu.memory_space<vmem>>
      %dma_start3A_452 = tpu.memref_squeeze %dma_start3A_451 : memref<1x128xi32, #tpu.memory_space<vmem>> -> memref<128xi32, #tpu.memory_space<vmem>>
      %dma_start3A_453 = arith.constant 0 : i32
      %dma_start3A_454 = arith.constant 0 : i32
      %dma_start3A_455 = tpu.memref_slice %arg11[%dma_start3A_453, %dma_start3A_454] : memref<10240x16xf32, #tpu.memory_space<vmem_shared>> -> memref<10240x16xf32, #tpu.memory_space<vmem_shared>>
      %dma_start3A_456 = tpu.memref_slice %arg14[%dma_start3A_445] : memref<8x!tpu.dma_semaphore, #tpu.memory_space<semaphore_mem>> -> memref<1x!tpu.dma_semaphore, #tpu.memory_space<semaphore_mem>>
      %dma_start3A_457 = tpu.memref_squeeze %dma_start3A_456 : memref<1x!tpu.dma_semaphore, #tpu.memory_space<semaphore_mem>> -> memref<!tpu.dma_semaphore, #tpu.memory_space<semaphore_mem>>
      tpu.enqueue_indirect_dma source(%dma_start3A_449 : memref<128x16xf32, #tpu.memory_space<vmem>>) target(%dma_start3A_455 : memref<10240x16xf32, #tpu.memory_space<vmem_shared>>) offsets(%dma_start3A_452 : memref<128xi32, #tpu.memory_space<vmem>>) semaphore(%dma_start3A_457 : memref<!tpu.dma_semaphore, #tpu.memory_space<semaphore_mem>>) {add = true}
      %mul3A_458 = arith.constant 8 : i32
      %mul3A_459 = arith.muli %add3A_149, %mul3A_458 : i32
      %add3A_460 = arith.constant 4 : i32
      %add3A_461 = arith.addi %mul3A_459, %add3A_460 : i32
      %dma_wait3A_462 = arith.constant 4 : i32
      %dma_wait3A_463 = arith.constant 4 : i32
      %dma_wait3A_464 = arith.constant 0 : i32
      %dma_wait3A_465 = arith.constant 0 : i32
      %dma_wait3A_466 = tpu.memref_slice %arg9[%dma_wait3A_462, %dma_wait3A_464, %dma_wait3A_465] : memref<8x128x16xf32, #tpu.memory_space<vmem>> -> memref<1x128x16xf32, #tpu.memory_space<vmem>>
      %dma_wait3A_467 = tpu.memref_squeeze %dma_wait3A_466 : memref<1x128x16xf32, #tpu.memory_space<vmem>> -> memref<128x16xf32, #tpu.memory_space<vmem>>
      %dma_wait3A_468 = arith.constant 0 : i32
      %dma_wait3A_469 = tpu.memref_slice %arg7[%add3A_461, %dma_wait3A_468] : memref<80x128xi32, #tpu.memory_space<vmem>> -> memref<1x128xi32, #tpu.memory_space<vmem>>
      %dma_wait3A_470 = tpu.memref_squeeze %dma_wait3A_469 : memref<1x128xi32, #tpu.memory_space<vmem>> -> memref<128xi32, #tpu.memory_space<vmem>>
      %dma_wait3A_471 = arith.constant 0 : i32
      %dma_wait3A_472 = arith.constant 0 : i32
      %dma_wait3A_473 = tpu.memref_slice %arg12[%dma_wait3A_471, %dma_wait3A_472] : memref<10000x16xf32, #tpu.memory_space<vmem_shared>> -> memref<10000x16xf32, #tpu.memory_space<vmem_shared>>
      %dma_wait3A_474 = tpu.memref_slice %arg13[%dma_wait3A_463] : memref<8x!tpu.dma_semaphore, #tpu.memory_space<semaphore_mem>> -> memref<1x!tpu.dma_semaphore, #tpu.memory_space<semaphore_mem>>
      %dma_wait3A_475 = tpu.memref_squeeze %dma_wait3A_474 : memref<1x!tpu.dma_semaphore, #tpu.memory_space<semaphore_mem>> -> memref<!tpu.dma_semaphore, #tpu.memory_space<semaphore_mem>>
      tpu.wait_indirect_dma semaphore(%dma_wait3A_475 : memref<!tpu.dma_semaphore, #tpu.memory_space<semaphore_mem>>) src(%dma_wait3A_473 : memref<10000x16xf32, #tpu.memory_space<vmem_shared>>) dst(%dma_wait3A_467 : memref<128x16xf32, #tpu.memory_space<vmem>>)
      %dma_start3A_476 = arith.constant 4 : i32
      %dma_start3A_477 = arith.constant 4 : i32
      %dma_start3A_478 = arith.constant 0 : i32
      %dma_start3A_479 = arith.constant 0 : i32
      %dma_start3A_480 = tpu.memref_slice %arg9[%dma_start3A_476, %dma_start3A_478, %dma_start3A_479] : memref<8x128x16xf32, #tpu.memory_space<vmem>> -> memref<1x128x16xf32, #tpu.memory_space<vmem>>
      %dma_start3A_481 = tpu.memref_squeeze %dma_start3A_480 : memref<1x128x16xf32, #tpu.memory_space<vmem>> -> memref<128x16xf32, #tpu.memory_space<vmem>>
      %dma_start3A_482 = arith.constant 0 : i32
      %dma_start3A_483 = tpu.memref_slice %arg8[%add3A_461, %dma_start3A_482] : memref<80x128xi32, #tpu.memory_space<vmem>> -> memref<1x128xi32, #tpu.memory_space<vmem>>
      %dma_start3A_484 = tpu.memref_squeeze %dma_start3A_483 : memref<1x128xi32, #tpu.memory_space<vmem>> -> memref<128xi32, #tpu.memory_space<vmem>>
      %dma_start3A_485 = arith.constant 0 : i32
      %dma_start3A_486 = arith.constant 0 : i32
      %dma_start3A_487 = tpu.memref_slice %arg11[%dma_start3A_485, %dma_start3A_486] : memref<10240x16xf32, #tpu.memory_space<vmem_shared>> -> memref<10240x16xf32, #tpu.memory_space<vmem_shared>>
      %dma_start3A_488 = tpu.memref_slice %arg14[%dma_start3A_477] : memref<8x!tpu.dma_semaphore, #tpu.memory_space<semaphore_mem>> -> memref<1x!tpu.dma_semaphore, #tpu.memory_space<semaphore_mem>>
      %dma_start3A_489 = tpu.memref_squeeze %dma_start3A_488 : memref<1x!tpu.dma_semaphore, #tpu.memory_space<semaphore_mem>> -> memref<!tpu.dma_semaphore, #tpu.memory_space<semaphore_mem>>
      tpu.enqueue_indirect_dma source(%dma_start3A_481 : memref<128x16xf32, #tpu.memory_space<vmem>>) target(%dma_start3A_487 : memref<10240x16xf32, #tpu.memory_space<vmem_shared>>) offsets(%dma_start3A_484 : memref<128xi32, #tpu.memory_space<vmem>>) semaphore(%dma_start3A_489 : memref<!tpu.dma_semaphore, #tpu.memory_space<semaphore_mem>>) {add = true}
      %mul3A_490 = arith.constant 8 : i32
      %mul3A_491 = arith.muli %add3A_149, %mul3A_490 : i32
      %add3A_492 = arith.constant 5 : i32
      %add3A_493 = arith.addi %mul3A_491, %add3A_492 : i32
      %dma_wait3A_494 = arith.constant 5 : i32
      %dma_wait3A_495 = arith.constant 5 : i32
      %dma_wait3A_496 = arith.constant 0 : i32
      %dma_wait3A_497 = arith.constant 0 : i32
      %dma_wait3A_498 = tpu.memref_slice %arg9[%dma_wait3A_494, %dma_wait3A_496, %dma_wait3A_497] : memref<8x128x16xf32, #tpu.memory_space<vmem>> -> memref<1x128x16xf32, #tpu.memory_space<vmem>>
      %dma_wait3A_499 = tpu.memref_squeeze %dma_wait3A_498 : memref<1x128x16xf32, #tpu.memory_space<vmem>> -> memref<128x16xf32, #tpu.memory_space<vmem>>
      %dma_wait3A_500 = arith.constant 0 : i32
      %dma_wait3A_501 = tpu.memref_slice %arg7[%add3A_493, %dma_wait3A_500] : memref<80x128xi32, #tpu.memory_space<vmem>> -> memref<1x128xi32, #tpu.memory_space<vmem>>
      %dma_wait3A_502 = tpu.memref_squeeze %dma_wait3A_501 : memref<1x128xi32, #tpu.memory_space<vmem>> -> memref<128xi32, #tpu.memory_space<vmem>>
      %dma_wait3A_503 = arith.constant 0 : i32
      %dma_wait3A_504 = arith.constant 0 : i32
      %dma_wait3A_505 = tpu.memref_slice %arg12[%dma_wait3A_503, %dma_wait3A_504] : memref<10000x16xf32, #tpu.memory_space<vmem_shared>> -> memref<10000x16xf32, #tpu.memory_space<vmem_shared>>
      %dma_wait3A_506 = tpu.memref_slice %arg13[%dma_wait3A_495] : memref<8x!tpu.dma_semaphore, #tpu.memory_space<semaphore_mem>> -> memref<1x!tpu.dma_semaphore, #tpu.memory_space<semaphore_mem>>
      %dma_wait3A_507 = tpu.memref_squeeze %dma_wait3A_506 : memref<1x!tpu.dma_semaphore, #tpu.memory_space<semaphore_mem>> -> memref<!tpu.dma_semaphore, #tpu.memory_space<semaphore_mem>>
      tpu.wait_indirect_dma semaphore(%dma_wait3A_507 : memref<!tpu.dma_semaphore, #tpu.memory_space<semaphore_mem>>) src(%dma_wait3A_505 : memref<10000x16xf32, #tpu.memory_space<vmem_shared>>) dst(%dma_wait3A_499 : memref<128x16xf32, #tpu.memory_space<vmem>>)
      %dma_start3A_508 = arith.constant 5 : i32
      %dma_start3A_509 = arith.constant 5 : i32
      %dma_start3A_510 = arith.constant 0 : i32
      %dma_start3A_511 = arith.constant 0 : i32
      %dma_start3A_512 = tpu.memref_slice %arg9[%dma_start3A_508, %dma_start3A_510, %dma_start3A_511] : memref<8x128x16xf32, #tpu.memory_space<vmem>> -> memref<1x128x16xf32, #tpu.memory_space<vmem>>
      %dma_start3A_513 = tpu.memref_squeeze %dma_start3A_512 : memref<1x128x16xf32, #tpu.memory_space<vmem>> -> memref<128x16xf32, #tpu.memory_space<vmem>>
      %dma_start3A_514 = arith.constant 0 : i32
      %dma_start3A_515 = tpu.memref_slice %arg8[%add3A_493, %dma_start3A_514] : memref<80x128xi32, #tpu.memory_space<vmem>> -> memref<1x128xi32, #tpu.memory_space<vmem>>
      %dma_start3A_516 = tpu.memref_squeeze %dma_start3A_515 : memref<1x128xi32, #tpu.memory_space<vmem>> -> memref<128xi32, #tpu.memory_space<vmem>>
      %dma_start3A_517 = arith.constant 0 : i32
      %dma_start3A_518 = arith.constant 0 : i32
      %dma_start3A_519 = tpu.memref_slice %arg11[%dma_start3A_517, %dma_start3A_518] : memref<10240x16xf32, #tpu.memory_space<vmem_shared>> -> memref<10240x16xf32, #tpu.memory_space<vmem_shared>>
      %dma_start3A_520 = tpu.memref_slice %arg14[%dma_start3A_509] : memref<8x!tpu.dma_semaphore, #tpu.memory_space<semaphore_mem>> -> memref<1x!tpu.dma_semaphore, #tpu.memory_space<semaphore_mem>>
      %dma_start3A_521 = tpu.memref_squeeze %dma_start3A_520 : memref<1x!tpu.dma_semaphore, #tpu.memory_space<semaphore_mem>> -> memref<!tpu.dma_semaphore, #tpu.memory_space<semaphore_mem>>
      tpu.enqueue_indirect_dma source(%dma_start3A_513 : memref<128x16xf32, #tpu.memory_space<vmem>>) target(%dma_start3A_519 : memref<10240x16xf32, #tpu.memory_space<vmem_shared>>) offsets(%dma_start3A_516 : memref<128xi32, #tpu.memory_space<vmem>>) semaphore(%dma_start3A_521 : memref<!tpu.dma_semaphore, #tpu.memory_space<semaphore_mem>>) {add = true}
      %mul3A_522 = arith.constant 8 : i32
      %mul3A_523 = arith.muli %add3A_149, %mul3A_522 : i32
      %add3A_524 = arith.constant 6 : i32
      %add3A_525 = arith.addi %mul3A_523, %add3A_524 : i32
      %dma_wait3A_526 = arith.constant 6 : i32
      %dma_wait3A_527 = arith.constant 6 : i32
      %dma_wait3A_528 = arith.constant 0 : i32
      %dma_wait3A_529 = arith.constant 0 : i32
      %dma_wait3A_530 = tpu.memref_slice %arg9[%dma_wait3A_526, %dma_wait3A_528, %dma_wait3A_529] : memref<8x128x16xf32, #tpu.memory_space<vmem>> -> memref<1x128x16xf32, #tpu.memory_space<vmem>>
      %dma_wait3A_531 = tpu.memref_squeeze %dma_wait3A_530 : memref<1x128x16xf32, #tpu.memory_space<vmem>> -> memref<128x16xf32, #tpu.memory_space<vmem>>
      %dma_wait3A_532 = arith.constant 0 : i32
      %dma_wait3A_533 = tpu.memref_slice %arg7[%add3A_525, %dma_wait3A_532] : memref<80x128xi32, #tpu.memory_space<vmem>> -> memref<1x128xi32, #tpu.memory_space<vmem>>
      %dma_wait3A_534 = tpu.memref_squeeze %dma_wait3A_533 : memref<1x128xi32, #tpu.memory_space<vmem>> -> memref<128xi32, #tpu.memory_space<vmem>>
      %dma_wait3A_535 = arith.constant 0 : i32
      %dma_wait3A_536 = arith.constant 0 : i32
      %dma_wait3A_537 = tpu.memref_slice %arg12[%dma_wait3A_535, %dma_wait3A_536] : memref<10000x16xf32, #tpu.memory_space<vmem_shared>> -> memref<10000x16xf32, #tpu.memory_space<vmem_shared>>
      %dma_wait3A_538 = tpu.memref_slice %arg13[%dma_wait3A_527] : memref<8x!tpu.dma_semaphore, #tpu.memory_space<semaphore_mem>> -> memref<1x!tpu.dma_semaphore, #tpu.memory_space<semaphore_mem>>
      %dma_wait3A_539 = tpu.memref_squeeze %dma_wait3A_538 : memref<1x!tpu.dma_semaphore, #tpu.memory_space<semaphore_mem>> -> memref<!tpu.dma_semaphore, #tpu.memory_space<semaphore_mem>>
      tpu.wait_indirect_dma semaphore(%dma_wait3A_539 : memref<!tpu.dma_semaphore, #tpu.memory_space<semaphore_mem>>) src(%dma_wait3A_537 : memref<10000x16xf32, #tpu.memory_space<vmem_shared>>) dst(%dma_wait3A_531 : memref<128x16xf32, #tpu.memory_space<vmem>>)
      %dma_start3A_540 = arith.constant 6 : i32
      %dma_start3A_541 = arith.constant 6 : i32
      %dma_start3A_542 = arith.constant 0 : i32
      %dma_start3A_543 = arith.constant 0 : i32
      %dma_start3A_544 = tpu.memref_slice %arg9[%dma_start3A_540, %dma_start3A_542, %dma_start3A_543] : memref<8x128x16xf32, #tpu.memory_space<vmem>> -> memref<1x128x16xf32, #tpu.memory_space<vmem>>
      %dma_start3A_545 = tpu.memref_squeeze %dma_start3A_544 : memref<1x128x16xf32, #tpu.memory_space<vmem>> -> memref<128x16xf32, #tpu.memory_space<vmem>>
      %dma_start3A_546 = arith.constant 0 : i32
      %dma_start3A_547 = tpu.memref_slice %arg8[%add3A_525, %dma_start3A_546] : memref<80x128xi32, #tpu.memory_space<vmem>> -> memref<1x128xi32, #tpu.memory_space<vmem>>
      %dma_start3A_548 = tpu.memref_squeeze %dma_start3A_547 : memref<1x128xi32, #tpu.memory_space<vmem>> -> memref<128xi32, #tpu.memory_space<vmem>>
      %dma_start3A_549 = arith.constant 0 : i32
      %dma_start3A_550 = arith.constant 0 : i32
      %dma_start3A_551 = tpu.memref_slice %arg11[%dma_start3A_549, %dma_start3A_550] : memref<10240x16xf32, #tpu.memory_space<vmem_shared>> -> memref<10240x16xf32, #tpu.memory_space<vmem_shared>>
      %dma_start3A_552 = tpu.memref_slice %arg14[%dma_start3A_541] : memref<8x!tpu.dma_semaphore, #tpu.memory_space<semaphore_mem>> -> memref<1x!tpu.dma_semaphore, #tpu.memory_space<semaphore_mem>>
      %dma_start3A_553 = tpu.memref_squeeze %dma_start3A_552 : memref<1x!tpu.dma_semaphore, #tpu.memory_space<semaphore_mem>> -> memref<!tpu.dma_semaphore, #tpu.memory_space<semaphore_mem>>
      tpu.enqueue_indirect_dma source(%dma_start3A_545 : memref<128x16xf32, #tpu.memory_space<vmem>>) target(%dma_start3A_551 : memref<10240x16xf32, #tpu.memory_space<vmem_shared>>) offsets(%dma_start3A_548 : memref<128xi32, #tpu.memory_space<vmem>>) semaphore(%dma_start3A_553 : memref<!tpu.dma_semaphore, #tpu.memory_space<semaphore_mem>>) {add = true}
      %mul3A_554 = arith.constant 8 : i32
      %mul3A_555 = arith.muli %add3A_149, %mul3A_554 : i32
      %add3A_556 = arith.constant 7 : i32
      %add3A_557 = arith.addi %mul3A_555, %add3A_556 : i32
      %dma_wait3A_558 = arith.constant 7 : i32
      %dma_wait3A_559 = arith.constant 7 : i32
      %dma_wait3A_560 = arith.constant 0 : i32
      %dma_wait3A_561 = arith.constant 0 : i32
      %dma_wait3A_562 = tpu.memref_slice %arg9[%dma_wait3A_558, %dma_wait3A_560, %dma_wait3A_561] : memref<8x128x16xf32, #tpu.memory_space<vmem>> -> memref<1x128x16xf32, #tpu.memory_space<vmem>>
      %dma_wait3A_563 = tpu.memref_squeeze %dma_wait3A_562 : memref<1x128x16xf32, #tpu.memory_space<vmem>> -> memref<128x16xf32, #tpu.memory_space<vmem>>
      %dma_wait3A_564 = arith.constant 0 : i32
      %dma_wait3A_565 = tpu.memref_slice %arg7[%add3A_557, %dma_wait3A_564] : memref<80x128xi32, #tpu.memory_space<vmem>> -> memref<1x128xi32, #tpu.memory_space<vmem>>
      %dma_wait3A_566 = tpu.memref_squeeze %dma_wait3A_565 : memref<1x128xi32, #tpu.memory_space<vmem>> -> memref<128xi32, #tpu.memory_space<vmem>>
      %dma_wait3A_567 = arith.constant 0 : i32
      %dma_wait3A_568 = arith.constant 0 : i32
      %dma_wait3A_569 = tpu.memref_slice %arg12[%dma_wait3A_567, %dma_wait3A_568] : memref<10000x16xf32, #tpu.memory_space<vmem_shared>> -> memref<10000x16xf32, #tpu.memory_space<vmem_shared>>
      %dma_wait3A_570 = tpu.memref_slice %arg13[%dma_wait3A_559] : memref<8x!tpu.dma_semaphore, #tpu.memory_space<semaphore_mem>> -> memref<1x!tpu.dma_semaphore, #tpu.memory_space<semaphore_mem>>
      %dma_wait3A_571 = tpu.memref_squeeze %dma_wait3A_570 : memref<1x!tpu.dma_semaphore, #tpu.memory_space<semaphore_mem>> -> memref<!tpu.dma_semaphore, #tpu.memory_space<semaphore_mem>>
      tpu.wait_indirect_dma semaphore(%dma_wait3A_571 : memref<!tpu.dma_semaphore, #tpu.memory_space<semaphore_mem>>) src(%dma_wait3A_569 : memref<10000x16xf32, #tpu.memory_space<vmem_shared>>) dst(%dma_wait3A_563 : memref<128x16xf32, #tpu.memory_space<vmem>>)
      %dma_start3A_572 = arith.constant 7 : i32
      %dma_start3A_573 = arith.constant 7 : i32
      %dma_start3A_574 = arith.constant 0 : i32
      %dma_start3A_575 = arith.constant 0 : i32
      %dma_start3A_576 = tpu.memref_slice %arg9[%dma_start3A_572, %dma_start3A_574, %dma_start3A_575] : memref<8x128x16xf32, #tpu.memory_space<vmem>> -> memref<1x128x16xf32, #tpu.memory_space<vmem>>
      %dma_start3A_577 = tpu.memref_squeeze %dma_start3A_576 : memref<1x128x16xf32, #tpu.memory_space<vmem>> -> memref<128x16xf32, #tpu.memory_space<vmem>>
      %dma_start3A_578 = arith.constant 0 : i32
      %dma_start3A_579 = tpu.memref_slice %arg8[%add3A_557, %dma_start3A_578] : memref<80x128xi32, #tpu.memory_space<vmem>> -> memref<1x128xi32, #tpu.memory_space<vmem>>
      %dma_start3A_580 = tpu.memref_squeeze %dma_start3A_579 : memref<1x128xi32, #tpu.memory_space<vmem>> -> memref<128xi32, #tpu.memory_space<vmem>>
      %dma_start3A_581 = arith.constant 0 : i32
      %dma_start3A_582 = arith.constant 0 : i32
      %dma_start3A_583 = tpu.memref_slice %arg11[%dma_start3A_581, %dma_start3A_582] : memref<10240x16xf32, #tpu.memory_space<vmem_shared>> -> memref<10240x16xf32, #tpu.memory_space<vmem_shared>>
      %dma_start3A_584 = tpu.memref_slice %arg14[%dma_start3A_573] : memref<8x!tpu.dma_semaphore, #tpu.memory_space<semaphore_mem>> -> memref<1x!tpu.dma_semaphore, #tpu.memory_space<semaphore_mem>>
      %dma_start3A_585 = tpu.memref_squeeze %dma_start3A_584 : memref<1x!tpu.dma_semaphore, #tpu.memory_space<semaphore_mem>> -> memref<!tpu.dma_semaphore, #tpu.memory_space<semaphore_mem>>
      tpu.enqueue_indirect_dma source(%dma_start3A_577 : memref<128x16xf32, #tpu.memory_space<vmem>>) target(%dma_start3A_583 : memref<10240x16xf32, #tpu.memory_space<vmem_shared>>) offsets(%dma_start3A_580 : memref<128xi32, #tpu.memory_space<vmem>>) semaphore(%dma_start3A_585 : memref<!tpu.dma_semaphore, #tpu.memory_space<semaphore_mem>>) {add = true}
    }
    %scan3A_24 = arith.constant 10 : i32
    %dma_wait3A = arith.constant 0 : i32
    %dma_wait3A_25 = arith.constant 72 : i32
    %dma_wait3A_26 = arith.constant 0 : i32
    %dma_wait3A_27 = arith.constant 0 : i32
    %dma_wait3A_28 = arith.constant 0 : i32
    %dma_wait3A_29 = tpu.memref_slice %arg9[%dma_wait3A, %dma_wait3A_27, %dma_wait3A_28] : memref<8x128x16xf32, #tpu.memory_space<vmem>> -> memref<1x128x16xf32, #tpu.memory_space<vmem>>
    %dma_wait3A_30 = tpu.memref_squeeze %dma_wait3A_29 : memref<1x128x16xf32, #tpu.memory_space<vmem>> -> memref<128x16xf32, #tpu.memory_space<vmem>>
    %dma_wait3A_31 = arith.constant 0 : i32
    %dma_wait3A_32 = tpu.memref_slice %arg8[%dma_wait3A_25, %dma_wait3A_31] : memref<80x128xi32, #tpu.memory_space<vmem>> -> memref<1x128xi32, #tpu.memory_space<vmem>>
    %dma_wait3A_33 = tpu.memref_squeeze %dma_wait3A_32 : memref<1x128xi32, #tpu.memory_space<vmem>> -> memref<128xi32, #tpu.memory_space<vmem>>
    %dma_wait3A_34 = arith.constant 0 : i32
    %dma_wait3A_35 = arith.constant 0 : i32
    %dma_wait3A_36 = tpu.memref_slice %arg11[%dma_wait3A_34, %dma_wait3A_35] : memref<10240x16xf32, #tpu.memory_space<vmem_shared>> -> memref<10240x16xf32, #tpu.memory_space<vmem_shared>>
    %dma_wait3A_37 = tpu.memref_slice %arg14[%dma_wait3A_26] : memref<8x!tpu.dma_semaphore, #tpu.memory_space<semaphore_mem>> -> memref<1x!tpu.dma_semaphore, #tpu.memory_space<semaphore_mem>>
    %dma_wait3A_38 = tpu.memref_squeeze %dma_wait3A_37 : memref<1x!tpu.dma_semaphore, #tpu.memory_space<semaphore_mem>> -> memref<!tpu.dma_semaphore, #tpu.memory_space<semaphore_mem>>
    tpu.wait_indirect_dma semaphore(%dma_wait3A_38 : memref<!tpu.dma_semaphore, #tpu.memory_space<semaphore_mem>>) src(%dma_wait3A_30 : memref<128x16xf32, #tpu.memory_space<vmem>>) dst(%dma_wait3A_36 : memref<10240x16xf32, #tpu.memory_space<vmem_shared>>)
    %dma_wait3A_39 = arith.constant 1 : i32
    %dma_wait3A_40 = arith.constant 73 : i32
    %dma_wait3A_41 = arith.constant 1 : i32
    %dma_wait3A_42 = arith.constant 0 : i32
    %dma_wait3A_43 = arith.constant 0 : i32
    %dma_wait3A_44 = tpu.memref_slice %arg9[%dma_wait3A_39, %dma_wait3A_42, %dma_wait3A_43] : memref<8x128x16xf32, #tpu.memory_space<vmem>> -> memref<1x128x16xf32, #tpu.memory_space<vmem>>
    %dma_wait3A_45 = tpu.memref_squeeze %dma_wait3A_44 : memref<1x128x16xf32, #tpu.memory_space<vmem>> -> memref<128x16xf32, #tpu.memory_space<vmem>>
    %dma_wait3A_46 = arith.constant 0 : i32
    %dma_wait3A_47 = tpu.memref_slice %arg8[%dma_wait3A_40, %dma_wait3A_46] : memref<80x128xi32, #tpu.memory_space<vmem>> -> memref<1x128xi32, #tpu.memory_space<vmem>>
    %dma_wait3A_48 = tpu.memref_squeeze %dma_wait3A_47 : memref<1x128xi32, #tpu.memory_space<vmem>> -> memref<128xi32, #tpu.memory_space<vmem>>
    %dma_wait3A_49 = arith.constant 0 : i32
    %dma_wait3A_50 = arith.constant 0 : i32
    %dma_wait3A_51 = tpu.memref_slice %arg11[%dma_wait3A_49, %dma_wait3A_50] : memref<10240x16xf32, #tpu.memory_space<vmem_shared>> -> memref<10240x16xf32, #tpu.memory_space<vmem_shared>>
    %dma_wait3A_52 = tpu.memref_slice %arg14[%dma_wait3A_41] : memref<8x!tpu.dma_semaphore, #tpu.memory_space<semaphore_mem>> -> memref<1x!tpu.dma_semaphore, #tpu.memory_space<semaphore_mem>>
    %dma_wait3A_53 = tpu.memref_squeeze %dma_wait3A_52 : memref<1x!tpu.dma_semaphore, #tpu.memory_space<semaphore_mem>> -> memref<!tpu.dma_semaphore, #tpu.memory_space<semaphore_mem>>
    tpu.wait_indirect_dma semaphore(%dma_wait3A_53 : memref<!tpu.dma_semaphore, #tpu.memory_space<semaphore_mem>>) src(%dma_wait3A_45 : memref<128x16xf32, #tpu.memory_space<vmem>>) dst(%dma_wait3A_51 : memref<10240x16xf32, #tpu.memory_space<vmem_shared>>)
    %dma_wait3A_54 = arith.constant 2 : i32
    %dma_wait3A_55 = arith.constant 74 : i32
    %dma_wait3A_56 = arith.constant 2 : i32
    %dma_wait3A_57 = arith.constant 0 : i32
    %dma_wait3A_58 = arith.constant 0 : i32
    %dma_wait3A_59 = tpu.memref_slice %arg9[%dma_wait3A_54, %dma_wait3A_57, %dma_wait3A_58] : memref<8x128x16xf32, #tpu.memory_space<vmem>> -> memref<1x128x16xf32, #tpu.memory_space<vmem>>
    %dma_wait3A_60 = tpu.memref_squeeze %dma_wait3A_59 : memref<1x128x16xf32, #tpu.memory_space<vmem>> -> memref<128x16xf32, #tpu.memory_space<vmem>>
    %dma_wait3A_61 = arith.constant 0 : i32
    %dma_wait3A_62 = tpu.memref_slice %arg8[%dma_wait3A_55, %dma_wait3A_61] : memref<80x128xi32, #tpu.memory_space<vmem>> -> memref<1x128xi32, #tpu.memory_space<vmem>>
    %dma_wait3A_63 = tpu.memref_squeeze %dma_wait3A_62 : memref<1x128xi32, #tpu.memory_space<vmem>> -> memref<128xi32, #tpu.memory_space<vmem>>
    %dma_wait3A_64 = arith.constant 0 : i32
    %dma_wait3A_65 = arith.constant 0 : i32
    %dma_wait3A_66 = tpu.memref_slice %arg11[%dma_wait3A_64, %dma_wait3A_65] : memref<10240x16xf32, #tpu.memory_space<vmem_shared>> -> memref<10240x16xf32, #tpu.memory_space<vmem_shared>>
    %dma_wait3A_67 = tpu.memref_slice %arg14[%dma_wait3A_56] : memref<8x!tpu.dma_semaphore, #tpu.memory_space<semaphore_mem>> -> memref<1x!tpu.dma_semaphore, #tpu.memory_space<semaphore_mem>>
    %dma_wait3A_68 = tpu.memref_squeeze %dma_wait3A_67 : memref<1x!tpu.dma_semaphore, #tpu.memory_space<semaphore_mem>> -> memref<!tpu.dma_semaphore, #tpu.memory_space<semaphore_mem>>
    tpu.wait_indirect_dma semaphore(%dma_wait3A_68 : memref<!tpu.dma_semaphore, #tpu.memory_space<semaphore_mem>>) src(%dma_wait3A_60 : memref<128x16xf32, #tpu.memory_space<vmem>>) dst(%dma_wait3A_66 : memref<10240x16xf32, #tpu.memory_space<vmem_shared>>)
    %dma_wait3A_69 = arith.constant 3 : i32
    %dma_wait3A_70 = arith.constant 75 : i32
    %dma_wait3A_71 = arith.constant 3 : i32
    %dma_wait3A_72 = arith.constant 0 : i32
    %dma_wait3A_73 = arith.constant 0 : i32
    %dma_wait3A_74 = tpu.memref_slice %arg9[%dma_wait3A_69, %dma_wait3A_72, %dma_wait3A_73] : memref<8x128x16xf32, #tpu.memory_space<vmem>> -> memref<1x128x16xf32, #tpu.memory_space<vmem>>
    %dma_wait3A_75 = tpu.memref_squeeze %dma_wait3A_74 : memref<1x128x16xf32, #tpu.memory_space<vmem>> -> memref<128x16xf32, #tpu.memory_space<vmem>>
    %dma_wait3A_76 = arith.constant 0 : i32
    %dma_wait3A_77 = tpu.memref_slice %arg8[%dma_wait3A_70, %dma_wait3A_76] : memref<80x128xi32, #tpu.memory_space<vmem>> -> memref<1x128xi32, #tpu.memory_space<vmem>>
    %dma_wait3A_78 = tpu.memref_squeeze %dma_wait3A_77 : memref<1x128xi32, #tpu.memory_space<vmem>> -> memref<128xi32, #tpu.memory_space<vmem>>
    %dma_wait3A_79 = arith.constant 0 : i32
    %dma_wait3A_80 = arith.constant 0 : i32
    %dma_wait3A_81 = tpu.memref_slice %arg11[%dma_wait3A_79, %dma_wait3A_80] : memref<10240x16xf32, #tpu.memory_space<vmem_shared>> -> memref<10240x16xf32, #tpu.memory_space<vmem_shared>>
    %dma_wait3A_82 = tpu.memref_slice %arg14[%dma_wait3A_71] : memref<8x!tpu.dma_semaphore, #tpu.memory_space<semaphore_mem>> -> memref<1x!tpu.dma_semaphore, #tpu.memory_space<semaphore_mem>>
    %dma_wait3A_83 = tpu.memref_squeeze %dma_wait3A_82 : memref<1x!tpu.dma_semaphore, #tpu.memory_space<semaphore_mem>> -> memref<!tpu.dma_semaphore, #tpu.memory_space<semaphore_mem>>
    tpu.wait_indirect_dma semaphore(%dma_wait3A_83 : memref<!tpu.dma_semaphore, #tpu.memory_space<semaphore_mem>>) src(%dma_wait3A_75 : memref<128x16xf32, #tpu.memory_space<vmem>>) dst(%dma_wait3A_81 : memref<10240x16xf32, #tpu.memory_space<vmem_shared>>)
    %dma_wait3A_84 = arith.constant 4 : i32
    %dma_wait3A_85 = arith.constant 76 : i32
    %dma_wait3A_86 = arith.constant 4 : i32
    %dma_wait3A_87 = arith.constant 0 : i32
    %dma_wait3A_88 = arith.constant 0 : i32
    %dma_wait3A_89 = tpu.memref_slice %arg9[%dma_wait3A_84, %dma_wait3A_87, %dma_wait3A_88] : memref<8x128x16xf32, #tpu.memory_space<vmem>> -> memref<1x128x16xf32, #tpu.memory_space<vmem>>
    %dma_wait3A_90 = tpu.memref_squeeze %dma_wait3A_89 : memref<1x128x16xf32, #tpu.memory_space<vmem>> -> memref<128x16xf32, #tpu.memory_space<vmem>>
    %dma_wait3A_91 = arith.constant 0 : i32
    %dma_wait3A_92 = tpu.memref_slice %arg8[%dma_wait3A_85, %dma_wait3A_91] : memref<80x128xi32, #tpu.memory_space<vmem>> -> memref<1x128xi32, #tpu.memory_space<vmem>>
    %dma_wait3A_93 = tpu.memref_squeeze %dma_wait3A_92 : memref<1x128xi32, #tpu.memory_space<vmem>> -> memref<128xi32, #tpu.memory_space<vmem>>
    %dma_wait3A_94 = arith.constant 0 : i32
    %dma_wait3A_95 = arith.constant 0 : i32
    %dma_wait3A_96 = tpu.memref_slice %arg11[%dma_wait3A_94, %dma_wait3A_95] : memref<10240x16xf32, #tpu.memory_space<vmem_shared>> -> memref<10240x16xf32, #tpu.memory_space<vmem_shared>>
    %dma_wait3A_97 = tpu.memref_slice %arg14[%dma_wait3A_86] : memref<8x!tpu.dma_semaphore, #tpu.memory_space<semaphore_mem>> -> memref<1x!tpu.dma_semaphore, #tpu.memory_space<semaphore_mem>>
    %dma_wait3A_98 = tpu.memref_squeeze %dma_wait3A_97 : memref<1x!tpu.dma_semaphore, #tpu.memory_space<semaphore_mem>> -> memref<!tpu.dma_semaphore, #tpu.memory_space<semaphore_mem>>
    tpu.wait_indirect_dma semaphore(%dma_wait3A_98 : memref<!tpu.dma_semaphore, #tpu.memory_space<semaphore_mem>>) src(%dma_wait3A_90 : memref<128x16xf32, #tpu.memory_space<vmem>>) dst(%dma_wait3A_96 : memref<10240x16xf32, #tpu.memory_space<vmem_shared>>)
    %dma_wait3A_99 = arith.constant 5 : i32
    %dma_wait3A_100 = arith.constant 77 : i32
    %dma_wait3A_101 = arith.constant 5 : i32
    %dma_wait3A_102 = arith.constant 0 : i32
    %dma_wait3A_103 = arith.constant 0 : i32
    %dma_wait3A_104 = tpu.memref_slice %arg9[%dma_wait3A_99, %dma_wait3A_102, %dma_wait3A_103] : memref<8x128x16xf32, #tpu.memory_space<vmem>> -> memref<1x128x16xf32, #tpu.memory_space<vmem>>
    %dma_wait3A_105 = tpu.memref_squeeze %dma_wait3A_104 : memref<1x128x16xf32, #tpu.memory_space<vmem>> -> memref<128x16xf32, #tpu.memory_space<vmem>>
    %dma_wait3A_106 = arith.constant 0 : i32
    %dma_wait3A_107 = tpu.memref_slice %arg8[%dma_wait3A_100, %dma_wait3A_106] : memref<80x128xi32, #tpu.memory_space<vmem>> -> memref<1x128xi32, #tpu.memory_space<vmem>>
    %dma_wait3A_108 = tpu.memref_squeeze %dma_wait3A_107 : memref<1x128xi32, #tpu.memory_space<vmem>> -> memref<128xi32, #tpu.memory_space<vmem>>
    %dma_wait3A_109 = arith.constant 0 : i32
    %dma_wait3A_110 = arith.constant 0 : i32
    %dma_wait3A_111 = tpu.memref_slice %arg11[%dma_wait3A_109, %dma_wait3A_110] : memref<10240x16xf32, #tpu.memory_space<vmem_shared>> -> memref<10240x16xf32, #tpu.memory_space<vmem_shared>>
    %dma_wait3A_112 = tpu.memref_slice %arg14[%dma_wait3A_101] : memref<8x!tpu.dma_semaphore, #tpu.memory_space<semaphore_mem>> -> memref<1x!tpu.dma_semaphore, #tpu.memory_space<semaphore_mem>>
    %dma_wait3A_113 = tpu.memref_squeeze %dma_wait3A_112 : memref<1x!tpu.dma_semaphore, #tpu.memory_space<semaphore_mem>> -> memref<!tpu.dma_semaphore, #tpu.memory_space<semaphore_mem>>
    tpu.wait_indirect_dma semaphore(%dma_wait3A_113 : memref<!tpu.dma_semaphore, #tpu.memory_space<semaphore_mem>>) src(%dma_wait3A_105 : memref<128x16xf32, #tpu.memory_space<vmem>>) dst(%dma_wait3A_111 : memref<10240x16xf32, #tpu.memory_space<vmem_shared>>)
    %dma_wait3A_114 = arith.constant 6 : i32
    %dma_wait3A_115 = arith.constant 78 : i32
    %dma_wait3A_116 = arith.constant 6 : i32
    %dma_wait3A_117 = arith.constant 0 : i32
    %dma_wait3A_118 = arith.constant 0 : i32
    %dma_wait3A_119 = tpu.memref_slice %arg9[%dma_wait3A_114, %dma_wait3A_117, %dma_wait3A_118] : memref<8x128x16xf32, #tpu.memory_space<vmem>> -> memref<1x128x16xf32, #tpu.memory_space<vmem>>
    %dma_wait3A_120 = tpu.memref_squeeze %dma_wait3A_119 : memref<1x128x16xf32, #tpu.memory_space<vmem>> -> memref<128x16xf32, #tpu.memory_space<vmem>>
    %dma_wait3A_121 = arith.constant 0 : i32
    %dma_wait3A_122 = tpu.memref_slice %arg8[%dma_wait3A_115, %dma_wait3A_121] : memref<80x128xi32, #tpu.memory_space<vmem>> -> memref<1x128xi32, #tpu.memory_space<vmem>>
    %dma_wait3A_123 = tpu.memref_squeeze %dma_wait3A_122 : memref<1x128xi32, #tpu.memory_space<vmem>> -> memref<128xi32, #tpu.memory_space<vmem>>
    %dma_wait3A_124 = arith.constant 0 : i32
    %dma_wait3A_125 = arith.constant 0 : i32
    %dma_wait3A_126 = tpu.memref_slice %arg11[%dma_wait3A_124, %dma_wait3A_125] : memref<10240x16xf32, #tpu.memory_space<vmem_shared>> -> memref<10240x16xf32, #tpu.memory_space<vmem_shared>>
    %dma_wait3A_127 = tpu.memref_slice %arg14[%dma_wait3A_116] : memref<8x!tpu.dma_semaphore, #tpu.memory_space<semaphore_mem>> -> memref<1x!tpu.dma_semaphore, #tpu.memory_space<semaphore_mem>>
    %dma_wait3A_128 = tpu.memref_squeeze %dma_wait3A_127 : memref<1x!tpu.dma_semaphore, #tpu.memory_space<semaphore_mem>> -> memref<!tpu.dma_semaphore, #tpu.memory_space<semaphore_mem>>
    tpu.wait_indirect_dma semaphore(%dma_wait3A_128 : memref<!tpu.dma_semaphore, #tpu.memory_space<semaphore_mem>>) src(%dma_wait3A_120 : memref<128x16xf32, #tpu.memory_space<vmem>>) dst(%dma_wait3A_126 : memref<10240x16xf32, #tpu.memory_space<vmem_shared>>)
    %dma_wait3A_129 = arith.constant 7 : i32
    %dma_wait3A_130 = arith.constant 79 : i32
    %dma_wait3A_131 = arith.constant 7 : i32
    %dma_wait3A_132 = arith.constant 0 : i32
    %dma_wait3A_133 = arith.constant 0 : i32
    %dma_wait3A_134 = tpu.memref_slice %arg9[%dma_wait3A_129, %dma_wait3A_132, %dma_wait3A_133] : memref<8x128x16xf32, #tpu.memory_space<vmem>> -> memref<1x128x16xf32, #tpu.memory_space<vmem>>
    %dma_wait3A_135 = tpu.memref_squeeze %dma_wait3A_134 : memref<1x128x16xf32, #tpu.memory_space<vmem>> -> memref<128x16xf32, #tpu.memory_space<vmem>>
    %dma_wait3A_136 = arith.constant 0 : i32
    %dma_wait3A_137 = tpu.memref_slice %arg8[%dma_wait3A_130, %dma_wait3A_136] : memref<80x128xi32, #tpu.memory_space<vmem>> -> memref<1x128xi32, #tpu.memory_space<vmem>>
    %dma_wait3A_138 = tpu.memref_squeeze %dma_wait3A_137 : memref<1x128xi32, #tpu.memory_space<vmem>> -> memref<128xi32, #tpu.memory_space<vmem>>
    %dma_wait3A_139 = arith.constant 0 : i32
    %dma_wait3A_140 = arith.constant 0 : i32
    %dma_wait3A_141 = tpu.memref_slice %arg11[%dma_wait3A_139, %dma_wait3A_140] : memref<10240x16xf32, #tpu.memory_space<vmem_shared>> -> memref<10240x16xf32, #tpu.memory_space<vmem_shared>>
    %dma_wait3A_142 = tpu.memref_slice %arg14[%dma_wait3A_131] : memref<8x!tpu.dma_semaphore, #tpu.memory_space<semaphore_mem>> -> memref<1x!tpu.dma_semaphore, #tpu.memory_space<semaphore_mem>>
    %dma_wait3A_143 = tpu.memref_squeeze %dma_wait3A_142 : memref<1x!tpu.dma_semaphore, #tpu.memory_space<semaphore_mem>> -> memref<!tpu.dma_semaphore, #tpu.memory_space<semaphore_mem>>
    tpu.wait_indirect_dma semaphore(%dma_wait3A_143 : memref<!tpu.dma_semaphore, #tpu.memory_space<semaphore_mem>>) src(%dma_wait3A_135 : memref<128x16xf32, #tpu.memory_space<vmem>>) dst(%dma_wait3A_141 : memref<10240x16xf32, #tpu.memory_space<vmem_shared>>)
    %barrier3A_144 = arith.constant 0 : index
    tpu.barrier barrier_id(%barrier3A_144)
    "tpu.region"() ({
      %run_scoped3A = tpu.sem_alloc : memref<!tpu.dma_semaphore, #tpu.memory_space<semaphore_mem>>
      %dma_start3A = arith.constant 0 : i32
      %dma_start3A_145 = tpu.memref_slice %arg6[%arg0, %mul3A_6, %dma_start3A] : memref<2x10240x16xf32, #tpu.memory_space<hbm>> -> memref<1x640x16xf32, #tpu.memory_space<hbm>>
      %dma_start3A_146 = tpu.memref_squeeze %dma_start3A_145 : memref<1x640x16xf32, #tpu.memory_space<hbm>> -> memref<640x16xf32, #tpu.memory_space<hbm>>
      %dma_start3A_147 = arith.constant 0 : i32
      %dma_start3A_148 = tpu.memref_slice %arg11[%mul3A_6, %dma_start3A_147] : memref<10240x16xf32, #tpu.memory_space<vmem_shared>> -> memref<640x16xf32, #tpu.memory_space<vmem_shared>>
      tpu.enqueue_dma source(%dma_start3A_148 : memref<640x16xf32, #tpu.memory_space<vmem_shared>>) target(%dma_start3A_146 : memref<640x16xf32, #tpu.memory_space<hbm>>) target_semaphore(%run_scoped3A : memref<!tpu.dma_semaphore, #tpu.memory_space<semaphore_mem>>)
      %dma_wait3A_149 = arith.constant 0 : i32
      %dma_wait3A_150 = tpu.memref_slice %arg6[%arg0, %mul3A_6, %dma_wait3A_149] : memref<2x10240x16xf32, #tpu.memory_space<hbm>> -> memref<1x640x16xf32, #tpu.memory_space<hbm>>
      %dma_wait3A_151 = tpu.memref_squeeze %dma_wait3A_150 : memref<1x640x16xf32, #tpu.memory_space<hbm>> -> memref<640x16xf32, #tpu.memory_space<hbm>>
      %dma_wait3A_152 = arith.constant 0 : i32
      %dma_wait3A_153 = tpu.memref_slice %arg11[%mul3A_6, %dma_wait3A_152] : memref<10240x16xf32, #tpu.memory_space<vmem_shared>> -> memref<640x16xf32, #tpu.memory_space<vmem_shared>>
      tpu.wait_dma2 semaphore(%run_scoped3A : memref<!tpu.dma_semaphore, #tpu.memory_space<semaphore_mem>>) src(%dma_wait3A_153 : memref<640x16xf32, #tpu.memory_space<vmem_shared>>) dst(%dma_wait3A_151 : memref<640x16xf32, #tpu.memory_space<hbm>>)
      tpu.yield
    }) : () -> ()
    return
  }
}

#map = affine_map<(d0, d1) -> (0, 0)>
#map1 = affine_map<(d0, d1) -> (0, 0, 0)>
module attributes {stable_mosaic.version = 14 : i64} {
  func.func @_sc_agg1(%arg0: i32, %arg1: i32, %arg2: memref<2560x128xi32, #tpu.memory_space<hbm>>, %arg3: memref<2560x128xi32, #tpu.memory_space<hbm>>, %arg4: memref<2x10000x32xf32, #tpu.memory_space<hbm>>, %arg5: memref<128x32xf32, #tpu.memory_space<hbm>>, %arg6: memref<2x10240x32xf32, #tpu.memory_space<hbm>>, %arg7: memref<160x128xi32, #tpu.memory_space<vmem>>, %arg8: memref<160x128xi32, #tpu.memory_space<vmem>>, %arg9: memref<8x128x32xf32, #tpu.memory_space<vmem>>, %arg10: memref<128x32xf32, #tpu.memory_space<vmem>>, %arg11: memref<10240x32xf32, #tpu.memory_space<vmem_shared>>, %arg12: memref<10000x32xf32, #tpu.memory_space<vmem_shared>>, %arg13: memref<8x!tpu.dma_semaphore, #tpu.memory_space<semaphore_mem>>, %arg14: memref<8x!tpu.dma_semaphore, #tpu.memory_space<semaphore_mem>>) attributes {dimension_semantics = [#tpu.dimension_semantics<core_parallel>, #tpu.dimension_semantics<subcore_parallel>], iteration_bounds = array<i64: 2, 16>, scalar_prefetch = 0 : i64, scratch_operands = 8 : i64, tpu.core_type = #tpu.core_type<sc_vector_subcore>, window_params = [{transform_indices = #map}, {transform_indices = #map}, {transform_indices = #map1}, {transform_indices = #map}, {transform_indices = #map1}]} {
    %mul3A = arith.constant 160 : i32
    %mul3A_0 = arith.muli %arg1, %mul3A : i32
    "tpu.region"() ({
      %run_scoped3A = tpu.sem_alloc : memref<!tpu.dma_semaphore, #tpu.memory_space<semaphore_mem>>
      %dma_start3A = arith.constant 0 : i32
      %dma_start3A_142 = tpu.memref_slice %arg2[%mul3A_0, %dma_start3A] : memref<2560x128xi32, #tpu.memory_space<hbm>> -> memref<160x128xi32, #tpu.memory_space<hbm>>
      %dma_start3A_143 = arith.constant 0 : i32
      %dma_start3A_144 = tpu.memref_slice %arg2[%mul3A_0, %dma_start3A_143] : memref<2560x128xi32, #tpu.memory_space<hbm>> -> memref<160x128xi32, #tpu.memory_space<hbm>>
      tpu.enqueue_dma source(%dma_start3A_144 : memref<160x128xi32, #tpu.memory_space<hbm>>) target(%arg7 : memref<160x128xi32, #tpu.memory_space<vmem>>) target_semaphore(%run_scoped3A : memref<!tpu.dma_semaphore, #tpu.memory_space<semaphore_mem>>)
      %dma_wait3A_145 = arith.constant 0 : i32
      %dma_wait3A_146 = tpu.memref_slice %arg2[%mul3A_0, %dma_wait3A_145] : memref<2560x128xi32, #tpu.memory_space<hbm>> -> memref<160x128xi32, #tpu.memory_space<hbm>>
      %dma_wait3A_147 = arith.constant 0 : i32
      %dma_wait3A_148 = tpu.memref_slice %arg2[%mul3A_0, %dma_wait3A_147] : memref<2560x128xi32, #tpu.memory_space<hbm>> -> memref<160x128xi32, #tpu.memory_space<hbm>>
      tpu.wait_dma2 semaphore(%run_scoped3A : memref<!tpu.dma_semaphore, #tpu.memory_space<semaphore_mem>>) src(%dma_wait3A_148 : memref<160x128xi32, #tpu.memory_space<hbm>>) dst(%arg7 : memref<160x128xi32, #tpu.memory_space<vmem>>)
      tpu.yield
    }) : () -> ()
    %mul3A_1 = arith.constant 160 : i32
    %mul3A_2 = arith.muli %arg1, %mul3A_1 : i32
    "tpu.region"() ({
      %run_scoped3A = tpu.sem_alloc : memref<!tpu.dma_semaphore, #tpu.memory_space<semaphore_mem>>
      %dma_start3A = arith.constant 0 : i32
      %dma_start3A_142 = tpu.memref_slice %arg3[%mul3A_2, %dma_start3A] : memref<2560x128xi32, #tpu.memory_space<hbm>> -> memref<160x128xi32, #tpu.memory_space<hbm>>
      %dma_start3A_143 = arith.constant 0 : i32
      %dma_start3A_144 = tpu.memref_slice %arg3[%mul3A_2, %dma_start3A_143] : memref<2560x128xi32, #tpu.memory_space<hbm>> -> memref<160x128xi32, #tpu.memory_space<hbm>>
      tpu.enqueue_dma source(%dma_start3A_144 : memref<160x128xi32, #tpu.memory_space<hbm>>) target(%arg8 : memref<160x128xi32, #tpu.memory_space<vmem>>) target_semaphore(%run_scoped3A : memref<!tpu.dma_semaphore, #tpu.memory_space<semaphore_mem>>)
      %dma_wait3A_145 = arith.constant 0 : i32
      %dma_wait3A_146 = tpu.memref_slice %arg3[%mul3A_2, %dma_wait3A_145] : memref<2560x128xi32, #tpu.memory_space<hbm>> -> memref<160x128xi32, #tpu.memory_space<hbm>>
      %dma_wait3A_147 = arith.constant 0 : i32
      %dma_wait3A_148 = tpu.memref_slice %arg3[%mul3A_2, %dma_wait3A_147] : memref<2560x128xi32, #tpu.memory_space<hbm>> -> memref<160x128xi32, #tpu.memory_space<hbm>>
      tpu.wait_dma2 semaphore(%run_scoped3A : memref<!tpu.dma_semaphore, #tpu.memory_space<semaphore_mem>>) src(%dma_wait3A_148 : memref<160x128xi32, #tpu.memory_space<hbm>>) dst(%arg8 : memref<160x128xi32, #tpu.memory_space<vmem>>)
      tpu.yield
    }) : () -> ()
    %mul3A_3 = arith.constant 640 : i32
    %mul3A_4 = arith.muli %arg1, %mul3A_3 : i32
    "tpu.region"() ({
      %run_scoped3A = tpu.sem_alloc : memref<!tpu.dma_semaphore, #tpu.memory_space<semaphore_mem>>
      tpu.enqueue_dma source(%arg5 : memref<128x32xf32, #tpu.memory_space<hbm>>) target(%arg10 : memref<128x32xf32, #tpu.memory_space<vmem>>) target_semaphore(%run_scoped3A : memref<!tpu.dma_semaphore, #tpu.memory_space<semaphore_mem>>)
      tpu.wait_dma2 semaphore(%run_scoped3A : memref<!tpu.dma_semaphore, #tpu.memory_space<semaphore_mem>>) src(%arg5 : memref<128x32xf32, #tpu.memory_space<hbm>>) dst(%arg10 : memref<128x32xf32, #tpu.memory_space<vmem>>)
      tpu.yield
    }) : () -> ()
    %add3A = arith.constant 0 : i32
    %add3A_5 = arith.addi %mul3A_4, %add3A : i32
    "tpu.region"() ({
      %run_scoped3A = tpu.sem_alloc : memref<!tpu.dma_semaphore, #tpu.memory_space<semaphore_mem>>
      %dma_start3A = arith.constant 0 : i32
      %dma_start3A_142 = tpu.memref_slice %arg11[%add3A_5, %dma_start3A] : memref<10240x32xf32, #tpu.memory_space<vmem_shared>> -> memref<128x32xf32, #tpu.memory_space<vmem_shared>>
      %dma_start3A_143 = arith.constant 0 : i32
      %dma_start3A_144 = tpu.memref_slice %arg11[%add3A_5, %dma_start3A_143] : memref<10240x32xf32, #tpu.memory_space<vmem_shared>> -> memref<128x32xf32, #tpu.memory_space<vmem_shared>>
      tpu.enqueue_dma source(%arg10 : memref<128x32xf32, #tpu.memory_space<vmem>>) target(%dma_start3A_144 : memref<128x32xf32, #tpu.memory_space<vmem_shared>>) target_semaphore(%run_scoped3A : memref<!tpu.dma_semaphore, #tpu.memory_space<semaphore_mem>>)
      %dma_wait3A_145 = arith.constant 0 : i32
      %dma_wait3A_146 = tpu.memref_slice %arg11[%add3A_5, %dma_wait3A_145] : memref<10240x32xf32, #tpu.memory_space<vmem_shared>> -> memref<128x32xf32, #tpu.memory_space<vmem_shared>>
      %dma_wait3A_147 = arith.constant 0 : i32
      %dma_wait3A_148 = tpu.memref_slice %arg11[%add3A_5, %dma_wait3A_147] : memref<10240x32xf32, #tpu.memory_space<vmem_shared>> -> memref<128x32xf32, #tpu.memory_space<vmem_shared>>
      tpu.wait_dma2 semaphore(%run_scoped3A : memref<!tpu.dma_semaphore, #tpu.memory_space<semaphore_mem>>) src(%arg10 : memref<128x32xf32, #tpu.memory_space<vmem>>) dst(%dma_wait3A_148 : memref<128x32xf32, #tpu.memory_space<vmem_shared>>)
      tpu.yield
    }) : () -> ()
    %add3A_6 = arith.constant 128 : i32
    %add3A_7 = arith.addi %mul3A_4, %add3A_6 : i32
    "tpu.region"() ({
      %run_scoped3A = tpu.sem_alloc : memref<!tpu.dma_semaphore, #tpu.memory_space<semaphore_mem>>
      %dma_start3A = arith.constant 0 : i32
      %dma_start3A_142 = tpu.memref_slice %arg11[%add3A_7, %dma_start3A] : memref<10240x32xf32, #tpu.memory_space<vmem_shared>> -> memref<128x32xf32, #tpu.memory_space<vmem_shared>>
      %dma_start3A_143 = arith.constant 0 : i32
      %dma_start3A_144 = tpu.memref_slice %arg11[%add3A_7, %dma_start3A_143] : memref<10240x32xf32, #tpu.memory_space<vmem_shared>> -> memref<128x32xf32, #tpu.memory_space<vmem_shared>>
      tpu.enqueue_dma source(%arg10 : memref<128x32xf32, #tpu.memory_space<vmem>>) target(%dma_start3A_144 : memref<128x32xf32, #tpu.memory_space<vmem_shared>>) target_semaphore(%run_scoped3A : memref<!tpu.dma_semaphore, #tpu.memory_space<semaphore_mem>>)
      %dma_wait3A_145 = arith.constant 0 : i32
      %dma_wait3A_146 = tpu.memref_slice %arg11[%add3A_7, %dma_wait3A_145] : memref<10240x32xf32, #tpu.memory_space<vmem_shared>> -> memref<128x32xf32, #tpu.memory_space<vmem_shared>>
      %dma_wait3A_147 = arith.constant 0 : i32
      %dma_wait3A_148 = tpu.memref_slice %arg11[%add3A_7, %dma_wait3A_147] : memref<10240x32xf32, #tpu.memory_space<vmem_shared>> -> memref<128x32xf32, #tpu.memory_space<vmem_shared>>
      tpu.wait_dma2 semaphore(%run_scoped3A : memref<!tpu.dma_semaphore, #tpu.memory_space<semaphore_mem>>) src(%arg10 : memref<128x32xf32, #tpu.memory_space<vmem>>) dst(%dma_wait3A_148 : memref<128x32xf32, #tpu.memory_space<vmem_shared>>)
      tpu.yield
    }) : () -> ()
    %add3A_8 = arith.constant 256 : i32
    %add3A_9 = arith.addi %mul3A_4, %add3A_8 : i32
    "tpu.region"() ({
      %run_scoped3A = tpu.sem_alloc : memref<!tpu.dma_semaphore, #tpu.memory_space<semaphore_mem>>
      %dma_start3A = arith.constant 0 : i32
      %dma_start3A_142 = tpu.memref_slice %arg11[%add3A_9, %dma_start3A] : memref<10240x32xf32, #tpu.memory_space<vmem_shared>> -> memref<128x32xf32, #tpu.memory_space<vmem_shared>>
      %dma_start3A_143 = arith.constant 0 : i32
      %dma_start3A_144 = tpu.memref_slice %arg11[%add3A_9, %dma_start3A_143] : memref<10240x32xf32, #tpu.memory_space<vmem_shared>> -> memref<128x32xf32, #tpu.memory_space<vmem_shared>>
      tpu.enqueue_dma source(%arg10 : memref<128x32xf32, #tpu.memory_space<vmem>>) target(%dma_start3A_144 : memref<128x32xf32, #tpu.memory_space<vmem_shared>>) target_semaphore(%run_scoped3A : memref<!tpu.dma_semaphore, #tpu.memory_space<semaphore_mem>>)
      %dma_wait3A_145 = arith.constant 0 : i32
      %dma_wait3A_146 = tpu.memref_slice %arg11[%add3A_9, %dma_wait3A_145] : memref<10240x32xf32, #tpu.memory_space<vmem_shared>> -> memref<128x32xf32, #tpu.memory_space<vmem_shared>>
      %dma_wait3A_147 = arith.constant 0 : i32
      %dma_wait3A_148 = tpu.memref_slice %arg11[%add3A_9, %dma_wait3A_147] : memref<10240x32xf32, #tpu.memory_space<vmem_shared>> -> memref<128x32xf32, #tpu.memory_space<vmem_shared>>
      tpu.wait_dma2 semaphore(%run_scoped3A : memref<!tpu.dma_semaphore, #tpu.memory_space<semaphore_mem>>) src(%arg10 : memref<128x32xf32, #tpu.memory_space<vmem>>) dst(%dma_wait3A_148 : memref<128x32xf32, #tpu.memory_space<vmem_shared>>)
      tpu.yield
    }) : () -> ()
    %add3A_10 = arith.constant 384 : i32
    %add3A_11 = arith.addi %mul3A_4, %add3A_10 : i32
    "tpu.region"() ({
      %run_scoped3A = tpu.sem_alloc : memref<!tpu.dma_semaphore, #tpu.memory_space<semaphore_mem>>
      %dma_start3A = arith.constant 0 : i32
      %dma_start3A_142 = tpu.memref_slice %arg11[%add3A_11, %dma_start3A] : memref<10240x32xf32, #tpu.memory_space<vmem_shared>> -> memref<128x32xf32, #tpu.memory_space<vmem_shared>>
      %dma_start3A_143 = arith.constant 0 : i32
      %dma_start3A_144 = tpu.memref_slice %arg11[%add3A_11, %dma_start3A_143] : memref<10240x32xf32, #tpu.memory_space<vmem_shared>> -> memref<128x32xf32, #tpu.memory_space<vmem_shared>>
      tpu.enqueue_dma source(%arg10 : memref<128x32xf32, #tpu.memory_space<vmem>>) target(%dma_start3A_144 : memref<128x32xf32, #tpu.memory_space<vmem_shared>>) target_semaphore(%run_scoped3A : memref<!tpu.dma_semaphore, #tpu.memory_space<semaphore_mem>>)
      %dma_wait3A_145 = arith.constant 0 : i32
      %dma_wait3A_146 = tpu.memref_slice %arg11[%add3A_11, %dma_wait3A_145] : memref<10240x32xf32, #tpu.memory_space<vmem_shared>> -> memref<128x32xf32, #tpu.memory_space<vmem_shared>>
      %dma_wait3A_147 = arith.constant 0 : i32
      %dma_wait3A_148 = tpu.memref_slice %arg11[%add3A_11, %dma_wait3A_147] : memref<10240x32xf32, #tpu.memory_space<vmem_shared>> -> memref<128x32xf32, #tpu.memory_space<vmem_shared>>
      tpu.wait_dma2 semaphore(%run_scoped3A : memref<!tpu.dma_semaphore, #tpu.memory_space<semaphore_mem>>) src(%arg10 : memref<128x32xf32, #tpu.memory_space<vmem>>) dst(%dma_wait3A_148 : memref<128x32xf32, #tpu.memory_space<vmem_shared>>)
      tpu.yield
    }) : () -> ()
    %add3A_12 = arith.constant 512 : i32
    %add3A_13 = arith.addi %mul3A_4, %add3A_12 : i32
    "tpu.region"() ({
      %run_scoped3A = tpu.sem_alloc : memref<!tpu.dma_semaphore, #tpu.memory_space<semaphore_mem>>
      %dma_start3A = arith.constant 0 : i32
      %dma_start3A_142 = tpu.memref_slice %arg11[%add3A_13, %dma_start3A] : memref<10240x32xf32, #tpu.memory_space<vmem_shared>> -> memref<128x32xf32, #tpu.memory_space<vmem_shared>>
      %dma_start3A_143 = arith.constant 0 : i32
      %dma_start3A_144 = tpu.memref_slice %arg11[%add3A_13, %dma_start3A_143] : memref<10240x32xf32, #tpu.memory_space<vmem_shared>> -> memref<128x32xf32, #tpu.memory_space<vmem_shared>>
      tpu.enqueue_dma source(%arg10 : memref<128x32xf32, #tpu.memory_space<vmem>>) target(%dma_start3A_144 : memref<128x32xf32, #tpu.memory_space<vmem_shared>>) target_semaphore(%run_scoped3A : memref<!tpu.dma_semaphore, #tpu.memory_space<semaphore_mem>>)
      %dma_wait3A_145 = arith.constant 0 : i32
      %dma_wait3A_146 = tpu.memref_slice %arg11[%add3A_13, %dma_wait3A_145] : memref<10240x32xf32, #tpu.memory_space<vmem_shared>> -> memref<128x32xf32, #tpu.memory_space<vmem_shared>>
      %dma_wait3A_147 = arith.constant 0 : i32
      %dma_wait3A_148 = tpu.memref_slice %arg11[%add3A_13, %dma_wait3A_147] : memref<10240x32xf32, #tpu.memory_space<vmem_shared>> -> memref<128x32xf32, #tpu.memory_space<vmem_shared>>
      tpu.wait_dma2 semaphore(%run_scoped3A : memref<!tpu.dma_semaphore, #tpu.memory_space<semaphore_mem>>) src(%arg10 : memref<128x32xf32, #tpu.memory_space<vmem>>) dst(%dma_wait3A_148 : memref<128x32xf32, #tpu.memory_space<vmem_shared>>)
      tpu.yield
    }) : () -> ()
    %mul3A_14 = arith.constant 625 : i32
    %mul3A_15 = arith.muli %arg1, %mul3A_14 : i32
    %mul3A_16 = arith.constant 625 : i32
    %mul3A_17 = arith.muli %arg1, %mul3A_16 : i32
    "tpu.region"() ({
      %run_scoped3A = tpu.sem_alloc : memref<!tpu.dma_semaphore, #tpu.memory_space<semaphore_mem>>
      %dma_start3A = arith.constant 0 : i32
      %dma_start3A_142 = tpu.memref_slice %arg12[%mul3A_17, %dma_start3A] : memref<10000x32xf32, #tpu.memory_space<vmem_shared>> -> memref<625x32xf32, #tpu.memory_space<vmem_shared>>
      %dma_start3A_143 = arith.constant 0 : i32
      %dma_start3A_144 = tpu.memref_slice %arg4[%arg0, %mul3A_15, %dma_start3A_143] : memref<2x10000x32xf32, #tpu.memory_space<hbm>> -> memref<1x625x32xf32, #tpu.memory_space<hbm>>
      %dma_start3A_145 = tpu.memref_squeeze %dma_start3A_144 : memref<1x625x32xf32, #tpu.memory_space<hbm>> -> memref<625x32xf32, #tpu.memory_space<hbm>>
      tpu.enqueue_dma source(%dma_start3A_145 : memref<625x32xf32, #tpu.memory_space<hbm>>) target(%dma_start3A_142 : memref<625x32xf32, #tpu.memory_space<vmem_shared>>) target_semaphore(%run_scoped3A : memref<!tpu.dma_semaphore, #tpu.memory_space<semaphore_mem>>)
      %dma_wait3A_146 = arith.constant 0 : i32
      %dma_wait3A_147 = tpu.memref_slice %arg12[%mul3A_17, %dma_wait3A_146] : memref<10000x32xf32, #tpu.memory_space<vmem_shared>> -> memref<625x32xf32, #tpu.memory_space<vmem_shared>>
      %dma_wait3A_148 = arith.constant 0 : i32
      %dma_wait3A_149 = tpu.memref_slice %arg4[%arg0, %mul3A_15, %dma_wait3A_148] : memref<2x10000x32xf32, #tpu.memory_space<hbm>> -> memref<1x625x32xf32, #tpu.memory_space<hbm>>
      %dma_wait3A_150 = tpu.memref_squeeze %dma_wait3A_149 : memref<1x625x32xf32, #tpu.memory_space<hbm>> -> memref<625x32xf32, #tpu.memory_space<hbm>>
      tpu.wait_dma2 semaphore(%run_scoped3A : memref<!tpu.dma_semaphore, #tpu.memory_space<semaphore_mem>>) src(%dma_wait3A_150 : memref<625x32xf32, #tpu.memory_space<hbm>>) dst(%dma_wait3A_147 : memref<625x32xf32, #tpu.memory_space<vmem_shared>>)
      tpu.yield
    }) : () -> ()
    %barrier3A = arith.constant 0 : index
    tpu.barrier barrier_id(%barrier3A)
    %scan3A = arith.constant 0 : i32
    %scan3A_18 = arith.constant 20 : i32
    %scan3A_19 = arith.addi %scan3A, %scan3A_18 : i32
    %scan3A_20 = arith.constant 1 : i32
    scf.for %scan3A_142 = %scan3A to %scan3A_19 step %scan3A_20  : i32 {
      %mul3A_143 = arith.constant 1 : i32
      %mul3A_144 = arith.muli %scan3A_142, %mul3A_143 : i32
      %add3A_145 = arith.constant 0 : i32
      %add3A_146 = arith.addi %add3A_145, %mul3A_144 : i32
      %mul3A_147 = arith.constant 8 : i32
      %mul3A_148 = arith.muli %add3A_146, %mul3A_147 : i32
      %add3A_149 = arith.constant 0 : i32
      %add3A_150 = arith.addi %mul3A_148, %add3A_149 : i32
      %gt3A = arith.constant 0 : i32
      %gt3A_151 = arith.cmpi sgt, %add3A_146, %gt3A : i32
      %convert_element_type3A = arith.extui %gt3A_151 : i1 to i32
      %cond3A = arith.constant 0 : i32
      %cond3A_152 = arith.cmpi ne, %convert_element_type3A, %cond3A : i32
      scf.if %cond3A_152 {
        %sub3A = arith.constant 8 : i32
        %sub3A_583 = arith.subi %add3A_150, %sub3A : i32
        %dma_wait3A_584 = arith.constant 0 : i32
        %dma_wait3A_585 = arith.constant 0 : i32
        %dma_wait3A_586 = arith.constant 0 : i32
        %dma_wait3A_587 = arith.constant 0 : i32
        %dma_wait3A_588 = tpu.memref_slice %arg9[%dma_wait3A_584, %dma_wait3A_586, %dma_wait3A_587] : memref<8x128x32xf32, #tpu.memory_space<vmem>> -> memref<1x128x32xf32, #tpu.memory_space<vmem>>
        %dma_wait3A_589 = tpu.memref_squeeze %dma_wait3A_588 : memref<1x128x32xf32, #tpu.memory_space<vmem>> -> memref<128x32xf32, #tpu.memory_space<vmem>>
        %dma_wait3A_590 = arith.constant 0 : i32
        %dma_wait3A_591 = tpu.memref_slice %arg8[%sub3A_583, %dma_wait3A_590] : memref<160x128xi32, #tpu.memory_space<vmem>> -> memref<1x128xi32, #tpu.memory_space<vmem>>
        %dma_wait3A_592 = tpu.memref_squeeze %dma_wait3A_591 : memref<1x128xi32, #tpu.memory_space<vmem>> -> memref<128xi32, #tpu.memory_space<vmem>>
        %dma_wait3A_593 = arith.constant 0 : i32
        %dma_wait3A_594 = arith.constant 0 : i32
        %dma_wait3A_595 = tpu.memref_slice %arg11[%dma_wait3A_593, %dma_wait3A_594] : memref<10240x32xf32, #tpu.memory_space<vmem_shared>> -> memref<10240x32xf32, #tpu.memory_space<vmem_shared>>
        %dma_wait3A_596 = tpu.memref_slice %arg14[%dma_wait3A_585] : memref<8x!tpu.dma_semaphore, #tpu.memory_space<semaphore_mem>> -> memref<1x!tpu.dma_semaphore, #tpu.memory_space<semaphore_mem>>
        %dma_wait3A_597 = tpu.memref_squeeze %dma_wait3A_596 : memref<1x!tpu.dma_semaphore, #tpu.memory_space<semaphore_mem>> -> memref<!tpu.dma_semaphore, #tpu.memory_space<semaphore_mem>>
        tpu.wait_indirect_dma semaphore(%dma_wait3A_597 : memref<!tpu.dma_semaphore, #tpu.memory_space<semaphore_mem>>) src(%dma_wait3A_589 : memref<128x32xf32, #tpu.memory_space<vmem>>) dst(%dma_wait3A_595 : memref<10240x32xf32, #tpu.memory_space<vmem_shared>>)
      } else {
      }
      %dma_start3A = arith.constant 0 : i32
      %dma_start3A_153 = arith.constant 0 : i32
      %dma_start3A_154 = arith.constant 0 : i32
      %dma_start3A_155 = arith.constant 0 : i32
      %dma_start3A_156 = tpu.memref_slice %arg9[%dma_start3A, %dma_start3A_154, %dma_start3A_155] : memref<8x128x32xf32, #tpu.memory_space<vmem>> -> memref<1x128x32xf32, #tpu.memory_space<vmem>>
      %dma_start3A_157 = tpu.memref_squeeze %dma_start3A_156 : memref<1x128x32xf32, #tpu.memory_space<vmem>> -> memref<128x32xf32, #tpu.memory_space<vmem>>
      %dma_start3A_158 = arith.constant 0 : i32
      %dma_start3A_159 = tpu.memref_slice %arg7[%add3A_150, %dma_start3A_158] : memref<160x128xi32, #tpu.memory_space<vmem>> -> memref<1x128xi32, #tpu.memory_space<vmem>>
      %dma_start3A_160 = tpu.memref_squeeze %dma_start3A_159 : memref<1x128xi32, #tpu.memory_space<vmem>> -> memref<128xi32, #tpu.memory_space<vmem>>
      %dma_start3A_161 = arith.constant 0 : i32
      %dma_start3A_162 = arith.constant 0 : i32
      %dma_start3A_163 = tpu.memref_slice %arg12[%dma_start3A_161, %dma_start3A_162] : memref<10000x32xf32, #tpu.memory_space<vmem_shared>> -> memref<10000x32xf32, #tpu.memory_space<vmem_shared>>
      %dma_start3A_164 = tpu.memref_slice %arg13[%dma_start3A_153] : memref<8x!tpu.dma_semaphore, #tpu.memory_space<semaphore_mem>> -> memref<1x!tpu.dma_semaphore, #tpu.memory_space<semaphore_mem>>
      %dma_start3A_165 = tpu.memref_squeeze %dma_start3A_164 : memref<1x!tpu.dma_semaphore, #tpu.memory_space<semaphore_mem>> -> memref<!tpu.dma_semaphore, #tpu.memory_space<semaphore_mem>>
      tpu.enqueue_indirect_dma source(%dma_start3A_163 : memref<10000x32xf32, #tpu.memory_space<vmem_shared>>) target(%dma_start3A_157 : memref<128x32xf32, #tpu.memory_space<vmem>>) offsets(%dma_start3A_160 : memref<128xi32, #tpu.memory_space<vmem>>) semaphore(%dma_start3A_165 : memref<!tpu.dma_semaphore, #tpu.memory_space<semaphore_mem>>)
      %mul3A_166 = arith.constant 8 : i32
      %mul3A_167 = arith.muli %add3A_146, %mul3A_166 : i32
      %add3A_168 = arith.constant 1 : i32
      %add3A_169 = arith.addi %mul3A_167, %add3A_168 : i32
      %gt3A_170 = arith.constant 0 : i32
      %gt3A_171 = arith.cmpi sgt, %add3A_146, %gt3A_170 : i32
      %convert_element_type3A_172 = arith.extui %gt3A_171 : i1 to i32
      %cond3A_173 = arith.constant 0 : i32
      %cond3A_174 = arith.cmpi ne, %convert_element_type3A_172, %cond3A_173 : i32
      scf.if %cond3A_174 {
        %sub3A = arith.constant 8 : i32
        %sub3A_583 = arith.subi %add3A_169, %sub3A : i32
        %dma_wait3A_584 = arith.constant 1 : i32
        %dma_wait3A_585 = arith.constant 1 : i32
        %dma_wait3A_586 = arith.constant 0 : i32
        %dma_wait3A_587 = arith.constant 0 : i32
        %dma_wait3A_588 = tpu.memref_slice %arg9[%dma_wait3A_584, %dma_wait3A_586, %dma_wait3A_587] : memref<8x128x32xf32, #tpu.memory_space<vmem>> -> memref<1x128x32xf32, #tpu.memory_space<vmem>>
        %dma_wait3A_589 = tpu.memref_squeeze %dma_wait3A_588 : memref<1x128x32xf32, #tpu.memory_space<vmem>> -> memref<128x32xf32, #tpu.memory_space<vmem>>
        %dma_wait3A_590 = arith.constant 0 : i32
        %dma_wait3A_591 = tpu.memref_slice %arg8[%sub3A_583, %dma_wait3A_590] : memref<160x128xi32, #tpu.memory_space<vmem>> -> memref<1x128xi32, #tpu.memory_space<vmem>>
        %dma_wait3A_592 = tpu.memref_squeeze %dma_wait3A_591 : memref<1x128xi32, #tpu.memory_space<vmem>> -> memref<128xi32, #tpu.memory_space<vmem>>
        %dma_wait3A_593 = arith.constant 0 : i32
        %dma_wait3A_594 = arith.constant 0 : i32
        %dma_wait3A_595 = tpu.memref_slice %arg11[%dma_wait3A_593, %dma_wait3A_594] : memref<10240x32xf32, #tpu.memory_space<vmem_shared>> -> memref<10240x32xf32, #tpu.memory_space<vmem_shared>>
        %dma_wait3A_596 = tpu.memref_slice %arg14[%dma_wait3A_585] : memref<8x!tpu.dma_semaphore, #tpu.memory_space<semaphore_mem>> -> memref<1x!tpu.dma_semaphore, #tpu.memory_space<semaphore_mem>>
        %dma_wait3A_597 = tpu.memref_squeeze %dma_wait3A_596 : memref<1x!tpu.dma_semaphore, #tpu.memory_space<semaphore_mem>> -> memref<!tpu.dma_semaphore, #tpu.memory_space<semaphore_mem>>
        tpu.wait_indirect_dma semaphore(%dma_wait3A_597 : memref<!tpu.dma_semaphore, #tpu.memory_space<semaphore_mem>>) src(%dma_wait3A_589 : memref<128x32xf32, #tpu.memory_space<vmem>>) dst(%dma_wait3A_595 : memref<10240x32xf32, #tpu.memory_space<vmem_shared>>)
      } else {
      }
      %dma_start3A_175 = arith.constant 1 : i32
      %dma_start3A_176 = arith.constant 1 : i32
      %dma_start3A_177 = arith.constant 0 : i32
      %dma_start3A_178 = arith.constant 0 : i32
      %dma_start3A_179 = tpu.memref_slice %arg9[%dma_start3A_175, %dma_start3A_177, %dma_start3A_178] : memref<8x128x32xf32, #tpu.memory_space<vmem>> -> memref<1x128x32xf32, #tpu.memory_space<vmem>>
      %dma_start3A_180 = tpu.memref_squeeze %dma_start3A_179 : memref<1x128x32xf32, #tpu.memory_space<vmem>> -> memref<128x32xf32, #tpu.memory_space<vmem>>
      %dma_start3A_181 = arith.constant 0 : i32
      %dma_start3A_182 = tpu.memref_slice %arg7[%add3A_169, %dma_start3A_181] : memref<160x128xi32, #tpu.memory_space<vmem>> -> memref<1x128xi32, #tpu.memory_space<vmem>>
      %dma_start3A_183 = tpu.memref_squeeze %dma_start3A_182 : memref<1x128xi32, #tpu.memory_space<vmem>> -> memref<128xi32, #tpu.memory_space<vmem>>
      %dma_start3A_184 = arith.constant 0 : i32
      %dma_start3A_185 = arith.constant 0 : i32
      %dma_start3A_186 = tpu.memref_slice %arg12[%dma_start3A_184, %dma_start3A_185] : memref<10000x32xf32, #tpu.memory_space<vmem_shared>> -> memref<10000x32xf32, #tpu.memory_space<vmem_shared>>
      %dma_start3A_187 = tpu.memref_slice %arg13[%dma_start3A_176] : memref<8x!tpu.dma_semaphore, #tpu.memory_space<semaphore_mem>> -> memref<1x!tpu.dma_semaphore, #tpu.memory_space<semaphore_mem>>
      %dma_start3A_188 = tpu.memref_squeeze %dma_start3A_187 : memref<1x!tpu.dma_semaphore, #tpu.memory_space<semaphore_mem>> -> memref<!tpu.dma_semaphore, #tpu.memory_space<semaphore_mem>>
      tpu.enqueue_indirect_dma source(%dma_start3A_186 : memref<10000x32xf32, #tpu.memory_space<vmem_shared>>) target(%dma_start3A_180 : memref<128x32xf32, #tpu.memory_space<vmem>>) offsets(%dma_start3A_183 : memref<128xi32, #tpu.memory_space<vmem>>) semaphore(%dma_start3A_188 : memref<!tpu.dma_semaphore, #tpu.memory_space<semaphore_mem>>)
      %mul3A_189 = arith.constant 8 : i32
      %mul3A_190 = arith.muli %add3A_146, %mul3A_189 : i32
      %add3A_191 = arith.constant 2 : i32
      %add3A_192 = arith.addi %mul3A_190, %add3A_191 : i32
      %gt3A_193 = arith.constant 0 : i32
      %gt3A_194 = arith.cmpi sgt, %add3A_146, %gt3A_193 : i32
      %convert_element_type3A_195 = arith.extui %gt3A_194 : i1 to i32
      %cond3A_196 = arith.constant 0 : i32
      %cond3A_197 = arith.cmpi ne, %convert_element_type3A_195, %cond3A_196 : i32
      scf.if %cond3A_197 {
        %sub3A = arith.constant 8 : i32
        %sub3A_583 = arith.subi %add3A_192, %sub3A : i32
        %dma_wait3A_584 = arith.constant 2 : i32
        %dma_wait3A_585 = arith.constant 2 : i32
        %dma_wait3A_586 = arith.constant 0 : i32
        %dma_wait3A_587 = arith.constant 0 : i32
        %dma_wait3A_588 = tpu.memref_slice %arg9[%dma_wait3A_584, %dma_wait3A_586, %dma_wait3A_587] : memref<8x128x32xf32, #tpu.memory_space<vmem>> -> memref<1x128x32xf32, #tpu.memory_space<vmem>>
        %dma_wait3A_589 = tpu.memref_squeeze %dma_wait3A_588 : memref<1x128x32xf32, #tpu.memory_space<vmem>> -> memref<128x32xf32, #tpu.memory_space<vmem>>
        %dma_wait3A_590 = arith.constant 0 : i32
        %dma_wait3A_591 = tpu.memref_slice %arg8[%sub3A_583, %dma_wait3A_590] : memref<160x128xi32, #tpu.memory_space<vmem>> -> memref<1x128xi32, #tpu.memory_space<vmem>>
        %dma_wait3A_592 = tpu.memref_squeeze %dma_wait3A_591 : memref<1x128xi32, #tpu.memory_space<vmem>> -> memref<128xi32, #tpu.memory_space<vmem>>
        %dma_wait3A_593 = arith.constant 0 : i32
        %dma_wait3A_594 = arith.constant 0 : i32
        %dma_wait3A_595 = tpu.memref_slice %arg11[%dma_wait3A_593, %dma_wait3A_594] : memref<10240x32xf32, #tpu.memory_space<vmem_shared>> -> memref<10240x32xf32, #tpu.memory_space<vmem_shared>>
        %dma_wait3A_596 = tpu.memref_slice %arg14[%dma_wait3A_585] : memref<8x!tpu.dma_semaphore, #tpu.memory_space<semaphore_mem>> -> memref<1x!tpu.dma_semaphore, #tpu.memory_space<semaphore_mem>>
        %dma_wait3A_597 = tpu.memref_squeeze %dma_wait3A_596 : memref<1x!tpu.dma_semaphore, #tpu.memory_space<semaphore_mem>> -> memref<!tpu.dma_semaphore, #tpu.memory_space<semaphore_mem>>
        tpu.wait_indirect_dma semaphore(%dma_wait3A_597 : memref<!tpu.dma_semaphore, #tpu.memory_space<semaphore_mem>>) src(%dma_wait3A_589 : memref<128x32xf32, #tpu.memory_space<vmem>>) dst(%dma_wait3A_595 : memref<10240x32xf32, #tpu.memory_space<vmem_shared>>)
      } else {
      }
      %dma_start3A_198 = arith.constant 2 : i32
      %dma_start3A_199 = arith.constant 2 : i32
      %dma_start3A_200 = arith.constant 0 : i32
      %dma_start3A_201 = arith.constant 0 : i32
      %dma_start3A_202 = tpu.memref_slice %arg9[%dma_start3A_198, %dma_start3A_200, %dma_start3A_201] : memref<8x128x32xf32, #tpu.memory_space<vmem>> -> memref<1x128x32xf32, #tpu.memory_space<vmem>>
      %dma_start3A_203 = tpu.memref_squeeze %dma_start3A_202 : memref<1x128x32xf32, #tpu.memory_space<vmem>> -> memref<128x32xf32, #tpu.memory_space<vmem>>
      %dma_start3A_204 = arith.constant 0 : i32
      %dma_start3A_205 = tpu.memref_slice %arg7[%add3A_192, %dma_start3A_204] : memref<160x128xi32, #tpu.memory_space<vmem>> -> memref<1x128xi32, #tpu.memory_space<vmem>>
      %dma_start3A_206 = tpu.memref_squeeze %dma_start3A_205 : memref<1x128xi32, #tpu.memory_space<vmem>> -> memref<128xi32, #tpu.memory_space<vmem>>
      %dma_start3A_207 = arith.constant 0 : i32
      %dma_start3A_208 = arith.constant 0 : i32
      %dma_start3A_209 = tpu.memref_slice %arg12[%dma_start3A_207, %dma_start3A_208] : memref<10000x32xf32, #tpu.memory_space<vmem_shared>> -> memref<10000x32xf32, #tpu.memory_space<vmem_shared>>
      %dma_start3A_210 = tpu.memref_slice %arg13[%dma_start3A_199] : memref<8x!tpu.dma_semaphore, #tpu.memory_space<semaphore_mem>> -> memref<1x!tpu.dma_semaphore, #tpu.memory_space<semaphore_mem>>
      %dma_start3A_211 = tpu.memref_squeeze %dma_start3A_210 : memref<1x!tpu.dma_semaphore, #tpu.memory_space<semaphore_mem>> -> memref<!tpu.dma_semaphore, #tpu.memory_space<semaphore_mem>>
      tpu.enqueue_indirect_dma source(%dma_start3A_209 : memref<10000x32xf32, #tpu.memory_space<vmem_shared>>) target(%dma_start3A_203 : memref<128x32xf32, #tpu.memory_space<vmem>>) offsets(%dma_start3A_206 : memref<128xi32, #tpu.memory_space<vmem>>) semaphore(%dma_start3A_211 : memref<!tpu.dma_semaphore, #tpu.memory_space<semaphore_mem>>)
      %mul3A_212 = arith.constant 8 : i32
      %mul3A_213 = arith.muli %add3A_146, %mul3A_212 : i32
      %add3A_214 = arith.constant 3 : i32
      %add3A_215 = arith.addi %mul3A_213, %add3A_214 : i32
      %gt3A_216 = arith.constant 0 : i32
      %gt3A_217 = arith.cmpi sgt, %add3A_146, %gt3A_216 : i32
      %convert_element_type3A_218 = arith.extui %gt3A_217 : i1 to i32
      %cond3A_219 = arith.constant 0 : i32
      %cond3A_220 = arith.cmpi ne, %convert_element_type3A_218, %cond3A_219 : i32
      scf.if %cond3A_220 {
        %sub3A = arith.constant 8 : i32
        %sub3A_583 = arith.subi %add3A_215, %sub3A : i32
        %dma_wait3A_584 = arith.constant 3 : i32
        %dma_wait3A_585 = arith.constant 3 : i32
        %dma_wait3A_586 = arith.constant 0 : i32
        %dma_wait3A_587 = arith.constant 0 : i32
        %dma_wait3A_588 = tpu.memref_slice %arg9[%dma_wait3A_584, %dma_wait3A_586, %dma_wait3A_587] : memref<8x128x32xf32, #tpu.memory_space<vmem>> -> memref<1x128x32xf32, #tpu.memory_space<vmem>>
        %dma_wait3A_589 = tpu.memref_squeeze %dma_wait3A_588 : memref<1x128x32xf32, #tpu.memory_space<vmem>> -> memref<128x32xf32, #tpu.memory_space<vmem>>
        %dma_wait3A_590 = arith.constant 0 : i32
        %dma_wait3A_591 = tpu.memref_slice %arg8[%sub3A_583, %dma_wait3A_590] : memref<160x128xi32, #tpu.memory_space<vmem>> -> memref<1x128xi32, #tpu.memory_space<vmem>>
        %dma_wait3A_592 = tpu.memref_squeeze %dma_wait3A_591 : memref<1x128xi32, #tpu.memory_space<vmem>> -> memref<128xi32, #tpu.memory_space<vmem>>
        %dma_wait3A_593 = arith.constant 0 : i32
        %dma_wait3A_594 = arith.constant 0 : i32
        %dma_wait3A_595 = tpu.memref_slice %arg11[%dma_wait3A_593, %dma_wait3A_594] : memref<10240x32xf32, #tpu.memory_space<vmem_shared>> -> memref<10240x32xf32, #tpu.memory_space<vmem_shared>>
        %dma_wait3A_596 = tpu.memref_slice %arg14[%dma_wait3A_585] : memref<8x!tpu.dma_semaphore, #tpu.memory_space<semaphore_mem>> -> memref<1x!tpu.dma_semaphore, #tpu.memory_space<semaphore_mem>>
        %dma_wait3A_597 = tpu.memref_squeeze %dma_wait3A_596 : memref<1x!tpu.dma_semaphore, #tpu.memory_space<semaphore_mem>> -> memref<!tpu.dma_semaphore, #tpu.memory_space<semaphore_mem>>
        tpu.wait_indirect_dma semaphore(%dma_wait3A_597 : memref<!tpu.dma_semaphore, #tpu.memory_space<semaphore_mem>>) src(%dma_wait3A_589 : memref<128x32xf32, #tpu.memory_space<vmem>>) dst(%dma_wait3A_595 : memref<10240x32xf32, #tpu.memory_space<vmem_shared>>)
      } else {
      }
      %dma_start3A_221 = arith.constant 3 : i32
      %dma_start3A_222 = arith.constant 3 : i32
      %dma_start3A_223 = arith.constant 0 : i32
      %dma_start3A_224 = arith.constant 0 : i32
      %dma_start3A_225 = tpu.memref_slice %arg9[%dma_start3A_221, %dma_start3A_223, %dma_start3A_224] : memref<8x128x32xf32, #tpu.memory_space<vmem>> -> memref<1x128x32xf32, #tpu.memory_space<vmem>>
      %dma_start3A_226 = tpu.memref_squeeze %dma_start3A_225 : memref<1x128x32xf32, #tpu.memory_space<vmem>> -> memref<128x32xf32, #tpu.memory_space<vmem>>
      %dma_start3A_227 = arith.constant 0 : i32
      %dma_start3A_228 = tpu.memref_slice %arg7[%add3A_215, %dma_start3A_227] : memref<160x128xi32, #tpu.memory_space<vmem>> -> memref<1x128xi32, #tpu.memory_space<vmem>>
      %dma_start3A_229 = tpu.memref_squeeze %dma_start3A_228 : memref<1x128xi32, #tpu.memory_space<vmem>> -> memref<128xi32, #tpu.memory_space<vmem>>
      %dma_start3A_230 = arith.constant 0 : i32
      %dma_start3A_231 = arith.constant 0 : i32
      %dma_start3A_232 = tpu.memref_slice %arg12[%dma_start3A_230, %dma_start3A_231] : memref<10000x32xf32, #tpu.memory_space<vmem_shared>> -> memref<10000x32xf32, #tpu.memory_space<vmem_shared>>
      %dma_start3A_233 = tpu.memref_slice %arg13[%dma_start3A_222] : memref<8x!tpu.dma_semaphore, #tpu.memory_space<semaphore_mem>> -> memref<1x!tpu.dma_semaphore, #tpu.memory_space<semaphore_mem>>
      %dma_start3A_234 = tpu.memref_squeeze %dma_start3A_233 : memref<1x!tpu.dma_semaphore, #tpu.memory_space<semaphore_mem>> -> memref<!tpu.dma_semaphore, #tpu.memory_space<semaphore_mem>>
      tpu.enqueue_indirect_dma source(%dma_start3A_232 : memref<10000x32xf32, #tpu.memory_space<vmem_shared>>) target(%dma_start3A_226 : memref<128x32xf32, #tpu.memory_space<vmem>>) offsets(%dma_start3A_229 : memref<128xi32, #tpu.memory_space<vmem>>) semaphore(%dma_start3A_234 : memref<!tpu.dma_semaphore, #tpu.memory_space<semaphore_mem>>)
      %mul3A_235 = arith.constant 8 : i32
      %mul3A_236 = arith.muli %add3A_146, %mul3A_235 : i32
      %add3A_237 = arith.constant 4 : i32
      %add3A_238 = arith.addi %mul3A_236, %add3A_237 : i32
      %gt3A_239 = arith.constant 0 : i32
      %gt3A_240 = arith.cmpi sgt, %add3A_146, %gt3A_239 : i32
      %convert_element_type3A_241 = arith.extui %gt3A_240 : i1 to i32
      %cond3A_242 = arith.constant 0 : i32
      %cond3A_243 = arith.cmpi ne, %convert_element_type3A_241, %cond3A_242 : i32
      scf.if %cond3A_243 {
        %sub3A = arith.constant 8 : i32
        %sub3A_583 = arith.subi %add3A_238, %sub3A : i32
        %dma_wait3A_584 = arith.constant 4 : i32
        %dma_wait3A_585 = arith.constant 4 : i32
        %dma_wait3A_586 = arith.constant 0 : i32
        %dma_wait3A_587 = arith.constant 0 : i32
        %dma_wait3A_588 = tpu.memref_slice %arg9[%dma_wait3A_584, %dma_wait3A_586, %dma_wait3A_587] : memref<8x128x32xf32, #tpu.memory_space<vmem>> -> memref<1x128x32xf32, #tpu.memory_space<vmem>>
        %dma_wait3A_589 = tpu.memref_squeeze %dma_wait3A_588 : memref<1x128x32xf32, #tpu.memory_space<vmem>> -> memref<128x32xf32, #tpu.memory_space<vmem>>
        %dma_wait3A_590 = arith.constant 0 : i32
        %dma_wait3A_591 = tpu.memref_slice %arg8[%sub3A_583, %dma_wait3A_590] : memref<160x128xi32, #tpu.memory_space<vmem>> -> memref<1x128xi32, #tpu.memory_space<vmem>>
        %dma_wait3A_592 = tpu.memref_squeeze %dma_wait3A_591 : memref<1x128xi32, #tpu.memory_space<vmem>> -> memref<128xi32, #tpu.memory_space<vmem>>
        %dma_wait3A_593 = arith.constant 0 : i32
        %dma_wait3A_594 = arith.constant 0 : i32
        %dma_wait3A_595 = tpu.memref_slice %arg11[%dma_wait3A_593, %dma_wait3A_594] : memref<10240x32xf32, #tpu.memory_space<vmem_shared>> -> memref<10240x32xf32, #tpu.memory_space<vmem_shared>>
        %dma_wait3A_596 = tpu.memref_slice %arg14[%dma_wait3A_585] : memref<8x!tpu.dma_semaphore, #tpu.memory_space<semaphore_mem>> -> memref<1x!tpu.dma_semaphore, #tpu.memory_space<semaphore_mem>>
        %dma_wait3A_597 = tpu.memref_squeeze %dma_wait3A_596 : memref<1x!tpu.dma_semaphore, #tpu.memory_space<semaphore_mem>> -> memref<!tpu.dma_semaphore, #tpu.memory_space<semaphore_mem>>
        tpu.wait_indirect_dma semaphore(%dma_wait3A_597 : memref<!tpu.dma_semaphore, #tpu.memory_space<semaphore_mem>>) src(%dma_wait3A_589 : memref<128x32xf32, #tpu.memory_space<vmem>>) dst(%dma_wait3A_595 : memref<10240x32xf32, #tpu.memory_space<vmem_shared>>)
      } else {
      }
      %dma_start3A_244 = arith.constant 4 : i32
      %dma_start3A_245 = arith.constant 4 : i32
      %dma_start3A_246 = arith.constant 0 : i32
      %dma_start3A_247 = arith.constant 0 : i32
      %dma_start3A_248 = tpu.memref_slice %arg9[%dma_start3A_244, %dma_start3A_246, %dma_start3A_247] : memref<8x128x32xf32, #tpu.memory_space<vmem>> -> memref<1x128x32xf32, #tpu.memory_space<vmem>>
      %dma_start3A_249 = tpu.memref_squeeze %dma_start3A_248 : memref<1x128x32xf32, #tpu.memory_space<vmem>> -> memref<128x32xf32, #tpu.memory_space<vmem>>
      %dma_start3A_250 = arith.constant 0 : i32
      %dma_start3A_251 = tpu.memref_slice %arg7[%add3A_238, %dma_start3A_250] : memref<160x128xi32, #tpu.memory_space<vmem>> -> memref<1x128xi32, #tpu.memory_space<vmem>>
      %dma_start3A_252 = tpu.memref_squeeze %dma_start3A_251 : memref<1x128xi32, #tpu.memory_space<vmem>> -> memref<128xi32, #tpu.memory_space<vmem>>
      %dma_start3A_253 = arith.constant 0 : i32
      %dma_start3A_254 = arith.constant 0 : i32
      %dma_start3A_255 = tpu.memref_slice %arg12[%dma_start3A_253, %dma_start3A_254] : memref<10000x32xf32, #tpu.memory_space<vmem_shared>> -> memref<10000x32xf32, #tpu.memory_space<vmem_shared>>
      %dma_start3A_256 = tpu.memref_slice %arg13[%dma_start3A_245] : memref<8x!tpu.dma_semaphore, #tpu.memory_space<semaphore_mem>> -> memref<1x!tpu.dma_semaphore, #tpu.memory_space<semaphore_mem>>
      %dma_start3A_257 = tpu.memref_squeeze %dma_start3A_256 : memref<1x!tpu.dma_semaphore, #tpu.memory_space<semaphore_mem>> -> memref<!tpu.dma_semaphore, #tpu.memory_space<semaphore_mem>>
      tpu.enqueue_indirect_dma source(%dma_start3A_255 : memref<10000x32xf32, #tpu.memory_space<vmem_shared>>) target(%dma_start3A_249 : memref<128x32xf32, #tpu.memory_space<vmem>>) offsets(%dma_start3A_252 : memref<128xi32, #tpu.memory_space<vmem>>) semaphore(%dma_start3A_257 : memref<!tpu.dma_semaphore, #tpu.memory_space<semaphore_mem>>)
      %mul3A_258 = arith.constant 8 : i32
      %mul3A_259 = arith.muli %add3A_146, %mul3A_258 : i32
      %add3A_260 = arith.constant 5 : i32
      %add3A_261 = arith.addi %mul3A_259, %add3A_260 : i32
      %gt3A_262 = arith.constant 0 : i32
      %gt3A_263 = arith.cmpi sgt, %add3A_146, %gt3A_262 : i32
      %convert_element_type3A_264 = arith.extui %gt3A_263 : i1 to i32
      %cond3A_265 = arith.constant 0 : i32
      %cond3A_266 = arith.cmpi ne, %convert_element_type3A_264, %cond3A_265 : i32
      scf.if %cond3A_266 {
        %sub3A = arith.constant 8 : i32
        %sub3A_583 = arith.subi %add3A_261, %sub3A : i32
        %dma_wait3A_584 = arith.constant 5 : i32
        %dma_wait3A_585 = arith.constant 5 : i32
        %dma_wait3A_586 = arith.constant 0 : i32
        %dma_wait3A_587 = arith.constant 0 : i32
        %dma_wait3A_588 = tpu.memref_slice %arg9[%dma_wait3A_584, %dma_wait3A_586, %dma_wait3A_587] : memref<8x128x32xf32, #tpu.memory_space<vmem>> -> memref<1x128x32xf32, #tpu.memory_space<vmem>>
        %dma_wait3A_589 = tpu.memref_squeeze %dma_wait3A_588 : memref<1x128x32xf32, #tpu.memory_space<vmem>> -> memref<128x32xf32, #tpu.memory_space<vmem>>
        %dma_wait3A_590 = arith.constant 0 : i32
        %dma_wait3A_591 = tpu.memref_slice %arg8[%sub3A_583, %dma_wait3A_590] : memref<160x128xi32, #tpu.memory_space<vmem>> -> memref<1x128xi32, #tpu.memory_space<vmem>>
        %dma_wait3A_592 = tpu.memref_squeeze %dma_wait3A_591 : memref<1x128xi32, #tpu.memory_space<vmem>> -> memref<128xi32, #tpu.memory_space<vmem>>
        %dma_wait3A_593 = arith.constant 0 : i32
        %dma_wait3A_594 = arith.constant 0 : i32
        %dma_wait3A_595 = tpu.memref_slice %arg11[%dma_wait3A_593, %dma_wait3A_594] : memref<10240x32xf32, #tpu.memory_space<vmem_shared>> -> memref<10240x32xf32, #tpu.memory_space<vmem_shared>>
        %dma_wait3A_596 = tpu.memref_slice %arg14[%dma_wait3A_585] : memref<8x!tpu.dma_semaphore, #tpu.memory_space<semaphore_mem>> -> memref<1x!tpu.dma_semaphore, #tpu.memory_space<semaphore_mem>>
        %dma_wait3A_597 = tpu.memref_squeeze %dma_wait3A_596 : memref<1x!tpu.dma_semaphore, #tpu.memory_space<semaphore_mem>> -> memref<!tpu.dma_semaphore, #tpu.memory_space<semaphore_mem>>
        tpu.wait_indirect_dma semaphore(%dma_wait3A_597 : memref<!tpu.dma_semaphore, #tpu.memory_space<semaphore_mem>>) src(%dma_wait3A_589 : memref<128x32xf32, #tpu.memory_space<vmem>>) dst(%dma_wait3A_595 : memref<10240x32xf32, #tpu.memory_space<vmem_shared>>)
      } else {
      }
      %dma_start3A_267 = arith.constant 5 : i32
      %dma_start3A_268 = arith.constant 5 : i32
      %dma_start3A_269 = arith.constant 0 : i32
      %dma_start3A_270 = arith.constant 0 : i32
      %dma_start3A_271 = tpu.memref_slice %arg9[%dma_start3A_267, %dma_start3A_269, %dma_start3A_270] : memref<8x128x32xf32, #tpu.memory_space<vmem>> -> memref<1x128x32xf32, #tpu.memory_space<vmem>>
      %dma_start3A_272 = tpu.memref_squeeze %dma_start3A_271 : memref<1x128x32xf32, #tpu.memory_space<vmem>> -> memref<128x32xf32, #tpu.memory_space<vmem>>
      %dma_start3A_273 = arith.constant 0 : i32
      %dma_start3A_274 = tpu.memref_slice %arg7[%add3A_261, %dma_start3A_273] : memref<160x128xi32, #tpu.memory_space<vmem>> -> memref<1x128xi32, #tpu.memory_space<vmem>>
      %dma_start3A_275 = tpu.memref_squeeze %dma_start3A_274 : memref<1x128xi32, #tpu.memory_space<vmem>> -> memref<128xi32, #tpu.memory_space<vmem>>
      %dma_start3A_276 = arith.constant 0 : i32
      %dma_start3A_277 = arith.constant 0 : i32
      %dma_start3A_278 = tpu.memref_slice %arg12[%dma_start3A_276, %dma_start3A_277] : memref<10000x32xf32, #tpu.memory_space<vmem_shared>> -> memref<10000x32xf32, #tpu.memory_space<vmem_shared>>
      %dma_start3A_279 = tpu.memref_slice %arg13[%dma_start3A_268] : memref<8x!tpu.dma_semaphore, #tpu.memory_space<semaphore_mem>> -> memref<1x!tpu.dma_semaphore, #tpu.memory_space<semaphore_mem>>
      %dma_start3A_280 = tpu.memref_squeeze %dma_start3A_279 : memref<1x!tpu.dma_semaphore, #tpu.memory_space<semaphore_mem>> -> memref<!tpu.dma_semaphore, #tpu.memory_space<semaphore_mem>>
      tpu.enqueue_indirect_dma source(%dma_start3A_278 : memref<10000x32xf32, #tpu.memory_space<vmem_shared>>) target(%dma_start3A_272 : memref<128x32xf32, #tpu.memory_space<vmem>>) offsets(%dma_start3A_275 : memref<128xi32, #tpu.memory_space<vmem>>) semaphore(%dma_start3A_280 : memref<!tpu.dma_semaphore, #tpu.memory_space<semaphore_mem>>)
      %mul3A_281 = arith.constant 8 : i32
      %mul3A_282 = arith.muli %add3A_146, %mul3A_281 : i32
      %add3A_283 = arith.constant 6 : i32
      %add3A_284 = arith.addi %mul3A_282, %add3A_283 : i32
      %gt3A_285 = arith.constant 0 : i32
      %gt3A_286 = arith.cmpi sgt, %add3A_146, %gt3A_285 : i32
      %convert_element_type3A_287 = arith.extui %gt3A_286 : i1 to i32
      %cond3A_288 = arith.constant 0 : i32
      %cond3A_289 = arith.cmpi ne, %convert_element_type3A_287, %cond3A_288 : i32
      scf.if %cond3A_289 {
        %sub3A = arith.constant 8 : i32
        %sub3A_583 = arith.subi %add3A_284, %sub3A : i32
        %dma_wait3A_584 = arith.constant 6 : i32
        %dma_wait3A_585 = arith.constant 6 : i32
        %dma_wait3A_586 = arith.constant 0 : i32
        %dma_wait3A_587 = arith.constant 0 : i32
        %dma_wait3A_588 = tpu.memref_slice %arg9[%dma_wait3A_584, %dma_wait3A_586, %dma_wait3A_587] : memref<8x128x32xf32, #tpu.memory_space<vmem>> -> memref<1x128x32xf32, #tpu.memory_space<vmem>>
        %dma_wait3A_589 = tpu.memref_squeeze %dma_wait3A_588 : memref<1x128x32xf32, #tpu.memory_space<vmem>> -> memref<128x32xf32, #tpu.memory_space<vmem>>
        %dma_wait3A_590 = arith.constant 0 : i32
        %dma_wait3A_591 = tpu.memref_slice %arg8[%sub3A_583, %dma_wait3A_590] : memref<160x128xi32, #tpu.memory_space<vmem>> -> memref<1x128xi32, #tpu.memory_space<vmem>>
        %dma_wait3A_592 = tpu.memref_squeeze %dma_wait3A_591 : memref<1x128xi32, #tpu.memory_space<vmem>> -> memref<128xi32, #tpu.memory_space<vmem>>
        %dma_wait3A_593 = arith.constant 0 : i32
        %dma_wait3A_594 = arith.constant 0 : i32
        %dma_wait3A_595 = tpu.memref_slice %arg11[%dma_wait3A_593, %dma_wait3A_594] : memref<10240x32xf32, #tpu.memory_space<vmem_shared>> -> memref<10240x32xf32, #tpu.memory_space<vmem_shared>>
        %dma_wait3A_596 = tpu.memref_slice %arg14[%dma_wait3A_585] : memref<8x!tpu.dma_semaphore, #tpu.memory_space<semaphore_mem>> -> memref<1x!tpu.dma_semaphore, #tpu.memory_space<semaphore_mem>>
        %dma_wait3A_597 = tpu.memref_squeeze %dma_wait3A_596 : memref<1x!tpu.dma_semaphore, #tpu.memory_space<semaphore_mem>> -> memref<!tpu.dma_semaphore, #tpu.memory_space<semaphore_mem>>
        tpu.wait_indirect_dma semaphore(%dma_wait3A_597 : memref<!tpu.dma_semaphore, #tpu.memory_space<semaphore_mem>>) src(%dma_wait3A_589 : memref<128x32xf32, #tpu.memory_space<vmem>>) dst(%dma_wait3A_595 : memref<10240x32xf32, #tpu.memory_space<vmem_shared>>)
      } else {
      }
      %dma_start3A_290 = arith.constant 6 : i32
      %dma_start3A_291 = arith.constant 6 : i32
      %dma_start3A_292 = arith.constant 0 : i32
      %dma_start3A_293 = arith.constant 0 : i32
      %dma_start3A_294 = tpu.memref_slice %arg9[%dma_start3A_290, %dma_start3A_292, %dma_start3A_293] : memref<8x128x32xf32, #tpu.memory_space<vmem>> -> memref<1x128x32xf32, #tpu.memory_space<vmem>>
      %dma_start3A_295 = tpu.memref_squeeze %dma_start3A_294 : memref<1x128x32xf32, #tpu.memory_space<vmem>> -> memref<128x32xf32, #tpu.memory_space<vmem>>
      %dma_start3A_296 = arith.constant 0 : i32
      %dma_start3A_297 = tpu.memref_slice %arg7[%add3A_284, %dma_start3A_296] : memref<160x128xi32, #tpu.memory_space<vmem>> -> memref<1x128xi32, #tpu.memory_space<vmem>>
      %dma_start3A_298 = tpu.memref_squeeze %dma_start3A_297 : memref<1x128xi32, #tpu.memory_space<vmem>> -> memref<128xi32, #tpu.memory_space<vmem>>
      %dma_start3A_299 = arith.constant 0 : i32
      %dma_start3A_300 = arith.constant 0 : i32
      %dma_start3A_301 = tpu.memref_slice %arg12[%dma_start3A_299, %dma_start3A_300] : memref<10000x32xf32, #tpu.memory_space<vmem_shared>> -> memref<10000x32xf32, #tpu.memory_space<vmem_shared>>
      %dma_start3A_302 = tpu.memref_slice %arg13[%dma_start3A_291] : memref<8x!tpu.dma_semaphore, #tpu.memory_space<semaphore_mem>> -> memref<1x!tpu.dma_semaphore, #tpu.memory_space<semaphore_mem>>
      %dma_start3A_303 = tpu.memref_squeeze %dma_start3A_302 : memref<1x!tpu.dma_semaphore, #tpu.memory_space<semaphore_mem>> -> memref<!tpu.dma_semaphore, #tpu.memory_space<semaphore_mem>>
      tpu.enqueue_indirect_dma source(%dma_start3A_301 : memref<10000x32xf32, #tpu.memory_space<vmem_shared>>) target(%dma_start3A_295 : memref<128x32xf32, #tpu.memory_space<vmem>>) offsets(%dma_start3A_298 : memref<128xi32, #tpu.memory_space<vmem>>) semaphore(%dma_start3A_303 : memref<!tpu.dma_semaphore, #tpu.memory_space<semaphore_mem>>)
      %mul3A_304 = arith.constant 8 : i32
      %mul3A_305 = arith.muli %add3A_146, %mul3A_304 : i32
      %add3A_306 = arith.constant 7 : i32
      %add3A_307 = arith.addi %mul3A_305, %add3A_306 : i32
      %gt3A_308 = arith.constant 0 : i32
      %gt3A_309 = arith.cmpi sgt, %add3A_146, %gt3A_308 : i32
      %convert_element_type3A_310 = arith.extui %gt3A_309 : i1 to i32
      %cond3A_311 = arith.constant 0 : i32
      %cond3A_312 = arith.cmpi ne, %convert_element_type3A_310, %cond3A_311 : i32
      scf.if %cond3A_312 {
        %sub3A = arith.constant 8 : i32
        %sub3A_583 = arith.subi %add3A_307, %sub3A : i32
        %dma_wait3A_584 = arith.constant 7 : i32
        %dma_wait3A_585 = arith.constant 7 : i32
        %dma_wait3A_586 = arith.constant 0 : i32
        %dma_wait3A_587 = arith.constant 0 : i32
        %dma_wait3A_588 = tpu.memref_slice %arg9[%dma_wait3A_584, %dma_wait3A_586, %dma_wait3A_587] : memref<8x128x32xf32, #tpu.memory_space<vmem>> -> memref<1x128x32xf32, #tpu.memory_space<vmem>>
        %dma_wait3A_589 = tpu.memref_squeeze %dma_wait3A_588 : memref<1x128x32xf32, #tpu.memory_space<vmem>> -> memref<128x32xf32, #tpu.memory_space<vmem>>
        %dma_wait3A_590 = arith.constant 0 : i32
        %dma_wait3A_591 = tpu.memref_slice %arg8[%sub3A_583, %dma_wait3A_590] : memref<160x128xi32, #tpu.memory_space<vmem>> -> memref<1x128xi32, #tpu.memory_space<vmem>>
        %dma_wait3A_592 = tpu.memref_squeeze %dma_wait3A_591 : memref<1x128xi32, #tpu.memory_space<vmem>> -> memref<128xi32, #tpu.memory_space<vmem>>
        %dma_wait3A_593 = arith.constant 0 : i32
        %dma_wait3A_594 = arith.constant 0 : i32
        %dma_wait3A_595 = tpu.memref_slice %arg11[%dma_wait3A_593, %dma_wait3A_594] : memref<10240x32xf32, #tpu.memory_space<vmem_shared>> -> memref<10240x32xf32, #tpu.memory_space<vmem_shared>>
        %dma_wait3A_596 = tpu.memref_slice %arg14[%dma_wait3A_585] : memref<8x!tpu.dma_semaphore, #tpu.memory_space<semaphore_mem>> -> memref<1x!tpu.dma_semaphore, #tpu.memory_space<semaphore_mem>>
        %dma_wait3A_597 = tpu.memref_squeeze %dma_wait3A_596 : memref<1x!tpu.dma_semaphore, #tpu.memory_space<semaphore_mem>> -> memref<!tpu.dma_semaphore, #tpu.memory_space<semaphore_mem>>
        tpu.wait_indirect_dma semaphore(%dma_wait3A_597 : memref<!tpu.dma_semaphore, #tpu.memory_space<semaphore_mem>>) src(%dma_wait3A_589 : memref<128x32xf32, #tpu.memory_space<vmem>>) dst(%dma_wait3A_595 : memref<10240x32xf32, #tpu.memory_space<vmem_shared>>)
      } else {
      }
      %dma_start3A_313 = arith.constant 7 : i32
      %dma_start3A_314 = arith.constant 7 : i32
      %dma_start3A_315 = arith.constant 0 : i32
      %dma_start3A_316 = arith.constant 0 : i32
      %dma_start3A_317 = tpu.memref_slice %arg9[%dma_start3A_313, %dma_start3A_315, %dma_start3A_316] : memref<8x128x32xf32, #tpu.memory_space<vmem>> -> memref<1x128x32xf32, #tpu.memory_space<vmem>>
      %dma_start3A_318 = tpu.memref_squeeze %dma_start3A_317 : memref<1x128x32xf32, #tpu.memory_space<vmem>> -> memref<128x32xf32, #tpu.memory_space<vmem>>
      %dma_start3A_319 = arith.constant 0 : i32
      %dma_start3A_320 = tpu.memref_slice %arg7[%add3A_307, %dma_start3A_319] : memref<160x128xi32, #tpu.memory_space<vmem>> -> memref<1x128xi32, #tpu.memory_space<vmem>>
      %dma_start3A_321 = tpu.memref_squeeze %dma_start3A_320 : memref<1x128xi32, #tpu.memory_space<vmem>> -> memref<128xi32, #tpu.memory_space<vmem>>
      %dma_start3A_322 = arith.constant 0 : i32
      %dma_start3A_323 = arith.constant 0 : i32
      %dma_start3A_324 = tpu.memref_slice %arg12[%dma_start3A_322, %dma_start3A_323] : memref<10000x32xf32, #tpu.memory_space<vmem_shared>> -> memref<10000x32xf32, #tpu.memory_space<vmem_shared>>
      %dma_start3A_325 = tpu.memref_slice %arg13[%dma_start3A_314] : memref<8x!tpu.dma_semaphore, #tpu.memory_space<semaphore_mem>> -> memref<1x!tpu.dma_semaphore, #tpu.memory_space<semaphore_mem>>
      %dma_start3A_326 = tpu.memref_squeeze %dma_start3A_325 : memref<1x!tpu.dma_semaphore, #tpu.memory_space<semaphore_mem>> -> memref<!tpu.dma_semaphore, #tpu.memory_space<semaphore_mem>>
      tpu.enqueue_indirect_dma source(%dma_start3A_324 : memref<10000x32xf32, #tpu.memory_space<vmem_shared>>) target(%dma_start3A_318 : memref<128x32xf32, #tpu.memory_space<vmem>>) offsets(%dma_start3A_321 : memref<128xi32, #tpu.memory_space<vmem>>) semaphore(%dma_start3A_326 : memref<!tpu.dma_semaphore, #tpu.memory_space<semaphore_mem>>)
      %mul3A_327 = arith.constant 8 : i32
      %mul3A_328 = arith.muli %add3A_146, %mul3A_327 : i32
      %add3A_329 = arith.constant 0 : i32
      %add3A_330 = arith.addi %mul3A_328, %add3A_329 : i32
      %dma_wait3A_331 = arith.constant 0 : i32
      %dma_wait3A_332 = arith.constant 0 : i32
      %dma_wait3A_333 = arith.constant 0 : i32
      %dma_wait3A_334 = arith.constant 0 : i32
      %dma_wait3A_335 = tpu.memref_slice %arg9[%dma_wait3A_331, %dma_wait3A_333, %dma_wait3A_334] : memref<8x128x32xf32, #tpu.memory_space<vmem>> -> memref<1x128x32xf32, #tpu.memory_space<vmem>>
      %dma_wait3A_336 = tpu.memref_squeeze %dma_wait3A_335 : memref<1x128x32xf32, #tpu.memory_space<vmem>> -> memref<128x32xf32, #tpu.memory_space<vmem>>
      %dma_wait3A_337 = arith.constant 0 : i32
      %dma_wait3A_338 = tpu.memref_slice %arg7[%add3A_330, %dma_wait3A_337] : memref<160x128xi32, #tpu.memory_space<vmem>> -> memref<1x128xi32, #tpu.memory_space<vmem>>
      %dma_wait3A_339 = tpu.memref_squeeze %dma_wait3A_338 : memref<1x128xi32, #tpu.memory_space<vmem>> -> memref<128xi32, #tpu.memory_space<vmem>>
      %dma_wait3A_340 = arith.constant 0 : i32
      %dma_wait3A_341 = arith.constant 0 : i32
      %dma_wait3A_342 = tpu.memref_slice %arg12[%dma_wait3A_340, %dma_wait3A_341] : memref<10000x32xf32, #tpu.memory_space<vmem_shared>> -> memref<10000x32xf32, #tpu.memory_space<vmem_shared>>
      %dma_wait3A_343 = tpu.memref_slice %arg13[%dma_wait3A_332] : memref<8x!tpu.dma_semaphore, #tpu.memory_space<semaphore_mem>> -> memref<1x!tpu.dma_semaphore, #tpu.memory_space<semaphore_mem>>
      %dma_wait3A_344 = tpu.memref_squeeze %dma_wait3A_343 : memref<1x!tpu.dma_semaphore, #tpu.memory_space<semaphore_mem>> -> memref<!tpu.dma_semaphore, #tpu.memory_space<semaphore_mem>>
      tpu.wait_indirect_dma semaphore(%dma_wait3A_344 : memref<!tpu.dma_semaphore, #tpu.memory_space<semaphore_mem>>) src(%dma_wait3A_342 : memref<10000x32xf32, #tpu.memory_space<vmem_shared>>) dst(%dma_wait3A_336 : memref<128x32xf32, #tpu.memory_space<vmem>>)
      %dma_start3A_345 = arith.constant 0 : i32
      %dma_start3A_346 = arith.constant 0 : i32
      %dma_start3A_347 = arith.constant 0 : i32
      %dma_start3A_348 = arith.constant 0 : i32
      %dma_start3A_349 = tpu.memref_slice %arg9[%dma_start3A_345, %dma_start3A_347, %dma_start3A_348] : memref<8x128x32xf32, #tpu.memory_space<vmem>> -> memref<1x128x32xf32, #tpu.memory_space<vmem>>
      %dma_start3A_350 = tpu.memref_squeeze %dma_start3A_349 : memref<1x128x32xf32, #tpu.memory_space<vmem>> -> memref<128x32xf32, #tpu.memory_space<vmem>>
      %dma_start3A_351 = arith.constant 0 : i32
      %dma_start3A_352 = tpu.memref_slice %arg8[%add3A_330, %dma_start3A_351] : memref<160x128xi32, #tpu.memory_space<vmem>> -> memref<1x128xi32, #tpu.memory_space<vmem>>
      %dma_start3A_353 = tpu.memref_squeeze %dma_start3A_352 : memref<1x128xi32, #tpu.memory_space<vmem>> -> memref<128xi32, #tpu.memory_space<vmem>>
      %dma_start3A_354 = arith.constant 0 : i32
      %dma_start3A_355 = arith.constant 0 : i32
      %dma_start3A_356 = tpu.memref_slice %arg11[%dma_start3A_354, %dma_start3A_355] : memref<10240x32xf32, #tpu.memory_space<vmem_shared>> -> memref<10240x32xf32, #tpu.memory_space<vmem_shared>>
      %dma_start3A_357 = tpu.memref_slice %arg14[%dma_start3A_346] : memref<8x!tpu.dma_semaphore, #tpu.memory_space<semaphore_mem>> -> memref<1x!tpu.dma_semaphore, #tpu.memory_space<semaphore_mem>>
      %dma_start3A_358 = tpu.memref_squeeze %dma_start3A_357 : memref<1x!tpu.dma_semaphore, #tpu.memory_space<semaphore_mem>> -> memref<!tpu.dma_semaphore, #tpu.memory_space<semaphore_mem>>
      tpu.enqueue_indirect_dma source(%dma_start3A_350 : memref<128x32xf32, #tpu.memory_space<vmem>>) target(%dma_start3A_356 : memref<10240x32xf32, #tpu.memory_space<vmem_shared>>) offsets(%dma_start3A_353 : memref<128xi32, #tpu.memory_space<vmem>>) semaphore(%dma_start3A_358 : memref<!tpu.dma_semaphore, #tpu.memory_space<semaphore_mem>>) {add = true}
      %mul3A_359 = arith.constant 8 : i32
      %mul3A_360 = arith.muli %add3A_146, %mul3A_359 : i32
      %add3A_361 = arith.constant 1 : i32
      %add3A_362 = arith.addi %mul3A_360, %add3A_361 : i32
      %dma_wait3A_363 = arith.constant 1 : i32
      %dma_wait3A_364 = arith.constant 1 : i32
      %dma_wait3A_365 = arith.constant 0 : i32
      %dma_wait3A_366 = arith.constant 0 : i32
      %dma_wait3A_367 = tpu.memref_slice %arg9[%dma_wait3A_363, %dma_wait3A_365, %dma_wait3A_366] : memref<8x128x32xf32, #tpu.memory_space<vmem>> -> memref<1x128x32xf32, #tpu.memory_space<vmem>>
      %dma_wait3A_368 = tpu.memref_squeeze %dma_wait3A_367 : memref<1x128x32xf32, #tpu.memory_space<vmem>> -> memref<128x32xf32, #tpu.memory_space<vmem>>
      %dma_wait3A_369 = arith.constant 0 : i32
      %dma_wait3A_370 = tpu.memref_slice %arg7[%add3A_362, %dma_wait3A_369] : memref<160x128xi32, #tpu.memory_space<vmem>> -> memref<1x128xi32, #tpu.memory_space<vmem>>
      %dma_wait3A_371 = tpu.memref_squeeze %dma_wait3A_370 : memref<1x128xi32, #tpu.memory_space<vmem>> -> memref<128xi32, #tpu.memory_space<vmem>>
      %dma_wait3A_372 = arith.constant 0 : i32
      %dma_wait3A_373 = arith.constant 0 : i32
      %dma_wait3A_374 = tpu.memref_slice %arg12[%dma_wait3A_372, %dma_wait3A_373] : memref<10000x32xf32, #tpu.memory_space<vmem_shared>> -> memref<10000x32xf32, #tpu.memory_space<vmem_shared>>
      %dma_wait3A_375 = tpu.memref_slice %arg13[%dma_wait3A_364] : memref<8x!tpu.dma_semaphore, #tpu.memory_space<semaphore_mem>> -> memref<1x!tpu.dma_semaphore, #tpu.memory_space<semaphore_mem>>
      %dma_wait3A_376 = tpu.memref_squeeze %dma_wait3A_375 : memref<1x!tpu.dma_semaphore, #tpu.memory_space<semaphore_mem>> -> memref<!tpu.dma_semaphore, #tpu.memory_space<semaphore_mem>>
      tpu.wait_indirect_dma semaphore(%dma_wait3A_376 : memref<!tpu.dma_semaphore, #tpu.memory_space<semaphore_mem>>) src(%dma_wait3A_374 : memref<10000x32xf32, #tpu.memory_space<vmem_shared>>) dst(%dma_wait3A_368 : memref<128x32xf32, #tpu.memory_space<vmem>>)
      %dma_start3A_377 = arith.constant 1 : i32
      %dma_start3A_378 = arith.constant 1 : i32
      %dma_start3A_379 = arith.constant 0 : i32
      %dma_start3A_380 = arith.constant 0 : i32
      %dma_start3A_381 = tpu.memref_slice %arg9[%dma_start3A_377, %dma_start3A_379, %dma_start3A_380] : memref<8x128x32xf32, #tpu.memory_space<vmem>> -> memref<1x128x32xf32, #tpu.memory_space<vmem>>
      %dma_start3A_382 = tpu.memref_squeeze %dma_start3A_381 : memref<1x128x32xf32, #tpu.memory_space<vmem>> -> memref<128x32xf32, #tpu.memory_space<vmem>>
      %dma_start3A_383 = arith.constant 0 : i32
      %dma_start3A_384 = tpu.memref_slice %arg8[%add3A_362, %dma_start3A_383] : memref<160x128xi32, #tpu.memory_space<vmem>> -> memref<1x128xi32, #tpu.memory_space<vmem>>
      %dma_start3A_385 = tpu.memref_squeeze %dma_start3A_384 : memref<1x128xi32, #tpu.memory_space<vmem>> -> memref<128xi32, #tpu.memory_space<vmem>>
      %dma_start3A_386 = arith.constant 0 : i32
      %dma_start3A_387 = arith.constant 0 : i32
      %dma_start3A_388 = tpu.memref_slice %arg11[%dma_start3A_386, %dma_start3A_387] : memref<10240x32xf32, #tpu.memory_space<vmem_shared>> -> memref<10240x32xf32, #tpu.memory_space<vmem_shared>>
      %dma_start3A_389 = tpu.memref_slice %arg14[%dma_start3A_378] : memref<8x!tpu.dma_semaphore, #tpu.memory_space<semaphore_mem>> -> memref<1x!tpu.dma_semaphore, #tpu.memory_space<semaphore_mem>>
      %dma_start3A_390 = tpu.memref_squeeze %dma_start3A_389 : memref<1x!tpu.dma_semaphore, #tpu.memory_space<semaphore_mem>> -> memref<!tpu.dma_semaphore, #tpu.memory_space<semaphore_mem>>
      tpu.enqueue_indirect_dma source(%dma_start3A_382 : memref<128x32xf32, #tpu.memory_space<vmem>>) target(%dma_start3A_388 : memref<10240x32xf32, #tpu.memory_space<vmem_shared>>) offsets(%dma_start3A_385 : memref<128xi32, #tpu.memory_space<vmem>>) semaphore(%dma_start3A_390 : memref<!tpu.dma_semaphore, #tpu.memory_space<semaphore_mem>>) {add = true}
      %mul3A_391 = arith.constant 8 : i32
      %mul3A_392 = arith.muli %add3A_146, %mul3A_391 : i32
      %add3A_393 = arith.constant 2 : i32
      %add3A_394 = arith.addi %mul3A_392, %add3A_393 : i32
      %dma_wait3A_395 = arith.constant 2 : i32
      %dma_wait3A_396 = arith.constant 2 : i32
      %dma_wait3A_397 = arith.constant 0 : i32
      %dma_wait3A_398 = arith.constant 0 : i32
      %dma_wait3A_399 = tpu.memref_slice %arg9[%dma_wait3A_395, %dma_wait3A_397, %dma_wait3A_398] : memref<8x128x32xf32, #tpu.memory_space<vmem>> -> memref<1x128x32xf32, #tpu.memory_space<vmem>>
      %dma_wait3A_400 = tpu.memref_squeeze %dma_wait3A_399 : memref<1x128x32xf32, #tpu.memory_space<vmem>> -> memref<128x32xf32, #tpu.memory_space<vmem>>
      %dma_wait3A_401 = arith.constant 0 : i32
      %dma_wait3A_402 = tpu.memref_slice %arg7[%add3A_394, %dma_wait3A_401] : memref<160x128xi32, #tpu.memory_space<vmem>> -> memref<1x128xi32, #tpu.memory_space<vmem>>
      %dma_wait3A_403 = tpu.memref_squeeze %dma_wait3A_402 : memref<1x128xi32, #tpu.memory_space<vmem>> -> memref<128xi32, #tpu.memory_space<vmem>>
      %dma_wait3A_404 = arith.constant 0 : i32
      %dma_wait3A_405 = arith.constant 0 : i32
      %dma_wait3A_406 = tpu.memref_slice %arg12[%dma_wait3A_404, %dma_wait3A_405] : memref<10000x32xf32, #tpu.memory_space<vmem_shared>> -> memref<10000x32xf32, #tpu.memory_space<vmem_shared>>
      %dma_wait3A_407 = tpu.memref_slice %arg13[%dma_wait3A_396] : memref<8x!tpu.dma_semaphore, #tpu.memory_space<semaphore_mem>> -> memref<1x!tpu.dma_semaphore, #tpu.memory_space<semaphore_mem>>
      %dma_wait3A_408 = tpu.memref_squeeze %dma_wait3A_407 : memref<1x!tpu.dma_semaphore, #tpu.memory_space<semaphore_mem>> -> memref<!tpu.dma_semaphore, #tpu.memory_space<semaphore_mem>>
      tpu.wait_indirect_dma semaphore(%dma_wait3A_408 : memref<!tpu.dma_semaphore, #tpu.memory_space<semaphore_mem>>) src(%dma_wait3A_406 : memref<10000x32xf32, #tpu.memory_space<vmem_shared>>) dst(%dma_wait3A_400 : memref<128x32xf32, #tpu.memory_space<vmem>>)
      %dma_start3A_409 = arith.constant 2 : i32
      %dma_start3A_410 = arith.constant 2 : i32
      %dma_start3A_411 = arith.constant 0 : i32
      %dma_start3A_412 = arith.constant 0 : i32
      %dma_start3A_413 = tpu.memref_slice %arg9[%dma_start3A_409, %dma_start3A_411, %dma_start3A_412] : memref<8x128x32xf32, #tpu.memory_space<vmem>> -> memref<1x128x32xf32, #tpu.memory_space<vmem>>
      %dma_start3A_414 = tpu.memref_squeeze %dma_start3A_413 : memref<1x128x32xf32, #tpu.memory_space<vmem>> -> memref<128x32xf32, #tpu.memory_space<vmem>>
      %dma_start3A_415 = arith.constant 0 : i32
      %dma_start3A_416 = tpu.memref_slice %arg8[%add3A_394, %dma_start3A_415] : memref<160x128xi32, #tpu.memory_space<vmem>> -> memref<1x128xi32, #tpu.memory_space<vmem>>
      %dma_start3A_417 = tpu.memref_squeeze %dma_start3A_416 : memref<1x128xi32, #tpu.memory_space<vmem>> -> memref<128xi32, #tpu.memory_space<vmem>>
      %dma_start3A_418 = arith.constant 0 : i32
      %dma_start3A_419 = arith.constant 0 : i32
      %dma_start3A_420 = tpu.memref_slice %arg11[%dma_start3A_418, %dma_start3A_419] : memref<10240x32xf32, #tpu.memory_space<vmem_shared>> -> memref<10240x32xf32, #tpu.memory_space<vmem_shared>>
      %dma_start3A_421 = tpu.memref_slice %arg14[%dma_start3A_410] : memref<8x!tpu.dma_semaphore, #tpu.memory_space<semaphore_mem>> -> memref<1x!tpu.dma_semaphore, #tpu.memory_space<semaphore_mem>>
      %dma_start3A_422 = tpu.memref_squeeze %dma_start3A_421 : memref<1x!tpu.dma_semaphore, #tpu.memory_space<semaphore_mem>> -> memref<!tpu.dma_semaphore, #tpu.memory_space<semaphore_mem>>
      tpu.enqueue_indirect_dma source(%dma_start3A_414 : memref<128x32xf32, #tpu.memory_space<vmem>>) target(%dma_start3A_420 : memref<10240x32xf32, #tpu.memory_space<vmem_shared>>) offsets(%dma_start3A_417 : memref<128xi32, #tpu.memory_space<vmem>>) semaphore(%dma_start3A_422 : memref<!tpu.dma_semaphore, #tpu.memory_space<semaphore_mem>>) {add = true}
      %mul3A_423 = arith.constant 8 : i32
      %mul3A_424 = arith.muli %add3A_146, %mul3A_423 : i32
      %add3A_425 = arith.constant 3 : i32
      %add3A_426 = arith.addi %mul3A_424, %add3A_425 : i32
      %dma_wait3A_427 = arith.constant 3 : i32
      %dma_wait3A_428 = arith.constant 3 : i32
      %dma_wait3A_429 = arith.constant 0 : i32
      %dma_wait3A_430 = arith.constant 0 : i32
      %dma_wait3A_431 = tpu.memref_slice %arg9[%dma_wait3A_427, %dma_wait3A_429, %dma_wait3A_430] : memref<8x128x32xf32, #tpu.memory_space<vmem>> -> memref<1x128x32xf32, #tpu.memory_space<vmem>>
      %dma_wait3A_432 = tpu.memref_squeeze %dma_wait3A_431 : memref<1x128x32xf32, #tpu.memory_space<vmem>> -> memref<128x32xf32, #tpu.memory_space<vmem>>
      %dma_wait3A_433 = arith.constant 0 : i32
      %dma_wait3A_434 = tpu.memref_slice %arg7[%add3A_426, %dma_wait3A_433] : memref<160x128xi32, #tpu.memory_space<vmem>> -> memref<1x128xi32, #tpu.memory_space<vmem>>
      %dma_wait3A_435 = tpu.memref_squeeze %dma_wait3A_434 : memref<1x128xi32, #tpu.memory_space<vmem>> -> memref<128xi32, #tpu.memory_space<vmem>>
      %dma_wait3A_436 = arith.constant 0 : i32
      %dma_wait3A_437 = arith.constant 0 : i32
      %dma_wait3A_438 = tpu.memref_slice %arg12[%dma_wait3A_436, %dma_wait3A_437] : memref<10000x32xf32, #tpu.memory_space<vmem_shared>> -> memref<10000x32xf32, #tpu.memory_space<vmem_shared>>
      %dma_wait3A_439 = tpu.memref_slice %arg13[%dma_wait3A_428] : memref<8x!tpu.dma_semaphore, #tpu.memory_space<semaphore_mem>> -> memref<1x!tpu.dma_semaphore, #tpu.memory_space<semaphore_mem>>
      %dma_wait3A_440 = tpu.memref_squeeze %dma_wait3A_439 : memref<1x!tpu.dma_semaphore, #tpu.memory_space<semaphore_mem>> -> memref<!tpu.dma_semaphore, #tpu.memory_space<semaphore_mem>>
      tpu.wait_indirect_dma semaphore(%dma_wait3A_440 : memref<!tpu.dma_semaphore, #tpu.memory_space<semaphore_mem>>) src(%dma_wait3A_438 : memref<10000x32xf32, #tpu.memory_space<vmem_shared>>) dst(%dma_wait3A_432 : memref<128x32xf32, #tpu.memory_space<vmem>>)
      %dma_start3A_441 = arith.constant 3 : i32
      %dma_start3A_442 = arith.constant 3 : i32
      %dma_start3A_443 = arith.constant 0 : i32
      %dma_start3A_444 = arith.constant 0 : i32
      %dma_start3A_445 = tpu.memref_slice %arg9[%dma_start3A_441, %dma_start3A_443, %dma_start3A_444] : memref<8x128x32xf32, #tpu.memory_space<vmem>> -> memref<1x128x32xf32, #tpu.memory_space<vmem>>
      %dma_start3A_446 = tpu.memref_squeeze %dma_start3A_445 : memref<1x128x32xf32, #tpu.memory_space<vmem>> -> memref<128x32xf32, #tpu.memory_space<vmem>>
      %dma_start3A_447 = arith.constant 0 : i32
      %dma_start3A_448 = tpu.memref_slice %arg8[%add3A_426, %dma_start3A_447] : memref<160x128xi32, #tpu.memory_space<vmem>> -> memref<1x128xi32, #tpu.memory_space<vmem>>
      %dma_start3A_449 = tpu.memref_squeeze %dma_start3A_448 : memref<1x128xi32, #tpu.memory_space<vmem>> -> memref<128xi32, #tpu.memory_space<vmem>>
      %dma_start3A_450 = arith.constant 0 : i32
      %dma_start3A_451 = arith.constant 0 : i32
      %dma_start3A_452 = tpu.memref_slice %arg11[%dma_start3A_450, %dma_start3A_451] : memref<10240x32xf32, #tpu.memory_space<vmem_shared>> -> memref<10240x32xf32, #tpu.memory_space<vmem_shared>>
      %dma_start3A_453 = tpu.memref_slice %arg14[%dma_start3A_442] : memref<8x!tpu.dma_semaphore, #tpu.memory_space<semaphore_mem>> -> memref<1x!tpu.dma_semaphore, #tpu.memory_space<semaphore_mem>>
      %dma_start3A_454 = tpu.memref_squeeze %dma_start3A_453 : memref<1x!tpu.dma_semaphore, #tpu.memory_space<semaphore_mem>> -> memref<!tpu.dma_semaphore, #tpu.memory_space<semaphore_mem>>
      tpu.enqueue_indirect_dma source(%dma_start3A_446 : memref<128x32xf32, #tpu.memory_space<vmem>>) target(%dma_start3A_452 : memref<10240x32xf32, #tpu.memory_space<vmem_shared>>) offsets(%dma_start3A_449 : memref<128xi32, #tpu.memory_space<vmem>>) semaphore(%dma_start3A_454 : memref<!tpu.dma_semaphore, #tpu.memory_space<semaphore_mem>>) {add = true}
      %mul3A_455 = arith.constant 8 : i32
      %mul3A_456 = arith.muli %add3A_146, %mul3A_455 : i32
      %add3A_457 = arith.constant 4 : i32
      %add3A_458 = arith.addi %mul3A_456, %add3A_457 : i32
      %dma_wait3A_459 = arith.constant 4 : i32
      %dma_wait3A_460 = arith.constant 4 : i32
      %dma_wait3A_461 = arith.constant 0 : i32
      %dma_wait3A_462 = arith.constant 0 : i32
      %dma_wait3A_463 = tpu.memref_slice %arg9[%dma_wait3A_459, %dma_wait3A_461, %dma_wait3A_462] : memref<8x128x32xf32, #tpu.memory_space<vmem>> -> memref<1x128x32xf32, #tpu.memory_space<vmem>>
      %dma_wait3A_464 = tpu.memref_squeeze %dma_wait3A_463 : memref<1x128x32xf32, #tpu.memory_space<vmem>> -> memref<128x32xf32, #tpu.memory_space<vmem>>
      %dma_wait3A_465 = arith.constant 0 : i32
      %dma_wait3A_466 = tpu.memref_slice %arg7[%add3A_458, %dma_wait3A_465] : memref<160x128xi32, #tpu.memory_space<vmem>> -> memref<1x128xi32, #tpu.memory_space<vmem>>
      %dma_wait3A_467 = tpu.memref_squeeze %dma_wait3A_466 : memref<1x128xi32, #tpu.memory_space<vmem>> -> memref<128xi32, #tpu.memory_space<vmem>>
      %dma_wait3A_468 = arith.constant 0 : i32
      %dma_wait3A_469 = arith.constant 0 : i32
      %dma_wait3A_470 = tpu.memref_slice %arg12[%dma_wait3A_468, %dma_wait3A_469] : memref<10000x32xf32, #tpu.memory_space<vmem_shared>> -> memref<10000x32xf32, #tpu.memory_space<vmem_shared>>
      %dma_wait3A_471 = tpu.memref_slice %arg13[%dma_wait3A_460] : memref<8x!tpu.dma_semaphore, #tpu.memory_space<semaphore_mem>> -> memref<1x!tpu.dma_semaphore, #tpu.memory_space<semaphore_mem>>
      %dma_wait3A_472 = tpu.memref_squeeze %dma_wait3A_471 : memref<1x!tpu.dma_semaphore, #tpu.memory_space<semaphore_mem>> -> memref<!tpu.dma_semaphore, #tpu.memory_space<semaphore_mem>>
      tpu.wait_indirect_dma semaphore(%dma_wait3A_472 : memref<!tpu.dma_semaphore, #tpu.memory_space<semaphore_mem>>) src(%dma_wait3A_470 : memref<10000x32xf32, #tpu.memory_space<vmem_shared>>) dst(%dma_wait3A_464 : memref<128x32xf32, #tpu.memory_space<vmem>>)
      %dma_start3A_473 = arith.constant 4 : i32
      %dma_start3A_474 = arith.constant 4 : i32
      %dma_start3A_475 = arith.constant 0 : i32
      %dma_start3A_476 = arith.constant 0 : i32
      %dma_start3A_477 = tpu.memref_slice %arg9[%dma_start3A_473, %dma_start3A_475, %dma_start3A_476] : memref<8x128x32xf32, #tpu.memory_space<vmem>> -> memref<1x128x32xf32, #tpu.memory_space<vmem>>
      %dma_start3A_478 = tpu.memref_squeeze %dma_start3A_477 : memref<1x128x32xf32, #tpu.memory_space<vmem>> -> memref<128x32xf32, #tpu.memory_space<vmem>>
      %dma_start3A_479 = arith.constant 0 : i32
      %dma_start3A_480 = tpu.memref_slice %arg8[%add3A_458, %dma_start3A_479] : memref<160x128xi32, #tpu.memory_space<vmem>> -> memref<1x128xi32, #tpu.memory_space<vmem>>
      %dma_start3A_481 = tpu.memref_squeeze %dma_start3A_480 : memref<1x128xi32, #tpu.memory_space<vmem>> -> memref<128xi32, #tpu.memory_space<vmem>>
      %dma_start3A_482 = arith.constant 0 : i32
      %dma_start3A_483 = arith.constant 0 : i32
      %dma_start3A_484 = tpu.memref_slice %arg11[%dma_start3A_482, %dma_start3A_483] : memref<10240x32xf32, #tpu.memory_space<vmem_shared>> -> memref<10240x32xf32, #tpu.memory_space<vmem_shared>>
      %dma_start3A_485 = tpu.memref_slice %arg14[%dma_start3A_474] : memref<8x!tpu.dma_semaphore, #tpu.memory_space<semaphore_mem>> -> memref<1x!tpu.dma_semaphore, #tpu.memory_space<semaphore_mem>>
      %dma_start3A_486 = tpu.memref_squeeze %dma_start3A_485 : memref<1x!tpu.dma_semaphore, #tpu.memory_space<semaphore_mem>> -> memref<!tpu.dma_semaphore, #tpu.memory_space<semaphore_mem>>
      tpu.enqueue_indirect_dma source(%dma_start3A_478 : memref<128x32xf32, #tpu.memory_space<vmem>>) target(%dma_start3A_484 : memref<10240x32xf32, #tpu.memory_space<vmem_shared>>) offsets(%dma_start3A_481 : memref<128xi32, #tpu.memory_space<vmem>>) semaphore(%dma_start3A_486 : memref<!tpu.dma_semaphore, #tpu.memory_space<semaphore_mem>>) {add = true}
      %mul3A_487 = arith.constant 8 : i32
      %mul3A_488 = arith.muli %add3A_146, %mul3A_487 : i32
      %add3A_489 = arith.constant 5 : i32
      %add3A_490 = arith.addi %mul3A_488, %add3A_489 : i32
      %dma_wait3A_491 = arith.constant 5 : i32
      %dma_wait3A_492 = arith.constant 5 : i32
      %dma_wait3A_493 = arith.constant 0 : i32
      %dma_wait3A_494 = arith.constant 0 : i32
      %dma_wait3A_495 = tpu.memref_slice %arg9[%dma_wait3A_491, %dma_wait3A_493, %dma_wait3A_494] : memref<8x128x32xf32, #tpu.memory_space<vmem>> -> memref<1x128x32xf32, #tpu.memory_space<vmem>>
      %dma_wait3A_496 = tpu.memref_squeeze %dma_wait3A_495 : memref<1x128x32xf32, #tpu.memory_space<vmem>> -> memref<128x32xf32, #tpu.memory_space<vmem>>
      %dma_wait3A_497 = arith.constant 0 : i32
      %dma_wait3A_498 = tpu.memref_slice %arg7[%add3A_490, %dma_wait3A_497] : memref<160x128xi32, #tpu.memory_space<vmem>> -> memref<1x128xi32, #tpu.memory_space<vmem>>
      %dma_wait3A_499 = tpu.memref_squeeze %dma_wait3A_498 : memref<1x128xi32, #tpu.memory_space<vmem>> -> memref<128xi32, #tpu.memory_space<vmem>>
      %dma_wait3A_500 = arith.constant 0 : i32
      %dma_wait3A_501 = arith.constant 0 : i32
      %dma_wait3A_502 = tpu.memref_slice %arg12[%dma_wait3A_500, %dma_wait3A_501] : memref<10000x32xf32, #tpu.memory_space<vmem_shared>> -> memref<10000x32xf32, #tpu.memory_space<vmem_shared>>
      %dma_wait3A_503 = tpu.memref_slice %arg13[%dma_wait3A_492] : memref<8x!tpu.dma_semaphore, #tpu.memory_space<semaphore_mem>> -> memref<1x!tpu.dma_semaphore, #tpu.memory_space<semaphore_mem>>
      %dma_wait3A_504 = tpu.memref_squeeze %dma_wait3A_503 : memref<1x!tpu.dma_semaphore, #tpu.memory_space<semaphore_mem>> -> memref<!tpu.dma_semaphore, #tpu.memory_space<semaphore_mem>>
      tpu.wait_indirect_dma semaphore(%dma_wait3A_504 : memref<!tpu.dma_semaphore, #tpu.memory_space<semaphore_mem>>) src(%dma_wait3A_502 : memref<10000x32xf32, #tpu.memory_space<vmem_shared>>) dst(%dma_wait3A_496 : memref<128x32xf32, #tpu.memory_space<vmem>>)
      %dma_start3A_505 = arith.constant 5 : i32
      %dma_start3A_506 = arith.constant 5 : i32
      %dma_start3A_507 = arith.constant 0 : i32
      %dma_start3A_508 = arith.constant 0 : i32
      %dma_start3A_509 = tpu.memref_slice %arg9[%dma_start3A_505, %dma_start3A_507, %dma_start3A_508] : memref<8x128x32xf32, #tpu.memory_space<vmem>> -> memref<1x128x32xf32, #tpu.memory_space<vmem>>
      %dma_start3A_510 = tpu.memref_squeeze %dma_start3A_509 : memref<1x128x32xf32, #tpu.memory_space<vmem>> -> memref<128x32xf32, #tpu.memory_space<vmem>>
      %dma_start3A_511 = arith.constant 0 : i32
      %dma_start3A_512 = tpu.memref_slice %arg8[%add3A_490, %dma_start3A_511] : memref<160x128xi32, #tpu.memory_space<vmem>> -> memref<1x128xi32, #tpu.memory_space<vmem>>
      %dma_start3A_513 = tpu.memref_squeeze %dma_start3A_512 : memref<1x128xi32, #tpu.memory_space<vmem>> -> memref<128xi32, #tpu.memory_space<vmem>>
      %dma_start3A_514 = arith.constant 0 : i32
      %dma_start3A_515 = arith.constant 0 : i32
      %dma_start3A_516 = tpu.memref_slice %arg11[%dma_start3A_514, %dma_start3A_515] : memref<10240x32xf32, #tpu.memory_space<vmem_shared>> -> memref<10240x32xf32, #tpu.memory_space<vmem_shared>>
      %dma_start3A_517 = tpu.memref_slice %arg14[%dma_start3A_506] : memref<8x!tpu.dma_semaphore, #tpu.memory_space<semaphore_mem>> -> memref<1x!tpu.dma_semaphore, #tpu.memory_space<semaphore_mem>>
      %dma_start3A_518 = tpu.memref_squeeze %dma_start3A_517 : memref<1x!tpu.dma_semaphore, #tpu.memory_space<semaphore_mem>> -> memref<!tpu.dma_semaphore, #tpu.memory_space<semaphore_mem>>
      tpu.enqueue_indirect_dma source(%dma_start3A_510 : memref<128x32xf32, #tpu.memory_space<vmem>>) target(%dma_start3A_516 : memref<10240x32xf32, #tpu.memory_space<vmem_shared>>) offsets(%dma_start3A_513 : memref<128xi32, #tpu.memory_space<vmem>>) semaphore(%dma_start3A_518 : memref<!tpu.dma_semaphore, #tpu.memory_space<semaphore_mem>>) {add = true}
      %mul3A_519 = arith.constant 8 : i32
      %mul3A_520 = arith.muli %add3A_146, %mul3A_519 : i32
      %add3A_521 = arith.constant 6 : i32
      %add3A_522 = arith.addi %mul3A_520, %add3A_521 : i32
      %dma_wait3A_523 = arith.constant 6 : i32
      %dma_wait3A_524 = arith.constant 6 : i32
      %dma_wait3A_525 = arith.constant 0 : i32
      %dma_wait3A_526 = arith.constant 0 : i32
      %dma_wait3A_527 = tpu.memref_slice %arg9[%dma_wait3A_523, %dma_wait3A_525, %dma_wait3A_526] : memref<8x128x32xf32, #tpu.memory_space<vmem>> -> memref<1x128x32xf32, #tpu.memory_space<vmem>>
      %dma_wait3A_528 = tpu.memref_squeeze %dma_wait3A_527 : memref<1x128x32xf32, #tpu.memory_space<vmem>> -> memref<128x32xf32, #tpu.memory_space<vmem>>
      %dma_wait3A_529 = arith.constant 0 : i32
      %dma_wait3A_530 = tpu.memref_slice %arg7[%add3A_522, %dma_wait3A_529] : memref<160x128xi32, #tpu.memory_space<vmem>> -> memref<1x128xi32, #tpu.memory_space<vmem>>
      %dma_wait3A_531 = tpu.memref_squeeze %dma_wait3A_530 : memref<1x128xi32, #tpu.memory_space<vmem>> -> memref<128xi32, #tpu.memory_space<vmem>>
      %dma_wait3A_532 = arith.constant 0 : i32
      %dma_wait3A_533 = arith.constant 0 : i32
      %dma_wait3A_534 = tpu.memref_slice %arg12[%dma_wait3A_532, %dma_wait3A_533] : memref<10000x32xf32, #tpu.memory_space<vmem_shared>> -> memref<10000x32xf32, #tpu.memory_space<vmem_shared>>
      %dma_wait3A_535 = tpu.memref_slice %arg13[%dma_wait3A_524] : memref<8x!tpu.dma_semaphore, #tpu.memory_space<semaphore_mem>> -> memref<1x!tpu.dma_semaphore, #tpu.memory_space<semaphore_mem>>
      %dma_wait3A_536 = tpu.memref_squeeze %dma_wait3A_535 : memref<1x!tpu.dma_semaphore, #tpu.memory_space<semaphore_mem>> -> memref<!tpu.dma_semaphore, #tpu.memory_space<semaphore_mem>>
      tpu.wait_indirect_dma semaphore(%dma_wait3A_536 : memref<!tpu.dma_semaphore, #tpu.memory_space<semaphore_mem>>) src(%dma_wait3A_534 : memref<10000x32xf32, #tpu.memory_space<vmem_shared>>) dst(%dma_wait3A_528 : memref<128x32xf32, #tpu.memory_space<vmem>>)
      %dma_start3A_537 = arith.constant 6 : i32
      %dma_start3A_538 = arith.constant 6 : i32
      %dma_start3A_539 = arith.constant 0 : i32
      %dma_start3A_540 = arith.constant 0 : i32
      %dma_start3A_541 = tpu.memref_slice %arg9[%dma_start3A_537, %dma_start3A_539, %dma_start3A_540] : memref<8x128x32xf32, #tpu.memory_space<vmem>> -> memref<1x128x32xf32, #tpu.memory_space<vmem>>
      %dma_start3A_542 = tpu.memref_squeeze %dma_start3A_541 : memref<1x128x32xf32, #tpu.memory_space<vmem>> -> memref<128x32xf32, #tpu.memory_space<vmem>>
      %dma_start3A_543 = arith.constant 0 : i32
      %dma_start3A_544 = tpu.memref_slice %arg8[%add3A_522, %dma_start3A_543] : memref<160x128xi32, #tpu.memory_space<vmem>> -> memref<1x128xi32, #tpu.memory_space<vmem>>
      %dma_start3A_545 = tpu.memref_squeeze %dma_start3A_544 : memref<1x128xi32, #tpu.memory_space<vmem>> -> memref<128xi32, #tpu.memory_space<vmem>>
      %dma_start3A_546 = arith.constant 0 : i32
      %dma_start3A_547 = arith.constant 0 : i32
      %dma_start3A_548 = tpu.memref_slice %arg11[%dma_start3A_546, %dma_start3A_547] : memref<10240x32xf32, #tpu.memory_space<vmem_shared>> -> memref<10240x32xf32, #tpu.memory_space<vmem_shared>>
      %dma_start3A_549 = tpu.memref_slice %arg14[%dma_start3A_538] : memref<8x!tpu.dma_semaphore, #tpu.memory_space<semaphore_mem>> -> memref<1x!tpu.dma_semaphore, #tpu.memory_space<semaphore_mem>>
      %dma_start3A_550 = tpu.memref_squeeze %dma_start3A_549 : memref<1x!tpu.dma_semaphore, #tpu.memory_space<semaphore_mem>> -> memref<!tpu.dma_semaphore, #tpu.memory_space<semaphore_mem>>
      tpu.enqueue_indirect_dma source(%dma_start3A_542 : memref<128x32xf32, #tpu.memory_space<vmem>>) target(%dma_start3A_548 : memref<10240x32xf32, #tpu.memory_space<vmem_shared>>) offsets(%dma_start3A_545 : memref<128xi32, #tpu.memory_space<vmem>>) semaphore(%dma_start3A_550 : memref<!tpu.dma_semaphore, #tpu.memory_space<semaphore_mem>>) {add = true}
      %mul3A_551 = arith.constant 8 : i32
      %mul3A_552 = arith.muli %add3A_146, %mul3A_551 : i32
      %add3A_553 = arith.constant 7 : i32
      %add3A_554 = arith.addi %mul3A_552, %add3A_553 : i32
      %dma_wait3A_555 = arith.constant 7 : i32
      %dma_wait3A_556 = arith.constant 7 : i32
      %dma_wait3A_557 = arith.constant 0 : i32
      %dma_wait3A_558 = arith.constant 0 : i32
      %dma_wait3A_559 = tpu.memref_slice %arg9[%dma_wait3A_555, %dma_wait3A_557, %dma_wait3A_558] : memref<8x128x32xf32, #tpu.memory_space<vmem>> -> memref<1x128x32xf32, #tpu.memory_space<vmem>>
      %dma_wait3A_560 = tpu.memref_squeeze %dma_wait3A_559 : memref<1x128x32xf32, #tpu.memory_space<vmem>> -> memref<128x32xf32, #tpu.memory_space<vmem>>
      %dma_wait3A_561 = arith.constant 0 : i32
      %dma_wait3A_562 = tpu.memref_slice %arg7[%add3A_554, %dma_wait3A_561] : memref<160x128xi32, #tpu.memory_space<vmem>> -> memref<1x128xi32, #tpu.memory_space<vmem>>
      %dma_wait3A_563 = tpu.memref_squeeze %dma_wait3A_562 : memref<1x128xi32, #tpu.memory_space<vmem>> -> memref<128xi32, #tpu.memory_space<vmem>>
      %dma_wait3A_564 = arith.constant 0 : i32
      %dma_wait3A_565 = arith.constant 0 : i32
      %dma_wait3A_566 = tpu.memref_slice %arg12[%dma_wait3A_564, %dma_wait3A_565] : memref<10000x32xf32, #tpu.memory_space<vmem_shared>> -> memref<10000x32xf32, #tpu.memory_space<vmem_shared>>
      %dma_wait3A_567 = tpu.memref_slice %arg13[%dma_wait3A_556] : memref<8x!tpu.dma_semaphore, #tpu.memory_space<semaphore_mem>> -> memref<1x!tpu.dma_semaphore, #tpu.memory_space<semaphore_mem>>
      %dma_wait3A_568 = tpu.memref_squeeze %dma_wait3A_567 : memref<1x!tpu.dma_semaphore, #tpu.memory_space<semaphore_mem>> -> memref<!tpu.dma_semaphore, #tpu.memory_space<semaphore_mem>>
      tpu.wait_indirect_dma semaphore(%dma_wait3A_568 : memref<!tpu.dma_semaphore, #tpu.memory_space<semaphore_mem>>) src(%dma_wait3A_566 : memref<10000x32xf32, #tpu.memory_space<vmem_shared>>) dst(%dma_wait3A_560 : memref<128x32xf32, #tpu.memory_space<vmem>>)
      %dma_start3A_569 = arith.constant 7 : i32
      %dma_start3A_570 = arith.constant 7 : i32
      %dma_start3A_571 = arith.constant 0 : i32
      %dma_start3A_572 = arith.constant 0 : i32
      %dma_start3A_573 = tpu.memref_slice %arg9[%dma_start3A_569, %dma_start3A_571, %dma_start3A_572] : memref<8x128x32xf32, #tpu.memory_space<vmem>> -> memref<1x128x32xf32, #tpu.memory_space<vmem>>
      %dma_start3A_574 = tpu.memref_squeeze %dma_start3A_573 : memref<1x128x32xf32, #tpu.memory_space<vmem>> -> memref<128x32xf32, #tpu.memory_space<vmem>>
      %dma_start3A_575 = arith.constant 0 : i32
      %dma_start3A_576 = tpu.memref_slice %arg8[%add3A_554, %dma_start3A_575] : memref<160x128xi32, #tpu.memory_space<vmem>> -> memref<1x128xi32, #tpu.memory_space<vmem>>
      %dma_start3A_577 = tpu.memref_squeeze %dma_start3A_576 : memref<1x128xi32, #tpu.memory_space<vmem>> -> memref<128xi32, #tpu.memory_space<vmem>>
      %dma_start3A_578 = arith.constant 0 : i32
      %dma_start3A_579 = arith.constant 0 : i32
      %dma_start3A_580 = tpu.memref_slice %arg11[%dma_start3A_578, %dma_start3A_579] : memref<10240x32xf32, #tpu.memory_space<vmem_shared>> -> memref<10240x32xf32, #tpu.memory_space<vmem_shared>>
      %dma_start3A_581 = tpu.memref_slice %arg14[%dma_start3A_570] : memref<8x!tpu.dma_semaphore, #tpu.memory_space<semaphore_mem>> -> memref<1x!tpu.dma_semaphore, #tpu.memory_space<semaphore_mem>>
      %dma_start3A_582 = tpu.memref_squeeze %dma_start3A_581 : memref<1x!tpu.dma_semaphore, #tpu.memory_space<semaphore_mem>> -> memref<!tpu.dma_semaphore, #tpu.memory_space<semaphore_mem>>
      tpu.enqueue_indirect_dma source(%dma_start3A_574 : memref<128x32xf32, #tpu.memory_space<vmem>>) target(%dma_start3A_580 : memref<10240x32xf32, #tpu.memory_space<vmem_shared>>) offsets(%dma_start3A_577 : memref<128xi32, #tpu.memory_space<vmem>>) semaphore(%dma_start3A_582 : memref<!tpu.dma_semaphore, #tpu.memory_space<semaphore_mem>>) {add = true}
    }
    %scan3A_21 = arith.constant 20 : i32
    %dma_wait3A = arith.constant 0 : i32
    %dma_wait3A_22 = arith.constant 152 : i32
    %dma_wait3A_23 = arith.constant 0 : i32
    %dma_wait3A_24 = arith.constant 0 : i32
    %dma_wait3A_25 = arith.constant 0 : i32
    %dma_wait3A_26 = tpu.memref_slice %arg9[%dma_wait3A, %dma_wait3A_24, %dma_wait3A_25] : memref<8x128x32xf32, #tpu.memory_space<vmem>> -> memref<1x128x32xf32, #tpu.memory_space<vmem>>
    %dma_wait3A_27 = tpu.memref_squeeze %dma_wait3A_26 : memref<1x128x32xf32, #tpu.memory_space<vmem>> -> memref<128x32xf32, #tpu.memory_space<vmem>>
    %dma_wait3A_28 = arith.constant 0 : i32
    %dma_wait3A_29 = tpu.memref_slice %arg8[%dma_wait3A_22, %dma_wait3A_28] : memref<160x128xi32, #tpu.memory_space<vmem>> -> memref<1x128xi32, #tpu.memory_space<vmem>>
    %dma_wait3A_30 = tpu.memref_squeeze %dma_wait3A_29 : memref<1x128xi32, #tpu.memory_space<vmem>> -> memref<128xi32, #tpu.memory_space<vmem>>
    %dma_wait3A_31 = arith.constant 0 : i32
    %dma_wait3A_32 = arith.constant 0 : i32
    %dma_wait3A_33 = tpu.memref_slice %arg11[%dma_wait3A_31, %dma_wait3A_32] : memref<10240x32xf32, #tpu.memory_space<vmem_shared>> -> memref<10240x32xf32, #tpu.memory_space<vmem_shared>>
    %dma_wait3A_34 = tpu.memref_slice %arg14[%dma_wait3A_23] : memref<8x!tpu.dma_semaphore, #tpu.memory_space<semaphore_mem>> -> memref<1x!tpu.dma_semaphore, #tpu.memory_space<semaphore_mem>>
    %dma_wait3A_35 = tpu.memref_squeeze %dma_wait3A_34 : memref<1x!tpu.dma_semaphore, #tpu.memory_space<semaphore_mem>> -> memref<!tpu.dma_semaphore, #tpu.memory_space<semaphore_mem>>
    tpu.wait_indirect_dma semaphore(%dma_wait3A_35 : memref<!tpu.dma_semaphore, #tpu.memory_space<semaphore_mem>>) src(%dma_wait3A_27 : memref<128x32xf32, #tpu.memory_space<vmem>>) dst(%dma_wait3A_33 : memref<10240x32xf32, #tpu.memory_space<vmem_shared>>)
    %dma_wait3A_36 = arith.constant 1 : i32
    %dma_wait3A_37 = arith.constant 153 : i32
    %dma_wait3A_38 = arith.constant 1 : i32
    %dma_wait3A_39 = arith.constant 0 : i32
    %dma_wait3A_40 = arith.constant 0 : i32
    %dma_wait3A_41 = tpu.memref_slice %arg9[%dma_wait3A_36, %dma_wait3A_39, %dma_wait3A_40] : memref<8x128x32xf32, #tpu.memory_space<vmem>> -> memref<1x128x32xf32, #tpu.memory_space<vmem>>
    %dma_wait3A_42 = tpu.memref_squeeze %dma_wait3A_41 : memref<1x128x32xf32, #tpu.memory_space<vmem>> -> memref<128x32xf32, #tpu.memory_space<vmem>>
    %dma_wait3A_43 = arith.constant 0 : i32
    %dma_wait3A_44 = tpu.memref_slice %arg8[%dma_wait3A_37, %dma_wait3A_43] : memref<160x128xi32, #tpu.memory_space<vmem>> -> memref<1x128xi32, #tpu.memory_space<vmem>>
    %dma_wait3A_45 = tpu.memref_squeeze %dma_wait3A_44 : memref<1x128xi32, #tpu.memory_space<vmem>> -> memref<128xi32, #tpu.memory_space<vmem>>
    %dma_wait3A_46 = arith.constant 0 : i32
    %dma_wait3A_47 = arith.constant 0 : i32
    %dma_wait3A_48 = tpu.memref_slice %arg11[%dma_wait3A_46, %dma_wait3A_47] : memref<10240x32xf32, #tpu.memory_space<vmem_shared>> -> memref<10240x32xf32, #tpu.memory_space<vmem_shared>>
    %dma_wait3A_49 = tpu.memref_slice %arg14[%dma_wait3A_38] : memref<8x!tpu.dma_semaphore, #tpu.memory_space<semaphore_mem>> -> memref<1x!tpu.dma_semaphore, #tpu.memory_space<semaphore_mem>>
    %dma_wait3A_50 = tpu.memref_squeeze %dma_wait3A_49 : memref<1x!tpu.dma_semaphore, #tpu.memory_space<semaphore_mem>> -> memref<!tpu.dma_semaphore, #tpu.memory_space<semaphore_mem>>
    tpu.wait_indirect_dma semaphore(%dma_wait3A_50 : memref<!tpu.dma_semaphore, #tpu.memory_space<semaphore_mem>>) src(%dma_wait3A_42 : memref<128x32xf32, #tpu.memory_space<vmem>>) dst(%dma_wait3A_48 : memref<10240x32xf32, #tpu.memory_space<vmem_shared>>)
    %dma_wait3A_51 = arith.constant 2 : i32
    %dma_wait3A_52 = arith.constant 154 : i32
    %dma_wait3A_53 = arith.constant 2 : i32
    %dma_wait3A_54 = arith.constant 0 : i32
    %dma_wait3A_55 = arith.constant 0 : i32
    %dma_wait3A_56 = tpu.memref_slice %arg9[%dma_wait3A_51, %dma_wait3A_54, %dma_wait3A_55] : memref<8x128x32xf32, #tpu.memory_space<vmem>> -> memref<1x128x32xf32, #tpu.memory_space<vmem>>
    %dma_wait3A_57 = tpu.memref_squeeze %dma_wait3A_56 : memref<1x128x32xf32, #tpu.memory_space<vmem>> -> memref<128x32xf32, #tpu.memory_space<vmem>>
    %dma_wait3A_58 = arith.constant 0 : i32
    %dma_wait3A_59 = tpu.memref_slice %arg8[%dma_wait3A_52, %dma_wait3A_58] : memref<160x128xi32, #tpu.memory_space<vmem>> -> memref<1x128xi32, #tpu.memory_space<vmem>>
    %dma_wait3A_60 = tpu.memref_squeeze %dma_wait3A_59 : memref<1x128xi32, #tpu.memory_space<vmem>> -> memref<128xi32, #tpu.memory_space<vmem>>
    %dma_wait3A_61 = arith.constant 0 : i32
    %dma_wait3A_62 = arith.constant 0 : i32
    %dma_wait3A_63 = tpu.memref_slice %arg11[%dma_wait3A_61, %dma_wait3A_62] : memref<10240x32xf32, #tpu.memory_space<vmem_shared>> -> memref<10240x32xf32, #tpu.memory_space<vmem_shared>>
    %dma_wait3A_64 = tpu.memref_slice %arg14[%dma_wait3A_53] : memref<8x!tpu.dma_semaphore, #tpu.memory_space<semaphore_mem>> -> memref<1x!tpu.dma_semaphore, #tpu.memory_space<semaphore_mem>>
    %dma_wait3A_65 = tpu.memref_squeeze %dma_wait3A_64 : memref<1x!tpu.dma_semaphore, #tpu.memory_space<semaphore_mem>> -> memref<!tpu.dma_semaphore, #tpu.memory_space<semaphore_mem>>
    tpu.wait_indirect_dma semaphore(%dma_wait3A_65 : memref<!tpu.dma_semaphore, #tpu.memory_space<semaphore_mem>>) src(%dma_wait3A_57 : memref<128x32xf32, #tpu.memory_space<vmem>>) dst(%dma_wait3A_63 : memref<10240x32xf32, #tpu.memory_space<vmem_shared>>)
    %dma_wait3A_66 = arith.constant 3 : i32
    %dma_wait3A_67 = arith.constant 155 : i32
    %dma_wait3A_68 = arith.constant 3 : i32
    %dma_wait3A_69 = arith.constant 0 : i32
    %dma_wait3A_70 = arith.constant 0 : i32
    %dma_wait3A_71 = tpu.memref_slice %arg9[%dma_wait3A_66, %dma_wait3A_69, %dma_wait3A_70] : memref<8x128x32xf32, #tpu.memory_space<vmem>> -> memref<1x128x32xf32, #tpu.memory_space<vmem>>
    %dma_wait3A_72 = tpu.memref_squeeze %dma_wait3A_71 : memref<1x128x32xf32, #tpu.memory_space<vmem>> -> memref<128x32xf32, #tpu.memory_space<vmem>>
    %dma_wait3A_73 = arith.constant 0 : i32
    %dma_wait3A_74 = tpu.memref_slice %arg8[%dma_wait3A_67, %dma_wait3A_73] : memref<160x128xi32, #tpu.memory_space<vmem>> -> memref<1x128xi32, #tpu.memory_space<vmem>>
    %dma_wait3A_75 = tpu.memref_squeeze %dma_wait3A_74 : memref<1x128xi32, #tpu.memory_space<vmem>> -> memref<128xi32, #tpu.memory_space<vmem>>
    %dma_wait3A_76 = arith.constant 0 : i32
    %dma_wait3A_77 = arith.constant 0 : i32
    %dma_wait3A_78 = tpu.memref_slice %arg11[%dma_wait3A_76, %dma_wait3A_77] : memref<10240x32xf32, #tpu.memory_space<vmem_shared>> -> memref<10240x32xf32, #tpu.memory_space<vmem_shared>>
    %dma_wait3A_79 = tpu.memref_slice %arg14[%dma_wait3A_68] : memref<8x!tpu.dma_semaphore, #tpu.memory_space<semaphore_mem>> -> memref<1x!tpu.dma_semaphore, #tpu.memory_space<semaphore_mem>>
    %dma_wait3A_80 = tpu.memref_squeeze %dma_wait3A_79 : memref<1x!tpu.dma_semaphore, #tpu.memory_space<semaphore_mem>> -> memref<!tpu.dma_semaphore, #tpu.memory_space<semaphore_mem>>
    tpu.wait_indirect_dma semaphore(%dma_wait3A_80 : memref<!tpu.dma_semaphore, #tpu.memory_space<semaphore_mem>>) src(%dma_wait3A_72 : memref<128x32xf32, #tpu.memory_space<vmem>>) dst(%dma_wait3A_78 : memref<10240x32xf32, #tpu.memory_space<vmem_shared>>)
    %dma_wait3A_81 = arith.constant 4 : i32
    %dma_wait3A_82 = arith.constant 156 : i32
    %dma_wait3A_83 = arith.constant 4 : i32
    %dma_wait3A_84 = arith.constant 0 : i32
    %dma_wait3A_85 = arith.constant 0 : i32
    %dma_wait3A_86 = tpu.memref_slice %arg9[%dma_wait3A_81, %dma_wait3A_84, %dma_wait3A_85] : memref<8x128x32xf32, #tpu.memory_space<vmem>> -> memref<1x128x32xf32, #tpu.memory_space<vmem>>
    %dma_wait3A_87 = tpu.memref_squeeze %dma_wait3A_86 : memref<1x128x32xf32, #tpu.memory_space<vmem>> -> memref<128x32xf32, #tpu.memory_space<vmem>>
    %dma_wait3A_88 = arith.constant 0 : i32
    %dma_wait3A_89 = tpu.memref_slice %arg8[%dma_wait3A_82, %dma_wait3A_88] : memref<160x128xi32, #tpu.memory_space<vmem>> -> memref<1x128xi32, #tpu.memory_space<vmem>>
    %dma_wait3A_90 = tpu.memref_squeeze %dma_wait3A_89 : memref<1x128xi32, #tpu.memory_space<vmem>> -> memref<128xi32, #tpu.memory_space<vmem>>
    %dma_wait3A_91 = arith.constant 0 : i32
    %dma_wait3A_92 = arith.constant 0 : i32
    %dma_wait3A_93 = tpu.memref_slice %arg11[%dma_wait3A_91, %dma_wait3A_92] : memref<10240x32xf32, #tpu.memory_space<vmem_shared>> -> memref<10240x32xf32, #tpu.memory_space<vmem_shared>>
    %dma_wait3A_94 = tpu.memref_slice %arg14[%dma_wait3A_83] : memref<8x!tpu.dma_semaphore, #tpu.memory_space<semaphore_mem>> -> memref<1x!tpu.dma_semaphore, #tpu.memory_space<semaphore_mem>>
    %dma_wait3A_95 = tpu.memref_squeeze %dma_wait3A_94 : memref<1x!tpu.dma_semaphore, #tpu.memory_space<semaphore_mem>> -> memref<!tpu.dma_semaphore, #tpu.memory_space<semaphore_mem>>
    tpu.wait_indirect_dma semaphore(%dma_wait3A_95 : memref<!tpu.dma_semaphore, #tpu.memory_space<semaphore_mem>>) src(%dma_wait3A_87 : memref<128x32xf32, #tpu.memory_space<vmem>>) dst(%dma_wait3A_93 : memref<10240x32xf32, #tpu.memory_space<vmem_shared>>)
    %dma_wait3A_96 = arith.constant 5 : i32
    %dma_wait3A_97 = arith.constant 157 : i32
    %dma_wait3A_98 = arith.constant 5 : i32
    %dma_wait3A_99 = arith.constant 0 : i32
    %dma_wait3A_100 = arith.constant 0 : i32
    %dma_wait3A_101 = tpu.memref_slice %arg9[%dma_wait3A_96, %dma_wait3A_99, %dma_wait3A_100] : memref<8x128x32xf32, #tpu.memory_space<vmem>> -> memref<1x128x32xf32, #tpu.memory_space<vmem>>
    %dma_wait3A_102 = tpu.memref_squeeze %dma_wait3A_101 : memref<1x128x32xf32, #tpu.memory_space<vmem>> -> memref<128x32xf32, #tpu.memory_space<vmem>>
    %dma_wait3A_103 = arith.constant 0 : i32
    %dma_wait3A_104 = tpu.memref_slice %arg8[%dma_wait3A_97, %dma_wait3A_103] : memref<160x128xi32, #tpu.memory_space<vmem>> -> memref<1x128xi32, #tpu.memory_space<vmem>>
    %dma_wait3A_105 = tpu.memref_squeeze %dma_wait3A_104 : memref<1x128xi32, #tpu.memory_space<vmem>> -> memref<128xi32, #tpu.memory_space<vmem>>
    %dma_wait3A_106 = arith.constant 0 : i32
    %dma_wait3A_107 = arith.constant 0 : i32
    %dma_wait3A_108 = tpu.memref_slice %arg11[%dma_wait3A_106, %dma_wait3A_107] : memref<10240x32xf32, #tpu.memory_space<vmem_shared>> -> memref<10240x32xf32, #tpu.memory_space<vmem_shared>>
    %dma_wait3A_109 = tpu.memref_slice %arg14[%dma_wait3A_98] : memref<8x!tpu.dma_semaphore, #tpu.memory_space<semaphore_mem>> -> memref<1x!tpu.dma_semaphore, #tpu.memory_space<semaphore_mem>>
    %dma_wait3A_110 = tpu.memref_squeeze %dma_wait3A_109 : memref<1x!tpu.dma_semaphore, #tpu.memory_space<semaphore_mem>> -> memref<!tpu.dma_semaphore, #tpu.memory_space<semaphore_mem>>
    tpu.wait_indirect_dma semaphore(%dma_wait3A_110 : memref<!tpu.dma_semaphore, #tpu.memory_space<semaphore_mem>>) src(%dma_wait3A_102 : memref<128x32xf32, #tpu.memory_space<vmem>>) dst(%dma_wait3A_108 : memref<10240x32xf32, #tpu.memory_space<vmem_shared>>)
    %dma_wait3A_111 = arith.constant 6 : i32
    %dma_wait3A_112 = arith.constant 158 : i32
    %dma_wait3A_113 = arith.constant 6 : i32
    %dma_wait3A_114 = arith.constant 0 : i32
    %dma_wait3A_115 = arith.constant 0 : i32
    %dma_wait3A_116 = tpu.memref_slice %arg9[%dma_wait3A_111, %dma_wait3A_114, %dma_wait3A_115] : memref<8x128x32xf32, #tpu.memory_space<vmem>> -> memref<1x128x32xf32, #tpu.memory_space<vmem>>
    %dma_wait3A_117 = tpu.memref_squeeze %dma_wait3A_116 : memref<1x128x32xf32, #tpu.memory_space<vmem>> -> memref<128x32xf32, #tpu.memory_space<vmem>>
    %dma_wait3A_118 = arith.constant 0 : i32
    %dma_wait3A_119 = tpu.memref_slice %arg8[%dma_wait3A_112, %dma_wait3A_118] : memref<160x128xi32, #tpu.memory_space<vmem>> -> memref<1x128xi32, #tpu.memory_space<vmem>>
    %dma_wait3A_120 = tpu.memref_squeeze %dma_wait3A_119 : memref<1x128xi32, #tpu.memory_space<vmem>> -> memref<128xi32, #tpu.memory_space<vmem>>
    %dma_wait3A_121 = arith.constant 0 : i32
    %dma_wait3A_122 = arith.constant 0 : i32
    %dma_wait3A_123 = tpu.memref_slice %arg11[%dma_wait3A_121, %dma_wait3A_122] : memref<10240x32xf32, #tpu.memory_space<vmem_shared>> -> memref<10240x32xf32, #tpu.memory_space<vmem_shared>>
    %dma_wait3A_124 = tpu.memref_slice %arg14[%dma_wait3A_113] : memref<8x!tpu.dma_semaphore, #tpu.memory_space<semaphore_mem>> -> memref<1x!tpu.dma_semaphore, #tpu.memory_space<semaphore_mem>>
    %dma_wait3A_125 = tpu.memref_squeeze %dma_wait3A_124 : memref<1x!tpu.dma_semaphore, #tpu.memory_space<semaphore_mem>> -> memref<!tpu.dma_semaphore, #tpu.memory_space<semaphore_mem>>
    tpu.wait_indirect_dma semaphore(%dma_wait3A_125 : memref<!tpu.dma_semaphore, #tpu.memory_space<semaphore_mem>>) src(%dma_wait3A_117 : memref<128x32xf32, #tpu.memory_space<vmem>>) dst(%dma_wait3A_123 : memref<10240x32xf32, #tpu.memory_space<vmem_shared>>)
    %dma_wait3A_126 = arith.constant 7 : i32
    %dma_wait3A_127 = arith.constant 159 : i32
    %dma_wait3A_128 = arith.constant 7 : i32
    %dma_wait3A_129 = arith.constant 0 : i32
    %dma_wait3A_130 = arith.constant 0 : i32
    %dma_wait3A_131 = tpu.memref_slice %arg9[%dma_wait3A_126, %dma_wait3A_129, %dma_wait3A_130] : memref<8x128x32xf32, #tpu.memory_space<vmem>> -> memref<1x128x32xf32, #tpu.memory_space<vmem>>
    %dma_wait3A_132 = tpu.memref_squeeze %dma_wait3A_131 : memref<1x128x32xf32, #tpu.memory_space<vmem>> -> memref<128x32xf32, #tpu.memory_space<vmem>>
    %dma_wait3A_133 = arith.constant 0 : i32
    %dma_wait3A_134 = tpu.memref_slice %arg8[%dma_wait3A_127, %dma_wait3A_133] : memref<160x128xi32, #tpu.memory_space<vmem>> -> memref<1x128xi32, #tpu.memory_space<vmem>>
    %dma_wait3A_135 = tpu.memref_squeeze %dma_wait3A_134 : memref<1x128xi32, #tpu.memory_space<vmem>> -> memref<128xi32, #tpu.memory_space<vmem>>
    %dma_wait3A_136 = arith.constant 0 : i32
    %dma_wait3A_137 = arith.constant 0 : i32
    %dma_wait3A_138 = tpu.memref_slice %arg11[%dma_wait3A_136, %dma_wait3A_137] : memref<10240x32xf32, #tpu.memory_space<vmem_shared>> -> memref<10240x32xf32, #tpu.memory_space<vmem_shared>>
    %dma_wait3A_139 = tpu.memref_slice %arg14[%dma_wait3A_128] : memref<8x!tpu.dma_semaphore, #tpu.memory_space<semaphore_mem>> -> memref<1x!tpu.dma_semaphore, #tpu.memory_space<semaphore_mem>>
    %dma_wait3A_140 = tpu.memref_squeeze %dma_wait3A_139 : memref<1x!tpu.dma_semaphore, #tpu.memory_space<semaphore_mem>> -> memref<!tpu.dma_semaphore, #tpu.memory_space<semaphore_mem>>
    tpu.wait_indirect_dma semaphore(%dma_wait3A_140 : memref<!tpu.dma_semaphore, #tpu.memory_space<semaphore_mem>>) src(%dma_wait3A_132 : memref<128x32xf32, #tpu.memory_space<vmem>>) dst(%dma_wait3A_138 : memref<10240x32xf32, #tpu.memory_space<vmem_shared>>)
    %barrier3A_141 = arith.constant 0 : index
    tpu.barrier barrier_id(%barrier3A_141)
    "tpu.region"() ({
      %run_scoped3A = tpu.sem_alloc : memref<!tpu.dma_semaphore, #tpu.memory_space<semaphore_mem>>
      %dma_start3A = arith.constant 0 : i32
      %dma_start3A_142 = tpu.memref_slice %arg6[%arg0, %mul3A_4, %dma_start3A] : memref<2x10240x32xf32, #tpu.memory_space<hbm>> -> memref<1x640x32xf32, #tpu.memory_space<hbm>>
      %dma_start3A_143 = tpu.memref_squeeze %dma_start3A_142 : memref<1x640x32xf32, #tpu.memory_space<hbm>> -> memref<640x32xf32, #tpu.memory_space<hbm>>
      %dma_start3A_144 = arith.constant 0 : i32
      %dma_start3A_145 = tpu.memref_slice %arg11[%mul3A_4, %dma_start3A_144] : memref<10240x32xf32, #tpu.memory_space<vmem_shared>> -> memref<640x32xf32, #tpu.memory_space<vmem_shared>>
      tpu.enqueue_dma source(%dma_start3A_145 : memref<640x32xf32, #tpu.memory_space<vmem_shared>>) target(%dma_start3A_143 : memref<640x32xf32, #tpu.memory_space<hbm>>) target_semaphore(%run_scoped3A : memref<!tpu.dma_semaphore, #tpu.memory_space<semaphore_mem>>)
      %dma_wait3A_146 = arith.constant 0 : i32
      %dma_wait3A_147 = tpu.memref_slice %arg6[%arg0, %mul3A_4, %dma_wait3A_146] : memref<2x10240x32xf32, #tpu.memory_space<hbm>> -> memref<1x640x32xf32, #tpu.memory_space<hbm>>
      %dma_wait3A_148 = tpu.memref_squeeze %dma_wait3A_147 : memref<1x640x32xf32, #tpu.memory_space<hbm>> -> memref<640x32xf32, #tpu.memory_space<hbm>>
      %dma_wait3A_149 = arith.constant 0 : i32
      %dma_wait3A_150 = tpu.memref_slice %arg11[%mul3A_4, %dma_wait3A_149] : memref<10240x32xf32, #tpu.memory_space<vmem_shared>> -> memref<640x32xf32, #tpu.memory_space<vmem_shared>>
      tpu.wait_dma2 semaphore(%run_scoped3A : memref<!tpu.dma_semaphore, #tpu.memory_space<semaphore_mem>>) src(%dma_wait3A_150 : memref<640x32xf32, #tpu.memory_space<vmem_shared>>) dst(%dma_wait3A_148 : memref<640x32xf32, #tpu.memory_space<hbm>>)
      tpu.yield
    }) : () -> ()
    return
  }
}

module attributes {stable_mosaic.version = 14 : i64} {
  func.func @_tc1a_body(%arg0: memref<10000x128xf32, #tpu.memory_space<vmem>>, %arg1: memref<128x64xf32, #tpu.memory_space<vmem>>, %arg2: memref<10000x64xf32, #tpu.memory_space<vmem>>) attributes {dimension_semantics = [], scalar_prefetch = 0 : i64, scratch_operands = 0 : i64, tpu.core_type = #tpu.core_type<tc>} {
    %get3A = arith.constant 0 : index
    %get3A_0 = arith.constant 0 : index
    %get3A_1 = vector.load %arg0[%get3A, %get3A_0] : memref<10000x128xf32, #tpu.memory_space<vmem>>, vector<10000x128xf32>
    %get3A_2 = arith.constant 0 : index
    %get3A_3 = arith.constant 0 : index
    %get3A_4 = vector.load %arg1[%get3A_2, %get3A_3] : memref<128x64xf32, #tpu.memory_space<vmem>>, vector<128x64xf32>
    %dot_general3A = arith.constant dense<0.000000e+00> : vector<10000x64xf32>
    %dot_general3A_5 = tpu.matmul %get3A_1, %get3A_4, %dot_general3A {dimension_numbers = #tpu.dot_dimension_numbers<[1], [0], [0], [1], [0, 0, 1, 1], [], []>, transpose_lhs_hint = false} : vector<10000x128xf32>, vector<128x64xf32>, vector<10000x64xf32> -> vector<10000x64xf32>
    %swap3A = arith.constant 0 : index
    %swap3A_6 = arith.constant 0 : index
    %swap3A_7 = vector.load %arg2[%swap3A, %swap3A_6] : memref<10000x64xf32, #tpu.memory_space<vmem>>, vector<10000x64xf32>
    tpu.vector_store %arg2[%swap3A, %swap3A_6], %dot_general3A_5 {strides = array<i32>} : memref<10000x64xf32, #tpu.memory_space<vmem>>, vector<10000x64xf32>,
    return
  }
}

module attributes {stable_mosaic.version = 14 : i64} {
  func.func @_tc1b_body(%arg0: memref<2x10240x16xf32, #tpu.memory_space<vmem>>, %arg1: memref<10000x64xf32, #tpu.memory_space<vmem>>, %arg2: memref<2x10000x32xf32, #tpu.memory_space<vmem>>, %arg3: memref<10240x1xf32, #tpu.memory_space<vmem>>) attributes {dimension_semantics = [], scalar_prefetch = 0 : i64, scratch_operands = 0 : i64, tpu.core_type = #tpu.core_type<tc>} {
    %get3A = arith.constant 0 : index
    %get3A_0 = arith.constant 0 : index
    %get3A_1 = arith.constant 0 : index
    %get3A_2 = vector.load %arg0[%get3A, %get3A_0, %get3A_1] : memref<2x10240x16xf32, #tpu.memory_space<vmem>>, vector<1x10240x1xf32>
    %get3A_3 = vector.shape_cast %get3A_2 : vector<1x10240x1xf32> to vector<10240x1xf32>
    %get3A_4 = arith.constant 1 : index
    %get3A_5 = arith.constant 0 : index
    %get3A_6 = arith.constant 0 : index
    %get3A_7 = vector.load %arg0[%get3A_4, %get3A_5, %get3A_6] : memref<2x10240x16xf32, #tpu.memory_space<vmem>>, vector<1x10240x1xf32>
    %get3A_8 = vector.shape_cast %get3A_7 : vector<1x10240x1xf32> to vector<10240x1xf32>
    %add3A = arith.addf %get3A_3, %get3A_8 : vector<10240x1xf32>
    %add3A_9 = arith.constant 1.000000e+00 : f32
    %add3A_10 = vector.broadcast %add3A_9 : f32 to vector<10240x1xf32>
    %add3A_11 = arith.addf %add3A, %add3A_10 : vector<10240x1xf32>
    %rsqrt3A = math.rsqrt %add3A_11 : vector<10240x1xf32>
    %swap3A = arith.constant 0 : index
    %swap3A_12 = arith.constant 0 : index
    %swap3A_13 = vector.load %arg3[%swap3A, %swap3A_12] : memref<10240x1xf32, #tpu.memory_space<vmem>>, vector<10240x1xf32>
    tpu.vector_store %arg3[%swap3A, %swap3A_12], %rsqrt3A {strides = array<i32>} : memref<10240x1xf32, #tpu.memory_space<vmem>>, vector<10240x1xf32>,
    %get3A_14 = arith.constant 0 : index
    %get3A_15 = arith.constant 0 : index
    %get3A_16 = vector.load %arg1[%get3A_14, %get3A_15] : memref<10000x64xf32, #tpu.memory_space<vmem>>, vector<10000x64xf32>
    %slice3A = vector.extract_strided_slice %rsqrt3A {offsets = [0, 0], sizes = [10000, 1], strides = [1, 1]} : vector<10240x1xf32> to vector<10000x1xf32>
    %mul3A = vector.broadcast %slice3A : vector<10000x1xf32> to vector<10000x64xf32>
    %mul3A_17 = arith.mulf %get3A_16, %mul3A : vector<10000x64xf32>
    %slice3A_18 = vector.extract_strided_slice %mul3A_17 {offsets = [0, 0], sizes = [10000, 32], strides = [1, 1]} : vector<10000x64xf32> to vector<10000x32xf32>
    %swap3A_19 = arith.constant 0 : index
    %swap3A_20 = arith.constant 0 : index
    %swap3A_21 = arith.constant 0 : index
    %swap3A_22 = vector.load %arg2[%swap3A_19, %swap3A_20, %swap3A_21] : memref<2x10000x32xf32, #tpu.memory_space<vmem>>, vector<1x10000x32xf32>
    %swap3A_23 = vector.shape_cast %swap3A_22 : vector<1x10000x32xf32> to vector<10000x32xf32>
    %swap3A_24 = vector.shape_cast %slice3A_18 : vector<10000x32xf32> to vector<1x10000x32xf32>
    tpu.vector_store %arg2[%swap3A_19, %swap3A_20, %swap3A_21], %swap3A_24 {strides = array<i32>} : memref<2x10000x32xf32, #tpu.memory_space<vmem>>, vector<1x10000x32xf32>,
    %slice3A_25 = vector.extract_strided_slice %mul3A_17 {offsets = [0, 32], sizes = [10000, 32], strides = [1, 1]} : vector<10000x64xf32> to vector<10000x32xf32>
    %swap3A_26 = arith.constant 1 : index
    %swap3A_27 = arith.constant 0 : index
    %swap3A_28 = arith.constant 0 : index
    %swap3A_29 = vector.load %arg2[%swap3A_26, %swap3A_27, %swap3A_28] : memref<2x10000x32xf32, #tpu.memory_space<vmem>>, vector<1x10000x32xf32>
    %swap3A_30 = vector.shape_cast %swap3A_29 : vector<1x10000x32xf32> to vector<10000x32xf32>
    %swap3A_31 = vector.shape_cast %slice3A_25 : vector<10000x32xf32> to vector<1x10000x32xf32>
    tpu.vector_store %arg2[%swap3A_26, %swap3A_27, %swap3A_28], %swap3A_31 {strides = array<i32>} : memref<2x10000x32xf32, #tpu.memory_space<vmem>>, vector<1x10000x32xf32>,
    return
  }
}

module attributes {stable_mosaic.version = 14 : i64} {
  func.func @_tc2_body(%arg0: memref<2x10240x32xf32, #tpu.memory_space<vmem>>, %arg1: memref<2x10000x32xf32, #tpu.memory_space<vmem>>, %arg2: memref<10240x1xf32, #tpu.memory_space<vmem>>, %arg3: memref<1x64xf32, #tpu.memory_space<vmem>>, %arg4: memref<64x16xf32, #tpu.memory_space<vmem>>, %arg5: memref<10000x16xf32, #tpu.memory_space<vmem>>) attributes {dimension_semantics = [], scalar_prefetch = 0 : i64, scratch_operands = 0 : i64, tpu.core_type = #tpu.core_type<tc>} {
    %get3A = arith.constant 0 : index
    %get3A_0 = arith.constant 0 : index
    %get3A_1 = vector.load %arg2[%get3A, %get3A_0] : memref<10240x1xf32, #tpu.memory_space<vmem>>, vector<10000x1xf32>
    %get3A_2 = arith.constant 0 : index
    %get3A_3 = arith.constant 0 : index
    %get3A_4 = arith.constant 0 : index
    %get3A_5 = vector.load %arg0[%get3A_2, %get3A_3, %get3A_4] : memref<2x10240x32xf32, #tpu.memory_space<vmem>>, vector<1x10000x32xf32>
    %get3A_6 = vector.shape_cast %get3A_5 : vector<1x10000x32xf32> to vector<10000x32xf32>
    %get3A_7 = arith.constant 0 : index
    %get3A_8 = arith.constant 0 : index
    %get3A_9 = arith.constant 0 : index
    %get3A_10 = vector.load %arg1[%get3A_7, %get3A_8, %get3A_9] : memref<2x10000x32xf32, #tpu.memory_space<vmem>>, vector<1x10000x32xf32>
    %get3A_11 = vector.shape_cast %get3A_10 : vector<1x10000x32xf32> to vector<10000x32xf32>
    %add3A = arith.addf %get3A_6, %get3A_11 : vector<10000x32xf32>
    %get3A_12 = arith.constant 1 : index
    %get3A_13 = arith.constant 0 : index
    %get3A_14 = arith.constant 0 : index
    %get3A_15 = vector.load %arg0[%get3A_12, %get3A_13, %get3A_14] : memref<2x10240x32xf32, #tpu.memory_space<vmem>>, vector<1x10000x32xf32>
    %get3A_16 = vector.shape_cast %get3A_15 : vector<1x10000x32xf32> to vector<10000x32xf32>
    %get3A_17 = arith.constant 1 : index
    %get3A_18 = arith.constant 0 : index
    %get3A_19 = arith.constant 0 : index
    %get3A_20 = vector.load %arg1[%get3A_17, %get3A_18, %get3A_19] : memref<2x10000x32xf32, #tpu.memory_space<vmem>>, vector<1x10000x32xf32>
    %get3A_21 = vector.shape_cast %get3A_20 : vector<1x10000x32xf32> to vector<10000x32xf32>
    %add3A_22 = arith.addf %get3A_16, %get3A_21 : vector<10000x32xf32>
    %concatenate3A = tpu.concatenate %add3A, %add3A_22 in 1 : vector<10000x32xf32>, vector<10000x32xf32> -> vector<10000x64xf32>
    %mul3A = vector.broadcast %get3A_1 : vector<10000x1xf32> to vector<10000x64xf32>
    %mul3A_23 = arith.mulf %mul3A, %concatenate3A : vector<10000x64xf32>
    %get3A_24 = arith.constant 0 : index
    %get3A_25 = arith.constant 0 : index
    %get3A_26 = vector.load %arg3[%get3A_24, %get3A_25] : memref<1x64xf32, #tpu.memory_space<vmem>>, vector<1x64xf32>
    %add3A_27 = vector.broadcast %get3A_26 : vector<1x64xf32> to vector<10000x64xf32>
    %add3A_28 = arith.addf %mul3A_23, %add3A_27 : vector<10000x64xf32>
    %max3A = arith.constant 0.000000e+00 : f32
    %max3A_29 = vector.broadcast %max3A : f32 to vector<10000x64xf32>
    %max3A_30 = arith.maximumf %add3A_28, %max3A_29 : vector<10000x64xf32>
    %min3A = arith.constant 0.000000e+00 : f32
    %min3A_31 = vector.broadcast %min3A : f32 to vector<10000x64xf32>
    %min3A_32 = arith.minimumf %add3A_28, %min3A_31 : vector<10000x64xf32>
    %mul3A_33 = arith.constant 0.00999999977 : f32
    %mul3A_34 = vector.broadcast %mul3A_33 : f32 to vector<10000x64xf32>
    %mul3A_35 = arith.mulf %mul3A_34, %min3A_32 : vector<10000x64xf32>
    %add3A_36 = arith.addf %max3A_30, %mul3A_35 : vector<10000x64xf32>
    %get3A_37 = arith.constant 0 : index
    %get3A_38 = arith.constant 0 : index
    %get3A_39 = vector.load %arg4[%get3A_37, %get3A_38] : memref<64x16xf32, #tpu.memory_space<vmem>>, vector<64x16xf32>
    %dot_general3A = arith.constant dense<0.000000e+00> : vector<10000x16xf32>
    %dot_general3A_40 = tpu.matmul %add3A_36, %get3A_39, %dot_general3A {dimension_numbers = #tpu.dot_dimension_numbers<[1], [0], [0], [1], [0, 0, 1, 1], [], []>, transpose_lhs_hint = false} : vector<10000x64xf32>, vector<64x16xf32>, vector<10000x16xf32> -> vector<10000x16xf32>
    %mul3A_41 = vector.broadcast %get3A_1 : vector<10000x1xf32> to vector<10000x16xf32>
    %mul3A_42 = arith.mulf %dot_general3A_40, %mul3A_41 : vector<10000x16xf32>
    %swap3A = arith.constant 0 : index
    %swap3A_43 = arith.constant 0 : index
    %swap3A_44 = vector.load %arg5[%swap3A, %swap3A_43] : memref<10000x16xf32, #tpu.memory_space<vmem>>, vector<10000x16xf32>
    tpu.vector_store %arg5[%swap3A, %swap3A_43], %mul3A_42 {strides = array<i32>} : memref<10000x16xf32, #tpu.memory_space<vmem>>, vector<10000x16xf32>,
    return
  }
}

module attributes {stable_mosaic.version = 14 : i64} {
  func.func @_tc3_body(%arg0: memref<2x10240x16xf32, #tpu.memory_space<vmem>>, %arg1: memref<10000x16xf32, #tpu.memory_space<vmem>>, %arg2: memref<10240x1xf32, #tpu.memory_space<vmem>>, %arg3: memref<1x16xf32, #tpu.memory_space<vmem>>, %arg4: memref<10000x1xi32, #tpu.memory_space<vmem>>, %arg5: memref<64x32xf32, #tpu.memory_space<vmem>>, %arg6: memref<40x16xf32, #tpu.memory_space<vmem>>, %arg7: memref<1x16xf32, #tpu.memory_space<vmem>>, %arg8: memref<16x8xf32, #tpu.memory_space<vmem>>, %arg9: memref<1x8xf32, #tpu.memory_space<vmem>>, %arg10: memref<64x8xf32, #tpu.memory_space<vmem>>) attributes {dimension_semantics = [], scalar_prefetch = 0 : i64, scratch_operands = 0 : i64, tpu.core_type = #tpu.core_type<tc>} {
    %get3A = arith.constant 0 : index
    %get3A_0 = arith.constant 0 : index
    %get3A_1 = vector.load %arg2[%get3A, %get3A_0] : memref<10240x1xf32, #tpu.memory_space<vmem>>, vector<10000x1xf32>
    %get3A_2 = arith.constant 0 : index
    %get3A_3 = arith.constant 0 : index
    %get3A_4 = arith.constant 0 : index
    %get3A_5 = vector.load %arg0[%get3A_2, %get3A_3, %get3A_4] : memref<2x10240x16xf32, #tpu.memory_space<vmem>>, vector<1x10000x16xf32>
    %get3A_6 = vector.shape_cast %get3A_5 : vector<1x10000x16xf32> to vector<10000x16xf32>
    %get3A_7 = arith.constant 1 : index
    %get3A_8 = arith.constant 0 : index
    %get3A_9 = arith.constant 0 : index
    %get3A_10 = vector.load %arg0[%get3A_7, %get3A_8, %get3A_9] : memref<2x10240x16xf32, #tpu.memory_space<vmem>>, vector<1x10000x16xf32>
    %get3A_11 = vector.shape_cast %get3A_10 : vector<1x10000x16xf32> to vector<10000x16xf32>
    %add3A = arith.addf %get3A_6, %get3A_11 : vector<10000x16xf32>
    %get3A_12 = arith.constant 0 : index
    %get3A_13 = arith.constant 0 : index
    %get3A_14 = vector.load %arg1[%get3A_12, %get3A_13] : memref<10000x16xf32, #tpu.memory_space<vmem>>, vector<10000x16xf32>
    %add3A_15 = arith.addf %add3A, %get3A_14 : vector<10000x16xf32>
    %mul3A = vector.broadcast %get3A_1 : vector<10000x1xf32> to vector<10000x16xf32>
    %mul3A_16 = arith.mulf %mul3A, %add3A_15 : vector<10000x16xf32>
    %get3A_17 = arith.constant 0 : index
    %get3A_18 = arith.constant 0 : index
    %get3A_19 = vector.load %arg3[%get3A_17, %get3A_18] : memref<1x16xf32, #tpu.memory_space<vmem>>, vector<1x16xf32>
    %add3A_20 = vector.broadcast %get3A_19 : vector<1x16xf32> to vector<10000x16xf32>
    %add3A_21 = arith.addf %mul3A_16, %add3A_20 : vector<10000x16xf32>
    %max3A = arith.constant 0.000000e+00 : f32
    %max3A_22 = vector.broadcast %max3A : f32 to vector<10000x16xf32>
    %max3A_23 = arith.maximumf %add3A_21, %max3A_22 : vector<10000x16xf32>
    %min3A = arith.constant 0.000000e+00 : f32
    %min3A_24 = vector.broadcast %min3A : f32 to vector<10000x16xf32>
    %min3A_25 = arith.minimumf %add3A_21, %min3A_24 : vector<10000x16xf32>
    %mul3A_26 = arith.constant 0.00999999977 : f32
    %mul3A_27 = vector.broadcast %mul3A_26 : f32 to vector<10000x16xf32>
    %mul3A_28 = arith.mulf %mul3A_27, %min3A_25 : vector<10000x16xf32>
    %add3A_29 = arith.addf %max3A_23, %mul3A_28 : vector<10000x16xf32>
    %iota3A = tpu.iota {dimensions = array<i32: 1>} : vector<1x64xi32>
    %get3A_30 = arith.constant 0 : index
    %get3A_31 = arith.constant 0 : index
    %get3A_32 = vector.load %arg4[%get3A_30, %get3A_31] : memref<10000x1xi32, #tpu.memory_space<vmem>>, vector<10000x1xi32>
    %eq3A = vector.broadcast %get3A_32 : vector<10000x1xi32> to vector<10000x64xi32>
    %eq3A_33 = vector.broadcast %iota3A : vector<1x64xi32> to vector<10000x64xi32>
    %eq3A_34 = arith.cmpi eq, %eq3A, %eq3A_33 : vector<10000x64xi32>
    %convert_element_type3A = arith.extui %eq3A_34 : vector<10000x64xi1> to vector<10000x64xi32>
    %convert_element_type3A_35 = arith.sitofp %convert_element_type3A : vector<10000x64xi32> to vector<10000x64xf32>
    %dot_general3A = arith.constant dense<0.000000e+00> : vector<64x16xf32>
    %dot_general3A_36 = tpu.matmul %convert_element_type3A_35, %add3A_29, %dot_general3A {dimension_numbers = #tpu.dot_dimension_numbers<[0], [0], [1], [1], [0, 1, 1, 1], [], []>, transpose_lhs_hint = false} : vector<10000x64xf32>, vector<10000x16xf32>, vector<64x16xf32> -> vector<64x16xf32>
    %reduce_sum3A = arith.constant dense<0.000000e+00> : vector<64xf32>
    %reduce_sum3A_37 = vector.multi_reduction <add>, %convert_element_type3A_35, %reduce_sum3A [0] : vector<10000x64xf32> to vector<64xf32>
    %broadcast_in_dim3A = vector.shape_cast %reduce_sum3A_37 : vector<64xf32> to vector<64x1xf32>
    %slice3A = vector.extract_strided_slice %dot_general3A_36 {offsets = [0, 0], sizes = [64, 8], strides = [1, 1]} : vector<64x16xf32> to vector<64x8xf32>
    %max3A_38 = arith.constant 1.000000e+00 : f32
    %max3A_39 = vector.broadcast %max3A_38 : f32 to vector<64x1xf32>
    %max3A_40 = arith.maximumf %broadcast_in_dim3A, %max3A_39 : vector<64x1xf32>
    %div3A = vector.broadcast %max3A_40 : vector<64x1xf32> to vector<64x8xf32>
    %div3A_41 = arith.divf %slice3A, %div3A : vector<64x8xf32>
    %get3A_42 = arith.constant 0 : index
    %get3A_43 = arith.constant 0 : index
    %get3A_44 = vector.load %arg5[%get3A_42, %get3A_43] : memref<64x32xf32, #tpu.memory_space<vmem>>, vector<64x32xf32>
    %concatenate3A = tpu.concatenate %div3A_41, %get3A_44 in 1 : vector<64x8xf32>, vector<64x32xf32> -> vector<64x40xf32>
    %get3A_45 = arith.constant 0 : index
    %get3A_46 = arith.constant 0 : index
    %get3A_47 = vector.load %arg6[%get3A_45, %get3A_46] : memref<40x16xf32, #tpu.memory_space<vmem>>, vector<40x16xf32>
    %dot_general3A_48 = arith.constant dense<0.000000e+00> : vector<64x16xf32>
    %dot_general3A_49 = tpu.matmul %concatenate3A, %get3A_47, %dot_general3A_48 {dimension_numbers = #tpu.dot_dimension_numbers<[1], [0], [0], [1], [0, 0, 1, 1], [], []>, transpose_lhs_hint = false} : vector<64x40xf32>, vector<40x16xf32>, vector<64x16xf32> -> vector<64x16xf32>
    %get3A_50 = arith.constant 0 : index
    %get3A_51 = arith.constant 0 : index
    %get3A_52 = vector.load %arg7[%get3A_50, %get3A_51] : memref<1x16xf32, #tpu.memory_space<vmem>>, vector<1x16xf32>
    %add3A_53 = vector.broadcast %get3A_52 : vector<1x16xf32> to vector<64x16xf32>
    %add3A_54 = arith.addf %dot_general3A_49, %add3A_53 : vector<64x16xf32>
    %max3A_55 = arith.constant 0.000000e+00 : f32
    %max3A_56 = vector.broadcast %max3A_55 : f32 to vector<64x16xf32>
    %max3A_57 = arith.maximumf %add3A_54, %max3A_56 : vector<64x16xf32>
    %min3A_58 = arith.constant 0.000000e+00 : f32
    %min3A_59 = vector.broadcast %min3A_58 : f32 to vector<64x16xf32>
    %min3A_60 = arith.minimumf %add3A_54, %min3A_59 : vector<64x16xf32>
    %mul3A_61 = arith.constant 0.00999999977 : f32
    %mul3A_62 = vector.broadcast %mul3A_61 : f32 to vector<64x16xf32>
    %mul3A_63 = arith.mulf %mul3A_62, %min3A_60 : vector<64x16xf32>
    %add3A_64 = arith.addf %max3A_57, %mul3A_63 : vector<64x16xf32>
    %get3A_65 = arith.constant 0 : index
    %get3A_66 = arith.constant 0 : index
    %get3A_67 = vector.load %arg8[%get3A_65, %get3A_66] : memref<16x8xf32, #tpu.memory_space<vmem>>, vector<16x8xf32>
    %dot_general3A_68 = arith.constant dense<0.000000e+00> : vector<64x8xf32>
    %dot_general3A_69 = tpu.matmul %add3A_64, %get3A_67, %dot_general3A_68 {dimension_numbers = #tpu.dot_dimension_numbers<[1], [0], [0], [1], [0, 0, 1, 1], [], []>, transpose_lhs_hint = false} : vector<64x16xf32>, vector<16x8xf32>, vector<64x8xf32> -> vector<64x8xf32>
    %get3A_70 = arith.constant 0 : index
    %get3A_71 = arith.constant 0 : index
    %get3A_72 = vector.load %arg9[%get3A_70, %get3A_71] : memref<1x8xf32, #tpu.memory_space<vmem>>, vector<1x8xf32>
    %add3A_73 = vector.broadcast %get3A_72 : vector<1x8xf32> to vector<64x8xf32>
    %add3A_74 = arith.addf %dot_general3A_69, %add3A_73 : vector<64x8xf32>
    %max3A_75 = arith.constant 0.000000e+00 : f32
    %max3A_76 = vector.broadcast %max3A_75 : f32 to vector<64x8xf32>
    %max3A_77 = arith.maximumf %add3A_74, %max3A_76 : vector<64x8xf32>
    %min3A_78 = arith.constant 0.000000e+00 : f32
    %min3A_79 = vector.broadcast %min3A_78 : f32 to vector<64x8xf32>
    %min3A_80 = arith.minimumf %add3A_74, %min3A_79 : vector<64x8xf32>
    %mul3A_81 = arith.constant 0.00999999977 : f32
    %mul3A_82 = vector.broadcast %mul3A_81 : f32 to vector<64x8xf32>
    %mul3A_83 = arith.mulf %mul3A_82, %min3A_80 : vector<64x8xf32>
    %add3A_84 = arith.addf %max3A_77, %mul3A_83 : vector<64x8xf32>
    %swap3A = arith.constant 0 : index
    %swap3A_85 = arith.constant 0 : index
    %swap3A_86 = vector.load %arg10[%swap3A, %swap3A_85] : memref<64x8xf32, #tpu.memory_space<vmem>>, vector<64x8xf32>
    tpu.vector_store %arg10[%swap3A, %swap3A_85], %add3A_84 {strides = array<i32>} : memref<64x8xf32, #tpu.memory_space<vmem>>, vector<64x8xf32>,
    return
  }
}

</mosaic_0001>

<sc_bundles>
// kernel: kernel.12.cloned.1.call-start
scs
__scs_entry_jumppad:
0x0: {  	(pc) =	sbr.rel $0x88, $3  }
0x1: {  	(tag) =	ssettag $0x0;
	lr =	simm.s32 $0x1  }
0x2: {  	[smem:$0x3F95] =	sst lr;
	_ =	strace $0xD0000000  }
0x3: {  	_ = 	snop  }
0x4: {  	_ = 	snop  }
0x5: {  	_ = 	snop  }
0x6: {  	_ = 	snop  }
0x7: {  	_ = 	snop  }
__scs_overlays_trampoline_lowered:
0x8: {  	[smem:$0x3FA4] =	sst s0  }
0x9: {  	[smem:$0x3FA5] =	sst s1  }
0xa: {  	[smem:$0x3FA6] =	sst s2  }
0xb: {  	[smem:$0x3FA7] =	sst s3  }
0xc: {  	[smem:$0x3FA8] =	sst s4  }
0xd: {  	[smem:$0x3FA9] =	sst s5  }
0xe: {  	[smem:$0x3FAA] =	sst s6  }
0xf: {  	[smem:$0x3FAB] =	sst s7  }
0x10: {  	[smem:$0x3FAC] =	sst s8  }
0x11: {  	[smem:$0x3FAD] =	sst s9;
	s0 =	simm.s32 @!p0 $0x0  }
0x12: {  	s1 =	sld [smem:$0x3F93];
	s0 =	simm.s32 @p0 $0x1  }
0x13: {  	[smem:$0x3FAE] =	sst s0;
	s0 =	simm.s32 @!p1 $0x0  }
0x14: {  	s2 =	sld [smem:$0x3F92];
	s0 =	simm.s32 @p1 $0x1  }
0x15: {  	[smem:$0x3FAF] =	sst s0;
	s0 =	simm.s32 @!p2 $0x0  }
0x16: {  	s3 =	sld [smem:$0x3FDB];
	s0 =	simm.s32 @p2 $0x1  }
0x17: {  	s4 =	simm.s32 $0x1BF5;
	[smem:$0x3FB1] =	sst s0  }
0x18: {  	s0 =	sld [smem:$0x3F94];
	_ =	swait.ge [sflag:s4], $0x0  }
0x19: {  	s7 =	sld [smem:$0x3F95]  }
0x1a: {  	s8 =	sadd.s32 $0xFFFFE003, lr  }
0x1b: {  	s9 =	sadd.s32 $0xFFFFFEF7, lr;
	s5 =	simm.s32 $0xFFFFFFFF;
	p2 =	slt.u32 s8, $0xFFFFF086  }
0x1c: {  	p1 =	slt.u32 s9, $0xF7A;
	s5 =	simm.s32 @!p2 $0x0  }
0x1d: {  	s5 =	simm.s32 @p1 $0x1;
	p0 =	seq.s32 s7, s2  }
0x1e: {  	s7 =	smul.u32 @!p0 $0xF7A, s2;
	p2 =	seq.s32 @!p0 s5, $0x0  }
0x1f: {  	s9 =	smul.u32 $0xF7A, s1;
	s8 =	simm.s32 @!p0 $0x1BF5;
	p2 =	por !p2, p0  }
0x20: {  	[sflag:s8] =	ssyncset.s32 @!p0 $0xFFFFF086;
	s6 =	sadd.s32 @!p0 s3, s7;
	s7 =	simm.s32 @!p0 $0x108  }
0x21: {  	s3 =	sadd.s32 s3, s9;
	s6 =	sadd.s32 @!p0 $0x88, s6;
	s7 =	simm.s32 @p2 $0x1082  }
0x22: {  	[simem:s7], [sflag:s8] =	dma.local @!p0 [hbm:s6], $0xF7A  }
0x23: {  	s9 =	sor.u32 $0xD0000000, s2;
	s6 =	simm.s32 $0x108;
	_ =	swait.ge @!p0 [sflag:s8], $0x0  }
0x24: {  	s3 =	sadd.s32 $0x88, s3;
	s6 =	simm.s32 @!p1 $0x1082;
	[sflag:s4] =	ssyncset.s32 $0xFFFFF086  }
0x25: {  	[simem:s6], [sflag:s4] =	dma.local [hbm:s3], $0xF7A  }
0x26: {  	[smem:$0x3F95] =	sst s1;
	(tag) =	ssettag s2;
	_ =	strace s9  }
0x27: {  	s1 =	sld [smem:$0x3FA5]  }
0x28: {  	s2 =	sld [smem:$0x3FA6]  }
0x29: {  	s4 =	sld [smem:$0x3FA8]  }
0x2a: {  	p0 =	seq.s32 s5, $0x0;
	s5 =	sld [smem:$0x3FA9]  }
0x2b: {  	s6 =	sld [smem:$0x3FAA]  }
0x2c: {  	s7 =	sld [smem:$0x3FAB]  }
0x2d: {  	s3 =	simm.s32 $0x108;
	s8 =	sld [smem:$0x3FAC]  }
0x2e: {  	s3 =	simm.s32 @!p0 $0x1082;
	s9 =	sld [smem:$0x3FAD]  }
0x2f: {  	lr =	sadd.s32 s0, s3;
	s0 =	sld [smem:$0x3FA4]  }
0x30: {  	s3 =	sld [smem:$0x3FA7]  }
0x31: {  	[smem:$0x3FB0] =	sst s10  }
0x32: {  	s10 =	sld [smem:$0x3FAE];
	_ =	sdelay $0x3  }
0x33: {  	p0 =	seq.s32 s10, $0x1;
	s10 =	sld [smem:$0x3FB0];
	_ =	sdelay $0x3  }
0x34: {  	[smem:$0x3FB0] =	sst s10  }
0x35: {  	s10 =	sld [smem:$0x3FAF];
	_ =	sdelay $0x3  }
0x36: {  	p1 =	seq.s32 s10, $0x1;
	s10 =	sld [smem:$0x3FB0];
	_ =	sdelay $0x3  }
0x37: {  	[smem:$0x3FB0] =	sst s10  }
0x38: {  	s10 =	sld [smem:$0x3FB1]  }
0x39: {  	_ = 	snop;
	(pc) =	sbr.ind lr, $3  }
0x3a: {  	_ = 	snop  }
0x3b: {  	_ = 	snop  }
0x3c: {  	p2 =	seq.s32 s10, $0x1;
	s10 =	sld [smem:$0x3FB0]  }
0x3d: {  	_ =	shalt  }
0x3e: {  	_ =	shalt  }
0x3f: {  	_ =	shalt  }
0x40: {  	_ =	shalt  }
0x41: {  	_ =	shalt  }
0x42: {  	_ =	shalt  }
0x43: {  	_ =	shalt  }
0x44: {  	_ =	shalt  }
0x45: {  	_ =	shalt  }
0x46: {  	_ =	shalt  }
0x47: {  	_ =	shalt  }
0x48: {  	_ =	shalt  }
0x49: {  	_ =	shalt  }
0x4a: {  	_ =	shalt  }
0x4b: {  	_ =	shalt  }
0x4c: {  	_ =	shalt  }
0x4d: {  	_ =	shalt  }
0x4e: {  	_ =	shalt  }
0x4f: {  	_ =	shalt  }
0x50: {  	_ =	shalt  }
0x51: {  	_ =	shalt  }
0x52: {  	_ =	shalt  }
0x53: {  	_ =	shalt  }
0x54: {  	_ =	shalt  }
0x55: {  	_ =	shalt  }
0x56: {  	_ =	shalt  }
0x57: {  	_ =	shalt  }
0x58: {  	_ =	shalt  }
0x59: {  	_ =	shalt  }
0x5a: {  	_ =	shalt  }
0x5b: {  	_ =	shalt  }
0x5c: {  	_ =	shalt  }
0x5d: {  	_ =	shalt  }
0x5e: {  	_ =	shalt  }
0x5f: {  	_ =	shalt  }
0x60: {  	_ =	shalt  }
0x61: {  	_ =	shalt  }
0x62: {  	_ =	shalt  }
0x63: {  	_ =	shalt  }
0x64: {  	_ =	shalt  }
0x65: {  	_ =	shalt  }
0x66: {  	_ =	shalt  }
0x67: {  	_ =	shalt  }
0x68: {  	_ =	shalt  }
0x69: {  	_ =	shalt  }
0x6a: {  	_ =	shalt  }
0x6b: {  	_ =	shalt  }
0x6c: {  	_ =	shalt  }
0x6d: {  	_ =	shalt  }
0x6e: {  	_ =	shalt  }
0x6f: {  	_ =	shalt  }
0x70: {  	_ =	shalt  }
0x71: {  	_ =	shalt  }
0x72: {  	_ =	shalt  }
0x73: {  	_ =	shalt  }
0x74: {  	_ =	shalt  }
0x75: {  	_ =	shalt  }
0x76: {  	_ =	shalt  }
0x77: {  	_ =	shalt  }
0x78: {  	_ =	shalt  }
0x79: {  	_ =	shalt  }
0x7a: {  	_ =	shalt  }
0x7b: {  	_ =	shalt  }
0x7c: {  	_ =	shalt  }
0x7d: {  	_ =	shalt  }
0x7e: {  	_ =	shalt  }
0x7f: {  	_ =	shalt  }
0x80: {  	_ =	shalt  }
0x81: {  	_ =	shalt  }
0x82: {  	_ =	shalt  }
0x83: {  	_ =	shalt  }
0x84: {  	_ =	shalt  }
0x85: {  	_ =	shalt  }
0x86: {  	_ =	shalt  }
0x87: {  	_ =	shalt  }
.Lfunc_end0:
.L_simem_size_0:
called_computation.1_lowered:
.L_overlay_start_0:
0x88: {  	s2 =	sld [smem:$0x3FD9]  }
0x89: {  	s3 =	sld [smem:$0x3FFE];
	_ =	sdelay $0x1  }
0x8a: {  	s1 =	srdreg.scid  }
0x8b: {  	s0 =	sand.u32 $0x1, s1  }
0x8c: {  	s16 =	sshll.u32 s0, $0xA;
	s2 =	sadd.s32 s3, s2  }
0x8d: {  	s2 =	sadd.s32 s2, s16  }
0x8e: {  	[smem:$0x3FBC] =	sst s2  }
0x8f: {  	_ = 	snop  }
0x90: {  	(tm) =	ssettm $0x1  }
0x91: {  	s17 =	sld [smem:$0x3FFB];
	_ =	sdelay $0x3  }
0x92: {  	_ =	strace s17  }
0x93: {  	s2 =	sld [smem:$0x3FFC];
	_ =	sdelay $0x3  }
0x94: {  	_ =	strace s2  }
0x95: {  	s2 =	sld [smem:$0x3FFD];
	_ =	sdelay $0x3  }
0x96: {  	_ =	strace s2  }
0x97: {  	_ =	strace $0x8FFFFFFF  }
0x98: {  	s18 =	sld [smem:$0x3FDB];
	_ =	sdelay $0x1  }
0x99: {  	s19 =	simm.s32 $_scs_section_size  }
0x9a: {  	s4 =	simm.s32 $_size__tile_overlayer_lowered;
	s5 =	simm.s32 $_tile_overlayer_lowered  }
0x9b: {  	s22 =	simm.s32 $0x1BFF;
	s21 =	sshll.u32 s5, $0x1;
	s2 =	sadd.s32 s19, s18  }
0x9c: {  	s6 =	simm.s32 $0x0;
	s20 =	sshll.u32 s4, $0x1;
	s4 =	sadd.s32 s21, s2  }
0x9d: {  	[timem:s6], [sflag:s22] =	dma.local [hbm:s4], s20  }
0x9e: {  	_ =	swait.ge [sflag:s22], s20  }
0x9f: {  	s3 =	ssub.s32 $0x0, s20;
	[sflag:s22] =	ssyncset.done $0x0  }
0xa0: {  	[sflag:s22] =	ssyncadd.s32 s3;
	_ =	sdelay $0x1  }
0xa1: {  	s23 =	simm.s32 $0x1B8B  }
0xa2: {  	_ =	swait.ge [sflag:s23], $0x1  }
0xa3: {  	[sflag:s23] =	ssyncset.done $0x0  }
0xa4: {  	s25 =	simm.s32 $0x1B8E;
	s24 =	sld [smem:$0x3FFE];
	[sflag:s23] =	ssyncadd.s32 $0xFFFFFFFF  }
0xa5: {  	s26 =	simm.s32 $execute0_lowered;
	[smem:$0x3FD2] =	sst s25  }
0xa6: {  	s4 =	sshll.u32 s26, $0x1;
	_ =	strace $0x80000049;
	[dreg:$0x1] =	wrdreg $0xFFFFFFFF  }
0xa7: {  	s28 =	simm.s32 $_size_execute0_lowered;
	s2 =	sadd.s32 s2, s4;
	[dreg:$0x0] =	wrdreg $0x0  }
0xa8: {  	s4 =	sshll.u32 s28, $0x1;
	[dreg:$0x2] =	wrdreg s2  }
0xa9: {  	[dreg:$0x3] =	wrdreg s4  }
0xaa: {  	[dreg:$0x4] =	wrdreg $0xC0  }
0xab: {  	_ =	task [dreg:s6], $0x5FFFF  }
0xac: {  	[dreg:$0x1] =	wrdreg $0xFFFFFFFF  }
0xad: {  	[dreg:$0x0] =	wrdreg $0x60  }
0xae: {  	[dreg:$0x2] =	wrdreg s24  }
0xaf: {  	[dreg:$0x3] =	wrdreg $0x130000  }
0xb0: {  	[dreg:$0x4] =	wrdreg $0x180000  }
0xb1: {  	[dreg:$0x5] =	wrdreg $0x9  }
0xb2: {  	_ =	task.clear_ibuf [dreg:s6], $0x6FFFF;
	_ =	strace $0x90000049  }
0xb3: {  	s29 =	simm.s32 $0x9;
	_ =	strace $0x8000004B  }
0xb4: {  	_ =	swait.ge [sflag:s29], $0x1  }
0xb5: {  	[sflag:s29] =	ssyncadd.s32 $0xFFFFFFFF  }
0xb6: {  	_ =	strace $0x9000004B  }
0xb7: {  	_ =	sfence  }
0xb8: {  	s30 =	sld [smem:$0x0];
	_ =	sdelay $0x2  }
0xb9: {  	s31 =	sshll.u32 s1, $0xD;
	s1 =	sshrl.u32 s1, $0x2  }
0xba: {  	s3 =	sand.u32 $0x4000, s31;
	s1 =	sadd.s32 s1, s30  }
0xbb: {  	s0 =	sor.u32 s3, s0;
	s1 =	sshll.u32 s1, $0x11  }
0xbc: {  	s0 =	sor.u32 s1, s0  }
0xbd: {  	s0 =	sadd.s32 $0x8F2B, s0  }
0xbe: {  	[sflag:s0] =	ssyncadd.remote.s32 $0x1  }
0xbf: {  	_ =	sfence.sel $0xFFFF  }
0xc0: {  	[dreg:$0x0] =	wrdreg $0xFFFFFFFF;
	(pc) =	sbr.abs _section_cstart, $3  }
0xc1: {  	[dreg:$0x1] =	wrdreg $0xFFFFFFFF  }
0xc2: {  	_ =	task.clear_ibuf [dreg:s6], $0x2FFFF;
	_ =	strace $0x9FFFFFFF  }
0xc3: {  	(tm) =	ssettm $0x7FFFFFFF  }
tec
execute0_lowered:
.L_overlay_start_1:
0x0: {  	(tag) =	ssettag $0x1  }
0x1: {  	s0 =	rddreg [dreg:$0x0];
	s1 =	srdreg.scid  }
0x2: {  	s2 =	rddreg [dreg:$0x1];
	s4 =	stileid.u32  }
0x3: {  	s3 =	rddreg [dreg:$0x2];
	s9 =	simm.s32 $0x0;
	s17 =	simm.s32 $0xA000  }
0x4: {  	s18 =	simm.s32 $0x12000;
	s19 =	simm.s32 $0xB000;
	s21 =	simm.s32 $0xC000  }
0x5: {  	s22 =	simm.s32 $0xD000;
	s24 =	simm.s32 $0xE000;
	s28 =	simm.s32 $0x5  }
0x6: {  	s29 =	simm.s32 $0x6;
	s30 =	simm.s32 $0x7;
	s6 =	smul.u32 $0x4E20, s4  }
0x7: {  	s7 =	smul.u32 $0xA00, s4;
	[smem:$0x7FF] =	sst s9;
	s11 =	sadd.s32 $0xC400, s0  }
0x8: {  	s8 =	smul.u32 $0x5000, s4;
	_ =	strace $0x8000004A;
	[dreg:$0xb] =	wrdreg s11  }
0x9: {  	s1 =	sand.u32 $0x1, s1;
	s10 =	smul.u32 $0x14000, s4;
	[dreg:$0x4] =	wrdreg s17  }
0xa: {  	s31 =	simm.s32 $0x8;
	s5 =	smul.u32 $0x4E200, s1;
	[dreg:$0x5] =	wrdreg s19  }
0xb: {  	s20 =	sshll.u32 s4, $0x6;
	s25 =	smul.u32 $0x50000, s1;
	[dreg:$0x6] =	wrdreg s21  }
0xc: {  	s1 =	ssub.s32 $0x2, s1;
	s19 =	sor.u32 $0x1C11, s20;
	[dreg:$0x7] =	wrdreg s22  }
0xd: {  	s21 =	simm.s32 $0x80;
	[dreg:$0x8] =	wrdreg s24;
	s22 =	simm.s32 $0x11000  }
0xe: {  	s24 =	simm.s32 $0x2;
	s7 =	sadd.s32 s7, s0;
	s26 =	sshrl.u32 s1, $0x1  }
0xf: {  	s11 =	sshrl.u32 s10, $0x2;
	s10 =	simm.s32 $0x10;
	s5 =	sadd.s32 s6, s5  }
0x10: {  	s9 =	sadd.s32 s8, s25;
	s1 =	ssub.s32 s1, s26;
	s12 =	sadd.s32 $0x16600, s7  }
0x11: {  	s7 =	sadd.s32 $0x2200, s7;
	s13 =	sadd.s32 s11, s2;
	[dreg:$0xc] =	wrdreg s12  }
0x12: {  	s8 =	sadd.s32 s8, s2;
	s25 =	simm.s32 $0xF000;
	[dreg:$0xd] =	wrdreg s7  }
0x13: {  	s6 =	sadd.s32 s6, s3;
	s26 =	simm.s32 $0x10000;
	[dreg:$0x9] =	wrdreg s25  }
0x14: {  	s11 =	simm.s32 $0x0;
	s14 =	sadd.s32 $0x2000, s13;
	[dreg:$0xa] =	wrdreg s26  }
0x15: {  	s5 =	sshrl.u32 s5, $0x3;
	s15 =	sadd.s32 $0x3000, s13;
	[dreg:$0xf] =	wrdreg s14  }
0x16: {  	s9 =	sshrl.u32 s9, $0x3;
	s7 =	sadd.s32 $0x4000, s13;
	[dreg:$0x10] =	wrdreg s15  }
0x17: {  	s16 =	smax.u32 s1, $0x1;
	s23 =	sshrl.u32 s6, $0x3;
	[dreg:$0x11] =	wrdreg s7  }
0x18: {  	s25 =	simm.s32 $0x3;
	s5 =	sadd.s32 s5, s0;
	[dreg:$0x14] =	wrdreg s16  }
0x19: {  	s0 =	sadd.s32 s9, s0;
	s9 =	sadd.s32 $0x1000, s13;
	[dreg:$0x15] =	wrdreg s23  }
0x1a: {  	s26 =	simm.s32 $0x4;
	[dreg:$0xe] =	wrdreg s9;
	s5 =	sadd.s32 $0x20600, s5  }
0x1b: {  	s16 =	simm.s32 $0x11;
	s0 =	sadd.s32 $0x34000, s0;
	[dreg:$0x12] =	wrdreg s5  }
0x1c: {  	s23 =	simm.s32 $0x1;
	s9 =	simm.s32 $0xF;
	[dreg:$0x13] =	wrdreg s0  }
.LBB2_1:
0x1d: {  	s0 =	simm.s32 $0x0;
	s1 =	rddreg [dreg:$0xc]  }
0x1e: {  	[tilespmem:s0], [sflag:$0x11] =	stream.linear.gather [hbm4b:s1+s0], $0x5000, $0x38;
	[tilespmem:$0x1CE20] =	vst v63  }
0x1f: {  	_ =	swait.ge [sflag:s16], $0x5000  }
0x20: {  	[sflag:s16] =	ssyncset.done $0x0  }
0x21: {  	s4 =	simm.s32 $0x5000;
	s6 =	rddreg [dreg:$0xd];
	[sflag:s16] =	ssyncadd.s32 $0xFFFFB000  }
0x22: {  	[tilespmem:s4], [sflag:$0x11] =	stream.linear.gather [hbm4b:s6+s0], $0x5000, $0x38;
	[tilespmem:$0x1CE20] =	vst v63  }
0x23: {  	_ =	swait.ge [sflag:s16], $0x5000  }
0x24: {  	[sflag:s16] =	ssyncset.done $0x0  }
0x25: {  	s7 =	rddreg [dreg:$0xb];
	[sflag:s16] =	ssyncadd.s32 $0xFFFFB000  }
0x26: {  	[tilespmem:s18], [sflag:$0x11] =	stream.linear.gather [hbm4b:s7+s0], $0x1000, $0x38;
	[tilespmem:$0x1CE20] =	vst v63  }
0x27: {  	_ =	swait.ge [sflag:s16], $0x1000  }
0x28: {  	[sflag:s16] =	ssyncset.done $0x0  }
0x29: {  	[sflag:s16] =	ssyncadd.s32 $0xFFFFF000  }
0x2a: {  	[spmem:s8] =	stream.linear.scatter [tilespmem:s18], [sflag:$0x11], $0x1000, $0x38;
	[tilespmem:$0x1CE20] =	vst v63  }
0x2b: {  	_ =	swait.ge [sflag:s16], $0x1000  }
0x2c: {  	[sflag:s16] =	ssyncset.done $0x0  }
0x2d: {  	s12 =	rddreg [dreg:$0xe];
	[sflag:s16] =	ssyncadd.s32 $0xFFFFF000  }
0x2e: {  	[spmem:s12] =	stream.linear.scatter [tilespmem:s18], [sflag:$0x11], $0x1000, $0x38;
	[tilespmem:$0x1CE20] =	vst v63  }
0x2f: {  	_ =	swait.ge [sflag:s16], $0x1000  }
0x30: {  	[sflag:s16] =	ssyncset.done $0x0  }
0x31: {  	s13 =	rddreg [dreg:$0xf];
	[sflag:s16] =	ssyncadd.s32 $0xFFFFF000  }
0x32: {  	[spmem:s13] =	stream.linear.scatter [tilespmem:s18], [sflag:$0x11], $0x1000, $0x38;
	[tilespmem:$0x1CE20] =	vst v63  }
0x33: {  	_ =	swait.ge [sflag:s16], $0x1000  }
0x34: {  	[sflag:s16] =	ssyncset.done $0x0  }
0x35: {  	s14 =	rddreg [dreg:$0x10];
	[sflag:s16] =	ssyncadd.s32 $0xFFFFF000  }
0x36: {  	[spmem:s14] =	stream.linear.scatter [tilespmem:s18], [sflag:$0x11], $0x1000, $0x38;
	[tilespmem:$0x1CE20] =	vst v63  }
0x37: {  	_ =	swait.ge [sflag:s16], $0x1000  }
0x38: {  	[sflag:s16] =	ssyncset.done $0x0  }
0x39: {  	s15 =	rddreg [dreg:$0x11];
	[sflag:s16] =	ssyncadd.s32 $0xFFFFF000  }
0x3a: {  	[spmem:s15] =	stream.linear.scatter [tilespmem:s18], [sflag:$0x11], $0x1000, $0x38;
	[tilespmem:$0x1CE20] =	vst v63  }
0x3b: {  	_ =	swait.ge [sflag:s16], $0x1000  }
0x3c: {  	[sflag:s16] =	ssyncset.done $0x0;
	s17 =	rddreg [dreg:$0x12]  }
0x3d: {  	s20 =	rddreg [dreg:$0x15];
	[sflag:s16] =	ssyncadd.s32 $0xFFFFF000  }
0x3e: {  	[spmem:s20], [sflag:s19] =	dma.local [hbm:s17], $0x9C4  }
0x3f: {  	_ =	swait.ge [sflag:s16], $0x9C4  }
0x40: {  	[sflag:s16] =	ssyncset.done $0x0  }
0x41: {  	p0 =	por $0x0, $0x0;
	[sflag:s16] =	ssyncadd.s32 $0xFFFFF63C  }
0x42: {  	s12 =	simm.s32 @p0 $0x9;
	[bflag:$0x0] =	sbarrier.arrive $0xFFFF  }
0x43: {  	_ =	swait.ge @p0 [sflag:s12], $0x1000  }
0x44: {  	s13 =	simm.s32 @p0 $0xA000;
	s14 =	simm.s32 @p0 $0xA;
	[sflag:s12] =	ssyncset.done @p0 $0x0  }
0x45: {  	s15 =	simm.s32 @p0 $0x80;
	[sflag:s12] =	ssyncadd.s32 @p0 $0xFFFFF000;
	s12 =	simm.s32 @p0 $0x0  }
0x46: {  	[tilespmem:s13], [sflag:$0x1] =	stream.indirect.gather @p0 [spmem:s3], $0x20, s12, s15, $0xb8;
	[tilespmem:$0x1CE20] =	vst v63  }
0x47: {  	_ =	swait.ge @p0 [sflag:s14], $0x1000  }
0x48: {  	s12 =	simm.s32 @p0 $0x80;
	[sflag:s14] =	ssyncset.done @p0 $0x0  }
0x49: {  	s13 =	simm.s32 @p0 $0xB000;
	[sflag:s14] =	ssyncadd.s32 @p0 $0xFFFFF000;
	s14 =	simm.s32 @p0 $0xB  }
0x4a: {  	[tilespmem:s13], [sflag:$0x2] =	stream.indirect.gather @p0 [spmem:s3], $0x20, s12, s15, $0xb8;
	[tilespmem:$0x1CE20] =	vst v63  }
0x4b: {  	_ =	swait.ge @p0 [sflag:s14], $0x1000  }
0x4c: {  	s12 =	simm.s32 @p0 $0x100;
	[sflag:s14] =	ssyncset.done @p0 $0x0  }
0x4d: {  	s13 =	simm.s32 @p0 $0xC000;
	[sflag:s14] =	ssyncadd.s32 @p0 $0xFFFFF000;
	s14 =	simm.s32 @p0 $0xC  }
0x4e: {  	[tilespmem:s13], [sflag:$0x3] =	stream.indirect.gather @p0 [spmem:s3], $0x20, s12, s15, $0xb8;
	[tilespmem:$0x1CE20] =	vst v63  }
0x4f: {  	_ =	swait.ge @p0 [sflag:s14], $0x1000  }
0x50: {  	s12 =	simm.s32 @p0 $0x180;
	[sflag:s14] =	ssyncset.done @p0 $0x0  }
0x51: {  	s13 =	simm.s32 @p0 $0xD000;
	[sflag:s14] =	ssyncadd.s32 @p0 $0xFFFFF000;
	s14 =	simm.s32 @p0 $0xD  }
0x52: {  	[tilespmem:s13], [sflag:$0x4] =	stream.indirect.gather @p0 [spmem:s3], $0x20, s12, s15, $0xb8;
	[tilespmem:$0x1CE20] =	vst v63  }
0x53: {  	_ =	swait.ge @p0 [sflag:s14], $0x1000  }
0x54: {  	s12 =	simm.s32 @p0 $0x200;
	[sflag:s14] =	ssyncset.done @p0 $0x0  }
0x55: {  	s13 =	simm.s32 @p0 $0xE000;
	[sflag:s14] =	ssyncadd.s32 @p0 $0xFFFFF000;
	s14 =	simm.s32 @p0 $0xE  }
0x56: {  	[tilespmem:s13], [sflag:$0x5] =	stream.indirect.gather @p0 [spmem:s3], $0x20, s12, s15, $0xb8;
	[tilespmem:$0x1CE20] =	vst v63  }
0x57: {  	_ =	swait.ge @p0 [sflag:s14], $0x1000  }
0x58: {  	s12 =	simm.s32 @p0 $0x280;
	[sflag:s14] =	ssyncset.done @p0 $0x0  }
0x59: {  	s13 =	simm.s32 @p0 $0xF000;
	[sflag:s14] =	ssyncadd.s32 @p0 $0xFFFFF000;
	s14 =	simm.s32 @p0 $0xF  }
0x5a: {  	[tilespmem:s13], [sflag:$0x6] =	stream.indirect.gather @p0 [spmem:s3], $0x20, s12, s15, $0xb8;
	[tilespmem:$0x1CE20] =	vst v63  }
0x5b: {  	_ =	swait.ge @p0 [sflag:s14], $0x1000  }
0x5c: {  	s12 =	simm.s32 @p0 $0x300;
	[sflag:s14] =	ssyncset.done @p0 $0x0  }
0x5d: {  	s13 =	simm.s32 @p0 $0x10000;
	[sflag:s14] =	ssyncadd.s32 @p0 $0xFFFFF000;
	s14 =	simm.s32 @p0 $0x10  }
0x5e: {  	[tilespmem:s13], [sflag:$0x7] =	stream.indirect.gather @p0 [spmem:s3], $0x20, s12, s15, $0xb8;
	[tilespmem:$0x1CE20] =	vst v63  }
0x5f: {  	_ =	swait.ge @p0 [sflag:s14], $0x1000  }
0x60: {  	s12 =	simm.s32 @!p0 $0xA000;
	[sflag:s14] =	ssyncset.done @p0 $0x0  }
0x61: {  	s13 =	simm.s32 @!p0 $0x0;
	[sflag:s14] =	ssyncadd.s32 @p0 $0xFFFFF000;
	s14 =	simm.s32 @!p0 $0x80  }
0x62: {  	[tilespmem:s12], [sflag:$0x1] =	stream.indirect.gather @!p0 [spmem:s3], $0x20, s13, s14, $0xb8;
	[tilespmem:$0x1CE20] =	vst v63  }
0x63: {  	s12 =	simm.s32 @!p0 $0xB000  }
0x64: {  	[tilespmem:s12], [sflag:$0x2] =	stream.indirect.gather @!p0 [spmem:s3], $0x20, s14, s14, $0xb8;
	[tilespmem:$0x1CE20] =	vst v63  }
0x65: {  	s13 =	simm.s32 @!p0 $0xC000;
	s12 =	simm.s32 @!p0 $0x100  }
0x66: {  	[tilespmem:s13], [sflag:$0x3] =	stream.indirect.gather @!p0 [spmem:s3], $0x20, s12, s14, $0xb8;
	[tilespmem:$0x1CE20] =	vst v63  }
0x67: {  	s12 =	simm.s32 @!p0 $0x180;
	s13 =	simm.s32 @!p0 $0xD000  }
0x68: {  	[tilespmem:s13], [sflag:$0x4] =	stream.indirect.gather @!p0 [spmem:s3], $0x20, s12, s14, $0xb8;
	[tilespmem:$0x1CE20] =	vst v63  }
0x69: {  	s12 =	simm.s32 @!p0 $0x200;
	s13 =	simm.s32 @!p0 $0xE000  }
0x6a: {  	[tilespmem:s13], [sflag:$0x5] =	stream.indirect.gather @!p0 [spmem:s3], $0x20, s12, s14, $0xb8;
	[tilespmem:$0x1CE20] =	vst v63  }
0x6b: {  	s12 =	simm.s32 @!p0 $0x280;
	s13 =	simm.s32 @!p0 $0xF000  }
0x6c: {  	[tilespmem:s13], [sflag:$0x6] =	stream.indirect.gather @!p0 [spmem:s3], $0x20, s12, s14, $0xb8;
	[tilespmem:$0x1CE20] =	vst v63  }
0x6d: {  	s15 =	simm.s32 @!p0 $0x10000;
	s12 =	simm.s32 $0x380;
	s13 =	simm.s32 @!p0 $0x300  }
0x6e: {  	[tilespmem:s15], [sflag:$0x7] =	stream.indirect.gather @!p0 [spmem:s3], $0x20, s13, s14, $0xb8;
	[tilespmem:$0x1CE20] =	vst v63  }
0x6f: {  	s12 =	simm.s32 @!p0 $0x380  }
0x70: {  	[tilespmem:s22], [sflag:$0x8] =	stream.indirect.gather [spmem:s3], $0x20, s12, s21, $0xb8;
	[tilespmem:$0x1CE20] =	vst v63  }
0x71: {  	_ =	swait.ge [sflag:s23], $0x1000  }
0x72: {  	[sflag:s23] =	ssyncset.done $0x0  }
0x73: {  	s4 =	simm.s32 $0x5000;
	s1 =	rddreg [dreg:$0x4];
	[sflag:s23] =	ssyncadd.s32 $0xFFFFF000  }
0x74: {  	[spmem:s2] =	stream.indirect.scatter.add.f32 [tilespmem:s1], [sflag:$0x9], $0x20, s4, s21, $0xb8;
	[tilespmem:$0x1CE20] =	vst v63  }
0x75: {  	s13 =	simm.s32 @p0 $0x80;
	_ =	swait.ge [sflag:s24], $0x1000  }
0x76: {  	s13 =	simm.s32 @!p0 $0x80;
	[sflag:s24] =	ssyncset.done $0x0  }
0x77: {  	s13 =	sadd.s32 $0x5000, s13;
	s5 =	rddreg [dreg:$0x5];
	[sflag:s24] =	ssyncadd.s32 $0xFFFFF000  }
0x78: {  	[spmem:s2] =	stream.indirect.scatter.add.f32 [tilespmem:s5], [sflag:$0xA], $0x20, s13, s21, $0xb8;
	[tilespmem:$0x1CE20] =	vst v63  }
0x79: {  	s13 =	simm.s32 @p0 $0x100;
	_ =	swait.ge [sflag:s25], $0x1000  }
0x7a: {  	s13 =	simm.s32 @!p0 $0x100;
	[sflag:s25] =	ssyncset.done $0x0  }
0x7b: {  	s6 =	rddreg [dreg:$0x6];
	s13 =	sadd.s32 $0x5000, s13;
	[sflag:s25] =	ssyncadd.s32 $0xFFFFF000  }
0x7c: {  	[spmem:s2] =	stream.indirect.scatter.add.f32 [tilespmem:s6], [sflag:$0xB], $0x20, s13, s21, $0xb8;
	[tilespmem:$0x1CE20] =	vst v63  }
0x7d: {  	s13 =	simm.s32 @p0 $0x180;
	_ =	swait.ge [sflag:s26], $0x1000  }
0x7e: {  	s13 =	simm.s32 @!p0 $0x180;
	[sflag:s26] =	ssyncset.done $0x0  }
0x7f: {  	s7 =	rddreg [dreg:$0x7];
	s13 =	sadd.s32 $0x5000, s13;
	[sflag:s26] =	ssyncadd.s32 $0xFFFFF000  }
0x80: {  	[spmem:s2] =	stream.indirect.scatter.add.f32 [tilespmem:s7], [sflag:$0xC], $0x20, s13, s21, $0xb8;
	[tilespmem:$0x1CE20] =	vst v63  }
0x81: {  	s13 =	simm.s32 @p0 $0x200;
	_ =	swait.ge [sflag:s28], $0x1000  }
0x82: {  	s13 =	simm.s32 @!p0 $0x200;
	[sflag:s28] =	ssyncset.done $0x0  }
0x83: {  	s15 =	rddreg [dreg:$0x8];
	s13 =	sadd.s32 $0x5000, s13;
	[sflag:s28] =	ssyncadd.s32 $0xFFFFF000  }
0x84: {  	[spmem:s2] =	stream.indirect.scatter.add.f32 [tilespmem:s15], [sflag:$0xD], $0x20, s13, s21, $0xb8;
	[tilespmem:$0x1CE20] =	vst v63  }
0x85: {  	s13 =	simm.s32 @p0 $0x280;
	_ =	swait.ge [sflag:s29], $0x1000  }
0x86: {  	s14 =	simm.s32 @p0 $0x300;
	s13 =	simm.s32 @!p0 $0x280;
	[sflag:s29] =	ssyncset.done $0x0  }
0x87: {  	s17 =	rddreg [dreg:$0x9];
	s13 =	sadd.s32 $0x5000, s13;
	[sflag:s29] =	ssyncadd.s32 $0xFFFFF000  }
0x88: {  	[spmem:s2] =	stream.indirect.scatter.add.f32 [tilespmem:s17], [sflag:$0xE], $0x20, s13, s21, $0xb8;
	[tilespmem:$0x1CE20] =	vst v63  }
0x89: {  	s14 =	simm.s32 @!p0 $0x300;
	_ =	swait.ge [sflag:s30], $0x1000  }
0x8a: {  	s14 =	sadd.s32 $0x5000, s14;
	[sflag:s30] =	ssyncset.done $0x0  }
0x8b: {  	s12 =	sadd.s32 $0x5000, s12;
	s20 =	rddreg [dreg:$0xa];
	[sflag:s30] =	ssyncadd.s32 $0xFFFFF000  }
0x8c: {  	[spmem:s2] =	stream.indirect.scatter.add.f32 [tilespmem:s20], [sflag:$0xF], $0x20, s14, s21, $0xb8;
	[tilespmem:$0x1CE20] =	vst v63  }
0x8d: {  	p0 =	por $0x1, $0x1;
	s13 =	simm.s32 $0x1000;
	_ =	swait.ge [sflag:s31], $0x1000  }
0x8e: {  	s14 =	simm.s32 $0x2000;
	s20 =	simm.s32 $0x780;
	[sflag:s31] =	ssyncset.done $0x0  }
.LBB2_2:
0x8f: {  	s4 =	simm.s32 @p0 $0x9;
	[sflag:s31] =	ssyncadd.s32 $0xFFFFF000  }
0x90: {  	[spmem:s2] =	stream.indirect.scatter.add.f32 [tilespmem:s22], [sflag:$0x10], $0x20, s12, s21, $0xb8;
	[tilespmem:$0x1CE20] =	vst v63  }
0x91: {  	_ =	swait.ge @p0 [sflag:s4], $0x1000  }
0x92: {  	s1 =	simm.s32 @p0 $0xA000;
	s0 =	simm.s32 @p0 $0xA;
	[sflag:s4] =	ssyncset.done @p0 $0x0  }
0x93: {  	s12 =	simm.s32 @p0 $0x80;
	[sflag:s4] =	ssyncadd.s32 @p0 $0xFFFFF000;
	s4 =	sshra.s32 @p0 s13, $0x2  }
0x94: {  	[tilespmem:s1], [sflag:$0x1] =	stream.indirect.gather @p0 [spmem:s3], $0x20, s4, s12, $0xb8;
	[tilespmem:$0x1CE20] =	vst v63  }
0x95: {  	_ =	swait.ge @p0 [sflag:s0], $0x1000  }
0x96: {  	s7 =	simm.s32 @p0 $0xB;
	s1 =	sadd.s32 @p0 $0x80, s4;
	[sflag:s0] =	ssyncset.done @p0 $0x0  }
0x97: {  	s17 =	sadd.s32 @p0 $0x100, s4;
	[sflag:s0] =	ssyncadd.s32 @p0 $0xFFFFF000;
	s0 =	simm.s32 @p0 $0xB000  }
0x98: {  	[tilespmem:s0], [sflag:$0x2] =	stream.indirect.gather @p0 [spmem:s3], $0x20, s1, s12, $0xb8;
	[tilespmem:$0x1CE20] =	vst v63  }
0x99: {  	s5 =	sadd.s32 @p0 $0x180, s4;
	s6 =	sadd.s32 @p0 $0x200, s4;
	_ =	swait.ge @p0 [sflag:s7], $0x1000  }
0x9a: {  	s0 =	sadd.s32 @p0 $0x280, s4;
	s1 =	sadd.s32 @p0 $0x300, s4;
	[sflag:s7] =	ssyncset.done @p0 $0x0  }
0x9b: {  	s4 =	simm.s32 @p0 $0xC000;
	[sflag:s7] =	ssyncadd.s32 @p0 $0xFFFFF000;
	s7 =	simm.s32 @p0 $0xC  }
0x9c: {  	[tilespmem:s4], [sflag:$0x3] =	stream.indirect.gather @p0 [spmem:s3], $0x20, s17, s12, $0xb8;
	[tilespmem:$0x1CE20] =	vst v63  }
0x9d: {  	_ =	swait.ge @p0 [sflag:s7], $0x1000  }
0x9e: {  	[sflag:s7] =	ssyncset.done @p0 $0x0  }
0x9f: {  	s4 =	simm.s32 @p0 $0xD000;
	[sflag:s7] =	ssyncadd.s32 @p0 $0xFFFFF000;
	s7 =	simm.s32 @p0 $0xD  }
0xa0: {  	[tilespmem:s4], [sflag:$0x4] =	stream.indirect.gather @p0 [spmem:s3], $0x20, s5, s12, $0xb8;
	[tilespmem:$0x1CE20] =	vst v63  }
0xa1: {  	_ =	swait.ge @p0 [sflag:s7], $0x1000  }
0xa2: {  	[sflag:s7] =	ssyncset.done @p0 $0x0  }
0xa3: {  	s4 =	simm.s32 @p0 $0xE000;
	s5 =	simm.s32 @p0 $0xE;
	[sflag:s7] =	ssyncadd.s32 @p0 $0xFFFFF000  }
0xa4: {  	[tilespmem:s4], [sflag:$0x5] =	stream.indirect.gather @p0 [spmem:s3], $0x20, s6, s12, $0xb8;
	[tilespmem:$0x1CE20] =	vst v63  }
0xa5: {  	_ =	swait.ge @p0 [sflag:s5], $0x1000  }
0xa6: {  	[sflag:s5] =	ssyncset.done @p0 $0x0  }
0xa7: {  	s4 =	simm.s32 @p0 $0xF000;
	[sflag:s5] =	ssyncadd.s32 @p0 $0xFFFFF000;
	s5 =	simm.s32 @p0 $0xF  }
0xa8: {  	[tilespmem:s4], [sflag:$0x6] =	stream.indirect.gather @p0 [spmem:s3], $0x20, s0, s12, $0xb8;
	[tilespmem:$0x1CE20] =	vst v63  }
0xa9: {  	_ =	swait.ge @p0 [sflag:s5], $0x1000  }
0xaa: {  	[sflag:s5] =	ssyncset.done @p0 $0x0  }
0xab: {  	s0 =	simm.s32 @p0 $0x10000;
	s4 =	simm.s32 @p0 $0x10;
	[sflag:s5] =	ssyncadd.s32 @p0 $0xFFFFF000  }
0xac: {  	[tilespmem:s0], [sflag:$0x7] =	stream.indirect.gather @p0 [spmem:s3], $0x20, s1, s12, $0xb8;
	[tilespmem:$0x1CE20] =	vst v63  }
0xad: {  	_ =	swait.ge @p0 [sflag:s4], $0x1000  }
0xae: {  	s0 =	simm.s32 @!p0 $0xA000;
	[sflag:s4] =	ssyncset.done @p0 $0x0  }
0xaf: {  	s1 =	sshra.s32 @!p0 s13, $0x2;
	[sflag:s4] =	ssyncadd.s32 @p0 $0xFFFFF000;
	s4 =	simm.s32 @!p0 $0x80  }
0xb0: {  	[tilespmem:s0], [sflag:$0x1] =	stream.indirect.gather @!p0 [spmem:s3], $0x20, s1, s4, $0xb8;
	[tilespmem:$0x1CE20] =	vst v63  }
0xb1: {  	s0 =	simm.s32 @!p0 $0xB000  }
0xb2: {  	[tilespmem:s0], [sflag:$0x2] =	stream.indirect.gather @!p0 [spmem:s3], $0x20, s4, s4, $0xb8;
	[tilespmem:$0x1CE20] =	vst v63  }
0xb3: {  	s1 =	simm.s32 @!p0 $0xC000;
	s0 =	simm.s32 @!p0 $0x100  }
0xb4: {  	[tilespmem:s1], [sflag:$0x3] =	stream.indirect.gather @!p0 [spmem:s3], $0x20, s0, s4, $0xb8;
	[tilespmem:$0x1CE20] =	vst v63  }
0xb5: {  	s0 =	simm.s32 @!p0 $0x180;
	s1 =	simm.s32 @!p0 $0xD000  }
0xb6: {  	[tilespmem:s1], [sflag:$0x4] =	stream.indirect.gather @!p0 [spmem:s3], $0x20, s0, s4, $0xb8;
	[tilespmem:$0x1CE20] =	vst v63  }
0xb7: {  	s0 =	simm.s32 @!p0 $0x200;
	s1 =	simm.s32 @!p0 $0xE000  }
0xb8: {  	[tilespmem:s1], [sflag:$0x5] =	stream.indirect.gather @!p0 [spmem:s3], $0x20, s0, s4, $0xb8;
	[tilespmem:$0x1CE20] =	vst v63  }
0xb9: {  	s0 =	simm.s32 @!p0 $0x280;
	s1 =	simm.s32 @!p0 $0xF000  }
0xba: {  	[tilespmem:s1], [sflag:$0x6] =	stream.indirect.gather @!p0 [spmem:s3], $0x20, s0, s4, $0xb8;
	[tilespmem:$0x1CE20] =	vst v63  }
0xbb: {  	s12 =	smov.u32 s20;
	s0 =	simm.s32 @!p0 $0x300;
	s1 =	simm.s32 @!p0 $0x10000  }
0xbc: {  	[tilespmem:s1], [sflag:$0x7] =	stream.indirect.gather @!p0 [spmem:s3], $0x20, s0, s4, $0xb8;
	[tilespmem:$0x1CE20] =	vst v63  }
0xbd: {  	s12 =	simm.s32 @!p0 $0x380  }
0xbe: {  	[tilespmem:s22], [sflag:$0x8] =	stream.indirect.gather [spmem:s3], $0x20, s12, s21, $0xb8;
	[tilespmem:$0x1CE20] =	vst v63  }
0xbf: {  	_ =	swait.ge [sflag:s23], $0x1000  }
0xc0: {  	s17 =	sshra.s32 s13, $0x2;
	[sflag:s23] =	ssyncset.done $0x0  }
0xc1: {  	s1 =	sadd.s32 $0x5000, s17;
	s7 =	rddreg [dreg:$0x4];
	[sflag:s23] =	ssyncadd.s32 $0xFFFFF000  }
0xc2: {  	[spmem:s2] =	stream.indirect.scatter.add.f32 [tilespmem:s7], [sflag:$0x9], $0x20, s1, s21, $0xb8;
	[tilespmem:$0x1CE20] =	vst v63  }
0xc3: {  	s0 =	sadd.s32 @p0 $0xFFFFFD00, s20;
	_ =	swait.ge [sflag:s24], $0x1000  }
0xc4: {  	s0 =	simm.s32 @!p0 $0x80;
	[sflag:s24] =	ssyncset.done $0x0  }
0xc5: {  	s0 =	sadd.s32 $0x5000, s0;
	s4 =	rddreg [dreg:$0x5];
	[sflag:s24] =	ssyncadd.s32 $0xFFFFF000  }
0xc6: {  	[spmem:s2] =	stream.indirect.scatter.add.f32 [tilespmem:s4], [sflag:$0xA], $0x20, s0, s21, $0xb8;
	[tilespmem:$0x1CE20] =	vst v63  }
0xc7: {  	s0 =	sadd.s32 @p0 $0xFFFFFD80, s20;
	_ =	swait.ge [sflag:s25], $0x1000  }
0xc8: {  	s0 =	simm.s32 @!p0 $0x100;
	[sflag:s25] =	ssyncset.done $0x0  }
0xc9: {  	s5 =	rddreg [dreg:$0x6];
	s0 =	sadd.s32 $0x5000, s0;
	[sflag:s25] =	ssyncadd.s32 $0xFFFFF000  }
0xca: {  	[spmem:s2] =	stream.indirect.scatter.add.f32 [tilespmem:s5], [sflag:$0xB], $0x20, s0, s21, $0xb8;
	[tilespmem:$0x1CE20] =	vst v63  }
0xcb: {  	s0 =	sadd.s32 @p0 $0xFFFFFE00, s20;
	_ =	swait.ge [sflag:s26], $0x1000  }
0xcc: {  	s0 =	simm.s32 @!p0 $0x180;
	[sflag:s26] =	ssyncset.done $0x0  }
0xcd: {  	s6 =	rddreg [dreg:$0x7];
	s0 =	sadd.s32 $0x5000, s0;
	[sflag:s26] =	ssyncadd.s32 $0xFFFFF000  }
0xce: {  	[spmem:s2] =	stream.indirect.scatter.add.f32 [tilespmem:s6], [sflag:$0xC], $0x20, s0, s21, $0xb8;
	[tilespmem:$0x1CE20] =	vst v63  }
0xcf: {  	s0 =	sadd.s32 @p0 $0xFFFFFE80, s20;
	_ =	swait.ge [sflag:s28], $0x1000  }
0xd0: {  	s15 =	smov.u32 s14;
	s0 =	simm.s32 @!p0 $0x200;
	[sflag:s28] =	ssyncset.done $0x0  }
0xd1: {  	s7 =	rddreg [dreg:$0x8];
	s0 =	sadd.s32 $0x5000, s0;
	[sflag:s28] =	ssyncadd.s32 $0xFFFFF000  }
0xd2: {  	[spmem:s2] =	stream.indirect.scatter.add.f32 [tilespmem:s7], [sflag:$0xD], $0x20, s0, s21, $0xb8;
	[tilespmem:$0x1CE20] =	vst v63  }
0xd3: {  	s14 =	sadd.s32 $0x1000, s14;
	s0 =	sadd.s32 @p0 $0xFFFFFF00, s20;
	_ =	swait.ge [sflag:s29], $0x1000  }
0xd4: {  	s13 =	smov.u32 s15;
	s0 =	simm.s32 @!p0 $0x280;
	[sflag:s29] =	ssyncset.done $0x0  }
0xd5: {  	s15 =	rddreg [dreg:$0x9];
	s0 =	sadd.s32 $0x5000, s0;
	[sflag:s29] =	ssyncadd.s32 $0xFFFFF000  }
0xd6: {  	[spmem:s2] =	stream.indirect.scatter.add.f32 [tilespmem:s15], [sflag:$0xE], $0x20, s0, s21, $0xb8;
	[tilespmem:$0x1CE20] =	vst v63  }
0xd7: {  	p1 =	sne.s32 s14, $0x14000;
	s0 =	sadd.s32 @p0 $0xFFFFFF80, s20;
	_ =	swait.ge [sflag:s30], $0x1000  }
.Ltmp0:
0xd8: {  	s0 =	simm.s32 @!p0 $0x300;
	[sflag:s30] =	ssyncset.done $0x0;
	(pc) =	sbr.rel @p1 .LBB2_2-.Ltmp0, $4  }
0xd9: {  	s17 =	rddreg [dreg:$0xa];
	s0 =	sadd.s32 $0x5000, s0;
	[sflag:s30] =	ssyncadd.s32 $0xFFFFF000  }
0xda: {  	[spmem:s2] =	stream.indirect.scatter.add.f32 [tilespmem:s17], [sflag:$0xF], $0x20, s0, s21, $0xb8;
	[tilespmem:$0x1CE20] =	vst v63  }
0xdb: {  	s12 =	sadd.s32 $0x5000, s12;
	_ =	swait.ge [sflag:s31], $0x1000  }
0xdc: {  	s20 =	sadd.s32 $0x400, s20;
	p0 =	sne.s32 s13, $0x0;
	[sflag:s31] =	ssyncset.done $0x0  }
0xdd: {  	s0 =	simm.s32 @p0 $0x9;
	[sflag:s31] =	ssyncadd.s32 $0xFFFFF000  }
0xde: {  	[spmem:s2] =	stream.indirect.scatter.add.f32 [tilespmem:s22], [sflag:$0x10], $0x20, s12, s21, $0xb8;
	[tilespmem:$0x1CE20] =	vst v63  }
0xdf: {  	_ =	swait.ge @p0 [sflag:s0], $0x1000  }
0xe0: {  	s1 =	simm.s32 @p0 $0xA000;
	s4 =	simm.s32 @p0 $0xA;
	[sflag:s0] =	ssyncset.done @p0 $0x0  }
0xe1: {  	s5 =	simm.s32 @p0 $0x80;
	[sflag:s0] =	ssyncadd.s32 @p0 $0xFFFFF000;
	s0 =	sshra.s32 @p0 s13, $0x2  }
0xe2: {  	[tilespmem:s1], [sflag:$0x1] =	stream.indirect.gather @p0 [spmem:s3], $0x20, s0, s5, $0xb8;
	[tilespmem:$0x1CE20] =	vst v63  }
0xe3: {  	_ =	swait.ge @p0 [sflag:s4], $0x1000  }
0xe4: {  	[sflag:s4] =	ssyncset.done @p0 $0x0  }
0xe5: {  	s1 =	sadd.s32 @p0 $0x80, s0;
	[sflag:s4] =	ssyncadd.s32 @p0 $0xFFFFF000;
	s4 =	simm.s32 @p0 $0xB000  }
0xe6: {  	[tilespmem:s4], [sflag:$0x2] =	stream.indirect.gather @p0 [spmem:s3], $0x20, s1, s5, $0xb8;
	[tilespmem:$0x1CE20] =	vst v63  }
0xe7: {  	s1 =	simm.s32 @p0 $0xB  }
0xe8: {  	_ =	swait.ge @p0 [sflag:s1], $0x1000  }
0xe9: {  	[sflag:s1] =	ssyncset.done @p0 $0x0  }
0xea: {  	s4 =	sadd.s32 @p0 $0x100, s0;
	[sflag:s1] =	ssyncadd.s32 @p0 $0xFFFFF000;
	s1 =	simm.s32 @p0 $0xC000  }
0xeb: {  	[tilespmem:s1], [sflag:$0x3] =	stream.indirect.gather @p0 [spmem:s3], $0x20, s4, s5, $0xb8;
	[tilespmem:$0x1CE20] =	vst v63  }
0xec: {  	s1 =	simm.s32 @p0 $0xC  }
0xed: {  	_ =	swait.ge @p0 [sflag:s1], $0x1000  }
0xee: {  	[sflag:s1] =	ssyncset.done @p0 $0x0  }
0xef: {  	s4 =	sadd.s32 @p0 $0x180, s0;
	[sflag:s1] =	ssyncadd.s32 @p0 $0xFFFFF000;
	s1 =	simm.s32 @p0 $0xD000  }
0xf0: {  	[tilespmem:s1], [sflag:$0x4] =	stream.indirect.gather @p0 [spmem:s3], $0x20, s4, s5, $0xb8;
	[tilespmem:$0x1CE20] =	vst v63  }
0xf1: {  	s1 =	simm.s32 @p0 $0xD  }
0xf2: {  	_ =	swait.ge @p0 [sflag:s1], $0x1000  }
0xf3: {  	[sflag:s1] =	ssyncset.done @p0 $0x0  }
0xf4: {  	s4 =	sadd.s32 @p0 $0x200, s0;
	[sflag:s1] =	ssyncadd.s32 @p0 $0xFFFFF000;
	s1 =	simm.s32 @p0 $0xE000  }
0xf5: {  	[tilespmem:s1], [sflag:$0x5] =	stream.indirect.gather @p0 [spmem:s3], $0x20, s4, s5, $0xb8;
	[tilespmem:$0x1CE20] =	vst v63  }
0xf6: {  	s1 =	simm.s32 @p0 $0xE  }
0xf7: {  	_ =	swait.ge @p0 [sflag:s1], $0x1000  }
0xf8: {  	[sflag:s1] =	ssyncset.done @p0 $0x0  }
0xf9: {  	s4 =	sadd.s32 @p0 $0x280, s0;
	[sflag:s1] =	ssyncadd.s32 @p0 $0xFFFFF000;
	s1 =	simm.s32 @p0 $0xF000  }
0xfa: {  	[tilespmem:s1], [sflag:$0x6] =	stream.indirect.gather @p0 [spmem:s3], $0x20, s4, s5, $0xb8;
	[tilespmem:$0x1CE20] =	vst v63  }
0xfb: {  	s1 =	simm.s32 @p0 $0xF  }
0xfc: {  	_ =	swait.ge @p0 [sflag:s1], $0x1000  }
0xfd: {  	[sflag:s1] =	ssyncset.done @p0 $0x0  }
0xfe: {  	s0 =	sadd.s32 @p0 $0x300, s0;
	[sflag:s1] =	ssyncadd.s32 @p0 $0xFFFFF000;
	s1 =	simm.s32 @p0 $0x10000  }
0xff: {  	[tilespmem:s1], [sflag:$0x7] =	stream.indirect.gather @p0 [spmem:s3], $0x20, s0, s5, $0xb8;
	[tilespmem:$0x1CE20] =	vst v63  }
0x100: {  	s0 =	simm.s32 @p0 $0x10  }
0x101: {  	_ =	swait.ge @p0 [sflag:s0], $0x1000  }
0x102: {  	s4 =	simm.s32 @!p0 $0x80;
	[sflag:s0] =	ssyncset.done @p0 $0x0  }
0x103: {  	s1 =	simm.s32 @!p0 $0xA000;
	[sflag:s0] =	ssyncadd.s32 @p0 $0xFFFFF000;
	s0 =	sshra.s32 @!p0 s13, $0x2  }
0x104: {  	[tilespmem:s1], [sflag:$0x1] =	stream.indirect.gather @!p0 [spmem:s3], $0x20, s0, s4, $0xb8;
	[tilespmem:$0x1CE20] =	vst v63  }
0x105: {  	s0 =	simm.s32 @!p0 $0xB000  }
0x106: {  	[tilespmem:s0], [sflag:$0x2] =	stream.indirect.gather @!p0 [spmem:s3], $0x20, s4, s4, $0xb8;
	[tilespmem:$0x1CE20] =	vst v63  }
0x107: {  	s1 =	simm.s32 @!p0 $0xC000;
	s0 =	simm.s32 @!p0 $0x100  }
0x108: {  	[tilespmem:s1], [sflag:$0x3] =	stream.indirect.gather @!p0 [spmem:s3], $0x20, s0, s4, $0xb8;
	[tilespmem:$0x1CE20] =	vst v63  }
0x109: {  	s0 =	simm.s32 @!p0 $0x180;
	s1 =	simm.s32 @!p0 $0xD000  }
0x10a: {  	[tilespmem:s1], [sflag:$0x4] =	stream.indirect.gather @!p0 [spmem:s3], $0x20, s0, s4, $0xb8;
	[tilespmem:$0x1CE20] =	vst v63  }
0x10b: {  	s0 =	simm.s32 @!p0 $0x200;
	s1 =	simm.s32 @!p0 $0xE000  }
0x10c: {  	[tilespmem:s1], [sflag:$0x5] =	stream.indirect.gather @!p0 [spmem:s3], $0x20, s0, s4, $0xb8;
	[tilespmem:$0x1CE20] =	vst v63  }
0x10d: {  	s0 =	simm.s32 @!p0 $0x280;
	s1 =	simm.s32 @!p0 $0xF000  }
0x10e: {  	[tilespmem:s1], [sflag:$0x6] =	stream.indirect.gather @!p0 [spmem:s3], $0x20, s0, s4, $0xb8;
	[tilespmem:$0x1CE20] =	vst v63  }
0x10f: {  	s0 =	simm.s32 @!p0 $0x300;
	s1 =	simm.s32 @!p0 $0x10000  }
0x110: {  	[tilespmem:s1], [sflag:$0x7] =	stream.indirect.gather @!p0 [spmem:s3], $0x20, s0, s4, $0xb8;
	[tilespmem:$0x1CE20] =	vst v63  }
0x111: {  	s0 =	smov.u32 s20  }
0x112: {  	s0 =	simm.s32 @!p0 $0x380  }
0x113: {  	[tilespmem:s22], [sflag:$0x8] =	stream.indirect.gather [spmem:s3], $0x20, s0, s21, $0xb8;
	[tilespmem:$0x1CE20] =	vst v63  }
0x114: {  	_ =	swait.ge [sflag:s23], $0x1000  }
0x115: {  	s7 =	sshra.s32 s13, $0x2;
	[sflag:s23] =	ssyncset.done $0x0  }
0x116: {  	s4 =	sadd.s32 $0x5000, s7;
	s6 =	rddreg [dreg:$0x4];
	[sflag:s23] =	ssyncadd.s32 $0xFFFFF000  }
0x117: {  	[spmem:s2] =	stream.indirect.scatter.add.f32 [tilespmem:s6], [sflag:$0x9], $0x20, s4, s21, $0xb8;
	[tilespmem:$0x1CE20] =	vst v63  }
0x118: {  	s1 =	sadd.s32 @p0 $0xFFFFFD00, s20;
	_ =	swait.ge [sflag:s24], $0x1000  }
0x119: {  	s1 =	simm.s32 @!p0 $0x80;
	[sflag:s24] =	ssyncset.done $0x0  }
0x11a: {  	s1 =	sadd.s32 $0x5000, s1;
	s12 =	rddreg [dreg:$0x5];
	[sflag:s24] =	ssyncadd.s32 $0xFFFFF000  }
0x11b: {  	[spmem:s2] =	stream.indirect.scatter.add.f32 [tilespmem:s12], [sflag:$0xA], $0x20, s1, s21, $0xb8;
	[tilespmem:$0x1CE20] =	vst v63  }
0x11c: {  	s1 =	sadd.s32 @p0 $0xFFFFFD80, s20;
	_ =	swait.ge [sflag:s25], $0x1000  }
0x11d: {  	s1 =	simm.s32 @!p0 $0x100;
	[sflag:s25] =	ssyncset.done $0x0  }
0x11e: {  	s13 =	rddreg [dreg:$0x6];
	s1 =	sadd.s32 $0x5000, s1;
	[sflag:s25] =	ssyncadd.s32 $0xFFFFF000  }
0x11f: {  	[spmem:s2] =	stream.indirect.scatter.add.f32 [tilespmem:s13], [sflag:$0xB], $0x20, s1, s21, $0xb8;
	[tilespmem:$0x1CE20] =	vst v63  }
0x120: {  	s1 =	sadd.s32 @p0 $0xFFFFFE00, s20;
	_ =	swait.ge [sflag:s26], $0x1000  }
0x121: {  	s1 =	simm.s32 @!p0 $0x180;
	[sflag:s26] =	ssyncset.done $0x0  }
0x122: {  	s14 =	rddreg [dreg:$0x7];
	s1 =	sadd.s32 $0x5000, s1;
	[sflag:s26] =	ssyncadd.s32 $0xFFFFF000  }
0x123: {  	[spmem:s2] =	stream.indirect.scatter.add.f32 [tilespmem:s14], [sflag:$0xC], $0x20, s1, s21, $0xb8;
	[tilespmem:$0x1CE20] =	vst v63  }
0x124: {  	s1 =	sadd.s32 @p0 $0xFFFFFE80, s20;
	_ =	swait.ge [sflag:s28], $0x1000  }
0x125: {  	s1 =	simm.s32 @!p0 $0x200;
	[sflag:s28] =	ssyncset.done $0x0  }
0x126: {  	s15 =	rddreg [dreg:$0x8];
	s1 =	sadd.s32 $0x5000, s1;
	[sflag:s28] =	ssyncadd.s32 $0xFFFFF000  }
0x127: {  	[spmem:s2] =	stream.indirect.scatter.add.f32 [tilespmem:s15], [sflag:$0xD], $0x20, s1, s21, $0xb8;
	[tilespmem:$0x1CE20] =	vst v63  }
0x128: {  	s1 =	sadd.s32 @p0 $0xFFFFFF00, s20;
	_ =	swait.ge [sflag:s29], $0x1000  }
0x129: {  	s1 =	simm.s32 @!p0 $0x280;
	[sflag:s29] =	ssyncset.done $0x0  }
0x12a: {  	s17 =	rddreg [dreg:$0x9];
	s1 =	sadd.s32 $0x5000, s1;
	[sflag:s29] =	ssyncadd.s32 $0xFFFFF000  }
0x12b: {  	[spmem:s2] =	stream.indirect.scatter.add.f32 [tilespmem:s17], [sflag:$0xE], $0x20, s1, s21, $0xb8;
	[tilespmem:$0x1CE20] =	vst v63  }
0x12c: {  	s1 =	sadd.s32 @p0 $0xFFFFFF80, s20;
	_ =	swait.ge [sflag:s30], $0x1000  }
0x12d: {  	s1 =	simm.s32 @!p0 $0x300;
	[sflag:s30] =	ssyncset.done $0x0  }
0x12e: {  	s20 =	rddreg [dreg:$0xa];
	s1 =	sadd.s32 $0x5000, s1;
	[sflag:s30] =	ssyncadd.s32 $0xFFFFF000  }
0x12f: {  	[spmem:s2] =	stream.indirect.scatter.add.f32 [tilespmem:s20], [sflag:$0xF], $0x20, s1, s21, $0xb8;
	[tilespmem:$0x1CE20] =	vst v63  }
0x130: {  	_ =	swait.ge [sflag:s31], $0x1000  }
0x131: {  	[sflag:s31] =	ssyncset.done $0x0  }
0x132: {  	s5 =	simm.s32 $0x9;
	s0 =	sadd.s32 $0x5000, s0;
	[sflag:s31] =	ssyncadd.s32 $0xFFFFF000  }
0x133: {  	[spmem:s2] =	stream.indirect.scatter.add.f32 [tilespmem:s22], [sflag:$0x10], $0x20, s0, s21, $0xb8;
	[tilespmem:$0x1CE20] =	vst v63  }
0x134: {  	_ =	swait.ge [sflag:s5], $0x1000  }
0x135: {  	[sflag:s5] =	ssyncset.done $0x0  }
0x136: {  	s6 =	simm.s32 $0xA;
	[sflag:s5] =	ssyncadd.s32 $0xFFFFF000  }
0x137: {  	_ =	swait.ge [sflag:s6], $0x1000  }
0x138: {  	[sflag:s6] =	ssyncset.done $0x0  }
0x139: {  	s7 =	simm.s32 $0xB;
	[sflag:s6] =	ssyncadd.s32 $0xFFFFF000  }
0x13a: {  	_ =	swait.ge [sflag:s7], $0x1000  }
0x13b: {  	[sflag:s7] =	ssyncset.done $0x0  }
0x13c: {  	s12 =	simm.s32 $0xC;
	[sflag:s7] =	ssyncadd.s32 $0xFFFFF000  }
0x13d: {  	_ =	swait.ge [sflag:s12], $0x1000  }
0x13e: {  	[sflag:s12] =	ssyncset.done $0x0  }
0x13f: {  	s13 =	simm.s32 $0xD;
	[sflag:s12] =	ssyncadd.s32 $0xFFFFF000  }
0x140: {  	_ =	swait.ge [sflag:s13], $0x1000  }
0x141: {  	[sflag:s13] =	ssyncset.done $0x0  }
0x142: {  	s14 =	simm.s32 $0xE;
	[sflag:s13] =	ssyncadd.s32 $0xFFFFF000  }
0x143: {  	_ =	swait.ge [sflag:s14], $0x1000  }
0x144: {  	[sflag:s14] =	ssyncset.done $0x0  }
0x145: {  	[sflag:s14] =	ssyncadd.s32 $0xFFFFF000  }
0x146: {  	_ =	swait.ge [sflag:s9], $0x1000  }
0x147: {  	[sflag:s9] =	ssyncset.done $0x0  }
0x148: {  	[sflag:s9] =	ssyncadd.s32 $0xFFFFF000  }
0x149: {  	_ =	swait.ge [sflag:s10], $0x1000  }
0x14a: {  	[sflag:s10] =	ssyncset.done $0x0  }
0x14b: {  	[sflag:s10] =	ssyncadd.s32 $0xFFFFF000  }
0x14c: {  	[bflag:$0x0] =	sbarrier.arrive $0xFFFF  }
0x14d: {  	s15 =	sshrl.u32 s8, $0x3;
	s17 =	rddreg [dreg:$0x13]  }
0x14e: {  	[hbm:s17], [sflag:s19] =	dma.local [spmem:s15], $0xA00  }
0x14f: {  	_ =	swait.ge [sflag:s16], $0xA00  }
0x150: {  	s11 =	sadd.s32 $0x1, s11;
	s20 =	rddreg [dreg:$0x14]  }
0x151: {  	p0 =	sne.s32 s11, s20  }
.Ltmp1:
0x152: {  	_ = 	snop;
	(pc) =	sbr.rel @p0 .LBB2_1-.Ltmp1, $3  }
0x153: {  	_ =	sdelay $0x1  }
0x154: {  	[sflag:s16] =	ssyncset.done $0x0  }
0x155: {  	[sflag:s16] =	ssyncadd.s32 $0xFFFFF600  }
0x156: {  	_ =	sfence.sel $0x180000  }
0x157: {  	[bflag:$0x0] =	sbarrier.arrive $0xFFFF  }
0x158: {  	_ =	strace $0x9000004A  }
0x159: {  	s0 =	stileid.u32;
	[bflag:$0x2] =	sbarrier.arrive $0xFFFF  }
0x15a: {  	p0 =	sne.s32 s0, $0x0;
	s0 =	rddreg [dreg:$0x3]  }
0x15b: {  	s0 =	sadd.s32 @!p0 $0x100000, s0  }
0x15c: {  	[sflag:s0] =	ssyncadd.tile.s32 @!p0 $0x1;
	_ =	shalt  }
.Lfunc_end2:
_tile_overlayer_lowered:
.L_overlay_start_2:
0x15d: {  	(tag) =	ssettag $0x2  }
0x15e: {  	s0 =	rddreg [dreg:$0x0];
	s2 =	stileid.u32  }
0x15f: {  	s1 =	rddreg [dreg:$0x1];
	p0 =	sne.s32 s2, $0x0  }
0x160: {  	s3 =	rddreg [dreg:$0x2];
	[bflag:$0x3] =	sbarrier.arrive $0xFFFF;
	s2 =	simm.s32 @!p0 $0x1C11  }
0x161: {  	[timem:s3], [sflag:s2] =	dma.local @!p0 [hbm:s0], s1  }
0x162: {  	s0 =	simm.s32 @!p0 $0x11  }
0x163: {  	_ =	swait.ge @!p0 [sflag:s0], s1  }
0x164: {  	s1 =	ssub.s32 @!p0 $0x0, s1;
	[sflag:s0] =	ssyncset.done @!p0 $0x0  }
0x165: {  	[sflag:s0] =	ssyncadd.s32 @!p0 s1  }
0x166: {  	[bflag:$0x3] =	sbarrier.arrive $0xFFFF  }
0x167: {  	_ =	shalt  }

// kernel: kernel.15.cloned.1.call-start
scs
__scs_entry_jumppad:
0x0: {  	(pc) =	sbr.rel $0x88, $3  }
0x1: {  	(tag) =	ssettag $0x0;
	lr =	simm.s32 $0x1  }
0x2: {  	[smem:$0x3F95] =	sst lr;
	_ =	strace $0xD0000000  }
0x3: {  	_ = 	snop  }
0x4: {  	_ = 	snop  }
0x5: {  	_ = 	snop  }
0x6: {  	_ = 	snop  }
0x7: {  	_ = 	snop  }
__scs_overlays_trampoline_lowered:
0x8: {  	[smem:$0x3FA4] =	sst s0  }
0x9: {  	[smem:$0x3FA5] =	sst s1  }
0xa: {  	[smem:$0x3FA6] =	sst s2  }
0xb: {  	[smem:$0x3FA7] =	sst s3  }
0xc: {  	[smem:$0x3FA8] =	sst s4  }
0xd: {  	[smem:$0x3FA9] =	sst s5  }
0xe: {  	[smem:$0x3FAA] =	sst s6  }
0xf: {  	[smem:$0x3FAB] =	sst s7  }
0x10: {  	[smem:$0x3FAC] =	sst s8  }
0x11: {  	[smem:$0x3FAD] =	sst s9;
	s0 =	simm.s32 @!p0 $0x0  }
0x12: {  	s1 =	sld [smem:$0x3F93];
	s0 =	simm.s32 @p0 $0x1  }
0x13: {  	[smem:$0x3FAE] =	sst s0;
	s0 =	simm.s32 @!p1 $0x0  }
0x14: {  	s2 =	sld [smem:$0x3F92];
	s0 =	simm.s32 @p1 $0x1  }
0x15: {  	[smem:$0x3FAF] =	sst s0;
	s0 =	simm.s32 @!p2 $0x0  }
0x16: {  	s3 =	sld [smem:$0x3FDB];
	s0 =	simm.s32 @p2 $0x1  }
0x17: {  	s4 =	simm.s32 $0x1BF5;
	[smem:$0x3FB1] =	sst s0  }
0x18: {  	s0 =	sld [smem:$0x3F94];
	_ =	swait.ge [sflag:s4], $0x0  }
0x19: {  	s7 =	sld [smem:$0x3F95]  }
0x1a: {  	s8 =	sadd.s32 $0xFFFFE003, lr  }
0x1b: {  	s9 =	sadd.s32 $0xFFFFFEF7, lr;
	s5 =	simm.s32 $0xFFFFFFFF;
	p2 =	slt.u32 s8, $0xFFFFF086  }
0x1c: {  	p1 =	slt.u32 s9, $0xF7A;
	s5 =	simm.s32 @!p2 $0x0  }
0x1d: {  	s5 =	simm.s32 @p1 $0x1;
	p0 =	seq.s32 s7, s2  }
0x1e: {  	s7 =	smul.u32 @!p0 $0xF7A, s2;
	p2 =	seq.s32 @!p0 s5, $0x0  }
0x1f: {  	s9 =	smul.u32 $0xF7A, s1;
	s8 =	simm.s32 @!p0 $0x1BF5;
	p2 =	por !p2, p0  }
0x20: {  	[sflag:s8] =	ssyncset.s32 @!p0 $0xFFFFF086;
	s6 =	sadd.s32 @!p0 s3, s7;
	s7 =	simm.s32 @!p0 $0x108  }
0x21: {  	s3 =	sadd.s32 s3, s9;
	s6 =	sadd.s32 @!p0 $0x88, s6;
	s7 =	simm.s32 @p2 $0x1082  }
0x22: {  	[simem:s7], [sflag:s8] =	dma.local @!p0 [hbm:s6], $0xF7A  }
0x23: {  	s9 =	sor.u32 $0xD0000000, s2;
	s6 =	simm.s32 $0x108;
	_ =	swait.ge @!p0 [sflag:s8], $0x0  }
0x24: {  	s3 =	sadd.s32 $0x88, s3;
	s6 =	simm.s32 @!p1 $0x1082;
	[sflag:s4] =	ssyncset.s32 $0xFFFFF086  }
0x25: {  	[simem:s6], [sflag:s4] =	dma.local [hbm:s3], $0xF7A  }
0x26: {  	[smem:$0x3F95] =	sst s1;
	(tag) =	ssettag s2;
	_ =	strace s9  }
0x27: {  	s1 =	sld [smem:$0x3FA5]  }
0x28: {  	s2 =	sld [smem:$0x3FA6]  }
0x29: {  	s4 =	sld [smem:$0x3FA8]  }
0x2a: {  	p0 =	seq.s32 s5, $0x0;
	s5 =	sld [smem:$0x3FA9]  }
0x2b: {  	s6 =	sld [smem:$0x3FAA]  }
0x2c: {  	s7 =	sld [smem:$0x3FAB]  }
0x2d: {  	s3 =	simm.s32 $0x108;
	s8 =	sld [smem:$0x3FAC]  }
0x2e: {  	s3 =	simm.s32 @!p0 $0x1082;
	s9 =	sld [smem:$0x3FAD]  }
0x2f: {  	lr =	sadd.s32 s0, s3;
	s0 =	sld [smem:$0x3FA4]  }
0x30: {  	s3 =	sld [smem:$0x3FA7]  }
0x31: {  	[smem:$0x3FB0] =	sst s10  }
0x32: {  	s10 =	sld [smem:$0x3FAE];
	_ =	sdelay $0x3  }
0x33: {  	p0 =	seq.s32 s10, $0x1;
	s10 =	sld [smem:$0x3FB0];
	_ =	sdelay $0x3  }
0x34: {  	[smem:$0x3FB0] =	sst s10  }
0x35: {  	s10 =	sld [smem:$0x3FAF];
	_ =	sdelay $0x3  }
0x36: {  	p1 =	seq.s32 s10, $0x1;
	s10 =	sld [smem:$0x3FB0];
	_ =	sdelay $0x3  }
0x37: {  	[smem:$0x3FB0] =	sst s10  }
0x38: {  	s10 =	sld [smem:$0x3FB1]  }
0x39: {  	_ = 	snop;
	(pc) =	sbr.ind lr, $3  }
0x3a: {  	_ = 	snop  }
0x3b: {  	_ = 	snop  }
0x3c: {  	p2 =	seq.s32 s10, $0x1;
	s10 =	sld [smem:$0x3FB0]  }
0x3d: {  	_ =	shalt  }
0x3e: {  	_ =	shalt  }
0x3f: {  	_ =	shalt  }
0x40: {  	_ =	shalt  }
0x41: {  	_ =	shalt  }
0x42: {  	_ =	shalt  }
0x43: {  	_ =	shalt  }
0x44: {  	_ =	shalt  }
0x45: {  	_ =	shalt  }
0x46: {  	_ =	shalt  }
0x47: {  	_ =	shalt  }
0x48: {  	_ =	shalt  }
0x49: {  	_ =	shalt  }
0x4a: {  	_ =	shalt  }
0x4b: {  	_ =	shalt  }
0x4c: {  	_ =	shalt  }
0x4d: {  	_ =	shalt  }
0x4e: {  	_ =	shalt  }
0x4f: {  	_ =	shalt  }
0x50: {  	_ =	shalt  }
0x51: {  	_ =	shalt  }
0x52: {  	_ =	shalt  }
0x53: {  	_ =	shalt  }
0x54: {  	_ =	shalt  }
0x55: {  	_ =	shalt  }
0x56: {  	_ =	shalt  }
0x57: {  	_ =	shalt  }
0x58: {  	_ =	shalt  }
0x59: {  	_ =	shalt  }
0x5a: {  	_ =	shalt  }
0x5b: {  	_ =	shalt  }
0x5c: {  	_ =	shalt  }
0x5d: {  	_ =	shalt  }
0x5e: {  	_ =	shalt  }
0x5f: {  	_ =	shalt  }
0x60: {  	_ =	shalt  }
0x61: {  	_ =	shalt  }
0x62: {  	_ =	shalt  }
0x63: {  	_ =	shalt  }
0x64: {  	_ =	shalt  }
0x65: {  	_ =	shalt  }
0x66: {  	_ =	shalt  }
0x67: {  	_ =	shalt  }
0x68: {  	_ =	shalt  }
0x69: {  	_ =	shalt  }
0x6a: {  	_ =	shalt  }
0x6b: {  	_ =	shalt  }
0x6c: {  	_ =	shalt  }
0x6d: {  	_ =	shalt  }
0x6e: {  	_ =	shalt  }
0x6f: {  	_ =	shalt  }
0x70: {  	_ =	shalt  }
0x71: {  	_ =	shalt  }
0x72: {  	_ =	shalt  }
0x73: {  	_ =	shalt  }
0x74: {  	_ =	shalt  }
0x75: {  	_ =	shalt  }
0x76: {  	_ =	shalt  }
0x77: {  	_ =	shalt  }
0x78: {  	_ =	shalt  }
0x79: {  	_ =	shalt  }
0x7a: {  	_ =	shalt  }
0x7b: {  	_ =	shalt  }
0x7c: {  	_ =	shalt  }
0x7d: {  	_ =	shalt  }
0x7e: {  	_ =	shalt  }
0x7f: {  	_ =	shalt  }
0x80: {  	_ =	shalt  }
0x81: {  	_ =	shalt  }
0x82: {  	_ =	shalt  }
0x83: {  	_ =	shalt  }
0x84: {  	_ =	shalt  }
0x85: {  	_ =	shalt  }
0x86: {  	_ =	shalt  }
0x87: {  	_ =	shalt  }
.Lfunc_end0:
.L_simem_size_0:
called_computation.2_lowered:
.L_overlay_start_0:
0x88: {  	s2 =	sld [smem:$0x3FD9]  }
0x89: {  	s3 =	sld [smem:$0x3FFE];
	_ =	sdelay $0x1  }
0x8a: {  	s1 =	srdreg.scid  }
0x8b: {  	s0 =	sand.u32 $0x1, s1  }
0x8c: {  	s16 =	sshll.u32 s0, $0xA;
	s2 =	sadd.s32 s3, s2  }
0x8d: {  	s2 =	sadd.s32 s2, s16  }
0x8e: {  	[smem:$0x3FBC] =	sst s2  }
0x8f: {  	_ = 	snop  }
0x90: {  	(tm) =	ssettm $0x1  }
0x91: {  	s17 =	sld [smem:$0x3FFB];
	_ =	sdelay $0x3  }
0x92: {  	_ =	strace s17  }
0x93: {  	s2 =	sld [smem:$0x3FFC];
	_ =	sdelay $0x3  }
0x94: {  	_ =	strace s2  }
0x95: {  	s2 =	sld [smem:$0x3FFD];
	_ =	sdelay $0x3  }
0x96: {  	_ =	strace s2  }
0x97: {  	_ =	strace $0x8FFFFFFF  }
0x98: {  	s18 =	sld [smem:$0x3FDB];
	_ =	sdelay $0x1  }
0x99: {  	s19 =	simm.s32 $_scs_section_size  }
0x9a: {  	s4 =	simm.s32 $_size__tile_overlayer_lowered;
	s5 =	simm.s32 $_tile_overlayer_lowered  }
0x9b: {  	s22 =	simm.s32 $0x1BFF;
	s21 =	sshll.u32 s5, $0x1;
	s2 =	sadd.s32 s19, s18  }
0x9c: {  	s6 =	simm.s32 $0x0;
	s20 =	sshll.u32 s4, $0x1;
	s4 =	sadd.s32 s21, s2  }
0x9d: {  	[timem:s6], [sflag:s22] =	dma.local [hbm:s4], s20  }
0x9e: {  	_ =	swait.ge [sflag:s22], s20  }
0x9f: {  	s3 =	ssub.s32 $0x0, s20;
	[sflag:s22] =	ssyncset.done $0x0  }
0xa0: {  	[sflag:s22] =	ssyncadd.s32 s3;
	_ =	sdelay $0x1  }
0xa1: {  	s23 =	simm.s32 $0x1B8B  }
0xa2: {  	_ =	swait.ge [sflag:s23], $0x1  }
0xa3: {  	[sflag:s23] =	ssyncset.done $0x0  }
0xa4: {  	s25 =	simm.s32 $0x1B8E;
	s24 =	sld [smem:$0x3FFE];
	[sflag:s23] =	ssyncadd.s32 $0xFFFFFFFF  }
0xa5: {  	s26 =	simm.s32 $execute0_lowered;
	[smem:$0x3FD2] =	sst s25  }
0xa6: {  	s4 =	sshll.u32 s26, $0x1;
	_ =	strace $0x8000004C;
	[dreg:$0x1] =	wrdreg $0xFFFFFFFF  }
0xa7: {  	s28 =	simm.s32 $_size_execute0_lowered;
	s2 =	sadd.s32 s2, s4;
	[dreg:$0x0] =	wrdreg $0x0  }
0xa8: {  	s4 =	sshll.u32 s28, $0x1;
	[dreg:$0x2] =	wrdreg s2  }
0xa9: {  	[dreg:$0x3] =	wrdreg s4  }
0xaa: {  	[dreg:$0x4] =	wrdreg $0xC0  }
0xab: {  	_ =	task [dreg:s6], $0x5FFFF  }
0xac: {  	[dreg:$0x1] =	wrdreg $0xFFFFFFFF  }
0xad: {  	[dreg:$0x0] =	wrdreg $0x60  }
0xae: {  	[dreg:$0x2] =	wrdreg s24  }
0xaf: {  	[dreg:$0x3] =	wrdreg $0x98000  }
0xb0: {  	[dreg:$0x4] =	wrdreg $0xC0000  }
0xb1: {  	[dreg:$0x5] =	wrdreg $0x9  }
0xb2: {  	_ =	task.clear_ibuf [dreg:s6], $0x6FFFF;
	_ =	strace $0x9000004C  }
0xb3: {  	s29 =	simm.s32 $0x9;
	_ =	strace $0x8000004E  }
0xb4: {  	_ =	swait.ge [sflag:s29], $0x1  }
0xb5: {  	[sflag:s29] =	ssyncadd.s32 $0xFFFFFFFF  }
0xb6: {  	_ =	strace $0x9000004E  }
0xb7: {  	_ =	sfence  }
0xb8: {  	s30 =	sld [smem:$0x0];
	_ =	sdelay $0x2  }
0xb9: {  	s31 =	sshll.u32 s1, $0xD;
	s1 =	sshrl.u32 s1, $0x2  }
0xba: {  	s3 =	sand.u32 $0x4000, s31;
	s1 =	sadd.s32 s1, s30  }
0xbb: {  	s0 =	sor.u32 s3, s0;
	s1 =	sshll.u32 s1, $0x11  }
0xbc: {  	s0 =	sor.u32 s1, s0  }
0xbd: {  	s0 =	sadd.s32 $0x8F2B, s0  }
0xbe: {  	[sflag:s0] =	ssyncadd.remote.s32 $0x1  }
0xbf: {  	_ =	sfence.sel $0xFFFF  }
0xc0: {  	[dreg:$0x0] =	wrdreg $0xFFFFFFFF;
	(pc) =	sbr.abs _section_cstart, $3  }
0xc1: {  	[dreg:$0x1] =	wrdreg $0xFFFFFFFF  }
0xc2: {  	_ =	task.clear_ibuf [dreg:s6], $0x2FFFF;
	_ =	strace $0x9FFFFFFF  }
0xc3: {  	(tm) =	ssettm $0x7FFFFFFF  }
tec
execute0_lowered:
.L_overlay_start_1:
0x0: {  	(tag) =	ssettag $0x1  }
0x1: {  	s0 =	srdreg.scid;
	s5 =	rddreg [dreg:$0x0]  }
0x2: {  	s4 =	stileid.u32;
	s2 =	rddreg [dreg:$0x1]  }
0x3: {  	s3 =	rddreg [dreg:$0x2];
	s8 =	simm.s32 $0x0;
	s19 =	simm.s32 $0x5000  }
0x4: {  	s20 =	simm.s32 $0x5800;
	s22 =	simm.s32 $0x6000;
	s28 =	simm.s32 $0x5  }
0x5: {  	s29 =	simm.s32 $0x6;
	s30 =	simm.s32 $0x7;
	s6 =	smul.u32 $0x2710, s4  }
0x6: {  	s31 =	simm.s32 $0x8;
	s0 =	sand.u32 $0x1, s0;
	s7 =	smul.u32 $0x2800, s4  }
0x7: {  	[smem:$0x7FF] =	sst s8;
	s25 =	smul.u32 $0xA000, s4;
	s11 =	sadd.s32 $0xC200, s5  }
0x8: {  	s21 =	sshll.u32 s4, $0x6;
	_ =	strace $0x8000004D;
	[dreg:$0xb] =	wrdreg s11  }
0x9: {  	s1 =	sshll.u32 s0, $0x4;
	s9 =	smul.u32 $0x28000, s0;
	[dreg:$0x4] =	wrdreg s19  }
0xa: {  	s0 =	ssub.s32 $0x2, s0;
	[dreg:$0x5] =	wrdreg s20;
	s19 =	sor.u32 $0x1C11, s21  }
0xb: {  	[dreg:$0x6] =	wrdreg s22;
	s21 =	simm.s32 $0x80;
	s22 =	simm.s32 $0x8800  }
0xc: {  	s1 =	sor.u32 s4, s1;
	s23 =	sshrl.u32 s6, $0x3;
	s26 =	sshrl.u32 s0, $0x1  }
0xd: {  	s11 =	sshrl.u32 s25, $0x2;
	s17 =	sadd.s32 s6, s3;
	s25 =	simm.s32 $0x7800  }
0xe: {  	s1 =	smul.u32 $0x500, s1;
	s10 =	sadd.s32 s23, s5;
	s24 =	sadd.s32 s7, s9  }
0xf: {  	s0 =	ssub.s32 s0, s26;
	s23 =	simm.s32 $0x6800;
	[dreg:$0x9] =	wrdreg s25  }
0x10: {  	s13 =	sadd.s32 s11, s2;
	s26 =	simm.s32 $0x8000;
	[dreg:$0x7] =	wrdreg s23  }
0x11: {  	s25 =	simm.s32 $0x3;
	s14 =	sadd.s32 $0x800, s13;
	[dreg:$0xa] =	wrdreg s26  }
0x12: {  	s9 =	simm.s32 $0xF;
	s15 =	sadd.s32 $0x1000, s13;
	[dreg:$0xe] =	wrdreg s14  }
0x13: {  	s11 =	simm.s32 $0x0;
	s16 =	sadd.s32 $0x1800, s13;
	[dreg:$0xf] =	wrdreg s15  }
0x14: {  	s8 =	sshrl.u32 s24, $0x3;
	s18 =	sadd.s32 $0xC400, s10;
	[dreg:$0x10] =	wrdreg s16  }
0x15: {  	s0 =	smax.u32 s0, $0x1;
	s24 =	simm.s32 $0x7000;
	[dreg:$0x12] =	wrdreg s18  }
0x16: {  	s23 =	simm.s32 $0x1;
	s1 =	sadd.s32 s1, s5;
	[dreg:$0x14] =	wrdreg s0  }
0x17: {  	s26 =	simm.s32 $0x4;
	[dreg:$0x8] =	wrdreg s24;
	s12 =	sadd.s32 $0x16600, s1  }
0x18: {  	s5 =	sadd.s32 s8, s5;
	s1 =	sadd.s32 $0x2200, s1;
	[dreg:$0xc] =	wrdreg s12  }
0x19: {  	s10 =	simm.s32 $0x10;
	s5 =	sadd.s32 $0x20600, s5;
	[dreg:$0xd] =	wrdreg s1  }
0x1a: {  	s8 =	sadd.s32 s7, s2;
	s1 =	sadd.s32 $0x2000, s13;
	[dreg:$0x13] =	wrdreg s5  }
0x1b: {  	s16 =	simm.s32 $0x11;
	[dreg:$0x11] =	wrdreg s1;
	s1 =	sshrl.u32 s17, $0x3  }
0x1c: {  	s18 =	simm.s32 $0x9000;
	s24 =	simm.s32 $0x2;
	[dreg:$0x15] =	wrdreg s1  }
.LBB2_1:
0x1d: {  	s0 =	simm.s32 $0x0;
	s1 =	rddreg [dreg:$0xc]  }
0x1e: {  	[tilespmem:s0], [sflag:$0x11] =	stream.linear.gather [hbm4b:s1+s0], $0x2800, $0x38;
	[tilespmem:$0xE710] =	vst v63  }
0x1f: {  	_ =	swait.ge [sflag:s16], $0x2800  }
0x20: {  	[sflag:s16] =	ssyncset.done $0x0  }
0x21: {  	s4 =	simm.s32 $0x2800;
	s6 =	rddreg [dreg:$0xd];
	[sflag:s16] =	ssyncadd.s32 $0xFFFFD800  }
0x22: {  	[tilespmem:s4], [sflag:$0x11] =	stream.linear.gather [hbm4b:s6+s0], $0x2800, $0x38;
	[tilespmem:$0xE710] =	vst v63  }
0x23: {  	_ =	swait.ge [sflag:s16], $0x2800  }
0x24: {  	[sflag:s16] =	ssyncset.done $0x0  }
0x25: {  	s7 =	rddreg [dreg:$0xb];
	[sflag:s16] =	ssyncadd.s32 $0xFFFFD800  }
0x26: {  	[tilespmem:s18], [sflag:$0x11] =	stream.linear.gather [hbm4b:s7+s0], $0x800, $0x38;
	[tilespmem:$0xE710] =	vst v63  }
0x27: {  	_ =	swait.ge [sflag:s16], $0x800  }
0x28: {  	[sflag:s16] =	ssyncset.done $0x0  }
0x29: {  	[sflag:s16] =	ssyncadd.s32 $0xFFFFF800  }
0x2a: {  	[spmem:s8] =	stream.linear.scatter [tilespmem:s18], [sflag:$0x11], $0x800, $0x38;
	[tilespmem:$0xE710] =	vst v63  }
0x2b: {  	_ =	swait.ge [sflag:s16], $0x800  }
0x2c: {  	[sflag:s16] =	ssyncset.done $0x0  }
0x2d: {  	s12 =	rddreg [dreg:$0xe];
	[sflag:s16] =	ssyncadd.s32 $0xFFFFF800  }
0x2e: {  	[spmem:s12] =	stream.linear.scatter [tilespmem:s18], [sflag:$0x11], $0x800, $0x38;
	[tilespmem:$0xE710] =	vst v63  }
0x2f: {  	_ =	swait.ge [sflag:s16], $0x800  }
0x30: {  	[sflag:s16] =	ssyncset.done $0x0  }
0x31: {  	s13 =	rddreg [dreg:$0xf];
	[sflag:s16] =	ssyncadd.s32 $0xFFFFF800  }
0x32: {  	[spmem:s13] =	stream.linear.scatter [tilespmem:s18], [sflag:$0x11], $0x800, $0x38;
	[tilespmem:$0xE710] =	vst v63  }
0x33: {  	_ =	swait.ge [sflag:s16], $0x800  }
0x34: {  	[sflag:s16] =	ssyncset.done $0x0  }
0x35: {  	s14 =	rddreg [dreg:$0x10];
	[sflag:s16] =	ssyncadd.s32 $0xFFFFF800  }
0x36: {  	[spmem:s14] =	stream.linear.scatter [tilespmem:s18], [sflag:$0x11], $0x800, $0x38;
	[tilespmem:$0xE710] =	vst v63  }
0x37: {  	_ =	swait.ge [sflag:s16], $0x800  }
0x38: {  	[sflag:s16] =	ssyncset.done $0x0  }
0x39: {  	s15 =	rddreg [dreg:$0x11];
	[sflag:s16] =	ssyncadd.s32 $0xFFFFF800  }
0x3a: {  	[spmem:s15] =	stream.linear.scatter [tilespmem:s18], [sflag:$0x11], $0x800, $0x38;
	[tilespmem:$0xE710] =	vst v63  }
0x3b: {  	_ =	swait.ge [sflag:s16], $0x800  }
0x3c: {  	[sflag:s16] =	ssyncset.done $0x0;
	s17 =	rddreg [dreg:$0x12]  }
0x3d: {  	s20 =	rddreg [dreg:$0x15];
	[sflag:s16] =	ssyncadd.s32 $0xFFFFF800  }
0x3e: {  	[spmem:s20], [sflag:s19] =	dma.local [hbm:s17], $0x4E2  }
0x3f: {  	_ =	swait.ge [sflag:s16], $0x4E2  }
0x40: {  	[sflag:s16] =	ssyncset.done $0x0  }
0x41: {  	p0 =	por $0x0, $0x0;
	[sflag:s16] =	ssyncadd.s32 $0xFFFFFB1E  }
0x42: {  	s12 =	simm.s32 @p0 $0x9;
	[bflag:$0x0] =	sbarrier.arrive $0xFFFF  }
0x43: {  	_ =	swait.ge @p0 [sflag:s12], $0x800  }
0x44: {  	s13 =	simm.s32 @p0 $0x5000;
	s14 =	simm.s32 @p0 $0xA;
	[sflag:s12] =	ssyncset.done @p0 $0x0  }
0x45: {  	s15 =	simm.s32 @p0 $0x80;
	[sflag:s12] =	ssyncadd.s32 @p0 $0xFFFFF800;
	s12 =	simm.s32 @p0 $0x0  }
0x46: {  	[tilespmem:s13], [sflag:$0x1] =	stream.indirect.gather @p0 [spmem:s3], $0x10, s12, s15, $0xb8;
	[tilespmem:$0xE710] =	vst v63  }
0x47: {  	_ =	swait.ge @p0 [sflag:s14], $0x800  }
0x48: {  	s12 =	simm.s32 @p0 $0x80;
	[sflag:s14] =	ssyncset.done @p0 $0x0  }
0x49: {  	s13 =	simm.s32 @p0 $0x5800;
	[sflag:s14] =	ssyncadd.s32 @p0 $0xFFFFF800;
	s14 =	simm.s32 @p0 $0xB  }
0x4a: {  	[tilespmem:s13], [sflag:$0x2] =	stream.indirect.gather @p0 [spmem:s3], $0x10, s12, s15, $0xb8;
	[tilespmem:$0xE710] =	vst v63  }
0x4b: {  	_ =	swait.ge @p0 [sflag:s14], $0x800  }
0x4c: {  	s12 =	simm.s32 @p0 $0x100;
	[sflag:s14] =	ssyncset.done @p0 $0x0  }
0x4d: {  	s13 =	simm.s32 @p0 $0x6000;
	[sflag:s14] =	ssyncadd.s32 @p0 $0xFFFFF800;
	s14 =	simm.s32 @p0 $0xC  }
0x4e: {  	[tilespmem:s13], [sflag:$0x3] =	stream.indirect.gather @p0 [spmem:s3], $0x10, s12, s15, $0xb8;
	[tilespmem:$0xE710] =	vst v63  }
0x4f: {  	_ =	swait.ge @p0 [sflag:s14], $0x800  }
0x50: {  	s12 =	simm.s32 @p0 $0x180;
	[sflag:s14] =	ssyncset.done @p0 $0x0  }
0x51: {  	s13 =	simm.s32 @p0 $0x6800;
	[sflag:s14] =	ssyncadd.s32 @p0 $0xFFFFF800;
	s14 =	simm.s32 @p0 $0xD  }
0x52: {  	[tilespmem:s13], [sflag:$0x4] =	stream.indirect.gather @p0 [spmem:s3], $0x10, s12, s15, $0xb8;
	[tilespmem:$0xE710] =	vst v63  }
0x53: {  	_ =	swait.ge @p0 [sflag:s14], $0x800  }
0x54: {  	s12 =	simm.s32 @p0 $0x200;
	[sflag:s14] =	ssyncset.done @p0 $0x0  }
0x55: {  	s13 =	simm.s32 @p0 $0x7000;
	[sflag:s14] =	ssyncadd.s32 @p0 $0xFFFFF800;
	s14 =	simm.s32 @p0 $0xE  }
0x56: {  	[tilespmem:s13], [sflag:$0x5] =	stream.indirect.gather @p0 [spmem:s3], $0x10, s12, s15, $0xb8;
	[tilespmem:$0xE710] =	vst v63  }
0x57: {  	_ =	swait.ge @p0 [sflag:s14], $0x800  }
0x58: {  	s12 =	simm.s32 @p0 $0x280;
	[sflag:s14] =	ssyncset.done @p0 $0x0  }
0x59: {  	s13 =	simm.s32 @p0 $0x7800;
	[sflag:s14] =	ssyncadd.s32 @p0 $0xFFFFF800;
	s14 =	simm.s32 @p0 $0xF  }
0x5a: {  	[tilespmem:s13], [sflag:$0x6] =	stream.indirect.gather @p0 [spmem:s3], $0x10, s12, s15, $0xb8;
	[tilespmem:$0xE710] =	vst v63  }
0x5b: {  	_ =	swait.ge @p0 [sflag:s14], $0x800  }
0x5c: {  	s12 =	simm.s32 @p0 $0x300;
	[sflag:s14] =	ssyncset.done @p0 $0x0  }
0x5d: {  	s13 =	simm.s32 @p0 $0x8000;
	[sflag:s14] =	ssyncadd.s32 @p0 $0xFFFFF800;
	s14 =	simm.s32 @p0 $0x10  }
0x5e: {  	[tilespmem:s13], [sflag:$0x7] =	stream.indirect.gather @p0 [spmem:s3], $0x10, s12, s15, $0xb8;
	[tilespmem:$0xE710] =	vst v63  }
0x5f: {  	_ =	swait.ge @p0 [sflag:s14], $0x800  }
0x60: {  	s12 =	simm.s32 @!p0 $0x5000;
	[sflag:s14] =	ssyncset.done @p0 $0x0  }
0x61: {  	s13 =	simm.s32 @!p0 $0x0;
	[sflag:s14] =	ssyncadd.s32 @p0 $0xFFFFF800;
	s14 =	simm.s32 @!p0 $0x80  }
0x62: {  	[tilespmem:s12], [sflag:$0x1] =	stream.indirect.gather @!p0 [spmem:s3], $0x10, s13, s14, $0xb8;
	[tilespmem:$0xE710] =	vst v63  }
0x63: {  	s12 =	simm.s32 @!p0 $0x5800  }
0x64: {  	[tilespmem:s12], [sflag:$0x2] =	stream.indirect.gather @!p0 [spmem:s3], $0x10, s14, s14, $0xb8;
	[tilespmem:$0xE710] =	vst v63  }
0x65: {  	s13 =	simm.s32 @!p0 $0x6000;
	s12 =	simm.s32 @!p0 $0x100  }
0x66: {  	[tilespmem:s13], [sflag:$0x3] =	stream.indirect.gather @!p0 [spmem:s3], $0x10, s12, s14, $0xb8;
	[tilespmem:$0xE710] =	vst v63  }
0x67: {  	s12 =	simm.s32 @!p0 $0x180;
	s13 =	simm.s32 @!p0 $0x6800  }
0x68: {  	[tilespmem:s13], [sflag:$0x4] =	stream.indirect.gather @!p0 [spmem:s3], $0x10, s12, s14, $0xb8;
	[tilespmem:$0xE710] =	vst v63  }
0x69: {  	s12 =	simm.s32 @!p0 $0x200;
	s13 =	simm.s32 @!p0 $0x7000  }
0x6a: {  	[tilespmem:s13], [sflag:$0x5] =	stream.indirect.gather @!p0 [spmem:s3], $0x10, s12, s14, $0xb8;
	[tilespmem:$0xE710] =	vst v63  }
0x6b: {  	s12 =	simm.s32 @!p0 $0x280;
	s13 =	simm.s32 @!p0 $0x7800  }
0x6c: {  	[tilespmem:s13], [sflag:$0x6] =	stream.indirect.gather @!p0 [spmem:s3], $0x10, s12, s14, $0xb8;
	[tilespmem:$0xE710] =	vst v63  }
0x6d: {  	s15 =	simm.s32 @!p0 $0x8000;
	s12 =	simm.s32 $0x380;
	s13 =	simm.s32 @!p0 $0x300  }
0x6e: {  	[tilespmem:s15], [sflag:$0x7] =	stream.indirect.gather @!p0 [spmem:s3], $0x10, s13, s14, $0xb8;
	[tilespmem:$0xE710] =	vst v63  }
0x6f: {  	s12 =	simm.s32 @!p0 $0x380  }
0x70: {  	[tilespmem:s22], [sflag:$0x8] =	stream.indirect.gather [spmem:s3], $0x10, s12, s21, $0xb8;
	[tilespmem:$0xE710] =	vst v63  }
0x71: {  	_ =	swait.ge [sflag:s23], $0x800  }
0x72: {  	[sflag:s23] =	ssyncset.done $0x0  }
0x73: {  	s4 =	simm.s32 $0x2800;
	s1 =	rddreg [dreg:$0x4];
	[sflag:s23] =	ssyncadd.s32 $0xFFFFF800  }
0x74: {  	[spmem:s2] =	stream.indirect.scatter.add.f32 [tilespmem:s1], [sflag:$0x9], $0x10, s4, s21, $0xb8;
	[tilespmem:$0xE710] =	vst v63  }
0x75: {  	s13 =	simm.s32 @p0 $0x80;
	_ =	swait.ge [sflag:s24], $0x800  }
0x76: {  	s13 =	simm.s32 @!p0 $0x80;
	[sflag:s24] =	ssyncset.done $0x0  }
0x77: {  	s13 =	sadd.s32 $0x2800, s13;
	s5 =	rddreg [dreg:$0x5];
	[sflag:s24] =	ssyncadd.s32 $0xFFFFF800  }
0x78: {  	[spmem:s2] =	stream.indirect.scatter.add.f32 [tilespmem:s5], [sflag:$0xA], $0x10, s13, s21, $0xb8;
	[tilespmem:$0xE710] =	vst v63  }
0x79: {  	s13 =	simm.s32 @p0 $0x100;
	_ =	swait.ge [sflag:s25], $0x800  }
0x7a: {  	s13 =	simm.s32 @!p0 $0x100;
	[sflag:s25] =	ssyncset.done $0x0  }
0x7b: {  	s6 =	rddreg [dreg:$0x6];
	s13 =	sadd.s32 $0x2800, s13;
	[sflag:s25] =	ssyncadd.s32 $0xFFFFF800  }
0x7c: {  	[spmem:s2] =	stream.indirect.scatter.add.f32 [tilespmem:s6], [sflag:$0xB], $0x10, s13, s21, $0xb8;
	[tilespmem:$0xE710] =	vst v63  }
0x7d: {  	s13 =	simm.s32 @p0 $0x180;
	_ =	swait.ge [sflag:s26], $0x800  }
0x7e: {  	s13 =	simm.s32 @!p0 $0x180;
	[sflag:s26] =	ssyncset.done $0x0  }
0x7f: {  	s7 =	rddreg [dreg:$0x7];
	s13 =	sadd.s32 $0x2800, s13;
	[sflag:s26] =	ssyncadd.s32 $0xFFFFF800  }
0x80: {  	[spmem:s2] =	stream.indirect.scatter.add.f32 [tilespmem:s7], [sflag:$0xC], $0x10, s13, s21, $0xb8;
	[tilespmem:$0xE710] =	vst v63  }
0x81: {  	s13 =	simm.s32 @p0 $0x200;
	_ =	swait.ge [sflag:s28], $0x800  }
0x82: {  	s13 =	simm.s32 @!p0 $0x200;
	[sflag:s28] =	ssyncset.done $0x0  }
0x83: {  	s15 =	rddreg [dreg:$0x8];
	s13 =	sadd.s32 $0x2800, s13;
	[sflag:s28] =	ssyncadd.s32 $0xFFFFF800  }
0x84: {  	[spmem:s2] =	stream.indirect.scatter.add.f32 [tilespmem:s15], [sflag:$0xD], $0x10, s13, s21, $0xb8;
	[tilespmem:$0xE710] =	vst v63  }
0x85: {  	s13 =	simm.s32 @p0 $0x280;
	_ =	swait.ge [sflag:s29], $0x800  }
0x86: {  	s14 =	simm.s32 @p0 $0x300;
	s13 =	simm.s32 @!p0 $0x280;
	[sflag:s29] =	ssyncset.done $0x0  }
0x87: {  	s17 =	rddreg [dreg:$0x9];
	s13 =	sadd.s32 $0x2800, s13;
	[sflag:s29] =	ssyncadd.s32 $0xFFFFF800  }
0x88: {  	[spmem:s2] =	stream.indirect.scatter.add.f32 [tilespmem:s17], [sflag:$0xE], $0x10, s13, s21, $0xb8;
	[tilespmem:$0xE710] =	vst v63  }
0x89: {  	s14 =	simm.s32 @!p0 $0x300;
	_ =	swait.ge [sflag:s30], $0x800  }
0x8a: {  	s14 =	sadd.s32 $0x2800, s14;
	[sflag:s30] =	ssyncset.done $0x0  }
0x8b: {  	s12 =	sadd.s32 $0x2800, s12;
	s20 =	rddreg [dreg:$0xa];
	[sflag:s30] =	ssyncadd.s32 $0xFFFFF800  }
0x8c: {  	[spmem:s2] =	stream.indirect.scatter.add.f32 [tilespmem:s20], [sflag:$0xF], $0x10, s14, s21, $0xb8;
	[tilespmem:$0xE710] =	vst v63  }
0x8d: {  	p0 =	por $0x1, $0x1;
	s13 =	simm.s32 $0x1000;
	_ =	swait.ge [sflag:s31], $0x800  }
0x8e: {  	s14 =	simm.s32 $0x2000;
	s20 =	simm.s32 $0x780;
	[sflag:s31] =	ssyncset.done $0x0  }
.LBB2_2:
0x8f: {  	s4 =	simm.s32 @p0 $0x9;
	[sflag:s31] =	ssyncadd.s32 $0xFFFFF800  }
0x90: {  	[spmem:s2] =	stream.indirect.scatter.add.f32 [tilespmem:s22], [sflag:$0x10], $0x10, s12, s21, $0xb8;
	[tilespmem:$0xE710] =	vst v63  }
0x91: {  	_ =	swait.ge @p0 [sflag:s4], $0x800  }
0x92: {  	s1 =	simm.s32 @p0 $0x5000;
	s0 =	simm.s32 @p0 $0xA;
	[sflag:s4] =	ssyncset.done @p0 $0x0  }
0x93: {  	s12 =	simm.s32 @p0 $0x80;
	[sflag:s4] =	ssyncadd.s32 @p0 $0xFFFFF800;
	s4 =	sshra.s32 @p0 s13, $0x2  }
0x94: {  	[tilespmem:s1], [sflag:$0x1] =	stream.indirect.gather @p0 [spmem:s3], $0x10, s4, s12, $0xb8;
	[tilespmem:$0xE710] =	vst v63  }
0x95: {  	_ =	swait.ge @p0 [sflag:s0], $0x800  }
0x96: {  	s7 =	simm.s32 @p0 $0xB;
	s1 =	sadd.s32 @p0 $0x80, s4;
	[sflag:s0] =	ssyncset.done @p0 $0x0  }
0x97: {  	s17 =	sadd.s32 @p0 $0x100, s4;
	[sflag:s0] =	ssyncadd.s32 @p0 $0xFFFFF800;
	s0 =	simm.s32 @p0 $0x5800  }
0x98: {  	[tilespmem:s0], [sflag:$0x2] =	stream.indirect.gather @p0 [spmem:s3], $0x10, s1, s12, $0xb8;
	[tilespmem:$0xE710] =	vst v63  }
0x99: {  	s5 =	sadd.s32 @p0 $0x180, s4;
	s6 =	sadd.s32 @p0 $0x200, s4;
	_ =	swait.ge @p0 [sflag:s7], $0x800  }
0x9a: {  	s0 =	sadd.s32 @p0 $0x280, s4;
	s1 =	sadd.s32 @p0 $0x300, s4;
	[sflag:s7] =	ssyncset.done @p0 $0x0  }
0x9b: {  	s4 =	simm.s32 @p0 $0x6000;
	[sflag:s7] =	ssyncadd.s32 @p0 $0xFFFFF800;
	s7 =	simm.s32 @p0 $0xC  }
0x9c: {  	[tilespmem:s4], [sflag:$0x3] =	stream.indirect.gather @p0 [spmem:s3], $0x10, s17, s12, $0xb8;
	[tilespmem:$0xE710] =	vst v63  }
0x9d: {  	_ =	swait.ge @p0 [sflag:s7], $0x800  }
0x9e: {  	[sflag:s7] =	ssyncset.done @p0 $0x0  }
0x9f: {  	s4 =	simm.s32 @p0 $0x6800;
	[sflag:s7] =	ssyncadd.s32 @p0 $0xFFFFF800;
	s7 =	simm.s32 @p0 $0xD  }
0xa0: {  	[tilespmem:s4], [sflag:$0x4] =	stream.indirect.gather @p0 [spmem:s3], $0x10, s5, s12, $0xb8;
	[tilespmem:$0xE710] =	vst v63  }
0xa1: {  	_ =	swait.ge @p0 [sflag:s7], $0x800  }
0xa2: {  	[sflag:s7] =	ssyncset.done @p0 $0x0  }
0xa3: {  	s4 =	simm.s32 @p0 $0x7000;
	s5 =	simm.s32 @p0 $0xE;
	[sflag:s7] =	ssyncadd.s32 @p0 $0xFFFFF800  }
0xa4: {  	[tilespmem:s4], [sflag:$0x5] =	stream.indirect.gather @p0 [spmem:s3], $0x10, s6, s12, $0xb8;
	[tilespmem:$0xE710] =	vst v63  }
0xa5: {  	_ =	swait.ge @p0 [sflag:s5], $0x800  }
0xa6: {  	[sflag:s5] =	ssyncset.done @p0 $0x0  }
0xa7: {  	s4 =	simm.s32 @p0 $0x7800;
	[sflag:s5] =	ssyncadd.s32 @p0 $0xFFFFF800;
	s5 =	simm.s32 @p0 $0xF  }
0xa8: {  	[tilespmem:s4], [sflag:$0x6] =	stream.indirect.gather @p0 [spmem:s3], $0x10, s0, s12, $0xb8;
	[tilespmem:$0xE710] =	vst v63  }
0xa9: {  	_ =	swait.ge @p0 [sflag:s5], $0x800  }
0xaa: {  	[sflag:s5] =	ssyncset.done @p0 $0x0  }
0xab: {  	s0 =	simm.s32 @p0 $0x8000;
	s4 =	simm.s32 @p0 $0x10;
	[sflag:s5] =	ssyncadd.s32 @p0 $0xFFFFF800  }
0xac: {  	[tilespmem:s0], [sflag:$0x7] =	stream.indirect.gather @p0 [spmem:s3], $0x10, s1, s12, $0xb8;
	[tilespmem:$0xE710] =	vst v63  }
0xad: {  	_ =	swait.ge @p0 [sflag:s4], $0x800  }
0xae: {  	s0 =	simm.s32 @!p0 $0x5000;
	[sflag:s4] =	ssyncset.done @p0 $0x0  }
0xaf: {  	s1 =	sshra.s32 @!p0 s13, $0x2;
	[sflag:s4] =	ssyncadd.s32 @p0 $0xFFFFF800;
	s4 =	simm.s32 @!p0 $0x80  }
0xb0: {  	[tilespmem:s0], [sflag:$0x1] =	stream.indirect.gather @!p0 [spmem:s3], $0x10, s1, s4, $0xb8;
	[tilespmem:$0xE710] =	vst v63  }
0xb1: {  	s0 =	simm.s32 @!p0 $0x5800  }
0xb2: {  	[tilespmem:s0], [sflag:$0x2] =	stream.indirect.gather @!p0 [spmem:s3], $0x10, s4, s4, $0xb8;
	[tilespmem:$0xE710] =	vst v63  }
0xb3: {  	s1 =	simm.s32 @!p0 $0x6000;
	s0 =	simm.s32 @!p0 $0x100  }
0xb4: {  	[tilespmem:s1], [sflag:$0x3] =	stream.indirect.gather @!p0 [spmem:s3], $0x10, s0, s4, $0xb8;
	[tilespmem:$0xE710] =	vst v63  }
0xb5: {  	s0 =	simm.s32 @!p0 $0x180;
	s1 =	simm.s32 @!p0 $0x6800  }
0xb6: {  	[tilespmem:s1], [sflag:$0x4] =	stream.indirect.gather @!p0 [spmem:s3], $0x10, s0, s4, $0xb8;
	[tilespmem:$0xE710] =	vst v63  }
0xb7: {  	s0 =	simm.s32 @!p0 $0x200;
	s1 =	simm.s32 @!p0 $0x7000  }
0xb8: {  	[tilespmem:s1], [sflag:$0x5] =	stream.indirect.gather @!p0 [spmem:s3], $0x10, s0, s4, $0xb8;
	[tilespmem:$0xE710] =	vst v63  }
0xb9: {  	s0 =	simm.s32 @!p0 $0x280;
	s1 =	simm.s32 @!p0 $0x7800  }
0xba: {  	[tilespmem:s1], [sflag:$0x6] =	stream.indirect.gather @!p0 [spmem:s3], $0x10, s0, s4, $0xb8;
	[tilespmem:$0xE710] =	vst v63  }
0xbb: {  	s12 =	smov.u32 s20;
	s0 =	simm.s32 @!p0 $0x300;
	s1 =	simm.s32 @!p0 $0x8000  }
0xbc: {  	[tilespmem:s1], [sflag:$0x7] =	stream.indirect.gather @!p0 [spmem:s3], $0x10, s0, s4, $0xb8;
	[tilespmem:$0xE710] =	vst v63  }
0xbd: {  	s12 =	simm.s32 @!p0 $0x380  }
0xbe: {  	[tilespmem:s22], [sflag:$0x8] =	stream.indirect.gather [spmem:s3], $0x10, s12, s21, $0xb8;
	[tilespmem:$0xE710] =	vst v63  }
0xbf: {  	_ =	swait.ge [sflag:s23], $0x800  }
0xc0: {  	s17 =	sshra.s32 s13, $0x2;
	[sflag:s23] =	ssyncset.done $0x0  }
0xc1: {  	s1 =	sadd.s32 $0x2800, s17;
	s7 =	rddreg [dreg:$0x4];
	[sflag:s23] =	ssyncadd.s32 $0xFFFFF800  }
0xc2: {  	[spmem:s2] =	stream.indirect.scatter.add.f32 [tilespmem:s7], [sflag:$0x9], $0x10, s1, s21, $0xb8;
	[tilespmem:$0xE710] =	vst v63  }
0xc3: {  	s0 =	sadd.s32 @p0 $0xFFFFFD00, s20;
	_ =	swait.ge [sflag:s24], $0x800  }
0xc4: {  	s0 =	simm.s32 @!p0 $0x80;
	[sflag:s24] =	ssyncset.done $0x0  }
0xc5: {  	s0 =	sadd.s32 $0x2800, s0;
	s4 =	rddreg [dreg:$0x5];
	[sflag:s24] =	ssyncadd.s32 $0xFFFFF800  }
0xc6: {  	[spmem:s2] =	stream.indirect.scatter.add.f32 [tilespmem:s4], [sflag:$0xA], $0x10, s0, s21, $0xb8;
	[tilespmem:$0xE710] =	vst v63  }
0xc7: {  	s0 =	sadd.s32 @p0 $0xFFFFFD80, s20;
	_ =	swait.ge [sflag:s25], $0x800  }
0xc8: {  	s0 =	simm.s32 @!p0 $0x100;
	[sflag:s25] =	ssyncset.done $0x0  }
0xc9: {  	s5 =	rddreg [dreg:$0x6];
	s0 =	sadd.s32 $0x2800, s0;
	[sflag:s25] =	ssyncadd.s32 $0xFFFFF800  }
0xca: {  	[spmem:s2] =	stream.indirect.scatter.add.f32 [tilespmem:s5], [sflag:$0xB], $0x10, s0, s21, $0xb8;
	[tilespmem:$0xE710] =	vst v63  }
0xcb: {  	s0 =	sadd.s32 @p0 $0xFFFFFE00, s20;
	_ =	swait.ge [sflag:s26], $0x800  }
0xcc: {  	s0 =	simm.s32 @!p0 $0x180;
	[sflag:s26] =	ssyncset.done $0x0  }
0xcd: {  	s6 =	rddreg [dreg:$0x7];
	s0 =	sadd.s32 $0x2800, s0;
	[sflag:s26] =	ssyncadd.s32 $0xFFFFF800  }
0xce: {  	[spmem:s2] =	stream.indirect.scatter.add.f32 [tilespmem:s6], [sflag:$0xC], $0x10, s0, s21, $0xb8;
	[tilespmem:$0xE710] =	vst v63  }
0xcf: {  	s0 =	sadd.s32 @p0 $0xFFFFFE80, s20;
	_ =	swait.ge [sflag:s28], $0x800  }
0xd0: {  	s15 =	smov.u32 s14;
	s0 =	simm.s32 @!p0 $0x200;
	[sflag:s28] =	ssyncset.done $0x0  }
0xd1: {  	s7 =	rddreg [dreg:$0x8];
	s0 =	sadd.s32 $0x2800, s0;
	[sflag:s28] =	ssyncadd.s32 $0xFFFFF800  }
0xd2: {  	[spmem:s2] =	stream.indirect.scatter.add.f32 [tilespmem:s7], [sflag:$0xD], $0x10, s0, s21, $0xb8;
	[tilespmem:$0xE710] =	vst v63  }
0xd3: {  	s14 =	sadd.s32 $0x1000, s14;
	s0 =	sadd.s32 @p0 $0xFFFFFF00, s20;
	_ =	swait.ge [sflag:s29], $0x800  }
0xd4: {  	s13 =	smov.u32 s15;
	s0 =	simm.s32 @!p0 $0x280;
	[sflag:s29] =	ssyncset.done $0x0  }
0xd5: {  	s15 =	rddreg [dreg:$0x9];
	s0 =	sadd.s32 $0x2800, s0;
	[sflag:s29] =	ssyncadd.s32 $0xFFFFF800  }
0xd6: {  	[spmem:s2] =	stream.indirect.scatter.add.f32 [tilespmem:s15], [sflag:$0xE], $0x10, s0, s21, $0xb8;
	[tilespmem:$0xE710] =	vst v63  }
0xd7: {  	p1 =	sne.s32 s14, $0xA000;
	s0 =	sadd.s32 @p0 $0xFFFFFF80, s20;
	_ =	swait.ge [sflag:s30], $0x800  }
.Ltmp0:
0xd8: {  	s0 =	simm.s32 @!p0 $0x300;
	[sflag:s30] =	ssyncset.done $0x0;
	(pc) =	sbr.rel @p1 .LBB2_2-.Ltmp0, $4  }
0xd9: {  	s17 =	rddreg [dreg:$0xa];
	s0 =	sadd.s32 $0x2800, s0;
	[sflag:s30] =	ssyncadd.s32 $0xFFFFF800  }
0xda: {  	[spmem:s2] =	stream.indirect.scatter.add.f32 [tilespmem:s17], [sflag:$0xF], $0x10, s0, s21, $0xb8;
	[tilespmem:$0xE710] =	vst v63  }
0xdb: {  	s12 =	sadd.s32 $0x2800, s12;
	_ =	swait.ge [sflag:s31], $0x800  }
0xdc: {  	s20 =	sadd.s32 $0x400, s20;
	p0 =	sne.s32 s13, $0x0;
	[sflag:s31] =	ssyncset.done $0x0  }
0xdd: {  	s0 =	simm.s32 @p0 $0x9;
	[sflag:s31] =	ssyncadd.s32 $0xFFFFF800  }
0xde: {  	[spmem:s2] =	stream.indirect.scatter.add.f32 [tilespmem:s22], [sflag:$0x10], $0x10, s12, s21, $0xb8;
	[tilespmem:$0xE710] =	vst v63  }
0xdf: {  	_ =	swait.ge @p0 [sflag:s0], $0x800  }
0xe0: {  	s1 =	simm.s32 @p0 $0x5000;
	s4 =	simm.s32 @p0 $0xA;
	[sflag:s0] =	ssyncset.done @p0 $0x0  }
0xe1: {  	s5 =	simm.s32 @p0 $0x80;
	[sflag:s0] =	ssyncadd.s32 @p0 $0xFFFFF800;
	s0 =	sshra.s32 @p0 s13, $0x2  }
0xe2: {  	[tilespmem:s1], [sflag:$0x1] =	stream.indirect.gather @p0 [spmem:s3], $0x10, s0, s5, $0xb8;
	[tilespmem:$0xE710] =	vst v63  }
0xe3: {  	_ =	swait.ge @p0 [sflag:s4], $0x800  }
0xe4: {  	[sflag:s4] =	ssyncset.done @p0 $0x0  }
0xe5: {  	s1 =	sadd.s32 @p0 $0x80, s0;
	[sflag:s4] =	ssyncadd.s32 @p0 $0xFFFFF800;
	s4 =	simm.s32 @p0 $0x5800  }
0xe6: {  	[tilespmem:s4], [sflag:$0x2] =	stream.indirect.gather @p0 [spmem:s3], $0x10, s1, s5, $0xb8;
	[tilespmem:$0xE710] =	vst v63  }
0xe7: {  	s1 =	simm.s32 @p0 $0xB  }
0xe8: {  	_ =	swait.ge @p0 [sflag:s1], $0x800  }
0xe9: {  	[sflag:s1] =	ssyncset.done @p0 $0x0  }
0xea: {  	s4 =	sadd.s32 @p0 $0x100, s0;
	[sflag:s1] =	ssyncadd.s32 @p0 $0xFFFFF800;
	s1 =	simm.s32 @p0 $0x6000  }
0xeb: {  	[tilespmem:s1], [sflag:$0x3] =	stream.indirect.gather @p0 [spmem:s3], $0x10, s4, s5, $0xb8;
	[tilespmem:$0xE710] =	vst v63  }
0xec: {  	s1 =	simm.s32 @p0 $0xC  }
0xed: {  	_ =	swait.ge @p0 [sflag:s1], $0x800  }
0xee: {  	[sflag:s1] =	ssyncset.done @p0 $0x0  }
0xef: {  	s4 =	sadd.s32 @p0 $0x180, s0;
	[sflag:s1] =	ssyncadd.s32 @p0 $0xFFFFF800;
	s1 =	simm.s32 @p0 $0x6800  }
0xf0: {  	[tilespmem:s1], [sflag:$0x4] =	stream.indirect.gather @p0 [spmem:s3], $0x10, s4, s5, $0xb8;
	[tilespmem:$0xE710] =	vst v63  }
0xf1: {  	s1 =	simm.s32 @p0 $0xD  }
0xf2: {  	_ =	swait.ge @p0 [sflag:s1], $0x800  }
0xf3: {  	[sflag:s1] =	ssyncset.done @p0 $0x0  }
0xf4: {  	s4 =	sadd.s32 @p0 $0x200, s0;
	[sflag:s1] =	ssyncadd.s32 @p0 $0xFFFFF800;
	s1 =	simm.s32 @p0 $0x7000  }
0xf5: {  	[tilespmem:s1], [sflag:$0x5] =	stream.indirect.gather @p0 [spmem:s3], $0x10, s4, s5, $0xb8;
	[tilespmem:$0xE710] =	vst v63  }
0xf6: {  	s1 =	simm.s32 @p0 $0xE  }
0xf7: {  	_ =	swait.ge @p0 [sflag:s1], $0x800  }
0xf8: {  	[sflag:s1] =	ssyncset.done @p0 $0x0  }
0xf9: {  	s4 =	sadd.s32 @p0 $0x280, s0;
	[sflag:s1] =	ssyncadd.s32 @p0 $0xFFFFF800;
	s1 =	simm.s32 @p0 $0x7800  }
0xfa: {  	[tilespmem:s1], [sflag:$0x6] =	stream.indirect.gather @p0 [spmem:s3], $0x10, s4, s5, $0xb8;
	[tilespmem:$0xE710] =	vst v63  }
0xfb: {  	s1 =	simm.s32 @p0 $0xF  }
0xfc: {  	_ =	swait.ge @p0 [sflag:s1], $0x800  }
0xfd: {  	[sflag:s1] =	ssyncset.done @p0 $0x0  }
0xfe: {  	s0 =	sadd.s32 @p0 $0x300, s0;
	[sflag:s1] =	ssyncadd.s32 @p0 $0xFFFFF800;
	s1 =	simm.s32 @p0 $0x8000  }
0xff: {  	[tilespmem:s1], [sflag:$0x7] =	stream.indirect.gather @p0 [spmem:s3], $0x10, s0, s5, $0xb8;
	[tilespmem:$0xE710] =	vst v63  }
0x100: {  	s0 =	simm.s32 @p0 $0x10  }
0x101: {  	_ =	swait.ge @p0 [sflag:s0], $0x800  }
0x102: {  	s4 =	simm.s32 @!p0 $0x80;
	[sflag:s0] =	ssyncset.done @p0 $0x0  }
0x103: {  	s1 =	simm.s32 @!p0 $0x5000;
	[sflag:s0] =	ssyncadd.s32 @p0 $0xFFFFF800;
	s0 =	sshra.s32 @!p0 s13, $0x2  }
0x104: {  	[tilespmem:s1], [sflag:$0x1] =	stream.indirect.gather @!p0 [spmem:s3], $0x10, s0, s4, $0xb8;
	[tilespmem:$0xE710] =	vst v63  }
0x105: {  	s0 =	simm.s32 @!p0 $0x5800  }
0x106: {  	[tilespmem:s0], [sflag:$0x2] =	stream.indirect.gather @!p0 [spmem:s3], $0x10, s4, s4, $0xb8;
	[tilespmem:$0xE710] =	vst v63  }
0x107: {  	s1 =	simm.s32 @!p0 $0x6000;
	s0 =	simm.s32 @!p0 $0x100  }
0x108: {  	[tilespmem:s1], [sflag:$0x3] =	stream.indirect.gather @!p0 [spmem:s3], $0x10, s0, s4, $0xb8;
	[tilespmem:$0xE710] =	vst v63  }
0x109: {  	s0 =	simm.s32 @!p0 $0x180;
	s1 =	simm.s32 @!p0 $0x6800  }
0x10a: {  	[tilespmem:s1], [sflag:$0x4] =	stream.indirect.gather @!p0 [spmem:s3], $0x10, s0, s4, $0xb8;
	[tilespmem:$0xE710] =	vst v63  }
0x10b: {  	s0 =	simm.s32 @!p0 $0x200;
	s1 =	simm.s32 @!p0 $0x7000  }
0x10c: {  	[tilespmem:s1], [sflag:$0x5] =	stream.indirect.gather @!p0 [spmem:s3], $0x10, s0, s4, $0xb8;
	[tilespmem:$0xE710] =	vst v63  }
0x10d: {  	s0 =	simm.s32 @!p0 $0x280;
	s1 =	simm.s32 @!p0 $0x7800  }
0x10e: {  	[tilespmem:s1], [sflag:$0x6] =	stream.indirect.gather @!p0 [spmem:s3], $0x10, s0, s4, $0xb8;
	[tilespmem:$0xE710] =	vst v63  }
0x10f: {  	s0 =	simm.s32 @!p0 $0x300;
	s1 =	simm.s32 @!p0 $0x8000  }
0x110: {  	[tilespmem:s1], [sflag:$0x7] =	stream.indirect.gather @!p0 [spmem:s3], $0x10, s0, s4, $0xb8;
	[tilespmem:$0xE710] =	vst v63  }
0x111: {  	s0 =	smov.u32 s20  }
0x112: {  	s0 =	simm.s32 @!p0 $0x380  }
0x113: {  	[tilespmem:s22], [sflag:$0x8] =	stream.indirect.gather [spmem:s3], $0x10, s0, s21, $0xb8;
	[tilespmem:$0xE710] =	vst v63  }
0x114: {  	_ =	swait.ge [sflag:s23], $0x800  }
0x115: {  	s7 =	sshra.s32 s13, $0x2;
	[sflag:s23] =	ssyncset.done $0x0  }
0x116: {  	s4 =	sadd.s32 $0x2800, s7;
	s6 =	rddreg [dreg:$0x4];
	[sflag:s23] =	ssyncadd.s32 $0xFFFFF800  }
0x117: {  	[spmem:s2] =	stream.indirect.scatter.add.f32 [tilespmem:s6], [sflag:$0x9], $0x10, s4, s21, $0xb8;
	[tilespmem:$0xE710] =	vst v63  }
0x118: {  	s1 =	sadd.s32 @p0 $0xFFFFFD00, s20;
	_ =	swait.ge [sflag:s24], $0x800  }
0x119: {  	s1 =	simm.s32 @!p0 $0x80;
	[sflag:s24] =	ssyncset.done $0x0  }
0x11a: {  	s1 =	sadd.s32 $0x2800, s1;
	s12 =	rddreg [dreg:$0x5];
	[sflag:s24] =	ssyncadd.s32 $0xFFFFF800  }
0x11b: {  	[spmem:s2] =	stream.indirect.scatter.add.f32 [tilespmem:s12], [sflag:$0xA], $0x10, s1, s21, $0xb8;
	[tilespmem:$0xE710] =	vst v63  }
0x11c: {  	s1 =	sadd.s32 @p0 $0xFFFFFD80, s20;
	_ =	swait.ge [sflag:s25], $0x800  }
0x11d: {  	s1 =	simm.s32 @!p0 $0x100;
	[sflag:s25] =	ssyncset.done $0x0  }
0x11e: {  	s13 =	rddreg [dreg:$0x6];
	s1 =	sadd.s32 $0x2800, s1;
	[sflag:s25] =	ssyncadd.s32 $0xFFFFF800  }
0x11f: {  	[spmem:s2] =	stream.indirect.scatter.add.f32 [tilespmem:s13], [sflag:$0xB], $0x10, s1, s21, $0xb8;
	[tilespmem:$0xE710] =	vst v63  }
0x120: {  	s1 =	sadd.s32 @p0 $0xFFFFFE00, s20;
	_ =	swait.ge [sflag:s26], $0x800  }
0x121: {  	s1 =	simm.s32 @!p0 $0x180;
	[sflag:s26] =	ssyncset.done $0x0  }
0x122: {  	s14 =	rddreg [dreg:$0x7];
	s1 =	sadd.s32 $0x2800, s1;
	[sflag:s26] =	ssyncadd.s32 $0xFFFFF800  }
0x123: {  	[spmem:s2] =	stream.indirect.scatter.add.f32 [tilespmem:s14], [sflag:$0xC], $0x10, s1, s21, $0xb8;
	[tilespmem:$0xE710] =	vst v63  }
0x124: {  	s1 =	sadd.s32 @p0 $0xFFFFFE80, s20;
	_ =	swait.ge [sflag:s28], $0x800  }
0x125: {  	s1 =	simm.s32 @!p0 $0x200;
	[sflag:s28] =	ssyncset.done $0x0  }
0x126: {  	s15 =	rddreg [dreg:$0x8];
	s1 =	sadd.s32 $0x2800, s1;
	[sflag:s28] =	ssyncadd.s32 $0xFFFFF800  }
0x127: {  	[spmem:s2] =	stream.indirect.scatter.add.f32 [tilespmem:s15], [sflag:$0xD], $0x10, s1, s21, $0xb8;
	[tilespmem:$0xE710] =	vst v63  }
0x128: {  	s1 =	sadd.s32 @p0 $0xFFFFFF00, s20;
	_ =	swait.ge [sflag:s29], $0x800  }
0x129: {  	s1 =	simm.s32 @!p0 $0x280;
	[sflag:s29] =	ssyncset.done $0x0  }
0x12a: {  	s17 =	rddreg [dreg:$0x9];
	s1 =	sadd.s32 $0x2800, s1;
	[sflag:s29] =	ssyncadd.s32 $0xFFFFF800  }
0x12b: {  	[spmem:s2] =	stream.indirect.scatter.add.f32 [tilespmem:s17], [sflag:$0xE], $0x10, s1, s21, $0xb8;
	[tilespmem:$0xE710] =	vst v63  }
0x12c: {  	s1 =	sadd.s32 @p0 $0xFFFFFF80, s20;
	_ =	swait.ge [sflag:s30], $0x800  }
0x12d: {  	s1 =	simm.s32 @!p0 $0x300;
	[sflag:s30] =	ssyncset.done $0x0  }
0x12e: {  	s20 =	rddreg [dreg:$0xa];
	s1 =	sadd.s32 $0x2800, s1;
	[sflag:s30] =	ssyncadd.s32 $0xFFFFF800  }
0x12f: {  	[spmem:s2] =	stream.indirect.scatter.add.f32 [tilespmem:s20], [sflag:$0xF], $0x10, s1, s21, $0xb8;
	[tilespmem:$0xE710] =	vst v63  }
0x130: {  	_ =	swait.ge [sflag:s31], $0x800  }
0x131: {  	[sflag:s31] =	ssyncset.done $0x0  }
0x132: {  	s5 =	simm.s32 $0x9;
	s0 =	sadd.s32 $0x2800, s0;
	[sflag:s31] =	ssyncadd.s32 $0xFFFFF800  }
0x133: {  	[spmem:s2] =	stream.indirect.scatter.add.f32 [tilespmem:s22], [sflag:$0x10], $0x10, s0, s21, $0xb8;
	[tilespmem:$0xE710] =	vst v63  }
0x134: {  	_ =	swait.ge [sflag:s5], $0x800  }
0x135: {  	[sflag:s5] =	ssyncset.done $0x0  }
0x136: {  	s6 =	simm.s32 $0xA;
	[sflag:s5] =	ssyncadd.s32 $0xFFFFF800  }
0x137: {  	_ =	swait.ge [sflag:s6], $0x800  }
0x138: {  	[sflag:s6] =	ssyncset.done $0x0  }
0x139: {  	s7 =	simm.s32 $0xB;
	[sflag:s6] =	ssyncadd.s32 $0xFFFFF800  }
0x13a: {  	_ =	swait.ge [sflag:s7], $0x800  }
0x13b: {  	[sflag:s7] =	ssyncset.done $0x0  }
0x13c: {  	s12 =	simm.s32 $0xC;
	[sflag:s7] =	ssyncadd.s32 $0xFFFFF800  }
0x13d: {  	_ =	swait.ge [sflag:s12], $0x800  }
0x13e: {  	[sflag:s12] =	ssyncset.done $0x0  }
0x13f: {  	s13 =	simm.s32 $0xD;
	[sflag:s12] =	ssyncadd.s32 $0xFFFFF800  }
0x140: {  	_ =	swait.ge [sflag:s13], $0x800  }
0x141: {  	[sflag:s13] =	ssyncset.done $0x0  }
0x142: {  	s14 =	simm.s32 $0xE;
	[sflag:s13] =	ssyncadd.s32 $0xFFFFF800  }
0x143: {  	_ =	swait.ge [sflag:s14], $0x800  }
0x144: {  	[sflag:s14] =	ssyncset.done $0x0  }
0x145: {  	[sflag:s14] =	ssyncadd.s32 $0xFFFFF800  }
0x146: {  	_ =	swait.ge [sflag:s9], $0x800  }
0x147: {  	[sflag:s9] =	ssyncset.done $0x0  }
0x148: {  	[sflag:s9] =	ssyncadd.s32 $0xFFFFF800  }
0x149: {  	_ =	swait.ge [sflag:s10], $0x800  }
0x14a: {  	[sflag:s10] =	ssyncset.done $0x0  }
0x14b: {  	[sflag:s10] =	ssyncadd.s32 $0xFFFFF800  }
0x14c: {  	[bflag:$0x0] =	sbarrier.arrive $0xFFFF  }
0x14d: {  	s15 =	sshrl.u32 s8, $0x3;
	s17 =	rddreg [dreg:$0x13]  }
0x14e: {  	[hbm:s17], [sflag:s19] =	dma.local [spmem:s15], $0x500  }
0x14f: {  	_ =	swait.ge [sflag:s16], $0x500  }
0x150: {  	s11 =	sadd.s32 $0x1, s11;
	s20 =	rddreg [dreg:$0x14]  }
0x151: {  	p0 =	sne.s32 s11, s20  }
.Ltmp1:
0x152: {  	_ = 	snop;
	(pc) =	sbr.rel @p0 .LBB2_1-.Ltmp1, $3  }
0x153: {  	_ =	sdelay $0x1  }
0x154: {  	[sflag:s16] =	ssyncset.done $0x0  }
0x155: {  	[sflag:s16] =	ssyncadd.s32 $0xFFFFFB00  }
0x156: {  	_ =	sfence.sel $0x180000  }
0x157: {  	[bflag:$0x0] =	sbarrier.arrive $0xFFFF  }
0x158: {  	_ =	strace $0x9000004D  }
0x159: {  	s0 =	stileid.u32;
	[bflag:$0x2] =	sbarrier.arrive $0xFFFF  }
0x15a: {  	p0 =	sne.s32 s0, $0x0;
	s0 =	rddreg [dreg:$0x3]  }
0x15b: {  	s0 =	sadd.s32 @!p0 $0x100000, s0  }
0x15c: {  	[sflag:s0] =	ssyncadd.tile.s32 @!p0 $0x1;
	_ =	shalt  }
.Lfunc_end2:
_tile_overlayer_lowered:
.L_overlay_start_2:
0x15d: {  	(tag) =	ssettag $0x2  }
0x15e: {  	s0 =	rddreg [dreg:$0x0];
	s2 =	stileid.u32  }
0x15f: {  	s1 =	rddreg [dreg:$0x1];
	p0 =	sne.s32 s2, $0x0  }
0x160: {  	s3 =	rddreg [dreg:$0x2];
	[bflag:$0x3] =	sbarrier.arrive $0xFFFF;
	s2 =	simm.s32 @!p0 $0x1C11  }
0x161: {  	[timem:s3], [sflag:s2] =	dma.local @!p0 [hbm:s0], s1  }
0x162: {  	s0 =	simm.s32 @!p0 $0x11  }
0x163: {  	_ =	swait.ge @!p0 [sflag:s0], s1  }
0x164: {  	s1 =	ssub.s32 @!p0 $0x0, s1;
	[sflag:s0] =	ssyncset.done @!p0 $0x0  }
0x165: {  	[sflag:s0] =	ssyncadd.s32 @!p0 s1  }
0x166: {  	[bflag:$0x3] =	sbarrier.arrive $0xFFFF  }
0x167: {  	_ =	shalt  }

// kernel: kernel.9.cloned.1.call-start
scs
__scs_entry_jumppad:
0x0: {  	(pc) =	sbr.rel $0x88, $3  }
0x1: {  	(tag) =	ssettag $0x0;
	lr =	simm.s32 $0x1  }
0x2: {  	[smem:$0x3F95] =	sst lr;
	_ =	strace $0xD0000000  }
0x3: {  	_ = 	snop  }
0x4: {  	_ = 	snop  }
0x5: {  	_ = 	snop  }
0x6: {  	_ = 	snop  }
0x7: {  	_ = 	snop  }
__scs_overlays_trampoline_lowered:
0x8: {  	[smem:$0x3FA4] =	sst s0  }
0x9: {  	[smem:$0x3FA5] =	sst s1  }
0xa: {  	[smem:$0x3FA6] =	sst s2  }
0xb: {  	[smem:$0x3FA7] =	sst s3  }
0xc: {  	[smem:$0x3FA8] =	sst s4  }
0xd: {  	[smem:$0x3FA9] =	sst s5  }
0xe: {  	[smem:$0x3FAA] =	sst s6  }
0xf: {  	[smem:$0x3FAB] =	sst s7  }
0x10: {  	[smem:$0x3FAC] =	sst s8  }
0x11: {  	[smem:$0x3FAD] =	sst s9;
	s0 =	simm.s32 @!p0 $0x0  }
0x12: {  	s1 =	sld [smem:$0x3F93];
	s0 =	simm.s32 @p0 $0x1  }
0x13: {  	[smem:$0x3FAE] =	sst s0;
	s0 =	simm.s32 @!p1 $0x0  }
0x14: {  	s2 =	sld [smem:$0x3F92];
	s0 =	simm.s32 @p1 $0x1  }
0x15: {  	[smem:$0x3FAF] =	sst s0;
	s0 =	simm.s32 @!p2 $0x0  }
0x16: {  	s3 =	sld [smem:$0x3FDB];
	s0 =	simm.s32 @p2 $0x1  }
0x17: {  	s4 =	simm.s32 $0x1BF5;
	[smem:$0x3FB1] =	sst s0  }
0x18: {  	s0 =	sld [smem:$0x3F94];
	_ =	swait.ge [sflag:s4], $0x0  }
0x19: {  	s7 =	sld [smem:$0x3F95]  }
0x1a: {  	s8 =	sadd.s32 $0xFFFFE003, lr  }
0x1b: {  	s9 =	sadd.s32 $0xFFFFFEF7, lr;
	s5 =	simm.s32 $0xFFFFFFFF;
	p2 =	slt.u32 s8, $0xFFFFF086  }
0x1c: {  	p1 =	slt.u32 s9, $0xF7A;
	s5 =	simm.s32 @!p2 $0x0  }
0x1d: {  	s5 =	simm.s32 @p1 $0x1;
	p0 =	seq.s32 s7, s2  }
0x1e: {  	s7 =	smul.u32 @!p0 $0xF7A, s2;
	p2 =	seq.s32 @!p0 s5, $0x0  }
0x1f: {  	s9 =	smul.u32 $0xF7A, s1;
	s8 =	simm.s32 @!p0 $0x1BF5;
	p2 =	por !p2, p0  }
0x20: {  	[sflag:s8] =	ssyncset.s32 @!p0 $0xFFFFF086;
	s6 =	sadd.s32 @!p0 s3, s7;
	s7 =	simm.s32 @!p0 $0x108  }
0x21: {  	s3 =	sadd.s32 s3, s9;
	s6 =	sadd.s32 @!p0 $0x88, s6;
	s7 =	simm.s32 @p2 $0x1082  }
0x22: {  	[simem:s7], [sflag:s8] =	dma.local @!p0 [hbm:s6], $0xF7A  }
0x23: {  	s9 =	sor.u32 $0xD0000000, s2;
	s6 =	simm.s32 $0x108;
	_ =	swait.ge @!p0 [sflag:s8], $0x0  }
0x24: {  	s3 =	sadd.s32 $0x88, s3;
	s6 =	simm.s32 @!p1 $0x1082;
	[sflag:s4] =	ssyncset.s32 $0xFFFFF086  }
0x25: {  	[simem:s6], [sflag:s4] =	dma.local [hbm:s3], $0xF7A  }
0x26: {  	[smem:$0x3F95] =	sst s1;
	(tag) =	ssettag s2;
	_ =	strace s9  }
0x27: {  	s1 =	sld [smem:$0x3FA5]  }
0x28: {  	s2 =	sld [smem:$0x3FA6]  }
0x29: {  	s4 =	sld [smem:$0x3FA8]  }
0x2a: {  	p0 =	seq.s32 s5, $0x0;
	s5 =	sld [smem:$0x3FA9]  }
0x2b: {  	s6 =	sld [smem:$0x3FAA]  }
0x2c: {  	s7 =	sld [smem:$0x3FAB]  }
0x2d: {  	s3 =	simm.s32 $0x108;
	s8 =	sld [smem:$0x3FAC]  }
0x2e: {  	s3 =	simm.s32 @!p0 $0x1082;
	s9 =	sld [smem:$0x3FAD]  }
0x2f: {  	lr =	sadd.s32 s0, s3;
	s0 =	sld [smem:$0x3FA4]  }
0x30: {  	s3 =	sld [smem:$0x3FA7]  }
0x31: {  	[smem:$0x3FB0] =	sst s10  }
0x32: {  	s10 =	sld [smem:$0x3FAE];
	_ =	sdelay $0x3  }
0x33: {  	p0 =	seq.s32 s10, $0x1;
	s10 =	sld [smem:$0x3FB0];
	_ =	sdelay $0x3  }
0x34: {  	[smem:$0x3FB0] =	sst s10  }
0x35: {  	s10 =	sld [smem:$0x3FAF];
	_ =	sdelay $0x3  }
0x36: {  	p1 =	seq.s32 s10, $0x1;
	s10 =	sld [smem:$0x3FB0];
	_ =	sdelay $0x3  }
0x37: {  	[smem:$0x3FB0] =	sst s10  }
0x38: {  	s10 =	sld [smem:$0x3FB1]  }
0x39: {  	_ = 	snop;
	(pc) =	sbr.ind lr, $3  }
0x3a: {  	_ = 	snop  }
0x3b: {  	_ = 	snop  }
0x3c: {  	p2 =	seq.s32 s10, $0x1;
	s10 =	sld [smem:$0x3FB0]  }
0x3d: {  	_ =	shalt  }
0x3e: {  	_ =	shalt  }
0x3f: {  	_ =	shalt  }
0x40: {  	_ =	shalt  }
0x41: {  	_ =	shalt  }
0x42: {  	_ =	shalt  }
0x43: {  	_ =	shalt  }
0x44: {  	_ =	shalt  }
0x45: {  	_ =	shalt  }
0x46: {  	_ =	shalt  }
0x47: {  	_ =	shalt  }
0x48: {  	_ =	shalt  }
0x49: {  	_ =	shalt  }
0x4a: {  	_ =	shalt  }
0x4b: {  	_ =	shalt  }
0x4c: {  	_ =	shalt  }
0x4d: {  	_ =	shalt  }
0x4e: {  	_ =	shalt  }
0x4f: {  	_ =	shalt  }
0x50: {  	_ =	shalt  }
0x51: {  	_ =	shalt  }
0x52: {  	_ =	shalt  }
0x53: {  	_ =	shalt  }
0x54: {  	_ =	shalt  }
0x55: {  	_ =	shalt  }
0x56: {  	_ =	shalt  }
0x57: {  	_ =	shalt  }
0x58: {  	_ =	shalt  }
0x59: {  	_ =	shalt  }
0x5a: {  	_ =	shalt  }
0x5b: {  	_ =	shalt  }
0x5c: {  	_ =	shalt  }
0x5d: {  	_ =	shalt  }
0x5e: {  	_ =	shalt  }
0x5f: {  	_ =	shalt  }
0x60: {  	_ =	shalt  }
0x61: {  	_ =	shalt  }
0x62: {  	_ =	shalt  }
0x63: {  	_ =	shalt  }
0x64: {  	_ =	shalt  }
0x65: {  	_ =	shalt  }
0x66: {  	_ =	shalt  }
0x67: {  	_ =	shalt  }
0x68: {  	_ =	shalt  }
0x69: {  	_ =	shalt  }
0x6a: {  	_ =	shalt  }
0x6b: {  	_ =	shalt  }
0x6c: {  	_ =	shalt  }
0x6d: {  	_ =	shalt  }
0x6e: {  	_ =	shalt  }
0x6f: {  	_ =	shalt  }
0x70: {  	_ =	shalt  }
0x71: {  	_ =	shalt  }
0x72: {  	_ =	shalt  }
0x73: {  	_ =	shalt  }
0x74: {  	_ =	shalt  }
0x75: {  	_ =	shalt  }
0x76: {  	_ =	shalt  }
0x77: {  	_ =	shalt  }
0x78: {  	_ =	shalt  }
0x79: {  	_ =	shalt  }
0x7a: {  	_ =	shalt  }
0x7b: {  	_ =	shalt  }
0x7c: {  	_ =	shalt  }
0x7d: {  	_ =	shalt  }
0x7e: {  	_ =	shalt  }
0x7f: {  	_ =	shalt  }
0x80: {  	_ =	shalt  }
0x81: {  	_ =	shalt  }
0x82: {  	_ =	shalt  }
0x83: {  	_ =	shalt  }
0x84: {  	_ =	shalt  }
0x85: {  	_ =	shalt  }
0x86: {  	_ =	shalt  }
0x87: {  	_ =	shalt  }
.Lfunc_end0:
.L_simem_size_0:
called_computation_lowered:
.L_overlay_start_0:
0x88: {  	s2 =	sld [smem:$0x3FD9]  }
0x89: {  	s3 =	sld [smem:$0x3FFE];
	_ =	sdelay $0x1  }
0x8a: {  	s1 =	srdreg.scid  }
0x8b: {  	s0 =	sand.u32 $0x1, s1  }
0x8c: {  	s16 =	sshll.u32 s0, $0xA;
	s2 =	sadd.s32 s3, s2  }
0x8d: {  	s2 =	sadd.s32 s2, s16  }
0x8e: {  	[smem:$0x3FBC] =	sst s2  }
0x8f: {  	_ = 	snop  }
0x90: {  	(tm) =	ssettm $0x1  }
0x91: {  	s17 =	sld [smem:$0x3FFB];
	_ =	sdelay $0x3  }
0x92: {  	_ =	strace s17  }
0x93: {  	s2 =	sld [smem:$0x3FFC];
	_ =	sdelay $0x3  }
0x94: {  	_ =	strace s2  }
0x95: {  	s2 =	sld [smem:$0x3FFD];
	_ =	sdelay $0x3  }
0x96: {  	_ =	strace s2  }
0x97: {  	_ =	strace $0x8FFFFFFF  }
0x98: {  	s18 =	sld [smem:$0x3FDB];
	_ =	sdelay $0x1  }
0x99: {  	s19 =	simm.s32 $_scs_section_size  }
0x9a: {  	s4 =	simm.s32 $_size__tile_overlayer_lowered;
	s5 =	simm.s32 $_tile_overlayer_lowered  }
0x9b: {  	s22 =	simm.s32 $0x1BFF;
	s21 =	sshll.u32 s5, $0x1;
	s2 =	sadd.s32 s19, s18  }
0x9c: {  	s6 =	simm.s32 $0x0;
	s20 =	sshll.u32 s4, $0x1;
	s4 =	sadd.s32 s21, s2  }
0x9d: {  	[timem:s6], [sflag:s22] =	dma.local [hbm:s4], s20  }
0x9e: {  	_ =	swait.ge [sflag:s22], s20  }
0x9f: {  	s3 =	ssub.s32 $0x0, s20;
	[sflag:s22] =	ssyncset.done $0x0  }
0xa0: {  	[sflag:s22] =	ssyncadd.s32 s3;
	_ =	sdelay $0x1  }
0xa1: {  	s23 =	simm.s32 $0x1B8B  }
0xa2: {  	_ =	swait.ge [sflag:s23], $0x1  }
0xa3: {  	[sflag:s23] =	ssyncset.done $0x0  }
0xa4: {  	s25 =	simm.s32 $0x1B8E;
	s24 =	sld [smem:$0x3FFE];
	[sflag:s23] =	ssyncadd.s32 $0xFFFFFFFF  }
0xa5: {  	s26 =	simm.s32 $execute0_lowered;
	[smem:$0x3FD2] =	sst s25  }
0xa6: {  	s4 =	sshll.u32 s26, $0x1;
	_ =	strace $0x80000046;
	[dreg:$0x1] =	wrdreg $0xFFFFFFFF  }
0xa7: {  	s28 =	simm.s32 $_size_execute0_lowered;
	s2 =	sadd.s32 s2, s4;
	[dreg:$0x0] =	wrdreg $0x0  }
0xa8: {  	s4 =	sshll.u32 s28, $0x1;
	[dreg:$0x2] =	wrdreg s2  }
0xa9: {  	[dreg:$0x3] =	wrdreg s4  }
0xaa: {  	[dreg:$0x4] =	wrdreg $0xC0  }
0xab: {  	_ =	task [dreg:s6], $0x5FFFF  }
0xac: {  	[dreg:$0x1] =	wrdreg $0xFFFFFFFF  }
0xad: {  	[dreg:$0x0] =	wrdreg $0x60  }
0xae: {  	[dreg:$0x2] =	wrdreg s24  }
0xaf: {  	[dreg:$0x3] =	wrdreg $0x38000  }
0xb0: {  	[dreg:$0x4] =	wrdreg $0x9  }
0xb1: {  	_ =	task.clear_ibuf [dreg:s6], $0x5FFFF;
	_ =	strace $0x90000046  }
0xb2: {  	s29 =	simm.s32 $0x9;
	_ =	strace $0x80000048  }
0xb3: {  	_ =	swait.ge [sflag:s29], $0x1  }
0xb4: {  	[sflag:s29] =	ssyncadd.s32 $0xFFFFFFFF  }
0xb5: {  	_ =	strace $0x90000048  }
0xb6: {  	_ =	sfence  }
0xb7: {  	s30 =	sld [smem:$0x0];
	_ =	sdelay $0x2  }
0xb8: {  	s31 =	sshll.u32 s1, $0xD;
	s1 =	sshrl.u32 s1, $0x2  }
0xb9: {  	s3 =	sand.u32 $0x4000, s31;
	s1 =	sadd.s32 s1, s30  }
0xba: {  	s0 =	sor.u32 s3, s0;
	s1 =	sshll.u32 s1, $0x11  }
0xbb: {  	s0 =	sor.u32 s1, s0  }
0xbc: {  	s0 =	sadd.s32 $0x8F2B, s0  }
0xbd: {  	[sflag:s0] =	ssyncadd.remote.s32 $0x1  }
0xbe: {  	_ =	sfence.sel $0xFFFF  }
0xbf: {  	[dreg:$0x0] =	wrdreg $0xFFFFFFFF;
	(pc) =	sbr.abs _section_cstart, $3  }
0xc0: {  	[dreg:$0x1] =	wrdreg $0xFFFFFFFF  }
0xc1: {  	_ =	task.clear_ibuf [dreg:s6], $0x2FFFF;
	_ =	strace $0x9FFFFFFF  }
0xc2: {  	(tm) =	ssettm $0x7FFFFFFF  }
0xc3: {  	_ =	shalt  }
tec
execute0_lowered:
.L_overlay_start_1:
0x0: {  	(tag) =	ssettag $0x1  }
0x1: {  	s6 =	rddreg [dreg:$0x0]  }
0x2: {  	s0 =	srdreg.scid;
	s2 =	rddreg [dreg:$0x1];
	s3 =	simm.s32 $0x0  }
0x3: {  	s15 =	simm.s32 $0x2800;
	s16 =	simm.s32 $0x3000;
	s17 =	simm.s32 $0x80  }
0x4: {  	s18 =	simm.s32 $0x1;
	s5 =	sand.u32 $0x1, s0;
	s0 =	stileid.u32  }
0x5: {  	s21 =	simm.s32 $0x0;
	[smem:$0x7FF] =	sst s3;
	s7 =	smul.u32 $0x2800, s0  }
0x6: {  	s1 =	sshll.u32 s5, $0x4;
	s8 =	smul.u32 $0x28000, s5;
	s10 =	ssub.s32 $0x2, s5  }
0x7: {  	s11 =	smul.u32 $0xA000, s0;
	s5 =	sadd.s32 $0xC200, s6;
	s19 =	sshll.u32 s0, $0x6  }
0x8: {  	s1 =	sor.u32 s0, s1;
	s12 =	sshrl.u32 s10, $0x1;
	s19 =	sor.u32 $0x1C02, s19  }
0x9: {  	s4 =	smul.u32 $0x500, s1;
	s1 =	rddreg [dreg:$0x2];
	_ =	strace $0x80000047  }
0xa: {  	s8 =	sadd.s32 s7, s8;
	s14 =	ssub.s32 s10, s12;
	s31 =	sshrl.u32 s11, $0x2  }
0xb: {  	s7 =	sadd.s32 s7, s2;
	s8 =	sshrl.u32 s8, $0x3;
	s11 =	sadd.s32 s31, s2  }
0xc: {  	s20 =	sshrl.u32 s7, $0x3;
	s9 =	sadd.s32 s4, s6;
	s4 =	sadd.s32 $0xC400, s6  }
0xd: {  	s13 =	sadd.s32 s8, s6;
	s8 =	sadd.s32 $0x800, s11;
	s10 =	sadd.s32 $0x1800, s11  }
0xe: {  	s6 =	sadd.s32 $0x2200, s9;
	s9 =	sadd.s32 $0x1000, s11;
	s11 =	sadd.s32 $0x2000, s11  }
0xf: {  	s12 =	sadd.s32 $0xC600, s13;
	s13 =	smax.u32 s14, $0x1;
	s14 =	simm.s32 $0x2  }
.LBB2_1:
0x10: {  	[tilespmem:s3], [sflag:$0x2] =	stream.linear.gather [hbm4b:s6+s3], $0x2800, $0x38;
	[tilespmem:$0x6000] =	vst v63  }
0x11: {  	_ =	swait.ge [sflag:s14], $0x2800  }
0x12: {  	[sflag:s14] =	ssyncset.done $0x0  }
0x13: {  	[sflag:s14] =	ssyncadd.s32 $0xFFFFD800  }
0x14: {  	[tilespmem:s15], [sflag:$0x2] =	stream.linear.gather [hbm4b:s4+s3], $0x800, $0x38;
	[tilespmem:$0x6000] =	vst v63  }
0x15: {  	_ =	swait.ge [sflag:s14], $0x800  }
0x16: {  	[sflag:s14] =	ssyncset.done $0x0  }
0x17: {  	[sflag:s14] =	ssyncadd.s32 $0xFFFFF800  }
0x18: {  	[tilespmem:s16], [sflag:$0x2] =	stream.linear.gather [hbm4b:s5+s3], $0x800, $0x38;
	[tilespmem:$0x6000] =	vst v63  }
0x19: {  	_ =	swait.ge [sflag:s14], $0x800  }
0x1a: {  	[sflag:s14] =	ssyncset.done $0x0  }
0x1b: {  	[sflag:s14] =	ssyncadd.s32 $0xFFFFF800  }
0x1c: {  	[spmem:s7] =	stream.linear.scatter [tilespmem:s16], [sflag:$0x2], $0x800, $0x38;
	[tilespmem:$0x6000] =	vst v63  }
0x1d: {  	_ =	swait.ge [sflag:s14], $0x800  }
0x1e: {  	[sflag:s14] =	ssyncset.done $0x0  }
0x1f: {  	[sflag:s14] =	ssyncadd.s32 $0xFFFFF800  }
0x20: {  	[spmem:s8] =	stream.linear.scatter [tilespmem:s16], [sflag:$0x2], $0x800, $0x38;
	[tilespmem:$0x6000] =	vst v63  }
0x21: {  	_ =	swait.ge [sflag:s14], $0x800  }
0x22: {  	[sflag:s14] =	ssyncset.done $0x0  }
0x23: {  	[sflag:s14] =	ssyncadd.s32 $0xFFFFF800  }
0x24: {  	[spmem:s9] =	stream.linear.scatter [tilespmem:s16], [sflag:$0x2], $0x800, $0x38;
	[tilespmem:$0x6000] =	vst v63  }
0x25: {  	_ =	swait.ge [sflag:s14], $0x800  }
0x26: {  	[sflag:s14] =	ssyncset.done $0x0  }
0x27: {  	[sflag:s14] =	ssyncadd.s32 $0xFFFFF800  }
0x28: {  	[spmem:s10] =	stream.linear.scatter [tilespmem:s16], [sflag:$0x2], $0x800, $0x38;
	[tilespmem:$0x6000] =	vst v63  }
0x29: {  	_ =	swait.ge [sflag:s14], $0x800  }
0x2a: {  	[sflag:s14] =	ssyncset.done $0x0  }
0x2b: {  	[sflag:s14] =	ssyncadd.s32 $0xFFFFF800  }
0x2c: {  	[spmem:s11] =	stream.linear.scatter [tilespmem:s16], [sflag:$0x2], $0x800, $0x38;
	[tilespmem:$0x6000] =	vst v63  }
0x2d: {  	_ =	swait.ge [sflag:s14], $0x800  }
0x2e: {  	[sflag:s14] =	ssyncset.done $0x0  }
0x2f: {  	[sflag:s14] =	ssyncadd.s32 $0xFFFFF800  }
0x30: {  	s22 =	simm.s32 $0x0;
	[bflag:$0x0] =	sbarrier.arrive $0xFFFF  }
.LBB2_2:
0x31: {  	p0 =	sne.s32 s22, $0x9E00  }
.Ltmp0:
0x32: {  	_ = 	snop;
	(pc) =	sbr.rel @p0 .LBB2_2-.Ltmp0, $3  }
0x33: {  	_ =	sdelay $0x1  }
0x34: {  	s23 =	sshra.s32 s22, $0x2;
	s22 =	sadd.s32 $0x200, s22  }
0x35: {  	[spmem:s2] =	stream.indirect.scatter.add.f32 [tilespmem:s15], [sflag:$0x1], $0x10, s23, s17, $0xb8;
	[tilespmem:$0x6000] =	vst v63  }
0x36: {  	_ =	swait.ge [sflag:s18], $0x800  }
0x37: {  	s22 =	simm.s32 $0x4F;
	[sflag:s18] =	ssyncset.done $0x0  }
.LBB2_4:
0x38: {  	p0 =	sne.s32 s22, $0x1;
	s22 =	sadd.s32 $0xFFFFFFFF, s22;
	[sflag:s18] =	ssyncadd.s32 $0xFFFFF800  }
.Ltmp1:
0x39: {  	(pc) =	sbr.rel @p0 .LBB2_4-.Ltmp1, $3  }
0x3a: {  	_ =	sdelay $0x1  }
0x3b: {  	_ =	swait.ge [sflag:s18], $0x800  }
0x3c: {  	[sflag:s18] =	ssyncset.done $0x0  }
0x3d: {  	s21 =	sadd.s32 $0x1, s21  }
0x3e: {  	[sflag:s18] =	ssyncadd.s32 $0xFFFFF800;
	p0 =	sne.s32 s21, s13  }
.Ltmp2:
0x3f: {  	[bflag:$0x0] =	sbarrier.arrive $0xFFFF;
	(pc) =	sbr.rel @p0 .LBB2_1-.Ltmp2, $4  }
0x40: {  	[hbm:s12], [sflag:s19] =	dma.local [spmem:s20], $0x500  }
0x41: {  	_ =	swait.ge [sflag:s14], $0x500  }
0x42: {  	[sflag:s14] =	ssyncset.done $0x0  }
0x43: {  	[sflag:s14] =	ssyncadd.s32 $0xFFFFFB00  }
0x44: {  	_ =	sfence.sel $0x180000  }
0x45: {  	[bflag:$0x0] =	sbarrier.arrive $0xFFFF  }
0x46: {  	p0 =	sne.s32 s0, $0x0;
	_ =	strace $0x90000047  }
0x47: {  	s0 =	sadd.s32 @!p0 $0x100000, s1;
	[bflag:$0x2] =	sbarrier.arrive $0xFFFF  }
0x48: {  	[sflag:s0] =	ssyncadd.tile.s32 @!p0 $0x1;
	_ =	shalt  }
.Lfunc_end2:
_tile_overlayer_lowered:
.L_overlay_start_2:
0x49: {  	(tag) =	ssettag $0x2  }
0x4a: {  	s0 =	rddreg [dreg:$0x0];
	s2 =	stileid.u32  }
0x4b: {  	s1 =	rddreg [dreg:$0x1];
	p0 =	sne.s32 s2, $0x0  }
0x4c: {  	s3 =	rddreg [dreg:$0x2];
	[bflag:$0x3] =	sbarrier.arrive $0xFFFF;
	s2 =	simm.s32 @!p0 $0x1C02  }
0x4d: {  	[timem:s3], [sflag:s2] =	dma.local @!p0 [hbm:s0], s1  }
0x4e: {  	s0 =	simm.s32 @!p0 $0x2  }
0x4f: {  	_ =	swait.ge @!p0 [sflag:s0], s1  }
0x50: {  	s1 =	ssub.s32 @!p0 $0x0, s1;
	[sflag:s0] =	ssyncset.done @!p0 $0x0  }
0x51: {  	[sflag:s0] =	ssyncadd.s32 @!p0 s1  }
0x52: {  	[bflag:$0x3] =	sbarrier.arrive $0xFFFF  }
0x53: {  	_ =	shalt  }

</sc_bundles>
